<compile_context>
chip_gen: v7x
topology: tpu7x:2x2x1
jax: 0.10.2.dev20260603
libtpu: 0.0.44.dev20260713+nightly
codegen_flags: <defaults>
</compile_context>

<pallas_src>
import functools

import jax
import jax.numpy as jnp
from jax import lax
from jax.experimental import pallas as pl
from jax.experimental.pallas import tpu as pltpu
from jax.experimental.pallas import tpu_sc as plsc

_R = 32
_NSLOT = 64
_L = 16


def _sc_meta_body(M, B, idx_hbm, y_hbm, by_hbm, bt_hbm, t_hbm,
                  by_out, bt_out, wjrow_out,
                  idx_v, y_v, by_v, bt_v, t_v, wj_v, srt_v,
                  s0, s1, s2, s3, s4):
    wid = lax.axis_index("s") * 2 + lax.axis_index("c")

    @pl.when(wid == 0)
    def _():
        h0 = pltpu.async_copy(idx_hbm, idx_v, s0)
        h1 = pltpu.async_copy(y_hbm, y_v, s1)
        h2 = pltpu.async_copy(by_hbm, by_v, s2)
        h3 = pltpu.async_copy(bt_hbm, bt_v, s3)
        h4 = pltpu.async_copy(t_hbm, t_v, s4)
        h0.wait()
        h1.wait()
        h2.wait()
        h3.wait()
        h4.wait()
        tvec = t_v[...]
        io = lax.broadcasted_iota(jnp.int32, (_L,), 0)
        neg1 = jnp.full((_L,), -1, jnp.int32)

        def _init(c, _):
            wj_v[pl.ds(c * _L, _L)] = neg1
            return 0
        jax.lax.fori_loop(0, M // _L, _init, 0)

        def _chunk(c, _):
            j0 = c * _L
            iv = idx_v[pl.ds(j0, _L)]
            valid = iv < M
            ivc = jnp.where(valid, iv, M - 1)
            comp = ivc * 512 + io
            sk, sl = plsc.sort_key_val(comp, io)
            srt_v[...] = sk
            nxt = plsc.load_gather(srt_v, [jnp.minimum(io + 1, _L - 1)])
            last = jnp.logical_or((nxt >> 9) != (sk >> 9), io == _L - 1)
            plsc.store_scatter(srt_v, [sl], jnp.where(last, 1, 0))
            win = jnp.logical_and(srt_v[...] != 0, valid)
            plsc.store_scatter(wj_v, [ivc], j0 + io, mask=win)
            plsc.store_scatter(by_v, [ivc], y_v[pl.ds(j0, _L)], mask=win)
            plsc.store_scatter(bt_v, [ivc], tvec, mask=win)
            return 0
        jax.lax.fori_loop(0, B // _L, _chunk, 0)

        g0 = pltpu.async_copy(by_v, by_out, s0)
        g1 = pltpu.async_copy(bt_v, bt_out, s1)
        g2 = pltpu.async_copy(wj_v, wjrow_out, s2)
        g0.wait()
        g1.wait()
        g2.wait()


def _tc_dense_body(M, wjrow_smem, x_any, bx_ref, out_ref,
                   ctr_smem, buf, sems):
    i = pl.program_id(0)
    nblk = M // _R

    def _issue_block(blk_id):
        for k in range(_R):
            m = blk_id * _R + k
            w = wjrow_smem[m]

            @pl.when(w >= 0)
            def _():
                q = ctr_smem[0]
                pltpu.make_async_copy(
                    x_any.at[w], buf.at[q % _NSLOT],
                    sems.at[q % _NSLOT]).start()
                ctr_smem[0] = q + 1

    @pl.when(i == 0)
    def _():
        ctr_smem[0] = 0
        ctr_smem[1] = 0
        _issue_block(0)

    @pl.when(i + 1 < nblk)
    def _():
        _issue_block(i + 1)

    out_ref[...] = bx_ref[...]

    for k in range(_R):
        w = wjrow_smem[i * _R + k]

        @pl.when(w >= 0)
        def _():
            p = ctr_smem[1]
            slot = p % _NSLOT
            pltpu.make_async_copy(
                x_any.at[w], buf.at[slot], sems.at[slot]).wait()
            out_ref[pl.ds(k, 1)] = buf[pl.ds(slot, 1)]
            ctr_smem[1] = p + 1


def kernel(bx, by, bt, x, y, indices, t):
    M = bx.shape[0]
    B = x.shape[0]
    row_shape = bx.shape[1:]
    nblk = M // _R
    t_arr = jnp.full((_L,), t, jnp.int32)

    mesh = plsc.VectorSubcoreMesh(core_axis_name="c", subcore_axis_name="s")
    sc_meta = pl.kernel(
        functools.partial(_sc_meta_body, M, B),
        out_type=[
            jax.ShapeDtypeStruct(by.shape, by.dtype),
            jax.ShapeDtypeStruct(bt.shape, bt.dtype),
            jax.ShapeDtypeStruct((M,), jnp.int32),
        ],
        mesh=mesh,
        compiler_params=pltpu.CompilerParams(needs_layout_passes=False),
        scratch_types=[
            pltpu.VMEM((B,), jnp.int32),
            pltpu.VMEM((B,), jnp.int32),
            pltpu.VMEM((M,), jnp.int32),
            pltpu.VMEM((M,), jnp.int32),
            pltpu.VMEM((_L,), jnp.int32),
            pltpu.VMEM((M,), jnp.int32),
            pltpu.VMEM((_L,), jnp.int32),
            pltpu.SemaphoreType.DMA,
            pltpu.SemaphoreType.DMA,
            pltpu.SemaphoreType.DMA,
            pltpu.SemaphoreType.DMA,
            pltpu.SemaphoreType.DMA,
        ],
    )
    new_by, new_bt, wjrow = sc_meta(indices, y, by, bt, t_arr)

    smem = functools.partial(pl.BlockSpec, memory_space=pltpu.SMEM)
    anys = functools.partial(pl.BlockSpec, memory_space=pltpu.MemorySpace.HBM)
    blk = (_R,) + row_shape
    zeros = (0,) * len(row_shape)

    new_bx = pl.pallas_call(
        functools.partial(_tc_dense_body, M),
        grid=(nblk,),
        in_specs=[smem(), anys(),
                  pl.BlockSpec(blk, lambda i: (i,) + zeros)],
        out_specs=pl.BlockSpec(blk, lambda i: (i,) + zeros),
        out_shape=jax.ShapeDtypeStruct(bx.shape, bx.dtype),
        scratch_shapes=[
            pltpu.SMEM((2,), jnp.int32),
            pltpu.VMEM((_NSLOT,) + row_shape, bx.dtype),
            pltpu.SemaphoreType.DMA((_NSLOT,)),
        ],
    )(wjrow, x, bx)
    return (new_bx, new_by, new_bt)

# --- scband reference (transcript-rebuilt; emitter-appended) ---
"""Pipeline reference for scband-buffer-24807731102293 (READ-ONLY COPY).

The authoritative reference and input builder live on the scoring server;
editing this copy changes nothing except your own understanding.
"""

import jax, jax.numpy as jnp
import numpy as np

MEM_SIZE = 1024
BATCH = 512
N_SEEN = 4096
N_CLASSES = 100

def setup_inputs(seed: int = 0) -> dict:
    key = jax.random.key(seed)
    k1, k2, k3, k4 = jax.random.split(key, 4)
    bx = jax.random.normal(k1, (MEM_SIZE, 2, 40, 512), dtype=jnp.float32)
    by = jax.random.randint(k2, (MEM_SIZE,), 0, N_CLASSES, dtype=jnp.int32)
    bt = jnp.zeros((MEM_SIZE,), dtype=jnp.int32)
    x = jax.random.normal(k3, (BATCH, 2, 40, 512), dtype=jnp.float32)
    y = jax.random.randint(k4, (BATCH,), 0, N_CLASSES, dtype=jnp.int32)
    indices = jax.random.randint(jax.random.fold_in(key, 5), (BATCH,), 0, N_SEEN, dtype=jnp.int32)
    return {"bx": bx, "by": by, "bt": bt, "x": x, "y": y, "indices": indices, "t": 3}

def reference(bx, by, bt, x, y, indices, t):
    # Faithful JAX translation of Buffer.add_reservoir with a full buffer
    # (current_index == mem_size, place_left == 0): reservoir-sampling scatter writes.
    # indices ~ Uniform(0, n_seen_so_far); only indices < mem_size are kept.
    M = bx.shape[0]
    valid = indices < M
    # route invalid writes to an out-of-bounds slot and drop them
    idx = jnp.where(valid, indices, M)
    new_bx = bx.at[idx].set(x, mode='drop')          # self.bx[idx_buffer] = x[idx_new_data]
    new_by = by.at[idx].set(y, mode='drop')          # self.by[idx_buffer] = y[idx_new_data]
    new_bt = bt.at[idx].set(jnp.int32(t), mode='drop')  # self.bt[idx_buffer] = t
    return (new_bx, new_by, new_bt)

if __name__ == "__main__":
    import jax
    _d = setup_inputs()
    print(jax.jit(kernel)(*tuple(_d.values())))

</pallas_src>

<mosaic_0001>
#map = affine_map<(d0, d1) -> (0)>
module attributes {stable_mosaic.version = 14 : i64} {
  func.func @_sc_meta_body(%arg0: i32, %arg1: i32, %arg2: memref<512xi32, #tpu.memory_space<hbm>>, %arg3: memref<512xi32, #tpu.memory_space<hbm>>, %arg4: memref<1024xi32, #tpu.memory_space<hbm>>, %arg5: memref<1024xi32, #tpu.memory_space<hbm>>, %arg6: memref<16xi32, #tpu.memory_space<hbm>>, %arg7: memref<1024xi32, #tpu.memory_space<hbm>>, %arg8: memref<1024xi32, #tpu.memory_space<hbm>>, %arg9: memref<1024xi32, #tpu.memory_space<hbm>>, %arg10: memref<512xi32, #tpu.memory_space<vmem>>, %arg11: memref<512xi32, #tpu.memory_space<vmem>>, %arg12: memref<1024xi32, #tpu.memory_space<vmem>>, %arg13: memref<1024xi32, #tpu.memory_space<vmem>>, %arg14: memref<16xi32, #tpu.memory_space<vmem>>, %arg15: memref<1024xi32, #tpu.memory_space<vmem>>, %arg16: memref<16xi32, #tpu.memory_space<vmem>>, %arg17: memref<!tpu.dma_semaphore, #tpu.memory_space<semaphore_mem>>, %arg18: memref<!tpu.dma_semaphore, #tpu.memory_space<semaphore_mem>>, %arg19: memref<!tpu.dma_semaphore, #tpu.memory_space<semaphore_mem>>, %arg20: memref<!tpu.dma_semaphore, #tpu.memory_space<semaphore_mem>>, %arg21: memref<!tpu.dma_semaphore, #tpu.memory_space<semaphore_mem>>) attributes {dimension_semantics = [#tpu.dimension_semantics<core_parallel>, #tpu.dimension_semantics<subcore_parallel>], iteration_bounds = array<i64: 2, 16>, scalar_prefetch = 0 : i64, scratch_operands = 12 : i64, tpu.core_type = #tpu.core_type<sc_vector_subcore>, window_params = [{transform_indices = #map}, {transform_indices = #map}, {transform_indices = #map}, {transform_indices = #map}, {transform_indices = #map}, {transform_indices = #map}, {transform_indices = #map}, {transform_indices = #map}]} {
    %mul3A = arith.constant 2 : i32
    %mul3A_0 = arith.muli %arg1, %mul3A : i32
    %add3A = arith.addi %mul3A_0, %arg0 : i32
    %eq3A = arith.constant 0 : i32
    %eq3A_1 = arith.cmpi eq, %add3A, %eq3A : i32
    %convert_element_type3A = arith.extui %eq3A_1 : i1 to i32
    %cond3A = arith.constant 0 : i32
    %cond3A_2 = arith.cmpi ne, %convert_element_type3A, %cond3A : i32
    scf.if %cond3A_2 {
      tpu.enqueue_dma source(%arg2 : memref<512xi32, #tpu.memory_space<hbm>>) target(%arg10 : memref<512xi32, #tpu.memory_space<vmem>>) target_semaphore(%arg17 : memref<!tpu.dma_semaphore, #tpu.memory_space<semaphore_mem>>)
      tpu.enqueue_dma source(%arg3 : memref<512xi32, #tpu.memory_space<hbm>>) target(%arg11 : memref<512xi32, #tpu.memory_space<vmem>>) target_semaphore(%arg18 : memref<!tpu.dma_semaphore, #tpu.memory_space<semaphore_mem>>)
      tpu.enqueue_dma source(%arg4 : memref<1024xi32, #tpu.memory_space<hbm>>) target(%arg12 : memref<1024xi32, #tpu.memory_space<vmem>>) target_semaphore(%arg19 : memref<!tpu.dma_semaphore, #tpu.memory_space<semaphore_mem>>)
      tpu.enqueue_dma source(%arg5 : memref<1024xi32, #tpu.memory_space<hbm>>) target(%arg13 : memref<1024xi32, #tpu.memory_space<vmem>>) target_semaphore(%arg20 : memref<!tpu.dma_semaphore, #tpu.memory_space<semaphore_mem>>)
      tpu.enqueue_dma source(%arg6 : memref<16xi32, #tpu.memory_space<hbm>>) target(%arg14 : memref<16xi32, #tpu.memory_space<vmem>>) target_semaphore(%arg21 : memref<!tpu.dma_semaphore, #tpu.memory_space<semaphore_mem>>)
      tpu.wait_dma2 semaphore(%arg17 : memref<!tpu.dma_semaphore, #tpu.memory_space<semaphore_mem>>) src(%arg2 : memref<512xi32, #tpu.memory_space<hbm>>) dst(%arg10 : memref<512xi32, #tpu.memory_space<vmem>>)
      tpu.wait_dma2 semaphore(%arg18 : memref<!tpu.dma_semaphore, #tpu.memory_space<semaphore_mem>>) src(%arg3 : memref<512xi32, #tpu.memory_space<hbm>>) dst(%arg11 : memref<512xi32, #tpu.memory_space<vmem>>)
      tpu.wait_dma2 semaphore(%arg19 : memref<!tpu.dma_semaphore, #tpu.memory_space<semaphore_mem>>) src(%arg4 : memref<1024xi32, #tpu.memory_space<hbm>>) dst(%arg12 : memref<1024xi32, #tpu.memory_space<vmem>>)
      tpu.wait_dma2 semaphore(%arg20 : memref<!tpu.dma_semaphore, #tpu.memory_space<semaphore_mem>>) src(%arg5 : memref<1024xi32, #tpu.memory_space<hbm>>) dst(%arg13 : memref<1024xi32, #tpu.memory_space<vmem>>)
      tpu.wait_dma2 semaphore(%arg21 : memref<!tpu.dma_semaphore, #tpu.memory_space<semaphore_mem>>) src(%arg6 : memref<16xi32, #tpu.memory_space<hbm>>) dst(%arg14 : memref<16xi32, #tpu.memory_space<vmem>>)
      %get3A = arith.constant 0 : index
      %get3A_3 = tpu.vector_load %arg14[%get3A] {strides = array<i32>} : memref<16xi32, #tpu.memory_space<vmem>>, vector<16xi32>,
      %iota3A = tpu.iota {dimensions = array<i32: 0>} : vector<16xi32>
      %broadcast_in_dim3A = arith.constant -1 : i32
      %broadcast_in_dim3A_4 = vector.broadcast %broadcast_in_dim3A : i32 to vector<16xi32>
      %scan3A = arith.constant 0 : i32
      %scan3A_5 = arith.constant 0 : i32
      %scan3A_6 = arith.constant 64 : i32
      %scan3A_7 = arith.addi %scan3A_5, %scan3A_6 : i32
      %scan3A_8 = arith.constant 1 : i32
      %scan3A_9 = scf.for %scan3A_18 = %scan3A_5 to %scan3A_7 step %scan3A_8 iter_args(%scan3A_19 = %scan3A) -> (i32)  : i32 {
        %mul3A_20 = arith.constant 16 : i32
        %mul3A_21 = arith.muli %scan3A_18, %mul3A_20 : i32
        %swap3A = arith.index_cast %mul3A_21 : i32 to index
        %swap3A_22 = tpu.vector_load %arg15[%swap3A] {strides = array<i32>} : memref<1024xi32, #tpu.memory_space<vmem>>, vector<16xi32>,
        tpu.vector_store %arg15[%swap3A], %broadcast_in_dim3A_4 {strides = array<i32>} : memref<1024xi32, #tpu.memory_space<vmem>>, vector<16xi32>,
        %scan3A_23 = arith.constant 0 : i32
        scf.yield %scan3A_23 : i32
      }
      %scan3A_10 = arith.constant 64 : i32
      %scan3A_11 = arith.constant 0 : i32
      %scan3A_12 = arith.constant 0 : i32
      %scan3A_13 = arith.constant 32 : i32
      %scan3A_14 = arith.addi %scan3A_12, %scan3A_13 : i32
      %scan3A_15 = arith.constant 1 : i32
      %scan3A_16 = scf.for %scan3A_18 = %scan3A_12 to %scan3A_14 step %scan3A_15 iter_args(%scan3A_19 = %scan3A_11) -> (i32)  : i32 {
        %mul3A_20 = arith.constant 16 : i32
        %mul3A_21 = arith.muli %scan3A_18, %mul3A_20 : i32
        %get3A_22 = arith.index_cast %mul3A_21 : i32 to index
        %get3A_23 = tpu.vector_load %arg10[%get3A_22] {strides = array<i32>} : memref<512xi32, #tpu.memory_space<vmem>>, vector<16xi32>,
        %lt3A = arith.constant 1024 : i32
        %lt3A_24 = vector.broadcast %lt3A : i32 to vector<16xi32>
        %lt3A_25 = arith.cmpi slt, %get3A_23, %lt3A_24 : vector<16xi32>
        %jit3A = arith.constant 1023 : i32
        %broadcast_in_dim3A_26 = vector.broadcast %jit3A : i32 to vector<16xi32>
        %select_n3A = arith.select %lt3A_25, %get3A_23, %broadcast_in_dim3A_26 : vector<16xi1>, vector<16xi32>
        %mul3A_27 = arith.constant 512 : i32
        %mul3A_28 = vector.broadcast %mul3A_27 : i32 to vector<16xi32>
        %mul3A_29 = arith.muli %select_n3A, %mul3A_28 : vector<16xi32>
        %add3A_30 = arith.addi %mul3A_29, %iota3A : vector<16xi32>
        %masked_sort3A = arith.constant dense<true> : vector<16xi1>
        %masked_sort3A_31 = arith.constant -2147483648 : i32
        %masked_sort3A_32 = vector.broadcast %masked_sort3A_31 : i32 to vector<16xi32>
        %masked_sort3A_33 = arith.xori %add3A_30, %masked_sort3A_32 : vector<16xi32>
        %masked_sort3A_34, %masked_sort3A_35, %masked_sort3A_36 = tpu.sort %masked_sort3A_33, %iota3A masked %masked_sort3A : (vector<16xi32>, vector<16xi32>, vector<16xi1>) -> (vector<16xi1>, vector<16xi32>, vector<16xi32>)
        %masked_sort3A_37 = arith.xori %masked_sort3A_35, %masked_sort3A_32 : vector<16xi32>
        %swap3A = arith.constant 0 : index
        %swap3A_38 = tpu.vector_load %arg16[%swap3A] {strides = array<i32>} : memref<16xi32, #tpu.memory_space<vmem>>, vector<16xi32>,
        tpu.vector_store %arg16[%swap3A], %masked_sort3A_37 {strides = array<i32>} : memref<16xi32, #tpu.memory_space<vmem>>, vector<16xi32>,
        %add3A_39 = arith.constant 1 : i32
        %add3A_40 = vector.broadcast %add3A_39 : i32 to vector<16xi32>
        %add3A_41 = arith.addi %iota3A, %add3A_40 : vector<16xi32>
        %min3A = arith.constant 15 : i32
        %min3A_42 = vector.broadcast %min3A : i32 to vector<16xi32>
        %min3A_43 = arith.minsi %add3A_41, %min3A_42 : vector<16xi32>
        %gather3A = tpu.vector_load_idx %arg16[%min3A_43] : memref<16xi32, #tpu.memory_space<vmem>>[vector<16xi32>], vector<16xi32>,
        %shift_right_arithmetic3A = arith.constant 9 : i32
        %shift_right_arithmetic3A_44 = vector.broadcast %shift_right_arithmetic3A : i32 to vector<16xi32>
        %shift_right_arithmetic3A_45 = arith.shrsi %gather3A, %shift_right_arithmetic3A_44 : vector<16xi32>
        %shift_right_arithmetic3A_46 = arith.constant 9 : i32
        %shift_right_arithmetic3A_47 = vector.broadcast %shift_right_arithmetic3A_46 : i32 to vector<16xi32>
        %shift_right_arithmetic3A_48 = arith.shrsi %masked_sort3A_37, %shift_right_arithmetic3A_47 : vector<16xi32>
        %ne3A = arith.cmpi ne, %shift_right_arithmetic3A_45, %shift_right_arithmetic3A_48 : vector<16xi32>
        %eq3A_49 = arith.constant 15 : i32
        %eq3A_50 = vector.broadcast %eq3A_49 : i32 to vector<16xi32>
        %eq3A_51 = arith.cmpi eq, %iota3A, %eq3A_50 : vector<16xi32>
        %or3A = arith.ori %ne3A, %eq3A_51 : vector<16xi1>
        %jit3A_52 = arith.constant 1 : i32
        %jit3A_53 = arith.constant 0 : i32
        %broadcast_in_dim3A_54 = vector.broadcast %jit3A_52 : i32 to vector<16xi32>
        %broadcast_in_dim3A_55 = vector.broadcast %jit3A_53 : i32 to vector<16xi32>
        %select_n3A_56 = arith.select %or3A, %broadcast_in_dim3A_54, %broadcast_in_dim3A_55 : vector<16xi1>, vector<16xi32>
        tpu.vector_store_idx %arg16[%masked_sort3A_36], %select_n3A_56 : memref<16xi32, #tpu.memory_space<vmem>>[vector<16xi32>], vector<16xi32>,
        %get3A_57 = arith.constant 0 : index
        %get3A_58 = tpu.vector_load %arg16[%get3A_57] {strides = array<i32>} : memref<16xi32, #tpu.memory_space<vmem>>, vector<16xi32>,
        %ne3A_59 = arith.constant 0 : i32
        %ne3A_60 = vector.broadcast %ne3A_59 : i32 to vector<16xi32>
        %ne3A_61 = arith.cmpi ne, %get3A_58, %ne3A_60 : vector<16xi32>
        %and3A = arith.andi %ne3A_61, %lt3A_25 : vector<16xi1>
        %add3A_62 = vector.broadcast %mul3A_21 : i32 to vector<16xi32>
        %add3A_63 = arith.addi %add3A_62, %iota3A : vector<16xi32>
        tpu.vector_store_idx %arg15[%select_n3A], %add3A_63 masked %and3A : memref<1024xi32, #tpu.memory_space<vmem>>[vector<16xi32>], vector<16xi32>, vector<16xi1>
        %get3A_64 = arith.index_cast %mul3A_21 : i32 to index
        %get3A_65 = tpu.vector_load %arg11[%get3A_64] {strides = array<i32>} : memref<512xi32, #tpu.memory_space<vmem>>, vector<16xi32>,
        tpu.vector_store_idx %arg12[%select_n3A], %get3A_65 masked %and3A : memref<1024xi32, #tpu.memory_space<vmem>>[vector<16xi32>], vector<16xi32>, vector<16xi1>
        tpu.vector_store_idx %arg13[%select_n3A], %get3A_3 masked %and3A : memref<1024xi32, #tpu.memory_space<vmem>>[vector<16xi32>], vector<16xi32>, vector<16xi1>
        %scan3A_66 = arith.constant 0 : i32
        scf.yield %scan3A_66 : i32
      }
      %scan3A_17 = arith.constant 32 : i32
      tpu.enqueue_dma source(%arg12 : memref<1024xi32, #tpu.memory_space<vmem>>) target(%arg7 : memref<1024xi32, #tpu.memory_space<hbm>>) target_semaphore(%arg17 : memref<!tpu.dma_semaphore, #tpu.memory_space<semaphore_mem>>)
      tpu.enqueue_dma source(%arg13 : memref<1024xi32, #tpu.memory_space<vmem>>) target(%arg8 : memref<1024xi32, #tpu.memory_space<hbm>>) target_semaphore(%arg18 : memref<!tpu.dma_semaphore, #tpu.memory_space<semaphore_mem>>)
      tpu.enqueue_dma source(%arg15 : memref<1024xi32, #tpu.memory_space<vmem>>) target(%arg9 : memref<1024xi32, #tpu.memory_space<hbm>>) target_semaphore(%arg19 : memref<!tpu.dma_semaphore, #tpu.memory_space<semaphore_mem>>)
      tpu.wait_dma2 semaphore(%arg17 : memref<!tpu.dma_semaphore, #tpu.memory_space<semaphore_mem>>) src(%arg12 : memref<1024xi32, #tpu.memory_space<vmem>>) dst(%arg7 : memref<1024xi32, #tpu.memory_space<hbm>>)
      tpu.wait_dma2 semaphore(%arg18 : memref<!tpu.dma_semaphore, #tpu.memory_space<semaphore_mem>>) src(%arg13 : memref<1024xi32, #tpu.memory_space<vmem>>) dst(%arg8 : memref<1024xi32, #tpu.memory_space<hbm>>)
      tpu.wait_dma2 semaphore(%arg19 : memref<!tpu.dma_semaphore, #tpu.memory_space<semaphore_mem>>) src(%arg15 : memref<1024xi32, #tpu.memory_space<vmem>>) dst(%arg9 : memref<1024xi32, #tpu.memory_space<hbm>>)
    } else {
    }
    return
  }
}

module attributes {stable_mosaic.version = 14 : i64} {
  func.func @_tc_dense_body(%arg0: i32, %arg1: memref<1024xi32, #tpu.memory_space<smem>>, %arg2: memref<512x2x40x512xf32, #tpu.memory_space<hbm>>, %arg3: memref<32x2x40x512xf32, #tpu.memory_space<vmem>>, %arg4: memref<32x2x40x512xf32, #tpu.memory_space<vmem>>, %arg5: memref<2xi32, #tpu.memory_space<smem>>, %arg6: memref<64x2x40x512xf32, #tpu.memory_space<vmem>>, %arg7: memref<64x!tpu.dma_semaphore, #tpu.memory_space<semaphore_mem>>) attributes {dimension_semantics = [#tpu.dimension_semantics<arbitrary>], iteration_bounds = array<i64: 32>, scalar_prefetch = 0 : i64, scratch_operands = 3 : i64, tpu.core_type = #tpu.core_type<tc>, window_params = [{transform_indices = @transform_0, window_bounds = array<i64: 1024>}, {}, {transform_indices = @transform_2, window_bounds = array<i64: 32, 2, 40, 512>}, {transform_indices = @transform_3, window_bounds = array<i64: 32, 2, 40, 512>}]} {
    %eq3A = arith.constant 0 : i32
    %eq3A_0 = arith.cmpi eq, %arg0, %eq3A : i32
    %convert_element_type3A = arith.extui %eq3A_0 : i1 to i32
    %cond3A = arith.constant 0 : i32
    %cond3A_1 = arith.cmpi ne, %convert_element_type3A, %cond3A : i32
    scf.if %cond3A_1 {
      %swap3A_365 = arith.constant 0 : i32
      %swap3A_366 = arith.constant 0 : index
      %swap3A_367 = memref.load %arg5[%swap3A_366] : memref<2xi32, #tpu.memory_space<smem>>
      memref.store %swap3A_365, %arg5[%swap3A_366] : memref<2xi32, #tpu.memory_space<smem>>
      %swap3A_368 = arith.constant 0 : i32
      %swap3A_369 = arith.constant 1 : index
      %swap3A_370 = memref.load %arg5[%swap3A_369] : memref<2xi32, #tpu.memory_space<smem>>
      memref.store %swap3A_368, %arg5[%swap3A_369] : memref<2xi32, #tpu.memory_space<smem>>
      %get3A_371 = arith.constant 0 : index
      %get3A_372 = memref.load %arg1[%get3A_371] : memref<1024xi32, #tpu.memory_space<smem>>
      %ge3A_373 = arith.constant 0 : i32
      %ge3A_374 = arith.cmpi sge, %get3A_372, %ge3A_373 : i32
      %convert_element_type3A_375 = arith.extui %ge3A_374 : i1 to i32
      %cond3A_376 = arith.constant 0 : i32
      %cond3A_377 = arith.cmpi ne, %convert_element_type3A_375, %cond3A_376 : i32
      scf.if %cond3A_377 {
        %get3A_595 = arith.constant 0 : index
        %get3A_596 = memref.load %arg5[%get3A_595] : memref<2xi32, #tpu.memory_space<smem>>
        %jit3A = arith.constant 64 : i32
        %eq3A_597 = arith.constant 0 : i32
        %eq3A_598 = arith.cmpi eq, %jit3A, %eq3A_597 : i32
        %jit3A_599 = arith.constant 1 : i32
        %select_n3A = arith.select %eq3A_598, %jit3A_599, %jit3A : i32
        %rem3A = arith.remsi %get3A_596, %select_n3A : i32
        %ne3A = arith.constant 0 : i32
        %ne3A_600 = arith.cmpi ne, %rem3A, %ne3A : i32
        %lt3A_601 = arith.constant 0 : i32
        %lt3A_602 = arith.cmpi slt, %rem3A, %lt3A_601 : i32
        %lt3A_603 = arith.constant 0 : i32
        %lt3A_604 = arith.cmpi slt, %select_n3A, %lt3A_603 : i32
        %ne3A_605 = arith.xori %lt3A_602, %lt3A_604 : i1
        %and3A = arith.andi %ne3A_605, %ne3A_600 : i1
        %add3A_606 = arith.addi %rem3A, %select_n3A : i32
        %select_n3A_607 = arith.select %and3A, %add3A_606, %rem3A : i32
        %jit3A_608 = arith.constant 64 : i32
        %eq3A_609 = arith.constant 0 : i32
        %eq3A_610 = arith.cmpi eq, %jit3A_608, %eq3A_609 : i32
        %jit3A_611 = arith.constant 1 : i32
        %select_n3A_612 = arith.select %eq3A_610, %jit3A_611, %jit3A_608 : i32
        %rem3A_613 = arith.remsi %get3A_596, %select_n3A_612 : i32
        %ne3A_614 = arith.constant 0 : i32
        %ne3A_615 = arith.cmpi ne, %rem3A_613, %ne3A_614 : i32
        %lt3A_616 = arith.constant 0 : i32
        %lt3A_617 = arith.cmpi slt, %rem3A_613, %lt3A_616 : i32
        %lt3A_618 = arith.constant 0 : i32
        %lt3A_619 = arith.cmpi slt, %select_n3A_612, %lt3A_618 : i32
        %ne3A_620 = arith.xori %lt3A_617, %lt3A_619 : i1
        %and3A_621 = arith.andi %ne3A_620, %ne3A_615 : i1
        %add3A_622 = arith.addi %rem3A_613, %select_n3A_612 : i32
        %select_n3A_623 = arith.select %and3A_621, %add3A_622, %rem3A_613 : i32
        %dma_start3A = tpu.memref_slice %arg7[%select_n3A_623] : memref<64x!tpu.dma_semaphore, #tpu.memory_space<semaphore_mem>> -> memref<1x!tpu.dma_semaphore, #tpu.memory_space<semaphore_mem>>
        %dma_start3A_624 = tpu.memref_squeeze %dma_start3A : memref<1x!tpu.dma_semaphore, #tpu.memory_space<semaphore_mem>> -> memref<!tpu.dma_semaphore, #tpu.memory_space<semaphore_mem>>
        %dma_start3A_625 = arith.constant 0 : i32
        %dma_start3A_626 = arith.constant 0 : i32
        %dma_start3A_627 = arith.constant 0 : i32
        %dma_start3A_628 = tpu.memref_slice %arg6[%select_n3A_607, %dma_start3A_625, %dma_start3A_626, %dma_start3A_627] : memref<64x2x40x512xf32, #tpu.memory_space<vmem>> -> memref<1x2x40x512xf32, #tpu.memory_space<vmem>>
        %dma_start3A_629 = tpu.memref_squeeze %dma_start3A_628 : memref<1x2x40x512xf32, #tpu.memory_space<vmem>> -> memref<2x40x512xf32, #tpu.memory_space<vmem>>
        %dma_start3A_630 = arith.constant 0 : i32
        %dma_start3A_631 = arith.constant 0 : i32
        %dma_start3A_632 = arith.constant 0 : i32
        %dma_start3A_633 = tpu.memref_slice %arg2[%get3A_372, %dma_start3A_630, %dma_start3A_631, %dma_start3A_632] : memref<512x2x40x512xf32, #tpu.memory_space<hbm>> -> memref<1x2x40x512xf32, #tpu.memory_space<hbm>>
        %dma_start3A_634 = tpu.memref_squeeze %dma_start3A_633 : memref<1x2x40x512xf32, #tpu.memory_space<hbm>> -> memref<2x40x512xf32, #tpu.memory_space<hbm>>
        tpu.enqueue_dma source(%dma_start3A_634 : memref<2x40x512xf32, #tpu.memory_space<hbm>>) target(%dma_start3A_629 : memref<2x40x512xf32, #tpu.memory_space<vmem>>) target_semaphore(%dma_start3A_624 : memref<!tpu.dma_semaphore, #tpu.memory_space<semaphore_mem>>)
        %add3A_635 = arith.constant 1 : i32
        %add3A_636 = arith.addi %get3A_596, %add3A_635 : i32
        %swap3A_637 = arith.constant 0 : index
        %swap3A_638 = memref.load %arg5[%swap3A_637] : memref<2xi32, #tpu.memory_space<smem>>
        memref.store %add3A_636, %arg5[%swap3A_637] : memref<2xi32, #tpu.memory_space<smem>>
      } else {
      }
      %get3A_378 = arith.constant 1 : index
      %get3A_379 = memref.load %arg1[%get3A_378] : memref<1024xi32, #tpu.memory_space<smem>>
      %ge3A_380 = arith.constant 0 : i32
      %ge3A_381 = arith.cmpi sge, %get3A_379, %ge3A_380 : i32
      %convert_element_type3A_382 = arith.extui %ge3A_381 : i1 to i32
      %cond3A_383 = arith.constant 0 : i32
      %cond3A_384 = arith.cmpi ne, %convert_element_type3A_382, %cond3A_383 : i32
      scf.if %cond3A_384 {
        %get3A_595 = arith.constant 0 : index
        %get3A_596 = memref.load %arg5[%get3A_595] : memref<2xi32, #tpu.memory_space<smem>>
        %jit3A = arith.constant 64 : i32
        %eq3A_597 = arith.constant 0 : i32
        %eq3A_598 = arith.cmpi eq, %jit3A, %eq3A_597 : i32
        %jit3A_599 = arith.constant 1 : i32
        %select_n3A = arith.select %eq3A_598, %jit3A_599, %jit3A : i32
        %rem3A = arith.remsi %get3A_596, %select_n3A : i32
        %ne3A = arith.constant 0 : i32
        %ne3A_600 = arith.cmpi ne, %rem3A, %ne3A : i32
        %lt3A_601 = arith.constant 0 : i32
        %lt3A_602 = arith.cmpi slt, %rem3A, %lt3A_601 : i32
        %lt3A_603 = arith.constant 0 : i32
        %lt3A_604 = arith.cmpi slt, %select_n3A, %lt3A_603 : i32
        %ne3A_605 = arith.xori %lt3A_602, %lt3A_604 : i1
        %and3A = arith.andi %ne3A_605, %ne3A_600 : i1
        %add3A_606 = arith.addi %rem3A, %select_n3A : i32
        %select_n3A_607 = arith.select %and3A, %add3A_606, %rem3A : i32
        %jit3A_608 = arith.constant 64 : i32
        %eq3A_609 = arith.constant 0 : i32
        %eq3A_610 = arith.cmpi eq, %jit3A_608, %eq3A_609 : i32
        %jit3A_611 = arith.constant 1 : i32
        %select_n3A_612 = arith.select %eq3A_610, %jit3A_611, %jit3A_608 : i32
        %rem3A_613 = arith.remsi %get3A_596, %select_n3A_612 : i32
        %ne3A_614 = arith.constant 0 : i32
        %ne3A_615 = arith.cmpi ne, %rem3A_613, %ne3A_614 : i32
        %lt3A_616 = arith.constant 0 : i32
        %lt3A_617 = arith.cmpi slt, %rem3A_613, %lt3A_616 : i32
        %lt3A_618 = arith.constant 0 : i32
        %lt3A_619 = arith.cmpi slt, %select_n3A_612, %lt3A_618 : i32
        %ne3A_620 = arith.xori %lt3A_617, %lt3A_619 : i1
        %and3A_621 = arith.andi %ne3A_620, %ne3A_615 : i1
        %add3A_622 = arith.addi %rem3A_613, %select_n3A_612 : i32
        %select_n3A_623 = arith.select %and3A_621, %add3A_622, %rem3A_613 : i32
        %dma_start3A = tpu.memref_slice %arg7[%select_n3A_623] : memref<64x!tpu.dma_semaphore, #tpu.memory_space<semaphore_mem>> -> memref<1x!tpu.dma_semaphore, #tpu.memory_space<semaphore_mem>>
        %dma_start3A_624 = tpu.memref_squeeze %dma_start3A : memref<1x!tpu.dma_semaphore, #tpu.memory_space<semaphore_mem>> -> memref<!tpu.dma_semaphore, #tpu.memory_space<semaphore_mem>>
        %dma_start3A_625 = arith.constant 0 : i32
        %dma_start3A_626 = arith.constant 0 : i32
        %dma_start3A_627 = arith.constant 0 : i32
        %dma_start3A_628 = tpu.memref_slice %arg6[%select_n3A_607, %dma_start3A_625, %dma_start3A_626, %dma_start3A_627] : memref<64x2x40x512xf32, #tpu.memory_space<vmem>> -> memref<1x2x40x512xf32, #tpu.memory_space<vmem>>
        %dma_start3A_629 = tpu.memref_squeeze %dma_start3A_628 : memref<1x2x40x512xf32, #tpu.memory_space<vmem>> -> memref<2x40x512xf32, #tpu.memory_space<vmem>>
        %dma_start3A_630 = arith.constant 0 : i32
        %dma_start3A_631 = arith.constant 0 : i32
        %dma_start3A_632 = arith.constant 0 : i32
        %dma_start3A_633 = tpu.memref_slice %arg2[%get3A_379, %dma_start3A_630, %dma_start3A_631, %dma_start3A_632] : memref<512x2x40x512xf32, #tpu.memory_space<hbm>> -> memref<1x2x40x512xf32, #tpu.memory_space<hbm>>
        %dma_start3A_634 = tpu.memref_squeeze %dma_start3A_633 : memref<1x2x40x512xf32, #tpu.memory_space<hbm>> -> memref<2x40x512xf32, #tpu.memory_space<hbm>>
        tpu.enqueue_dma source(%dma_start3A_634 : memref<2x40x512xf32, #tpu.memory_space<hbm>>) target(%dma_start3A_629 : memref<2x40x512xf32, #tpu.memory_space<vmem>>) target_semaphore(%dma_start3A_624 : memref<!tpu.dma_semaphore, #tpu.memory_space<semaphore_mem>>)
        %add3A_635 = arith.constant 1 : i32
        %add3A_636 = arith.addi %get3A_596, %add3A_635 : i32
        %swap3A_637 = arith.constant 0 : index
        %swap3A_638 = memref.load %arg5[%swap3A_637] : memref<2xi32, #tpu.memory_space<smem>>
        memref.store %add3A_636, %arg5[%swap3A_637] : memref<2xi32, #tpu.memory_space<smem>>
      } else {
      }
      %get3A_385 = arith.constant 2 : index
      %get3A_386 = memref.load %arg1[%get3A_385] : memref<1024xi32, #tpu.memory_space<smem>>
      %ge3A_387 = arith.constant 0 : i32
      %ge3A_388 = arith.cmpi sge, %get3A_386, %ge3A_387 : i32
      %convert_element_type3A_389 = arith.extui %ge3A_388 : i1 to i32
      %cond3A_390 = arith.constant 0 : i32
      %cond3A_391 = arith.cmpi ne, %convert_element_type3A_389, %cond3A_390 : i32
      scf.if %cond3A_391 {
        %get3A_595 = arith.constant 0 : index
        %get3A_596 = memref.load %arg5[%get3A_595] : memref<2xi32, #tpu.memory_space<smem>>
        %jit3A = arith.constant 64 : i32
        %eq3A_597 = arith.constant 0 : i32
        %eq3A_598 = arith.cmpi eq, %jit3A, %eq3A_597 : i32
        %jit3A_599 = arith.constant 1 : i32
        %select_n3A = arith.select %eq3A_598, %jit3A_599, %jit3A : i32
        %rem3A = arith.remsi %get3A_596, %select_n3A : i32
        %ne3A = arith.constant 0 : i32
        %ne3A_600 = arith.cmpi ne, %rem3A, %ne3A : i32
        %lt3A_601 = arith.constant 0 : i32
        %lt3A_602 = arith.cmpi slt, %rem3A, %lt3A_601 : i32
        %lt3A_603 = arith.constant 0 : i32
        %lt3A_604 = arith.cmpi slt, %select_n3A, %lt3A_603 : i32
        %ne3A_605 = arith.xori %lt3A_602, %lt3A_604 : i1
        %and3A = arith.andi %ne3A_605, %ne3A_600 : i1
        %add3A_606 = arith.addi %rem3A, %select_n3A : i32
        %select_n3A_607 = arith.select %and3A, %add3A_606, %rem3A : i32
        %jit3A_608 = arith.constant 64 : i32
        %eq3A_609 = arith.constant 0 : i32
        %eq3A_610 = arith.cmpi eq, %jit3A_608, %eq3A_609 : i32
        %jit3A_611 = arith.constant 1 : i32
        %select_n3A_612 = arith.select %eq3A_610, %jit3A_611, %jit3A_608 : i32
        %rem3A_613 = arith.remsi %get3A_596, %select_n3A_612 : i32
        %ne3A_614 = arith.constant 0 : i32
        %ne3A_615 = arith.cmpi ne, %rem3A_613, %ne3A_614 : i32
        %lt3A_616 = arith.constant 0 : i32
        %lt3A_617 = arith.cmpi slt, %rem3A_613, %lt3A_616 : i32
        %lt3A_618 = arith.constant 0 : i32
        %lt3A_619 = arith.cmpi slt, %select_n3A_612, %lt3A_618 : i32
        %ne3A_620 = arith.xori %lt3A_617, %lt3A_619 : i1
        %and3A_621 = arith.andi %ne3A_620, %ne3A_615 : i1
        %add3A_622 = arith.addi %rem3A_613, %select_n3A_612 : i32
        %select_n3A_623 = arith.select %and3A_621, %add3A_622, %rem3A_613 : i32
        %dma_start3A = tpu.memref_slice %arg7[%select_n3A_623] : memref<64x!tpu.dma_semaphore, #tpu.memory_space<semaphore_mem>> -> memref<1x!tpu.dma_semaphore, #tpu.memory_space<semaphore_mem>>
        %dma_start3A_624 = tpu.memref_squeeze %dma_start3A : memref<1x!tpu.dma_semaphore, #tpu.memory_space<semaphore_mem>> -> memref<!tpu.dma_semaphore, #tpu.memory_space<semaphore_mem>>
        %dma_start3A_625 = arith.constant 0 : i32
        %dma_start3A_626 = arith.constant 0 : i32
        %dma_start3A_627 = arith.constant 0 : i32
        %dma_start3A_628 = tpu.memref_slice %arg6[%select_n3A_607, %dma_start3A_625, %dma_start3A_626, %dma_start3A_627] : memref<64x2x40x512xf32, #tpu.memory_space<vmem>> -> memref<1x2x40x512xf32, #tpu.memory_space<vmem>>
        %dma_start3A_629 = tpu.memref_squeeze %dma_start3A_628 : memref<1x2x40x512xf32, #tpu.memory_space<vmem>> -> memref<2x40x512xf32, #tpu.memory_space<vmem>>
        %dma_start3A_630 = arith.constant 0 : i32
        %dma_start3A_631 = arith.constant 0 : i32
        %dma_start3A_632 = arith.constant 0 : i32
        %dma_start3A_633 = tpu.memref_slice %arg2[%get3A_386, %dma_start3A_630, %dma_start3A_631, %dma_start3A_632] : memref<512x2x40x512xf32, #tpu.memory_space<hbm>> -> memref<1x2x40x512xf32, #tpu.memory_space<hbm>>
        %dma_start3A_634 = tpu.memref_squeeze %dma_start3A_633 : memref<1x2x40x512xf32, #tpu.memory_space<hbm>> -> memref<2x40x512xf32, #tpu.memory_space<hbm>>
        tpu.enqueue_dma source(%dma_start3A_634 : memref<2x40x512xf32, #tpu.memory_space<hbm>>) target(%dma_start3A_629 : memref<2x40x512xf32, #tpu.memory_space<vmem>>) target_semaphore(%dma_start3A_624 : memref<!tpu.dma_semaphore, #tpu.memory_space<semaphore_mem>>)
        %add3A_635 = arith.constant 1 : i32
        %add3A_636 = arith.addi %get3A_596, %add3A_635 : i32
        %swap3A_637 = arith.constant 0 : index
        %swap3A_638 = memref.load %arg5[%swap3A_637] : memref<2xi32, #tpu.memory_space<smem>>
        memref.store %add3A_636, %arg5[%swap3A_637] : memref<2xi32, #tpu.memory_space<smem>>
      } else {
      }
      %get3A_392 = arith.constant 3 : index
      %get3A_393 = memref.load %arg1[%get3A_392] : memref<1024xi32, #tpu.memory_space<smem>>
      %ge3A_394 = arith.constant 0 : i32
      %ge3A_395 = arith.cmpi sge, %get3A_393, %ge3A_394 : i32
      %convert_element_type3A_396 = arith.extui %ge3A_395 : i1 to i32
      %cond3A_397 = arith.constant 0 : i32
      %cond3A_398 = arith.cmpi ne, %convert_element_type3A_396, %cond3A_397 : i32
      scf.if %cond3A_398 {
        %get3A_595 = arith.constant 0 : index
        %get3A_596 = memref.load %arg5[%get3A_595] : memref<2xi32, #tpu.memory_space<smem>>
        %jit3A = arith.constant 64 : i32
        %eq3A_597 = arith.constant 0 : i32
        %eq3A_598 = arith.cmpi eq, %jit3A, %eq3A_597 : i32
        %jit3A_599 = arith.constant 1 : i32
        %select_n3A = arith.select %eq3A_598, %jit3A_599, %jit3A : i32
        %rem3A = arith.remsi %get3A_596, %select_n3A : i32
        %ne3A = arith.constant 0 : i32
        %ne3A_600 = arith.cmpi ne, %rem3A, %ne3A : i32
        %lt3A_601 = arith.constant 0 : i32
        %lt3A_602 = arith.cmpi slt, %rem3A, %lt3A_601 : i32
        %lt3A_603 = arith.constant 0 : i32
        %lt3A_604 = arith.cmpi slt, %select_n3A, %lt3A_603 : i32
        %ne3A_605 = arith.xori %lt3A_602, %lt3A_604 : i1
        %and3A = arith.andi %ne3A_605, %ne3A_600 : i1
        %add3A_606 = arith.addi %rem3A, %select_n3A : i32
        %select_n3A_607 = arith.select %and3A, %add3A_606, %rem3A : i32
        %jit3A_608 = arith.constant 64 : i32
        %eq3A_609 = arith.constant 0 : i32
        %eq3A_610 = arith.cmpi eq, %jit3A_608, %eq3A_609 : i32
        %jit3A_611 = arith.constant 1 : i32
        %select_n3A_612 = arith.select %eq3A_610, %jit3A_611, %jit3A_608 : i32
        %rem3A_613 = arith.remsi %get3A_596, %select_n3A_612 : i32
        %ne3A_614 = arith.constant 0 : i32
        %ne3A_615 = arith.cmpi ne, %rem3A_613, %ne3A_614 : i32
        %lt3A_616 = arith.constant 0 : i32
        %lt3A_617 = arith.cmpi slt, %rem3A_613, %lt3A_616 : i32
        %lt3A_618 = arith.constant 0 : i32
        %lt3A_619 = arith.cmpi slt, %select_n3A_612, %lt3A_618 : i32
        %ne3A_620 = arith.xori %lt3A_617, %lt3A_619 : i1
        %and3A_621 = arith.andi %ne3A_620, %ne3A_615 : i1
        %add3A_622 = arith.addi %rem3A_613, %select_n3A_612 : i32
        %select_n3A_623 = arith.select %and3A_621, %add3A_622, %rem3A_613 : i32
        %dma_start3A = tpu.memref_slice %arg7[%select_n3A_623] : memref<64x!tpu.dma_semaphore, #tpu.memory_space<semaphore_mem>> -> memref<1x!tpu.dma_semaphore, #tpu.memory_space<semaphore_mem>>
        %dma_start3A_624 = tpu.memref_squeeze %dma_start3A : memref<1x!tpu.dma_semaphore, #tpu.memory_space<semaphore_mem>> -> memref<!tpu.dma_semaphore, #tpu.memory_space<semaphore_mem>>
        %dma_start3A_625 = arith.constant 0 : i32
        %dma_start3A_626 = arith.constant 0 : i32
        %dma_start3A_627 = arith.constant 0 : i32
        %dma_start3A_628 = tpu.memref_slice %arg6[%select_n3A_607, %dma_start3A_625, %dma_start3A_626, %dma_start3A_627] : memref<64x2x40x512xf32, #tpu.memory_space<vmem>> -> memref<1x2x40x512xf32, #tpu.memory_space<vmem>>
        %dma_start3A_629 = tpu.memref_squeeze %dma_start3A_628 : memref<1x2x40x512xf32, #tpu.memory_space<vmem>> -> memref<2x40x512xf32, #tpu.memory_space<vmem>>
        %dma_start3A_630 = arith.constant 0 : i32
        %dma_start3A_631 = arith.constant 0 : i32
        %dma_start3A_632 = arith.constant 0 : i32
        %dma_start3A_633 = tpu.memref_slice %arg2[%get3A_393, %dma_start3A_630, %dma_start3A_631, %dma_start3A_632] : memref<512x2x40x512xf32, #tpu.memory_space<hbm>> -> memref<1x2x40x512xf32, #tpu.memory_space<hbm>>
        %dma_start3A_634 = tpu.memref_squeeze %dma_start3A_633 : memref<1x2x40x512xf32, #tpu.memory_space<hbm>> -> memref<2x40x512xf32, #tpu.memory_space<hbm>>
        tpu.enqueue_dma source(%dma_start3A_634 : memref<2x40x512xf32, #tpu.memory_space<hbm>>) target(%dma_start3A_629 : memref<2x40x512xf32, #tpu.memory_space<vmem>>) target_semaphore(%dma_start3A_624 : memref<!tpu.dma_semaphore, #tpu.memory_space<semaphore_mem>>)
        %add3A_635 = arith.constant 1 : i32
        %add3A_636 = arith.addi %get3A_596, %add3A_635 : i32
        %swap3A_637 = arith.constant 0 : index
        %swap3A_638 = memref.load %arg5[%swap3A_637] : memref<2xi32, #tpu.memory_space<smem>>
        memref.store %add3A_636, %arg5[%swap3A_637] : memref<2xi32, #tpu.memory_space<smem>>
      } else {
      }
      %get3A_399 = arith.constant 4 : index
      %get3A_400 = memref.load %arg1[%get3A_399] : memref<1024xi32, #tpu.memory_space<smem>>
      %ge3A_401 = arith.constant 0 : i32
      %ge3A_402 = arith.cmpi sge, %get3A_400, %ge3A_401 : i32
      %convert_element_type3A_403 = arith.extui %ge3A_402 : i1 to i32
      %cond3A_404 = arith.constant 0 : i32
      %cond3A_405 = arith.cmpi ne, %convert_element_type3A_403, %cond3A_404 : i32
      scf.if %cond3A_405 {
        %get3A_595 = arith.constant 0 : index
        %get3A_596 = memref.load %arg5[%get3A_595] : memref<2xi32, #tpu.memory_space<smem>>
        %jit3A = arith.constant 64 : i32
        %eq3A_597 = arith.constant 0 : i32
        %eq3A_598 = arith.cmpi eq, %jit3A, %eq3A_597 : i32
        %jit3A_599 = arith.constant 1 : i32
        %select_n3A = arith.select %eq3A_598, %jit3A_599, %jit3A : i32
        %rem3A = arith.remsi %get3A_596, %select_n3A : i32
        %ne3A = arith.constant 0 : i32
        %ne3A_600 = arith.cmpi ne, %rem3A, %ne3A : i32
        %lt3A_601 = arith.constant 0 : i32
        %lt3A_602 = arith.cmpi slt, %rem3A, %lt3A_601 : i32
        %lt3A_603 = arith.constant 0 : i32
        %lt3A_604 = arith.cmpi slt, %select_n3A, %lt3A_603 : i32
        %ne3A_605 = arith.xori %lt3A_602, %lt3A_604 : i1
        %and3A = arith.andi %ne3A_605, %ne3A_600 : i1
        %add3A_606 = arith.addi %rem3A, %select_n3A : i32
        %select_n3A_607 = arith.select %and3A, %add3A_606, %rem3A : i32
        %jit3A_608 = arith.constant 64 : i32
        %eq3A_609 = arith.constant 0 : i32
        %eq3A_610 = arith.cmpi eq, %jit3A_608, %eq3A_609 : i32
        %jit3A_611 = arith.constant 1 : i32
        %select_n3A_612 = arith.select %eq3A_610, %jit3A_611, %jit3A_608 : i32
        %rem3A_613 = arith.remsi %get3A_596, %select_n3A_612 : i32
        %ne3A_614 = arith.constant 0 : i32
        %ne3A_615 = arith.cmpi ne, %rem3A_613, %ne3A_614 : i32
        %lt3A_616 = arith.constant 0 : i32
        %lt3A_617 = arith.cmpi slt, %rem3A_613, %lt3A_616 : i32
        %lt3A_618 = arith.constant 0 : i32
        %lt3A_619 = arith.cmpi slt, %select_n3A_612, %lt3A_618 : i32
        %ne3A_620 = arith.xori %lt3A_617, %lt3A_619 : i1
        %and3A_621 = arith.andi %ne3A_620, %ne3A_615 : i1
        %add3A_622 = arith.addi %rem3A_613, %select_n3A_612 : i32
        %select_n3A_623 = arith.select %and3A_621, %add3A_622, %rem3A_613 : i32
        %dma_start3A = tpu.memref_slice %arg7[%select_n3A_623] : memref<64x!tpu.dma_semaphore, #tpu.memory_space<semaphore_mem>> -> memref<1x!tpu.dma_semaphore, #tpu.memory_space<semaphore_mem>>
        %dma_start3A_624 = tpu.memref_squeeze %dma_start3A : memref<1x!tpu.dma_semaphore, #tpu.memory_space<semaphore_mem>> -> memref<!tpu.dma_semaphore, #tpu.memory_space<semaphore_mem>>
        %dma_start3A_625 = arith.constant 0 : i32
        %dma_start3A_626 = arith.constant 0 : i32
        %dma_start3A_627 = arith.constant 0 : i32
        %dma_start3A_628 = tpu.memref_slice %arg6[%select_n3A_607, %dma_start3A_625, %dma_start3A_626, %dma_start3A_627] : memref<64x2x40x512xf32, #tpu.memory_space<vmem>> -> memref<1x2x40x512xf32, #tpu.memory_space<vmem>>
        %dma_start3A_629 = tpu.memref_squeeze %dma_start3A_628 : memref<1x2x40x512xf32, #tpu.memory_space<vmem>> -> memref<2x40x512xf32, #tpu.memory_space<vmem>>
        %dma_start3A_630 = arith.constant 0 : i32
        %dma_start3A_631 = arith.constant 0 : i32
        %dma_start3A_632 = arith.constant 0 : i32
        %dma_start3A_633 = tpu.memref_slice %arg2[%get3A_400, %dma_start3A_630, %dma_start3A_631, %dma_start3A_632] : memref<512x2x40x512xf32, #tpu.memory_space<hbm>> -> memref<1x2x40x512xf32, #tpu.memory_space<hbm>>
        %dma_start3A_634 = tpu.memref_squeeze %dma_start3A_633 : memref<1x2x40x512xf32, #tpu.memory_space<hbm>> -> memref<2x40x512xf32, #tpu.memory_space<hbm>>
        tpu.enqueue_dma source(%dma_start3A_634 : memref<2x40x512xf32, #tpu.memory_space<hbm>>) target(%dma_start3A_629 : memref<2x40x512xf32, #tpu.memory_space<vmem>>) target_semaphore(%dma_start3A_624 : memref<!tpu.dma_semaphore, #tpu.memory_space<semaphore_mem>>)
        %add3A_635 = arith.constant 1 : i32
        %add3A_636 = arith.addi %get3A_596, %add3A_635 : i32
        %swap3A_637 = arith.constant 0 : index
        %swap3A_638 = memref.load %arg5[%swap3A_637] : memref<2xi32, #tpu.memory_space<smem>>
        memref.store %add3A_636, %arg5[%swap3A_637] : memref<2xi32, #tpu.memory_space<smem>>
      } else {
      }
      %get3A_406 = arith.constant 5 : index
      %get3A_407 = memref.load %arg1[%get3A_406] : memref<1024xi32, #tpu.memory_space<smem>>
      %ge3A_408 = arith.constant 0 : i32
      %ge3A_409 = arith.cmpi sge, %get3A_407, %ge3A_408 : i32
      %convert_element_type3A_410 = arith.extui %ge3A_409 : i1 to i32
      %cond3A_411 = arith.constant 0 : i32
      %cond3A_412 = arith.cmpi ne, %convert_element_type3A_410, %cond3A_411 : i32
      scf.if %cond3A_412 {
        %get3A_595 = arith.constant 0 : index
        %get3A_596 = memref.load %arg5[%get3A_595] : memref<2xi32, #tpu.memory_space<smem>>
        %jit3A = arith.constant 64 : i32
        %eq3A_597 = arith.constant 0 : i32
        %eq3A_598 = arith.cmpi eq, %jit3A, %eq3A_597 : i32
        %jit3A_599 = arith.constant 1 : i32
        %select_n3A = arith.select %eq3A_598, %jit3A_599, %jit3A : i32
        %rem3A = arith.remsi %get3A_596, %select_n3A : i32
        %ne3A = arith.constant 0 : i32
        %ne3A_600 = arith.cmpi ne, %rem3A, %ne3A : i32
        %lt3A_601 = arith.constant 0 : i32
        %lt3A_602 = arith.cmpi slt, %rem3A, %lt3A_601 : i32
        %lt3A_603 = arith.constant 0 : i32
        %lt3A_604 = arith.cmpi slt, %select_n3A, %lt3A_603 : i32
        %ne3A_605 = arith.xori %lt3A_602, %lt3A_604 : i1
        %and3A = arith.andi %ne3A_605, %ne3A_600 : i1
        %add3A_606 = arith.addi %rem3A, %select_n3A : i32
        %select_n3A_607 = arith.select %and3A, %add3A_606, %rem3A : i32
        %jit3A_608 = arith.constant 64 : i32
        %eq3A_609 = arith.constant 0 : i32
        %eq3A_610 = arith.cmpi eq, %jit3A_608, %eq3A_609 : i32
        %jit3A_611 = arith.constant 1 : i32
        %select_n3A_612 = arith.select %eq3A_610, %jit3A_611, %jit3A_608 : i32
        %rem3A_613 = arith.remsi %get3A_596, %select_n3A_612 : i32
        %ne3A_614 = arith.constant 0 : i32
        %ne3A_615 = arith.cmpi ne, %rem3A_613, %ne3A_614 : i32
        %lt3A_616 = arith.constant 0 : i32
        %lt3A_617 = arith.cmpi slt, %rem3A_613, %lt3A_616 : i32
        %lt3A_618 = arith.constant 0 : i32
        %lt3A_619 = arith.cmpi slt, %select_n3A_612, %lt3A_618 : i32
        %ne3A_620 = arith.xori %lt3A_617, %lt3A_619 : i1
        %and3A_621 = arith.andi %ne3A_620, %ne3A_615 : i1
        %add3A_622 = arith.addi %rem3A_613, %select_n3A_612 : i32
        %select_n3A_623 = arith.select %and3A_621, %add3A_622, %rem3A_613 : i32
        %dma_start3A = tpu.memref_slice %arg7[%select_n3A_623] : memref<64x!tpu.dma_semaphore, #tpu.memory_space<semaphore_mem>> -> memref<1x!tpu.dma_semaphore, #tpu.memory_space<semaphore_mem>>
        %dma_start3A_624 = tpu.memref_squeeze %dma_start3A : memref<1x!tpu.dma_semaphore, #tpu.memory_space<semaphore_mem>> -> memref<!tpu.dma_semaphore, #tpu.memory_space<semaphore_mem>>
        %dma_start3A_625 = arith.constant 0 : i32
        %dma_start3A_626 = arith.constant 0 : i32
        %dma_start3A_627 = arith.constant 0 : i32
        %dma_start3A_628 = tpu.memref_slice %arg6[%select_n3A_607, %dma_start3A_625, %dma_start3A_626, %dma_start3A_627] : memref<64x2x40x512xf32, #tpu.memory_space<vmem>> -> memref<1x2x40x512xf32, #tpu.memory_space<vmem>>
        %dma_start3A_629 = tpu.memref_squeeze %dma_start3A_628 : memref<1x2x40x512xf32, #tpu.memory_space<vmem>> -> memref<2x40x512xf32, #tpu.memory_space<vmem>>
        %dma_start3A_630 = arith.constant 0 : i32
        %dma_start3A_631 = arith.constant 0 : i32
        %dma_start3A_632 = arith.constant 0 : i32
        %dma_start3A_633 = tpu.memref_slice %arg2[%get3A_407, %dma_start3A_630, %dma_start3A_631, %dma_start3A_632] : memref<512x2x40x512xf32, #tpu.memory_space<hbm>> -> memref<1x2x40x512xf32, #tpu.memory_space<hbm>>
        %dma_start3A_634 = tpu.memref_squeeze %dma_start3A_633 : memref<1x2x40x512xf32, #tpu.memory_space<hbm>> -> memref<2x40x512xf32, #tpu.memory_space<hbm>>
        tpu.enqueue_dma source(%dma_start3A_634 : memref<2x40x512xf32, #tpu.memory_space<hbm>>) target(%dma_start3A_629 : memref<2x40x512xf32, #tpu.memory_space<vmem>>) target_semaphore(%dma_start3A_624 : memref<!tpu.dma_semaphore, #tpu.memory_space<semaphore_mem>>)
        %add3A_635 = arith.constant 1 : i32
        %add3A_636 = arith.addi %get3A_596, %add3A_635 : i32
        %swap3A_637 = arith.constant 0 : index
        %swap3A_638 = memref.load %arg5[%swap3A_637] : memref<2xi32, #tpu.memory_space<smem>>
        memref.store %add3A_636, %arg5[%swap3A_637] : memref<2xi32, #tpu.memory_space<smem>>
      } else {
      }
      %get3A_413 = arith.constant 6 : index
      %get3A_414 = memref.load %arg1[%get3A_413] : memref<1024xi32, #tpu.memory_space<smem>>
      %ge3A_415 = arith.constant 0 : i32
      %ge3A_416 = arith.cmpi sge, %get3A_414, %ge3A_415 : i32
      %convert_element_type3A_417 = arith.extui %ge3A_416 : i1 to i32
      %cond3A_418 = arith.constant 0 : i32
      %cond3A_419 = arith.cmpi ne, %convert_element_type3A_417, %cond3A_418 : i32
      scf.if %cond3A_419 {
        %get3A_595 = arith.constant 0 : index
        %get3A_596 = memref.load %arg5[%get3A_595] : memref<2xi32, #tpu.memory_space<smem>>
        %jit3A = arith.constant 64 : i32
        %eq3A_597 = arith.constant 0 : i32
        %eq3A_598 = arith.cmpi eq, %jit3A, %eq3A_597 : i32
        %jit3A_599 = arith.constant 1 : i32
        %select_n3A = arith.select %eq3A_598, %jit3A_599, %jit3A : i32
        %rem3A = arith.remsi %get3A_596, %select_n3A : i32
        %ne3A = arith.constant 0 : i32
        %ne3A_600 = arith.cmpi ne, %rem3A, %ne3A : i32
        %lt3A_601 = arith.constant 0 : i32
        %lt3A_602 = arith.cmpi slt, %rem3A, %lt3A_601 : i32
        %lt3A_603 = arith.constant 0 : i32
        %lt3A_604 = arith.cmpi slt, %select_n3A, %lt3A_603 : i32
        %ne3A_605 = arith.xori %lt3A_602, %lt3A_604 : i1
        %and3A = arith.andi %ne3A_605, %ne3A_600 : i1
        %add3A_606 = arith.addi %rem3A, %select_n3A : i32
        %select_n3A_607 = arith.select %and3A, %add3A_606, %rem3A : i32
        %jit3A_608 = arith.constant 64 : i32
        %eq3A_609 = arith.constant 0 : i32
        %eq3A_610 = arith.cmpi eq, %jit3A_608, %eq3A_609 : i32
        %jit3A_611 = arith.constant 1 : i32
        %select_n3A_612 = arith.select %eq3A_610, %jit3A_611, %jit3A_608 : i32
        %rem3A_613 = arith.remsi %get3A_596, %select_n3A_612 : i32
        %ne3A_614 = arith.constant 0 : i32
        %ne3A_615 = arith.cmpi ne, %rem3A_613, %ne3A_614 : i32
        %lt3A_616 = arith.constant 0 : i32
        %lt3A_617 = arith.cmpi slt, %rem3A_613, %lt3A_616 : i32
        %lt3A_618 = arith.constant 0 : i32
        %lt3A_619 = arith.cmpi slt, %select_n3A_612, %lt3A_618 : i32
        %ne3A_620 = arith.xori %lt3A_617, %lt3A_619 : i1
        %and3A_621 = arith.andi %ne3A_620, %ne3A_615 : i1
        %add3A_622 = arith.addi %rem3A_613, %select_n3A_612 : i32
        %select_n3A_623 = arith.select %and3A_621, %add3A_622, %rem3A_613 : i32
        %dma_start3A = tpu.memref_slice %arg7[%select_n3A_623] : memref<64x!tpu.dma_semaphore, #tpu.memory_space<semaphore_mem>> -> memref<1x!tpu.dma_semaphore, #tpu.memory_space<semaphore_mem>>
        %dma_start3A_624 = tpu.memref_squeeze %dma_start3A : memref<1x!tpu.dma_semaphore, #tpu.memory_space<semaphore_mem>> -> memref<!tpu.dma_semaphore, #tpu.memory_space<semaphore_mem>>
        %dma_start3A_625 = arith.constant 0 : i32
        %dma_start3A_626 = arith.constant 0 : i32
        %dma_start3A_627 = arith.constant 0 : i32
        %dma_start3A_628 = tpu.memref_slice %arg6[%select_n3A_607, %dma_start3A_625, %dma_start3A_626, %dma_start3A_627] : memref<64x2x40x512xf32, #tpu.memory_space<vmem>> -> memref<1x2x40x512xf32, #tpu.memory_space<vmem>>
        %dma_start3A_629 = tpu.memref_squeeze %dma_start3A_628 : memref<1x2x40x512xf32, #tpu.memory_space<vmem>> -> memref<2x40x512xf32, #tpu.memory_space<vmem>>
        %dma_start3A_630 = arith.constant 0 : i32
        %dma_start3A_631 = arith.constant 0 : i32
        %dma_start3A_632 = arith.constant 0 : i32
        %dma_start3A_633 = tpu.memref_slice %arg2[%get3A_414, %dma_start3A_630, %dma_start3A_631, %dma_start3A_632] : memref<512x2x40x512xf32, #tpu.memory_space<hbm>> -> memref<1x2x40x512xf32, #tpu.memory_space<hbm>>
        %dma_start3A_634 = tpu.memref_squeeze %dma_start3A_633 : memref<1x2x40x512xf32, #tpu.memory_space<hbm>> -> memref<2x40x512xf32, #tpu.memory_space<hbm>>
        tpu.enqueue_dma source(%dma_start3A_634 : memref<2x40x512xf32, #tpu.memory_space<hbm>>) target(%dma_start3A_629 : memref<2x40x512xf32, #tpu.memory_space<vmem>>) target_semaphore(%dma_start3A_624 : memref<!tpu.dma_semaphore, #tpu.memory_space<semaphore_mem>>)
        %add3A_635 = arith.constant 1 : i32
        %add3A_636 = arith.addi %get3A_596, %add3A_635 : i32
        %swap3A_637 = arith.constant 0 : index
        %swap3A_638 = memref.load %arg5[%swap3A_637] : memref<2xi32, #tpu.memory_space<smem>>
        memref.store %add3A_636, %arg5[%swap3A_637] : memref<2xi32, #tpu.memory_space<smem>>
      } else {
      }
      %get3A_420 = arith.constant 7 : index
      %get3A_421 = memref.load %arg1[%get3A_420] : memref<1024xi32, #tpu.memory_space<smem>>
      %ge3A_422 = arith.constant 0 : i32
      %ge3A_423 = arith.cmpi sge, %get3A_421, %ge3A_422 : i32
      %convert_element_type3A_424 = arith.extui %ge3A_423 : i1 to i32
      %cond3A_425 = arith.constant 0 : i32
      %cond3A_426 = arith.cmpi ne, %convert_element_type3A_424, %cond3A_425 : i32
      scf.if %cond3A_426 {
        %get3A_595 = arith.constant 0 : index
        %get3A_596 = memref.load %arg5[%get3A_595] : memref<2xi32, #tpu.memory_space<smem>>
        %jit3A = arith.constant 64 : i32
        %eq3A_597 = arith.constant 0 : i32
        %eq3A_598 = arith.cmpi eq, %jit3A, %eq3A_597 : i32
        %jit3A_599 = arith.constant 1 : i32
        %select_n3A = arith.select %eq3A_598, %jit3A_599, %jit3A : i32
        %rem3A = arith.remsi %get3A_596, %select_n3A : i32
        %ne3A = arith.constant 0 : i32
        %ne3A_600 = arith.cmpi ne, %rem3A, %ne3A : i32
        %lt3A_601 = arith.constant 0 : i32
        %lt3A_602 = arith.cmpi slt, %rem3A, %lt3A_601 : i32
        %lt3A_603 = arith.constant 0 : i32
        %lt3A_604 = arith.cmpi slt, %select_n3A, %lt3A_603 : i32
        %ne3A_605 = arith.xori %lt3A_602, %lt3A_604 : i1
        %and3A = arith.andi %ne3A_605, %ne3A_600 : i1
        %add3A_606 = arith.addi %rem3A, %select_n3A : i32
        %select_n3A_607 = arith.select %and3A, %add3A_606, %rem3A : i32
        %jit3A_608 = arith.constant 64 : i32
        %eq3A_609 = arith.constant 0 : i32
        %eq3A_610 = arith.cmpi eq, %jit3A_608, %eq3A_609 : i32
        %jit3A_611 = arith.constant 1 : i32
        %select_n3A_612 = arith.select %eq3A_610, %jit3A_611, %jit3A_608 : i32
        %rem3A_613 = arith.remsi %get3A_596, %select_n3A_612 : i32
        %ne3A_614 = arith.constant 0 : i32
        %ne3A_615 = arith.cmpi ne, %rem3A_613, %ne3A_614 : i32
        %lt3A_616 = arith.constant 0 : i32
        %lt3A_617 = arith.cmpi slt, %rem3A_613, %lt3A_616 : i32
        %lt3A_618 = arith.constant 0 : i32
        %lt3A_619 = arith.cmpi slt, %select_n3A_612, %lt3A_618 : i32
        %ne3A_620 = arith.xori %lt3A_617, %lt3A_619 : i1
        %and3A_621 = arith.andi %ne3A_620, %ne3A_615 : i1
        %add3A_622 = arith.addi %rem3A_613, %select_n3A_612 : i32
        %select_n3A_623 = arith.select %and3A_621, %add3A_622, %rem3A_613 : i32
        %dma_start3A = tpu.memref_slice %arg7[%select_n3A_623] : memref<64x!tpu.dma_semaphore, #tpu.memory_space<semaphore_mem>> -> memref<1x!tpu.dma_semaphore, #tpu.memory_space<semaphore_mem>>
        %dma_start3A_624 = tpu.memref_squeeze %dma_start3A : memref<1x!tpu.dma_semaphore, #tpu.memory_space<semaphore_mem>> -> memref<!tpu.dma_semaphore, #tpu.memory_space<semaphore_mem>>
        %dma_start3A_625 = arith.constant 0 : i32
        %dma_start3A_626 = arith.constant 0 : i32
        %dma_start3A_627 = arith.constant 0 : i32
        %dma_start3A_628 = tpu.memref_slice %arg6[%select_n3A_607, %dma_start3A_625, %dma_start3A_626, %dma_start3A_627] : memref<64x2x40x512xf32, #tpu.memory_space<vmem>> -> memref<1x2x40x512xf32, #tpu.memory_space<vmem>>
        %dma_start3A_629 = tpu.memref_squeeze %dma_start3A_628 : memref<1x2x40x512xf32, #tpu.memory_space<vmem>> -> memref<2x40x512xf32, #tpu.memory_space<vmem>>
        %dma_start3A_630 = arith.constant 0 : i32
        %dma_start3A_631 = arith.constant 0 : i32
        %dma_start3A_632 = arith.constant 0 : i32
        %dma_start3A_633 = tpu.memref_slice %arg2[%get3A_421, %dma_start3A_630, %dma_start3A_631, %dma_start3A_632] : memref<512x2x40x512xf32, #tpu.memory_space<hbm>> -> memref<1x2x40x512xf32, #tpu.memory_space<hbm>>
        %dma_start3A_634 = tpu.memref_squeeze %dma_start3A_633 : memref<1x2x40x512xf32, #tpu.memory_space<hbm>> -> memref<2x40x512xf32, #tpu.memory_space<hbm>>
        tpu.enqueue_dma source(%dma_start3A_634 : memref<2x40x512xf32, #tpu.memory_space<hbm>>) target(%dma_start3A_629 : memref<2x40x512xf32, #tpu.memory_space<vmem>>) target_semaphore(%dma_start3A_624 : memref<!tpu.dma_semaphore, #tpu.memory_space<semaphore_mem>>)
        %add3A_635 = arith.constant 1 : i32
        %add3A_636 = arith.addi %get3A_596, %add3A_635 : i32
        %swap3A_637 = arith.constant 0 : index
        %swap3A_638 = memref.load %arg5[%swap3A_637] : memref<2xi32, #tpu.memory_space<smem>>
        memref.store %add3A_636, %arg5[%swap3A_637] : memref<2xi32, #tpu.memory_space<smem>>
      } else {
      }
      %get3A_427 = arith.constant 8 : index
      %get3A_428 = memref.load %arg1[%get3A_427] : memref<1024xi32, #tpu.memory_space<smem>>
      %ge3A_429 = arith.constant 0 : i32
      %ge3A_430 = arith.cmpi sge, %get3A_428, %ge3A_429 : i32
      %convert_element_type3A_431 = arith.extui %ge3A_430 : i1 to i32
      %cond3A_432 = arith.constant 0 : i32
      %cond3A_433 = arith.cmpi ne, %convert_element_type3A_431, %cond3A_432 : i32
      scf.if %cond3A_433 {
        %get3A_595 = arith.constant 0 : index
        %get3A_596 = memref.load %arg5[%get3A_595] : memref<2xi32, #tpu.memory_space<smem>>
        %jit3A = arith.constant 64 : i32
        %eq3A_597 = arith.constant 0 : i32
        %eq3A_598 = arith.cmpi eq, %jit3A, %eq3A_597 : i32
        %jit3A_599 = arith.constant 1 : i32
        %select_n3A = arith.select %eq3A_598, %jit3A_599, %jit3A : i32
        %rem3A = arith.remsi %get3A_596, %select_n3A : i32
        %ne3A = arith.constant 0 : i32
        %ne3A_600 = arith.cmpi ne, %rem3A, %ne3A : i32
        %lt3A_601 = arith.constant 0 : i32
        %lt3A_602 = arith.cmpi slt, %rem3A, %lt3A_601 : i32
        %lt3A_603 = arith.constant 0 : i32
        %lt3A_604 = arith.cmpi slt, %select_n3A, %lt3A_603 : i32
        %ne3A_605 = arith.xori %lt3A_602, %lt3A_604 : i1
        %and3A = arith.andi %ne3A_605, %ne3A_600 : i1
        %add3A_606 = arith.addi %rem3A, %select_n3A : i32
        %select_n3A_607 = arith.select %and3A, %add3A_606, %rem3A : i32
        %jit3A_608 = arith.constant 64 : i32
        %eq3A_609 = arith.constant 0 : i32
        %eq3A_610 = arith.cmpi eq, %jit3A_608, %eq3A_609 : i32
        %jit3A_611 = arith.constant 1 : i32
        %select_n3A_612 = arith.select %eq3A_610, %jit3A_611, %jit3A_608 : i32
        %rem3A_613 = arith.remsi %get3A_596, %select_n3A_612 : i32
        %ne3A_614 = arith.constant 0 : i32
        %ne3A_615 = arith.cmpi ne, %rem3A_613, %ne3A_614 : i32
        %lt3A_616 = arith.constant 0 : i32
        %lt3A_617 = arith.cmpi slt, %rem3A_613, %lt3A_616 : i32
        %lt3A_618 = arith.constant 0 : i32
        %lt3A_619 = arith.cmpi slt, %select_n3A_612, %lt3A_618 : i32
        %ne3A_620 = arith.xori %lt3A_617, %lt3A_619 : i1
        %and3A_621 = arith.andi %ne3A_620, %ne3A_615 : i1
        %add3A_622 = arith.addi %rem3A_613, %select_n3A_612 : i32
        %select_n3A_623 = arith.select %and3A_621, %add3A_622, %rem3A_613 : i32
        %dma_start3A = tpu.memref_slice %arg7[%select_n3A_623] : memref<64x!tpu.dma_semaphore, #tpu.memory_space<semaphore_mem>> -> memref<1x!tpu.dma_semaphore, #tpu.memory_space<semaphore_mem>>
        %dma_start3A_624 = tpu.memref_squeeze %dma_start3A : memref<1x!tpu.dma_semaphore, #tpu.memory_space<semaphore_mem>> -> memref<!tpu.dma_semaphore, #tpu.memory_space<semaphore_mem>>
        %dma_start3A_625 = arith.constant 0 : i32
        %dma_start3A_626 = arith.constant 0 : i32
        %dma_start3A_627 = arith.constant 0 : i32
        %dma_start3A_628 = tpu.memref_slice %arg6[%select_n3A_607, %dma_start3A_625, %dma_start3A_626, %dma_start3A_627] : memref<64x2x40x512xf32, #tpu.memory_space<vmem>> -> memref<1x2x40x512xf32, #tpu.memory_space<vmem>>
        %dma_start3A_629 = tpu.memref_squeeze %dma_start3A_628 : memref<1x2x40x512xf32, #tpu.memory_space<vmem>> -> memref<2x40x512xf32, #tpu.memory_space<vmem>>
        %dma_start3A_630 = arith.constant 0 : i32
        %dma_start3A_631 = arith.constant 0 : i32
        %dma_start3A_632 = arith.constant 0 : i32
        %dma_start3A_633 = tpu.memref_slice %arg2[%get3A_428, %dma_start3A_630, %dma_start3A_631, %dma_start3A_632] : memref<512x2x40x512xf32, #tpu.memory_space<hbm>> -> memref<1x2x40x512xf32, #tpu.memory_space<hbm>>
        %dma_start3A_634 = tpu.memref_squeeze %dma_start3A_633 : memref<1x2x40x512xf32, #tpu.memory_space<hbm>> -> memref<2x40x512xf32, #tpu.memory_space<hbm>>
        tpu.enqueue_dma source(%dma_start3A_634 : memref<2x40x512xf32, #tpu.memory_space<hbm>>) target(%dma_start3A_629 : memref<2x40x512xf32, #tpu.memory_space<vmem>>) target_semaphore(%dma_start3A_624 : memref<!tpu.dma_semaphore, #tpu.memory_space<semaphore_mem>>)
        %add3A_635 = arith.constant 1 : i32
        %add3A_636 = arith.addi %get3A_596, %add3A_635 : i32
        %swap3A_637 = arith.constant 0 : index
        %swap3A_638 = memref.load %arg5[%swap3A_637] : memref<2xi32, #tpu.memory_space<smem>>
        memref.store %add3A_636, %arg5[%swap3A_637] : memref<2xi32, #tpu.memory_space<smem>>
      } else {
      }
      %get3A_434 = arith.constant 9 : index
      %get3A_435 = memref.load %arg1[%get3A_434] : memref<1024xi32, #tpu.memory_space<smem>>
      %ge3A_436 = arith.constant 0 : i32
      %ge3A_437 = arith.cmpi sge, %get3A_435, %ge3A_436 : i32
      %convert_element_type3A_438 = arith.extui %ge3A_437 : i1 to i32
      %cond3A_439 = arith.constant 0 : i32
      %cond3A_440 = arith.cmpi ne, %convert_element_type3A_438, %cond3A_439 : i32
      scf.if %cond3A_440 {
        %get3A_595 = arith.constant 0 : index
        %get3A_596 = memref.load %arg5[%get3A_595] : memref<2xi32, #tpu.memory_space<smem>>
        %jit3A = arith.constant 64 : i32
        %eq3A_597 = arith.constant 0 : i32
        %eq3A_598 = arith.cmpi eq, %jit3A, %eq3A_597 : i32
        %jit3A_599 = arith.constant 1 : i32
        %select_n3A = arith.select %eq3A_598, %jit3A_599, %jit3A : i32
        %rem3A = arith.remsi %get3A_596, %select_n3A : i32
        %ne3A = arith.constant 0 : i32
        %ne3A_600 = arith.cmpi ne, %rem3A, %ne3A : i32
        %lt3A_601 = arith.constant 0 : i32
        %lt3A_602 = arith.cmpi slt, %rem3A, %lt3A_601 : i32
        %lt3A_603 = arith.constant 0 : i32
        %lt3A_604 = arith.cmpi slt, %select_n3A, %lt3A_603 : i32
        %ne3A_605 = arith.xori %lt3A_602, %lt3A_604 : i1
        %and3A = arith.andi %ne3A_605, %ne3A_600 : i1
        %add3A_606 = arith.addi %rem3A, %select_n3A : i32
        %select_n3A_607 = arith.select %and3A, %add3A_606, %rem3A : i32
        %jit3A_608 = arith.constant 64 : i32
        %eq3A_609 = arith.constant 0 : i32
        %eq3A_610 = arith.cmpi eq, %jit3A_608, %eq3A_609 : i32
        %jit3A_611 = arith.constant 1 : i32
        %select_n3A_612 = arith.select %eq3A_610, %jit3A_611, %jit3A_608 : i32
        %rem3A_613 = arith.remsi %get3A_596, %select_n3A_612 : i32
        %ne3A_614 = arith.constant 0 : i32
        %ne3A_615 = arith.cmpi ne, %rem3A_613, %ne3A_614 : i32
        %lt3A_616 = arith.constant 0 : i32
        %lt3A_617 = arith.cmpi slt, %rem3A_613, %lt3A_616 : i32
        %lt3A_618 = arith.constant 0 : i32
        %lt3A_619 = arith.cmpi slt, %select_n3A_612, %lt3A_618 : i32
        %ne3A_620 = arith.xori %lt3A_617, %lt3A_619 : i1
        %and3A_621 = arith.andi %ne3A_620, %ne3A_615 : i1
        %add3A_622 = arith.addi %rem3A_613, %select_n3A_612 : i32
        %select_n3A_623 = arith.select %and3A_621, %add3A_622, %rem3A_613 : i32
        %dma_start3A = tpu.memref_slice %arg7[%select_n3A_623] : memref<64x!tpu.dma_semaphore, #tpu.memory_space<semaphore_mem>> -> memref<1x!tpu.dma_semaphore, #tpu.memory_space<semaphore_mem>>
        %dma_start3A_624 = tpu.memref_squeeze %dma_start3A : memref<1x!tpu.dma_semaphore, #tpu.memory_space<semaphore_mem>> -> memref<!tpu.dma_semaphore, #tpu.memory_space<semaphore_mem>>
        %dma_start3A_625 = arith.constant 0 : i32
        %dma_start3A_626 = arith.constant 0 : i32
        %dma_start3A_627 = arith.constant 0 : i32
        %dma_start3A_628 = tpu.memref_slice %arg6[%select_n3A_607, %dma_start3A_625, %dma_start3A_626, %dma_start3A_627] : memref<64x2x40x512xf32, #tpu.memory_space<vmem>> -> memref<1x2x40x512xf32, #tpu.memory_space<vmem>>
        %dma_start3A_629 = tpu.memref_squeeze %dma_start3A_628 : memref<1x2x40x512xf32, #tpu.memory_space<vmem>> -> memref<2x40x512xf32, #tpu.memory_space<vmem>>
        %dma_start3A_630 = arith.constant 0 : i32
        %dma_start3A_631 = arith.constant 0 : i32
        %dma_start3A_632 = arith.constant 0 : i32
        %dma_start3A_633 = tpu.memref_slice %arg2[%get3A_435, %dma_start3A_630, %dma_start3A_631, %dma_start3A_632] : memref<512x2x40x512xf32, #tpu.memory_space<hbm>> -> memref<1x2x40x512xf32, #tpu.memory_space<hbm>>
        %dma_start3A_634 = tpu.memref_squeeze %dma_start3A_633 : memref<1x2x40x512xf32, #tpu.memory_space<hbm>> -> memref<2x40x512xf32, #tpu.memory_space<hbm>>
        tpu.enqueue_dma source(%dma_start3A_634 : memref<2x40x512xf32, #tpu.memory_space<hbm>>) target(%dma_start3A_629 : memref<2x40x512xf32, #tpu.memory_space<vmem>>) target_semaphore(%dma_start3A_624 : memref<!tpu.dma_semaphore, #tpu.memory_space<semaphore_mem>>)
        %add3A_635 = arith.constant 1 : i32
        %add3A_636 = arith.addi %get3A_596, %add3A_635 : i32
        %swap3A_637 = arith.constant 0 : index
        %swap3A_638 = memref.load %arg5[%swap3A_637] : memref<2xi32, #tpu.memory_space<smem>>
        memref.store %add3A_636, %arg5[%swap3A_637] : memref<2xi32, #tpu.memory_space<smem>>
      } else {
      }
      %get3A_441 = arith.constant 10 : index
      %get3A_442 = memref.load %arg1[%get3A_441] : memref<1024xi32, #tpu.memory_space<smem>>
      %ge3A_443 = arith.constant 0 : i32
      %ge3A_444 = arith.cmpi sge, %get3A_442, %ge3A_443 : i32
      %convert_element_type3A_445 = arith.extui %ge3A_444 : i1 to i32
      %cond3A_446 = arith.constant 0 : i32
      %cond3A_447 = arith.cmpi ne, %convert_element_type3A_445, %cond3A_446 : i32
      scf.if %cond3A_447 {
        %get3A_595 = arith.constant 0 : index
        %get3A_596 = memref.load %arg5[%get3A_595] : memref<2xi32, #tpu.memory_space<smem>>
        %jit3A = arith.constant 64 : i32
        %eq3A_597 = arith.constant 0 : i32
        %eq3A_598 = arith.cmpi eq, %jit3A, %eq3A_597 : i32
        %jit3A_599 = arith.constant 1 : i32
        %select_n3A = arith.select %eq3A_598, %jit3A_599, %jit3A : i32
        %rem3A = arith.remsi %get3A_596, %select_n3A : i32
        %ne3A = arith.constant 0 : i32
        %ne3A_600 = arith.cmpi ne, %rem3A, %ne3A : i32
        %lt3A_601 = arith.constant 0 : i32
        %lt3A_602 = arith.cmpi slt, %rem3A, %lt3A_601 : i32
        %lt3A_603 = arith.constant 0 : i32
        %lt3A_604 = arith.cmpi slt, %select_n3A, %lt3A_603 : i32
        %ne3A_605 = arith.xori %lt3A_602, %lt3A_604 : i1
        %and3A = arith.andi %ne3A_605, %ne3A_600 : i1
        %add3A_606 = arith.addi %rem3A, %select_n3A : i32
        %select_n3A_607 = arith.select %and3A, %add3A_606, %rem3A : i32
        %jit3A_608 = arith.constant 64 : i32
        %eq3A_609 = arith.constant 0 : i32
        %eq3A_610 = arith.cmpi eq, %jit3A_608, %eq3A_609 : i32
        %jit3A_611 = arith.constant 1 : i32
        %select_n3A_612 = arith.select %eq3A_610, %jit3A_611, %jit3A_608 : i32
        %rem3A_613 = arith.remsi %get3A_596, %select_n3A_612 : i32
        %ne3A_614 = arith.constant 0 : i32
        %ne3A_615 = arith.cmpi ne, %rem3A_613, %ne3A_614 : i32
        %lt3A_616 = arith.constant 0 : i32
        %lt3A_617 = arith.cmpi slt, %rem3A_613, %lt3A_616 : i32
        %lt3A_618 = arith.constant 0 : i32
        %lt3A_619 = arith.cmpi slt, %select_n3A_612, %lt3A_618 : i32
        %ne3A_620 = arith.xori %lt3A_617, %lt3A_619 : i1
        %and3A_621 = arith.andi %ne3A_620, %ne3A_615 : i1
        %add3A_622 = arith.addi %rem3A_613, %select_n3A_612 : i32
        %select_n3A_623 = arith.select %and3A_621, %add3A_622, %rem3A_613 : i32
        %dma_start3A = tpu.memref_slice %arg7[%select_n3A_623] : memref<64x!tpu.dma_semaphore, #tpu.memory_space<semaphore_mem>> -> memref<1x!tpu.dma_semaphore, #tpu.memory_space<semaphore_mem>>
        %dma_start3A_624 = tpu.memref_squeeze %dma_start3A : memref<1x!tpu.dma_semaphore, #tpu.memory_space<semaphore_mem>> -> memref<!tpu.dma_semaphore, #tpu.memory_space<semaphore_mem>>
        %dma_start3A_625 = arith.constant 0 : i32
        %dma_start3A_626 = arith.constant 0 : i32
        %dma_start3A_627 = arith.constant 0 : i32
        %dma_start3A_628 = tpu.memref_slice %arg6[%select_n3A_607, %dma_start3A_625, %dma_start3A_626, %dma_start3A_627] : memref<64x2x40x512xf32, #tpu.memory_space<vmem>> -> memref<1x2x40x512xf32, #tpu.memory_space<vmem>>
        %dma_start3A_629 = tpu.memref_squeeze %dma_start3A_628 : memref<1x2x40x512xf32, #tpu.memory_space<vmem>> -> memref<2x40x512xf32, #tpu.memory_space<vmem>>
        %dma_start3A_630 = arith.constant 0 : i32
        %dma_start3A_631 = arith.constant 0 : i32
        %dma_start3A_632 = arith.constant 0 : i32
        %dma_start3A_633 = tpu.memref_slice %arg2[%get3A_442, %dma_start3A_630, %dma_start3A_631, %dma_start3A_632] : memref<512x2x40x512xf32, #tpu.memory_space<hbm>> -> memref<1x2x40x512xf32, #tpu.memory_space<hbm>>
        %dma_start3A_634 = tpu.memref_squeeze %dma_start3A_633 : memref<1x2x40x512xf32, #tpu.memory_space<hbm>> -> memref<2x40x512xf32, #tpu.memory_space<hbm>>
        tpu.enqueue_dma source(%dma_start3A_634 : memref<2x40x512xf32, #tpu.memory_space<hbm>>) target(%dma_start3A_629 : memref<2x40x512xf32, #tpu.memory_space<vmem>>) target_semaphore(%dma_start3A_624 : memref<!tpu.dma_semaphore, #tpu.memory_space<semaphore_mem>>)
        %add3A_635 = arith.constant 1 : i32
        %add3A_636 = arith.addi %get3A_596, %add3A_635 : i32
        %swap3A_637 = arith.constant 0 : index
        %swap3A_638 = memref.load %arg5[%swap3A_637] : memref<2xi32, #tpu.memory_space<smem>>
        memref.store %add3A_636, %arg5[%swap3A_637] : memref<2xi32, #tpu.memory_space<smem>>
      } else {
      }
      %get3A_448 = arith.constant 11 : index
      %get3A_449 = memref.load %arg1[%get3A_448] : memref<1024xi32, #tpu.memory_space<smem>>
      %ge3A_450 = arith.constant 0 : i32
      %ge3A_451 = arith.cmpi sge, %get3A_449, %ge3A_450 : i32
      %convert_element_type3A_452 = arith.extui %ge3A_451 : i1 to i32
      %cond3A_453 = arith.constant 0 : i32
      %cond3A_454 = arith.cmpi ne, %convert_element_type3A_452, %cond3A_453 : i32
      scf.if %cond3A_454 {
        %get3A_595 = arith.constant 0 : index
        %get3A_596 = memref.load %arg5[%get3A_595] : memref<2xi32, #tpu.memory_space<smem>>
        %jit3A = arith.constant 64 : i32
        %eq3A_597 = arith.constant 0 : i32
        %eq3A_598 = arith.cmpi eq, %jit3A, %eq3A_597 : i32
        %jit3A_599 = arith.constant 1 : i32
        %select_n3A = arith.select %eq3A_598, %jit3A_599, %jit3A : i32
        %rem3A = arith.remsi %get3A_596, %select_n3A : i32
        %ne3A = arith.constant 0 : i32
        %ne3A_600 = arith.cmpi ne, %rem3A, %ne3A : i32
        %lt3A_601 = arith.constant 0 : i32
        %lt3A_602 = arith.cmpi slt, %rem3A, %lt3A_601 : i32
        %lt3A_603 = arith.constant 0 : i32
        %lt3A_604 = arith.cmpi slt, %select_n3A, %lt3A_603 : i32
        %ne3A_605 = arith.xori %lt3A_602, %lt3A_604 : i1
        %and3A = arith.andi %ne3A_605, %ne3A_600 : i1
        %add3A_606 = arith.addi %rem3A, %select_n3A : i32
        %select_n3A_607 = arith.select %and3A, %add3A_606, %rem3A : i32
        %jit3A_608 = arith.constant 64 : i32
        %eq3A_609 = arith.constant 0 : i32
        %eq3A_610 = arith.cmpi eq, %jit3A_608, %eq3A_609 : i32
        %jit3A_611 = arith.constant 1 : i32
        %select_n3A_612 = arith.select %eq3A_610, %jit3A_611, %jit3A_608 : i32
        %rem3A_613 = arith.remsi %get3A_596, %select_n3A_612 : i32
        %ne3A_614 = arith.constant 0 : i32
        %ne3A_615 = arith.cmpi ne, %rem3A_613, %ne3A_614 : i32
        %lt3A_616 = arith.constant 0 : i32
        %lt3A_617 = arith.cmpi slt, %rem3A_613, %lt3A_616 : i32
        %lt3A_618 = arith.constant 0 : i32
        %lt3A_619 = arith.cmpi slt, %select_n3A_612, %lt3A_618 : i32
        %ne3A_620 = arith.xori %lt3A_617, %lt3A_619 : i1
        %and3A_621 = arith.andi %ne3A_620, %ne3A_615 : i1
        %add3A_622 = arith.addi %rem3A_613, %select_n3A_612 : i32
        %select_n3A_623 = arith.select %and3A_621, %add3A_622, %rem3A_613 : i32
        %dma_start3A = tpu.memref_slice %arg7[%select_n3A_623] : memref<64x!tpu.dma_semaphore, #tpu.memory_space<semaphore_mem>> -> memref<1x!tpu.dma_semaphore, #tpu.memory_space<semaphore_mem>>
        %dma_start3A_624 = tpu.memref_squeeze %dma_start3A : memref<1x!tpu.dma_semaphore, #tpu.memory_space<semaphore_mem>> -> memref<!tpu.dma_semaphore, #tpu.memory_space<semaphore_mem>>
        %dma_start3A_625 = arith.constant 0 : i32
        %dma_start3A_626 = arith.constant 0 : i32
        %dma_start3A_627 = arith.constant 0 : i32
        %dma_start3A_628 = tpu.memref_slice %arg6[%select_n3A_607, %dma_start3A_625, %dma_start3A_626, %dma_start3A_627] : memref<64x2x40x512xf32, #tpu.memory_space<vmem>> -> memref<1x2x40x512xf32, #tpu.memory_space<vmem>>
        %dma_start3A_629 = tpu.memref_squeeze %dma_start3A_628 : memref<1x2x40x512xf32, #tpu.memory_space<vmem>> -> memref<2x40x512xf32, #tpu.memory_space<vmem>>
        %dma_start3A_630 = arith.constant 0 : i32
        %dma_start3A_631 = arith.constant 0 : i32
        %dma_start3A_632 = arith.constant 0 : i32
        %dma_start3A_633 = tpu.memref_slice %arg2[%get3A_449, %dma_start3A_630, %dma_start3A_631, %dma_start3A_632] : memref<512x2x40x512xf32, #tpu.memory_space<hbm>> -> memref<1x2x40x512xf32, #tpu.memory_space<hbm>>
        %dma_start3A_634 = tpu.memref_squeeze %dma_start3A_633 : memref<1x2x40x512xf32, #tpu.memory_space<hbm>> -> memref<2x40x512xf32, #tpu.memory_space<hbm>>
        tpu.enqueue_dma source(%dma_start3A_634 : memref<2x40x512xf32, #tpu.memory_space<hbm>>) target(%dma_start3A_629 : memref<2x40x512xf32, #tpu.memory_space<vmem>>) target_semaphore(%dma_start3A_624 : memref<!tpu.dma_semaphore, #tpu.memory_space<semaphore_mem>>)
        %add3A_635 = arith.constant 1 : i32
        %add3A_636 = arith.addi %get3A_596, %add3A_635 : i32
        %swap3A_637 = arith.constant 0 : index
        %swap3A_638 = memref.load %arg5[%swap3A_637] : memref<2xi32, #tpu.memory_space<smem>>
        memref.store %add3A_636, %arg5[%swap3A_637] : memref<2xi32, #tpu.memory_space<smem>>
      } else {
      }
      %get3A_455 = arith.constant 12 : index
      %get3A_456 = memref.load %arg1[%get3A_455] : memref<1024xi32, #tpu.memory_space<smem>>
      %ge3A_457 = arith.constant 0 : i32
      %ge3A_458 = arith.cmpi sge, %get3A_456, %ge3A_457 : i32
      %convert_element_type3A_459 = arith.extui %ge3A_458 : i1 to i32
      %cond3A_460 = arith.constant 0 : i32
      %cond3A_461 = arith.cmpi ne, %convert_element_type3A_459, %cond3A_460 : i32
      scf.if %cond3A_461 {
        %get3A_595 = arith.constant 0 : index
        %get3A_596 = memref.load %arg5[%get3A_595] : memref<2xi32, #tpu.memory_space<smem>>
        %jit3A = arith.constant 64 : i32
        %eq3A_597 = arith.constant 0 : i32
        %eq3A_598 = arith.cmpi eq, %jit3A, %eq3A_597 : i32
        %jit3A_599 = arith.constant 1 : i32
        %select_n3A = arith.select %eq3A_598, %jit3A_599, %jit3A : i32
        %rem3A = arith.remsi %get3A_596, %select_n3A : i32
        %ne3A = arith.constant 0 : i32
        %ne3A_600 = arith.cmpi ne, %rem3A, %ne3A : i32
        %lt3A_601 = arith.constant 0 : i32
        %lt3A_602 = arith.cmpi slt, %rem3A, %lt3A_601 : i32
        %lt3A_603 = arith.constant 0 : i32
        %lt3A_604 = arith.cmpi slt, %select_n3A, %lt3A_603 : i32
        %ne3A_605 = arith.xori %lt3A_602, %lt3A_604 : i1
        %and3A = arith.andi %ne3A_605, %ne3A_600 : i1
        %add3A_606 = arith.addi %rem3A, %select_n3A : i32
        %select_n3A_607 = arith.select %and3A, %add3A_606, %rem3A : i32
        %jit3A_608 = arith.constant 64 : i32
        %eq3A_609 = arith.constant 0 : i32
        %eq3A_610 = arith.cmpi eq, %jit3A_608, %eq3A_609 : i32
        %jit3A_611 = arith.constant 1 : i32
        %select_n3A_612 = arith.select %eq3A_610, %jit3A_611, %jit3A_608 : i32
        %rem3A_613 = arith.remsi %get3A_596, %select_n3A_612 : i32
        %ne3A_614 = arith.constant 0 : i32
        %ne3A_615 = arith.cmpi ne, %rem3A_613, %ne3A_614 : i32
        %lt3A_616 = arith.constant 0 : i32
        %lt3A_617 = arith.cmpi slt, %rem3A_613, %lt3A_616 : i32
        %lt3A_618 = arith.constant 0 : i32
        %lt3A_619 = arith.cmpi slt, %select_n3A_612, %lt3A_618 : i32
        %ne3A_620 = arith.xori %lt3A_617, %lt3A_619 : i1
        %and3A_621 = arith.andi %ne3A_620, %ne3A_615 : i1
        %add3A_622 = arith.addi %rem3A_613, %select_n3A_612 : i32
        %select_n3A_623 = arith.select %and3A_621, %add3A_622, %rem3A_613 : i32
        %dma_start3A = tpu.memref_slice %arg7[%select_n3A_623] : memref<64x!tpu.dma_semaphore, #tpu.memory_space<semaphore_mem>> -> memref<1x!tpu.dma_semaphore, #tpu.memory_space<semaphore_mem>>
        %dma_start3A_624 = tpu.memref_squeeze %dma_start3A : memref<1x!tpu.dma_semaphore, #tpu.memory_space<semaphore_mem>> -> memref<!tpu.dma_semaphore, #tpu.memory_space<semaphore_mem>>
        %dma_start3A_625 = arith.constant 0 : i32
        %dma_start3A_626 = arith.constant 0 : i32
        %dma_start3A_627 = arith.constant 0 : i32
        %dma_start3A_628 = tpu.memref_slice %arg6[%select_n3A_607, %dma_start3A_625, %dma_start3A_626, %dma_start3A_627] : memref<64x2x40x512xf32, #tpu.memory_space<vmem>> -> memref<1x2x40x512xf32, #tpu.memory_space<vmem>>
        %dma_start3A_629 = tpu.memref_squeeze %dma_start3A_628 : memref<1x2x40x512xf32, #tpu.memory_space<vmem>> -> memref<2x40x512xf32, #tpu.memory_space<vmem>>
        %dma_start3A_630 = arith.constant 0 : i32
        %dma_start3A_631 = arith.constant 0 : i32
        %dma_start3A_632 = arith.constant 0 : i32
        %dma_start3A_633 = tpu.memref_slice %arg2[%get3A_456, %dma_start3A_630, %dma_start3A_631, %dma_start3A_632] : memref<512x2x40x512xf32, #tpu.memory_space<hbm>> -> memref<1x2x40x512xf32, #tpu.memory_space<hbm>>
        %dma_start3A_634 = tpu.memref_squeeze %dma_start3A_633 : memref<1x2x40x512xf32, #tpu.memory_space<hbm>> -> memref<2x40x512xf32, #tpu.memory_space<hbm>>
        tpu.enqueue_dma source(%dma_start3A_634 : memref<2x40x512xf32, #tpu.memory_space<hbm>>) target(%dma_start3A_629 : memref<2x40x512xf32, #tpu.memory_space<vmem>>) target_semaphore(%dma_start3A_624 : memref<!tpu.dma_semaphore, #tpu.memory_space<semaphore_mem>>)
        %add3A_635 = arith.constant 1 : i32
        %add3A_636 = arith.addi %get3A_596, %add3A_635 : i32
        %swap3A_637 = arith.constant 0 : index
        %swap3A_638 = memref.load %arg5[%swap3A_637] : memref<2xi32, #tpu.memory_space<smem>>
        memref.store %add3A_636, %arg5[%swap3A_637] : memref<2xi32, #tpu.memory_space<smem>>
      } else {
      }
      %get3A_462 = arith.constant 13 : index
      %get3A_463 = memref.load %arg1[%get3A_462] : memref<1024xi32, #tpu.memory_space<smem>>
      %ge3A_464 = arith.constant 0 : i32
      %ge3A_465 = arith.cmpi sge, %get3A_463, %ge3A_464 : i32
      %convert_element_type3A_466 = arith.extui %ge3A_465 : i1 to i32
      %cond3A_467 = arith.constant 0 : i32
      %cond3A_468 = arith.cmpi ne, %convert_element_type3A_466, %cond3A_467 : i32
      scf.if %cond3A_468 {
        %get3A_595 = arith.constant 0 : index
        %get3A_596 = memref.load %arg5[%get3A_595] : memref<2xi32, #tpu.memory_space<smem>>
        %jit3A = arith.constant 64 : i32
        %eq3A_597 = arith.constant 0 : i32
        %eq3A_598 = arith.cmpi eq, %jit3A, %eq3A_597 : i32
        %jit3A_599 = arith.constant 1 : i32
        %select_n3A = arith.select %eq3A_598, %jit3A_599, %jit3A : i32
        %rem3A = arith.remsi %get3A_596, %select_n3A : i32
        %ne3A = arith.constant 0 : i32
        %ne3A_600 = arith.cmpi ne, %rem3A, %ne3A : i32
        %lt3A_601 = arith.constant 0 : i32
        %lt3A_602 = arith.cmpi slt, %rem3A, %lt3A_601 : i32
        %lt3A_603 = arith.constant 0 : i32
        %lt3A_604 = arith.cmpi slt, %select_n3A, %lt3A_603 : i32
        %ne3A_605 = arith.xori %lt3A_602, %lt3A_604 : i1
        %and3A = arith.andi %ne3A_605, %ne3A_600 : i1
        %add3A_606 = arith.addi %rem3A, %select_n3A : i32
        %select_n3A_607 = arith.select %and3A, %add3A_606, %rem3A : i32
        %jit3A_608 = arith.constant 64 : i32
        %eq3A_609 = arith.constant 0 : i32
        %eq3A_610 = arith.cmpi eq, %jit3A_608, %eq3A_609 : i32
        %jit3A_611 = arith.constant 1 : i32
        %select_n3A_612 = arith.select %eq3A_610, %jit3A_611, %jit3A_608 : i32
        %rem3A_613 = arith.remsi %get3A_596, %select_n3A_612 : i32
        %ne3A_614 = arith.constant 0 : i32
        %ne3A_615 = arith.cmpi ne, %rem3A_613, %ne3A_614 : i32
        %lt3A_616 = arith.constant 0 : i32
        %lt3A_617 = arith.cmpi slt, %rem3A_613, %lt3A_616 : i32
        %lt3A_618 = arith.constant 0 : i32
        %lt3A_619 = arith.cmpi slt, %select_n3A_612, %lt3A_618 : i32
        %ne3A_620 = arith.xori %lt3A_617, %lt3A_619 : i1
        %and3A_621 = arith.andi %ne3A_620, %ne3A_615 : i1
        %add3A_622 = arith.addi %rem3A_613, %select_n3A_612 : i32
        %select_n3A_623 = arith.select %and3A_621, %add3A_622, %rem3A_613 : i32
        %dma_start3A = tpu.memref_slice %arg7[%select_n3A_623] : memref<64x!tpu.dma_semaphore, #tpu.memory_space<semaphore_mem>> -> memref<1x!tpu.dma_semaphore, #tpu.memory_space<semaphore_mem>>
        %dma_start3A_624 = tpu.memref_squeeze %dma_start3A : memref<1x!tpu.dma_semaphore, #tpu.memory_space<semaphore_mem>> -> memref<!tpu.dma_semaphore, #tpu.memory_space<semaphore_mem>>
        %dma_start3A_625 = arith.constant 0 : i32
        %dma_start3A_626 = arith.constant 0 : i32
        %dma_start3A_627 = arith.constant 0 : i32
        %dma_start3A_628 = tpu.memref_slice %arg6[%select_n3A_607, %dma_start3A_625, %dma_start3A_626, %dma_start3A_627] : memref<64x2x40x512xf32, #tpu.memory_space<vmem>> -> memref<1x2x40x512xf32, #tpu.memory_space<vmem>>
        %dma_start3A_629 = tpu.memref_squeeze %dma_start3A_628 : memref<1x2x40x512xf32, #tpu.memory_space<vmem>> -> memref<2x40x512xf32, #tpu.memory_space<vmem>>
        %dma_start3A_630 = arith.constant 0 : i32
        %dma_start3A_631 = arith.constant 0 : i32
        %dma_start3A_632 = arith.constant 0 : i32
        %dma_start3A_633 = tpu.memref_slice %arg2[%get3A_463, %dma_start3A_630, %dma_start3A_631, %dma_start3A_632] : memref<512x2x40x512xf32, #tpu.memory_space<hbm>> -> memref<1x2x40x512xf32, #tpu.memory_space<hbm>>
        %dma_start3A_634 = tpu.memref_squeeze %dma_start3A_633 : memref<1x2x40x512xf32, #tpu.memory_space<hbm>> -> memref<2x40x512xf32, #tpu.memory_space<hbm>>
        tpu.enqueue_dma source(%dma_start3A_634 : memref<2x40x512xf32, #tpu.memory_space<hbm>>) target(%dma_start3A_629 : memref<2x40x512xf32, #tpu.memory_space<vmem>>) target_semaphore(%dma_start3A_624 : memref<!tpu.dma_semaphore, #tpu.memory_space<semaphore_mem>>)
        %add3A_635 = arith.constant 1 : i32
        %add3A_636 = arith.addi %get3A_596, %add3A_635 : i32
        %swap3A_637 = arith.constant 0 : index
        %swap3A_638 = memref.load %arg5[%swap3A_637] : memref<2xi32, #tpu.memory_space<smem>>
        memref.store %add3A_636, %arg5[%swap3A_637] : memref<2xi32, #tpu.memory_space<smem>>
      } else {
      }
      %get3A_469 = arith.constant 14 : index
      %get3A_470 = memref.load %arg1[%get3A_469] : memref<1024xi32, #tpu.memory_space<smem>>
      %ge3A_471 = arith.constant 0 : i32
      %ge3A_472 = arith.cmpi sge, %get3A_470, %ge3A_471 : i32
      %convert_element_type3A_473 = arith.extui %ge3A_472 : i1 to i32
      %cond3A_474 = arith.constant 0 : i32
      %cond3A_475 = arith.cmpi ne, %convert_element_type3A_473, %cond3A_474 : i32
      scf.if %cond3A_475 {
        %get3A_595 = arith.constant 0 : index
        %get3A_596 = memref.load %arg5[%get3A_595] : memref<2xi32, #tpu.memory_space<smem>>
        %jit3A = arith.constant 64 : i32
        %eq3A_597 = arith.constant 0 : i32
        %eq3A_598 = arith.cmpi eq, %jit3A, %eq3A_597 : i32
        %jit3A_599 = arith.constant 1 : i32
        %select_n3A = arith.select %eq3A_598, %jit3A_599, %jit3A : i32
        %rem3A = arith.remsi %get3A_596, %select_n3A : i32
        %ne3A = arith.constant 0 : i32
        %ne3A_600 = arith.cmpi ne, %rem3A, %ne3A : i32
        %lt3A_601 = arith.constant 0 : i32
        %lt3A_602 = arith.cmpi slt, %rem3A, %lt3A_601 : i32
        %lt3A_603 = arith.constant 0 : i32
        %lt3A_604 = arith.cmpi slt, %select_n3A, %lt3A_603 : i32
        %ne3A_605 = arith.xori %lt3A_602, %lt3A_604 : i1
        %and3A = arith.andi %ne3A_605, %ne3A_600 : i1
        %add3A_606 = arith.addi %rem3A, %select_n3A : i32
        %select_n3A_607 = arith.select %and3A, %add3A_606, %rem3A : i32
        %jit3A_608 = arith.constant 64 : i32
        %eq3A_609 = arith.constant 0 : i32
        %eq3A_610 = arith.cmpi eq, %jit3A_608, %eq3A_609 : i32
        %jit3A_611 = arith.constant 1 : i32
        %select_n3A_612 = arith.select %eq3A_610, %jit3A_611, %jit3A_608 : i32
        %rem3A_613 = arith.remsi %get3A_596, %select_n3A_612 : i32
        %ne3A_614 = arith.constant 0 : i32
        %ne3A_615 = arith.cmpi ne, %rem3A_613, %ne3A_614 : i32
        %lt3A_616 = arith.constant 0 : i32
        %lt3A_617 = arith.cmpi slt, %rem3A_613, %lt3A_616 : i32
        %lt3A_618 = arith.constant 0 : i32
        %lt3A_619 = arith.cmpi slt, %select_n3A_612, %lt3A_618 : i32
        %ne3A_620 = arith.xori %lt3A_617, %lt3A_619 : i1
        %and3A_621 = arith.andi %ne3A_620, %ne3A_615 : i1
        %add3A_622 = arith.addi %rem3A_613, %select_n3A_612 : i32
        %select_n3A_623 = arith.select %and3A_621, %add3A_622, %rem3A_613 : i32
        %dma_start3A = tpu.memref_slice %arg7[%select_n3A_623] : memref<64x!tpu.dma_semaphore, #tpu.memory_space<semaphore_mem>> -> memref<1x!tpu.dma_semaphore, #tpu.memory_space<semaphore_mem>>
        %dma_start3A_624 = tpu.memref_squeeze %dma_start3A : memref<1x!tpu.dma_semaphore, #tpu.memory_space<semaphore_mem>> -> memref<!tpu.dma_semaphore, #tpu.memory_space<semaphore_mem>>
        %dma_start3A_625 = arith.constant 0 : i32
        %dma_start3A_626 = arith.constant 0 : i32
        %dma_start3A_627 = arith.constant 0 : i32
        %dma_start3A_628 = tpu.memref_slice %arg6[%select_n3A_607, %dma_start3A_625, %dma_start3A_626, %dma_start3A_627] : memref<64x2x40x512xf32, #tpu.memory_space<vmem>> -> memref<1x2x40x512xf32, #tpu.memory_space<vmem>>
        %dma_start3A_629 = tpu.memref_squeeze %dma_start3A_628 : memref<1x2x40x512xf32, #tpu.memory_space<vmem>> -> memref<2x40x512xf32, #tpu.memory_space<vmem>>
        %dma_start3A_630 = arith.constant 0 : i32
        %dma_start3A_631 = arith.constant 0 : i32
        %dma_start3A_632 = arith.constant 0 : i32
        %dma_start3A_633 = tpu.memref_slice %arg2[%get3A_470, %dma_start3A_630, %dma_start3A_631, %dma_start3A_632] : memref<512x2x40x512xf32, #tpu.memory_space<hbm>> -> memref<1x2x40x512xf32, #tpu.memory_space<hbm>>
        %dma_start3A_634 = tpu.memref_squeeze %dma_start3A_633 : memref<1x2x40x512xf32, #tpu.memory_space<hbm>> -> memref<2x40x512xf32, #tpu.memory_space<hbm>>
        tpu.enqueue_dma source(%dma_start3A_634 : memref<2x40x512xf32, #tpu.memory_space<hbm>>) target(%dma_start3A_629 : memref<2x40x512xf32, #tpu.memory_space<vmem>>) target_semaphore(%dma_start3A_624 : memref<!tpu.dma_semaphore, #tpu.memory_space<semaphore_mem>>)
        %add3A_635 = arith.constant 1 : i32
        %add3A_636 = arith.addi %get3A_596, %add3A_635 : i32
        %swap3A_637 = arith.constant 0 : index
        %swap3A_638 = memref.load %arg5[%swap3A_637] : memref<2xi32, #tpu.memory_space<smem>>
        memref.store %add3A_636, %arg5[%swap3A_637] : memref<2xi32, #tpu.memory_space<smem>>
      } else {
      }
      %get3A_476 = arith.constant 15 : index
      %get3A_477 = memref.load %arg1[%get3A_476] : memref<1024xi32, #tpu.memory_space<smem>>
      %ge3A_478 = arith.constant 0 : i32
      %ge3A_479 = arith.cmpi sge, %get3A_477, %ge3A_478 : i32
      %convert_element_type3A_480 = arith.extui %ge3A_479 : i1 to i32
      %cond3A_481 = arith.constant 0 : i32
      %cond3A_482 = arith.cmpi ne, %convert_element_type3A_480, %cond3A_481 : i32
      scf.if %cond3A_482 {
        %get3A_595 = arith.constant 0 : index
        %get3A_596 = memref.load %arg5[%get3A_595] : memref<2xi32, #tpu.memory_space<smem>>
        %jit3A = arith.constant 64 : i32
        %eq3A_597 = arith.constant 0 : i32
        %eq3A_598 = arith.cmpi eq, %jit3A, %eq3A_597 : i32
        %jit3A_599 = arith.constant 1 : i32
        %select_n3A = arith.select %eq3A_598, %jit3A_599, %jit3A : i32
        %rem3A = arith.remsi %get3A_596, %select_n3A : i32
        %ne3A = arith.constant 0 : i32
        %ne3A_600 = arith.cmpi ne, %rem3A, %ne3A : i32
        %lt3A_601 = arith.constant 0 : i32
        %lt3A_602 = arith.cmpi slt, %rem3A, %lt3A_601 : i32
        %lt3A_603 = arith.constant 0 : i32
        %lt3A_604 = arith.cmpi slt, %select_n3A, %lt3A_603 : i32
        %ne3A_605 = arith.xori %lt3A_602, %lt3A_604 : i1
        %and3A = arith.andi %ne3A_605, %ne3A_600 : i1
        %add3A_606 = arith.addi %rem3A, %select_n3A : i32
        %select_n3A_607 = arith.select %and3A, %add3A_606, %rem3A : i32
        %jit3A_608 = arith.constant 64 : i32
        %eq3A_609 = arith.constant 0 : i32
        %eq3A_610 = arith.cmpi eq, %jit3A_608, %eq3A_609 : i32
        %jit3A_611 = arith.constant 1 : i32
        %select_n3A_612 = arith.select %eq3A_610, %jit3A_611, %jit3A_608 : i32
        %rem3A_613 = arith.remsi %get3A_596, %select_n3A_612 : i32
        %ne3A_614 = arith.constant 0 : i32
        %ne3A_615 = arith.cmpi ne, %rem3A_613, %ne3A_614 : i32
        %lt3A_616 = arith.constant 0 : i32
        %lt3A_617 = arith.cmpi slt, %rem3A_613, %lt3A_616 : i32
        %lt3A_618 = arith.constant 0 : i32
        %lt3A_619 = arith.cmpi slt, %select_n3A_612, %lt3A_618 : i32
        %ne3A_620 = arith.xori %lt3A_617, %lt3A_619 : i1
        %and3A_621 = arith.andi %ne3A_620, %ne3A_615 : i1
        %add3A_622 = arith.addi %rem3A_613, %select_n3A_612 : i32
        %select_n3A_623 = arith.select %and3A_621, %add3A_622, %rem3A_613 : i32
        %dma_start3A = tpu.memref_slice %arg7[%select_n3A_623] : memref<64x!tpu.dma_semaphore, #tpu.memory_space<semaphore_mem>> -> memref<1x!tpu.dma_semaphore, #tpu.memory_space<semaphore_mem>>
        %dma_start3A_624 = tpu.memref_squeeze %dma_start3A : memref<1x!tpu.dma_semaphore, #tpu.memory_space<semaphore_mem>> -> memref<!tpu.dma_semaphore, #tpu.memory_space<semaphore_mem>>
        %dma_start3A_625 = arith.constant 0 : i32
        %dma_start3A_626 = arith.constant 0 : i32
        %dma_start3A_627 = arith.constant 0 : i32
        %dma_start3A_628 = tpu.memref_slice %arg6[%select_n3A_607, %dma_start3A_625, %dma_start3A_626, %dma_start3A_627] : memref<64x2x40x512xf32, #tpu.memory_space<vmem>> -> memref<1x2x40x512xf32, #tpu.memory_space<vmem>>
        %dma_start3A_629 = tpu.memref_squeeze %dma_start3A_628 : memref<1x2x40x512xf32, #tpu.memory_space<vmem>> -> memref<2x40x512xf32, #tpu.memory_space<vmem>>
        %dma_start3A_630 = arith.constant 0 : i32
        %dma_start3A_631 = arith.constant 0 : i32
        %dma_start3A_632 = arith.constant 0 : i32
        %dma_start3A_633 = tpu.memref_slice %arg2[%get3A_477, %dma_start3A_630, %dma_start3A_631, %dma_start3A_632] : memref<512x2x40x512xf32, #tpu.memory_space<hbm>> -> memref<1x2x40x512xf32, #tpu.memory_space<hbm>>
        %dma_start3A_634 = tpu.memref_squeeze %dma_start3A_633 : memref<1x2x40x512xf32, #tpu.memory_space<hbm>> -> memref<2x40x512xf32, #tpu.memory_space<hbm>>
        tpu.enqueue_dma source(%dma_start3A_634 : memref<2x40x512xf32, #tpu.memory_space<hbm>>) target(%dma_start3A_629 : memref<2x40x512xf32, #tpu.memory_space<vmem>>) target_semaphore(%dma_start3A_624 : memref<!tpu.dma_semaphore, #tpu.memory_space<semaphore_mem>>)
        %add3A_635 = arith.constant 1 : i32
        %add3A_636 = arith.addi %get3A_596, %add3A_635 : i32
        %swap3A_637 = arith.constant 0 : index
        %swap3A_638 = memref.load %arg5[%swap3A_637] : memref<2xi32, #tpu.memory_space<smem>>
        memref.store %add3A_636, %arg5[%swap3A_637] : memref<2xi32, #tpu.memory_space<smem>>
      } else {
      }
      %get3A_483 = arith.constant 16 : index
      %get3A_484 = memref.load %arg1[%get3A_483] : memref<1024xi32, #tpu.memory_space<smem>>
      %ge3A_485 = arith.constant 0 : i32
      %ge3A_486 = arith.cmpi sge, %get3A_484, %ge3A_485 : i32
      %convert_element_type3A_487 = arith.extui %ge3A_486 : i1 to i32
      %cond3A_488 = arith.constant 0 : i32
      %cond3A_489 = arith.cmpi ne, %convert_element_type3A_487, %cond3A_488 : i32
      scf.if %cond3A_489 {
        %get3A_595 = arith.constant 0 : index
        %get3A_596 = memref.load %arg5[%get3A_595] : memref<2xi32, #tpu.memory_space<smem>>
        %jit3A = arith.constant 64 : i32
        %eq3A_597 = arith.constant 0 : i32
        %eq3A_598 = arith.cmpi eq, %jit3A, %eq3A_597 : i32
        %jit3A_599 = arith.constant 1 : i32
        %select_n3A = arith.select %eq3A_598, %jit3A_599, %jit3A : i32
        %rem3A = arith.remsi %get3A_596, %select_n3A : i32
        %ne3A = arith.constant 0 : i32
        %ne3A_600 = arith.cmpi ne, %rem3A, %ne3A : i32
        %lt3A_601 = arith.constant 0 : i32
        %lt3A_602 = arith.cmpi slt, %rem3A, %lt3A_601 : i32
        %lt3A_603 = arith.constant 0 : i32
        %lt3A_604 = arith.cmpi slt, %select_n3A, %lt3A_603 : i32
        %ne3A_605 = arith.xori %lt3A_602, %lt3A_604 : i1
        %and3A = arith.andi %ne3A_605, %ne3A_600 : i1
        %add3A_606 = arith.addi %rem3A, %select_n3A : i32
        %select_n3A_607 = arith.select %and3A, %add3A_606, %rem3A : i32
        %jit3A_608 = arith.constant 64 : i32
        %eq3A_609 = arith.constant 0 : i32
        %eq3A_610 = arith.cmpi eq, %jit3A_608, %eq3A_609 : i32
        %jit3A_611 = arith.constant 1 : i32
        %select_n3A_612 = arith.select %eq3A_610, %jit3A_611, %jit3A_608 : i32
        %rem3A_613 = arith.remsi %get3A_596, %select_n3A_612 : i32
        %ne3A_614 = arith.constant 0 : i32
        %ne3A_615 = arith.cmpi ne, %rem3A_613, %ne3A_614 : i32
        %lt3A_616 = arith.constant 0 : i32
        %lt3A_617 = arith.cmpi slt, %rem3A_613, %lt3A_616 : i32
        %lt3A_618 = arith.constant 0 : i32
        %lt3A_619 = arith.cmpi slt, %select_n3A_612, %lt3A_618 : i32
        %ne3A_620 = arith.xori %lt3A_617, %lt3A_619 : i1
        %and3A_621 = arith.andi %ne3A_620, %ne3A_615 : i1
        %add3A_622 = arith.addi %rem3A_613, %select_n3A_612 : i32
        %select_n3A_623 = arith.select %and3A_621, %add3A_622, %rem3A_613 : i32
        %dma_start3A = tpu.memref_slice %arg7[%select_n3A_623] : memref<64x!tpu.dma_semaphore, #tpu.memory_space<semaphore_mem>> -> memref<1x!tpu.dma_semaphore, #tpu.memory_space<semaphore_mem>>
        %dma_start3A_624 = tpu.memref_squeeze %dma_start3A : memref<1x!tpu.dma_semaphore, #tpu.memory_space<semaphore_mem>> -> memref<!tpu.dma_semaphore, #tpu.memory_space<semaphore_mem>>
        %dma_start3A_625 = arith.constant 0 : i32
        %dma_start3A_626 = arith.constant 0 : i32
        %dma_start3A_627 = arith.constant 0 : i32
        %dma_start3A_628 = tpu.memref_slice %arg6[%select_n3A_607, %dma_start3A_625, %dma_start3A_626, %dma_start3A_627] : memref<64x2x40x512xf32, #tpu.memory_space<vmem>> -> memref<1x2x40x512xf32, #tpu.memory_space<vmem>>
        %dma_start3A_629 = tpu.memref_squeeze %dma_start3A_628 : memref<1x2x40x512xf32, #tpu.memory_space<vmem>> -> memref<2x40x512xf32, #tpu.memory_space<vmem>>
        %dma_start3A_630 = arith.constant 0 : i32
        %dma_start3A_631 = arith.constant 0 : i32
        %dma_start3A_632 = arith.constant 0 : i32
        %dma_start3A_633 = tpu.memref_slice %arg2[%get3A_484, %dma_start3A_630, %dma_start3A_631, %dma_start3A_632] : memref<512x2x40x512xf32, #tpu.memory_space<hbm>> -> memref<1x2x40x512xf32, #tpu.memory_space<hbm>>
        %dma_start3A_634 = tpu.memref_squeeze %dma_start3A_633 : memref<1x2x40x512xf32, #tpu.memory_space<hbm>> -> memref<2x40x512xf32, #tpu.memory_space<hbm>>
        tpu.enqueue_dma source(%dma_start3A_634 : memref<2x40x512xf32, #tpu.memory_space<hbm>>) target(%dma_start3A_629 : memref<2x40x512xf32, #tpu.memory_space<vmem>>) target_semaphore(%dma_start3A_624 : memref<!tpu.dma_semaphore, #tpu.memory_space<semaphore_mem>>)
        %add3A_635 = arith.constant 1 : i32
        %add3A_636 = arith.addi %get3A_596, %add3A_635 : i32
        %swap3A_637 = arith.constant 0 : index
        %swap3A_638 = memref.load %arg5[%swap3A_637] : memref<2xi32, #tpu.memory_space<smem>>
        memref.store %add3A_636, %arg5[%swap3A_637] : memref<2xi32, #tpu.memory_space<smem>>
      } else {
      }
      %get3A_490 = arith.constant 17 : index
      %get3A_491 = memref.load %arg1[%get3A_490] : memref<1024xi32, #tpu.memory_space<smem>>
      %ge3A_492 = arith.constant 0 : i32
      %ge3A_493 = arith.cmpi sge, %get3A_491, %ge3A_492 : i32
      %convert_element_type3A_494 = arith.extui %ge3A_493 : i1 to i32
      %cond3A_495 = arith.constant 0 : i32
      %cond3A_496 = arith.cmpi ne, %convert_element_type3A_494, %cond3A_495 : i32
      scf.if %cond3A_496 {
        %get3A_595 = arith.constant 0 : index
        %get3A_596 = memref.load %arg5[%get3A_595] : memref<2xi32, #tpu.memory_space<smem>>
        %jit3A = arith.constant 64 : i32
        %eq3A_597 = arith.constant 0 : i32
        %eq3A_598 = arith.cmpi eq, %jit3A, %eq3A_597 : i32
        %jit3A_599 = arith.constant 1 : i32
        %select_n3A = arith.select %eq3A_598, %jit3A_599, %jit3A : i32
        %rem3A = arith.remsi %get3A_596, %select_n3A : i32
        %ne3A = arith.constant 0 : i32
        %ne3A_600 = arith.cmpi ne, %rem3A, %ne3A : i32
        %lt3A_601 = arith.constant 0 : i32
        %lt3A_602 = arith.cmpi slt, %rem3A, %lt3A_601 : i32
        %lt3A_603 = arith.constant 0 : i32
        %lt3A_604 = arith.cmpi slt, %select_n3A, %lt3A_603 : i32
        %ne3A_605 = arith.xori %lt3A_602, %lt3A_604 : i1
        %and3A = arith.andi %ne3A_605, %ne3A_600 : i1
        %add3A_606 = arith.addi %rem3A, %select_n3A : i32
        %select_n3A_607 = arith.select %and3A, %add3A_606, %rem3A : i32
        %jit3A_608 = arith.constant 64 : i32
        %eq3A_609 = arith.constant 0 : i32
        %eq3A_610 = arith.cmpi eq, %jit3A_608, %eq3A_609 : i32
        %jit3A_611 = arith.constant 1 : i32
        %select_n3A_612 = arith.select %eq3A_610, %jit3A_611, %jit3A_608 : i32
        %rem3A_613 = arith.remsi %get3A_596, %select_n3A_612 : i32
        %ne3A_614 = arith.constant 0 : i32
        %ne3A_615 = arith.cmpi ne, %rem3A_613, %ne3A_614 : i32
        %lt3A_616 = arith.constant 0 : i32
        %lt3A_617 = arith.cmpi slt, %rem3A_613, %lt3A_616 : i32
        %lt3A_618 = arith.constant 0 : i32
        %lt3A_619 = arith.cmpi slt, %select_n3A_612, %lt3A_618 : i32
        %ne3A_620 = arith.xori %lt3A_617, %lt3A_619 : i1
        %and3A_621 = arith.andi %ne3A_620, %ne3A_615 : i1
        %add3A_622 = arith.addi %rem3A_613, %select_n3A_612 : i32
        %select_n3A_623 = arith.select %and3A_621, %add3A_622, %rem3A_613 : i32
        %dma_start3A = tpu.memref_slice %arg7[%select_n3A_623] : memref<64x!tpu.dma_semaphore, #tpu.memory_space<semaphore_mem>> -> memref<1x!tpu.dma_semaphore, #tpu.memory_space<semaphore_mem>>
        %dma_start3A_624 = tpu.memref_squeeze %dma_start3A : memref<1x!tpu.dma_semaphore, #tpu.memory_space<semaphore_mem>> -> memref<!tpu.dma_semaphore, #tpu.memory_space<semaphore_mem>>
        %dma_start3A_625 = arith.constant 0 : i32
        %dma_start3A_626 = arith.constant 0 : i32
        %dma_start3A_627 = arith.constant 0 : i32
        %dma_start3A_628 = tpu.memref_slice %arg6[%select_n3A_607, %dma_start3A_625, %dma_start3A_626, %dma_start3A_627] : memref<64x2x40x512xf32, #tpu.memory_space<vmem>> -> memref<1x2x40x512xf32, #tpu.memory_space<vmem>>
        %dma_start3A_629 = tpu.memref_squeeze %dma_start3A_628 : memref<1x2x40x512xf32, #tpu.memory_space<vmem>> -> memref<2x40x512xf32, #tpu.memory_space<vmem>>
        %dma_start3A_630 = arith.constant 0 : i32
        %dma_start3A_631 = arith.constant 0 : i32
        %dma_start3A_632 = arith.constant 0 : i32
        %dma_start3A_633 = tpu.memref_slice %arg2[%get3A_491, %dma_start3A_630, %dma_start3A_631, %dma_start3A_632] : memref<512x2x40x512xf32, #tpu.memory_space<hbm>> -> memref<1x2x40x512xf32, #tpu.memory_space<hbm>>
        %dma_start3A_634 = tpu.memref_squeeze %dma_start3A_633 : memref<1x2x40x512xf32, #tpu.memory_space<hbm>> -> memref<2x40x512xf32, #tpu.memory_space<hbm>>
        tpu.enqueue_dma source(%dma_start3A_634 : memref<2x40x512xf32, #tpu.memory_space<hbm>>) target(%dma_start3A_629 : memref<2x40x512xf32, #tpu.memory_space<vmem>>) target_semaphore(%dma_start3A_624 : memref<!tpu.dma_semaphore, #tpu.memory_space<semaphore_mem>>)
        %add3A_635 = arith.constant 1 : i32
        %add3A_636 = arith.addi %get3A_596, %add3A_635 : i32
        %swap3A_637 = arith.constant 0 : index
        %swap3A_638 = memref.load %arg5[%swap3A_637] : memref<2xi32, #tpu.memory_space<smem>>
        memref.store %add3A_636, %arg5[%swap3A_637] : memref<2xi32, #tpu.memory_space<smem>>
      } else {
      }
      %get3A_497 = arith.constant 18 : index
      %get3A_498 = memref.load %arg1[%get3A_497] : memref<1024xi32, #tpu.memory_space<smem>>
      %ge3A_499 = arith.constant 0 : i32
      %ge3A_500 = arith.cmpi sge, %get3A_498, %ge3A_499 : i32
      %convert_element_type3A_501 = arith.extui %ge3A_500 : i1 to i32
      %cond3A_502 = arith.constant 0 : i32
      %cond3A_503 = arith.cmpi ne, %convert_element_type3A_501, %cond3A_502 : i32
      scf.if %cond3A_503 {
        %get3A_595 = arith.constant 0 : index
        %get3A_596 = memref.load %arg5[%get3A_595] : memref<2xi32, #tpu.memory_space<smem>>
        %jit3A = arith.constant 64 : i32
        %eq3A_597 = arith.constant 0 : i32
        %eq3A_598 = arith.cmpi eq, %jit3A, %eq3A_597 : i32
        %jit3A_599 = arith.constant 1 : i32
        %select_n3A = arith.select %eq3A_598, %jit3A_599, %jit3A : i32
        %rem3A = arith.remsi %get3A_596, %select_n3A : i32
        %ne3A = arith.constant 0 : i32
        %ne3A_600 = arith.cmpi ne, %rem3A, %ne3A : i32
        %lt3A_601 = arith.constant 0 : i32
        %lt3A_602 = arith.cmpi slt, %rem3A, %lt3A_601 : i32
        %lt3A_603 = arith.constant 0 : i32
        %lt3A_604 = arith.cmpi slt, %select_n3A, %lt3A_603 : i32
        %ne3A_605 = arith.xori %lt3A_602, %lt3A_604 : i1
        %and3A = arith.andi %ne3A_605, %ne3A_600 : i1
        %add3A_606 = arith.addi %rem3A, %select_n3A : i32
        %select_n3A_607 = arith.select %and3A, %add3A_606, %rem3A : i32
        %jit3A_608 = arith.constant 64 : i32
        %eq3A_609 = arith.constant 0 : i32
        %eq3A_610 = arith.cmpi eq, %jit3A_608, %eq3A_609 : i32
        %jit3A_611 = arith.constant 1 : i32
        %select_n3A_612 = arith.select %eq3A_610, %jit3A_611, %jit3A_608 : i32
        %rem3A_613 = arith.remsi %get3A_596, %select_n3A_612 : i32
        %ne3A_614 = arith.constant 0 : i32
        %ne3A_615 = arith.cmpi ne, %rem3A_613, %ne3A_614 : i32
        %lt3A_616 = arith.constant 0 : i32
        %lt3A_617 = arith.cmpi slt, %rem3A_613, %lt3A_616 : i32
        %lt3A_618 = arith.constant 0 : i32
        %lt3A_619 = arith.cmpi slt, %select_n3A_612, %lt3A_618 : i32
        %ne3A_620 = arith.xori %lt3A_617, %lt3A_619 : i1
        %and3A_621 = arith.andi %ne3A_620, %ne3A_615 : i1
        %add3A_622 = arith.addi %rem3A_613, %select_n3A_612 : i32
        %select_n3A_623 = arith.select %and3A_621, %add3A_622, %rem3A_613 : i32
        %dma_start3A = tpu.memref_slice %arg7[%select_n3A_623] : memref<64x!tpu.dma_semaphore, #tpu.memory_space<semaphore_mem>> -> memref<1x!tpu.dma_semaphore, #tpu.memory_space<semaphore_mem>>
        %dma_start3A_624 = tpu.memref_squeeze %dma_start3A : memref<1x!tpu.dma_semaphore, #tpu.memory_space<semaphore_mem>> -> memref<!tpu.dma_semaphore, #tpu.memory_space<semaphore_mem>>
        %dma_start3A_625 = arith.constant 0 : i32
        %dma_start3A_626 = arith.constant 0 : i32
        %dma_start3A_627 = arith.constant 0 : i32
        %dma_start3A_628 = tpu.memref_slice %arg6[%select_n3A_607, %dma_start3A_625, %dma_start3A_626, %dma_start3A_627] : memref<64x2x40x512xf32, #tpu.memory_space<vmem>> -> memref<1x2x40x512xf32, #tpu.memory_space<vmem>>
        %dma_start3A_629 = tpu.memref_squeeze %dma_start3A_628 : memref<1x2x40x512xf32, #tpu.memory_space<vmem>> -> memref<2x40x512xf32, #tpu.memory_space<vmem>>
        %dma_start3A_630 = arith.constant 0 : i32
        %dma_start3A_631 = arith.constant 0 : i32
        %dma_start3A_632 = arith.constant 0 : i32
        %dma_start3A_633 = tpu.memref_slice %arg2[%get3A_498, %dma_start3A_630, %dma_start3A_631, %dma_start3A_632] : memref<512x2x40x512xf32, #tpu.memory_space<hbm>> -> memref<1x2x40x512xf32, #tpu.memory_space<hbm>>
        %dma_start3A_634 = tpu.memref_squeeze %dma_start3A_633 : memref<1x2x40x512xf32, #tpu.memory_space<hbm>> -> memref<2x40x512xf32, #tpu.memory_space<hbm>>
        tpu.enqueue_dma source(%dma_start3A_634 : memref<2x40x512xf32, #tpu.memory_space<hbm>>) target(%dma_start3A_629 : memref<2x40x512xf32, #tpu.memory_space<vmem>>) target_semaphore(%dma_start3A_624 : memref<!tpu.dma_semaphore, #tpu.memory_space<semaphore_mem>>)
        %add3A_635 = arith.constant 1 : i32
        %add3A_636 = arith.addi %get3A_596, %add3A_635 : i32
        %swap3A_637 = arith.constant 0 : index
        %swap3A_638 = memref.load %arg5[%swap3A_637] : memref<2xi32, #tpu.memory_space<smem>>
        memref.store %add3A_636, %arg5[%swap3A_637] : memref<2xi32, #tpu.memory_space<smem>>
      } else {
      }
      %get3A_504 = arith.constant 19 : index
      %get3A_505 = memref.load %arg1[%get3A_504] : memref<1024xi32, #tpu.memory_space<smem>>
      %ge3A_506 = arith.constant 0 : i32
      %ge3A_507 = arith.cmpi sge, %get3A_505, %ge3A_506 : i32
      %convert_element_type3A_508 = arith.extui %ge3A_507 : i1 to i32
      %cond3A_509 = arith.constant 0 : i32
      %cond3A_510 = arith.cmpi ne, %convert_element_type3A_508, %cond3A_509 : i32
      scf.if %cond3A_510 {
        %get3A_595 = arith.constant 0 : index
        %get3A_596 = memref.load %arg5[%get3A_595] : memref<2xi32, #tpu.memory_space<smem>>
        %jit3A = arith.constant 64 : i32
        %eq3A_597 = arith.constant 0 : i32
        %eq3A_598 = arith.cmpi eq, %jit3A, %eq3A_597 : i32
        %jit3A_599 = arith.constant 1 : i32
        %select_n3A = arith.select %eq3A_598, %jit3A_599, %jit3A : i32
        %rem3A = arith.remsi %get3A_596, %select_n3A : i32
        %ne3A = arith.constant 0 : i32
        %ne3A_600 = arith.cmpi ne, %rem3A, %ne3A : i32
        %lt3A_601 = arith.constant 0 : i32
        %lt3A_602 = arith.cmpi slt, %rem3A, %lt3A_601 : i32
        %lt3A_603 = arith.constant 0 : i32
        %lt3A_604 = arith.cmpi slt, %select_n3A, %lt3A_603 : i32
        %ne3A_605 = arith.xori %lt3A_602, %lt3A_604 : i1
        %and3A = arith.andi %ne3A_605, %ne3A_600 : i1
        %add3A_606 = arith.addi %rem3A, %select_n3A : i32
        %select_n3A_607 = arith.select %and3A, %add3A_606, %rem3A : i32
        %jit3A_608 = arith.constant 64 : i32
        %eq3A_609 = arith.constant 0 : i32
        %eq3A_610 = arith.cmpi eq, %jit3A_608, %eq3A_609 : i32
        %jit3A_611 = arith.constant 1 : i32
        %select_n3A_612 = arith.select %eq3A_610, %jit3A_611, %jit3A_608 : i32
        %rem3A_613 = arith.remsi %get3A_596, %select_n3A_612 : i32
        %ne3A_614 = arith.constant 0 : i32
        %ne3A_615 = arith.cmpi ne, %rem3A_613, %ne3A_614 : i32
        %lt3A_616 = arith.constant 0 : i32
        %lt3A_617 = arith.cmpi slt, %rem3A_613, %lt3A_616 : i32
        %lt3A_618 = arith.constant 0 : i32
        %lt3A_619 = arith.cmpi slt, %select_n3A_612, %lt3A_618 : i32
        %ne3A_620 = arith.xori %lt3A_617, %lt3A_619 : i1
        %and3A_621 = arith.andi %ne3A_620, %ne3A_615 : i1
        %add3A_622 = arith.addi %rem3A_613, %select_n3A_612 : i32
        %select_n3A_623 = arith.select %and3A_621, %add3A_622, %rem3A_613 : i32
        %dma_start3A = tpu.memref_slice %arg7[%select_n3A_623] : memref<64x!tpu.dma_semaphore, #tpu.memory_space<semaphore_mem>> -> memref<1x!tpu.dma_semaphore, #tpu.memory_space<semaphore_mem>>
        %dma_start3A_624 = tpu.memref_squeeze %dma_start3A : memref<1x!tpu.dma_semaphore, #tpu.memory_space<semaphore_mem>> -> memref<!tpu.dma_semaphore, #tpu.memory_space<semaphore_mem>>
        %dma_start3A_625 = arith.constant 0 : i32
        %dma_start3A_626 = arith.constant 0 : i32
        %dma_start3A_627 = arith.constant 0 : i32
        %dma_start3A_628 = tpu.memref_slice %arg6[%select_n3A_607, %dma_start3A_625, %dma_start3A_626, %dma_start3A_627] : memref<64x2x40x512xf32, #tpu.memory_space<vmem>> -> memref<1x2x40x512xf32, #tpu.memory_space<vmem>>
        %dma_start3A_629 = tpu.memref_squeeze %dma_start3A_628 : memref<1x2x40x512xf32, #tpu.memory_space<vmem>> -> memref<2x40x512xf32, #tpu.memory_space<vmem>>
        %dma_start3A_630 = arith.constant 0 : i32
        %dma_start3A_631 = arith.constant 0 : i32
        %dma_start3A_632 = arith.constant 0 : i32
        %dma_start3A_633 = tpu.memref_slice %arg2[%get3A_505, %dma_start3A_630, %dma_start3A_631, %dma_start3A_632] : memref<512x2x40x512xf32, #tpu.memory_space<hbm>> -> memref<1x2x40x512xf32, #tpu.memory_space<hbm>>
        %dma_start3A_634 = tpu.memref_squeeze %dma_start3A_633 : memref<1x2x40x512xf32, #tpu.memory_space<hbm>> -> memref<2x40x512xf32, #tpu.memory_space<hbm>>
        tpu.enqueue_dma source(%dma_start3A_634 : memref<2x40x512xf32, #tpu.memory_space<hbm>>) target(%dma_start3A_629 : memref<2x40x512xf32, #tpu.memory_space<vmem>>) target_semaphore(%dma_start3A_624 : memref<!tpu.dma_semaphore, #tpu.memory_space<semaphore_mem>>)
        %add3A_635 = arith.constant 1 : i32
        %add3A_636 = arith.addi %get3A_596, %add3A_635 : i32
        %swap3A_637 = arith.constant 0 : index
        %swap3A_638 = memref.load %arg5[%swap3A_637] : memref<2xi32, #tpu.memory_space<smem>>
        memref.store %add3A_636, %arg5[%swap3A_637] : memref<2xi32, #tpu.memory_space<smem>>
      } else {
      }
      %get3A_511 = arith.constant 20 : index
      %get3A_512 = memref.load %arg1[%get3A_511] : memref<1024xi32, #tpu.memory_space<smem>>
      %ge3A_513 = arith.constant 0 : i32
      %ge3A_514 = arith.cmpi sge, %get3A_512, %ge3A_513 : i32
      %convert_element_type3A_515 = arith.extui %ge3A_514 : i1 to i32
      %cond3A_516 = arith.constant 0 : i32
      %cond3A_517 = arith.cmpi ne, %convert_element_type3A_515, %cond3A_516 : i32
      scf.if %cond3A_517 {
        %get3A_595 = arith.constant 0 : index
        %get3A_596 = memref.load %arg5[%get3A_595] : memref<2xi32, #tpu.memory_space<smem>>
        %jit3A = arith.constant 64 : i32
        %eq3A_597 = arith.constant 0 : i32
        %eq3A_598 = arith.cmpi eq, %jit3A, %eq3A_597 : i32
        %jit3A_599 = arith.constant 1 : i32
        %select_n3A = arith.select %eq3A_598, %jit3A_599, %jit3A : i32
        %rem3A = arith.remsi %get3A_596, %select_n3A : i32
        %ne3A = arith.constant 0 : i32
        %ne3A_600 = arith.cmpi ne, %rem3A, %ne3A : i32
        %lt3A_601 = arith.constant 0 : i32
        %lt3A_602 = arith.cmpi slt, %rem3A, %lt3A_601 : i32
        %lt3A_603 = arith.constant 0 : i32
        %lt3A_604 = arith.cmpi slt, %select_n3A, %lt3A_603 : i32
        %ne3A_605 = arith.xori %lt3A_602, %lt3A_604 : i1
        %and3A = arith.andi %ne3A_605, %ne3A_600 : i1
        %add3A_606 = arith.addi %rem3A, %select_n3A : i32
        %select_n3A_607 = arith.select %and3A, %add3A_606, %rem3A : i32
        %jit3A_608 = arith.constant 64 : i32
        %eq3A_609 = arith.constant 0 : i32
        %eq3A_610 = arith.cmpi eq, %jit3A_608, %eq3A_609 : i32
        %jit3A_611 = arith.constant 1 : i32
        %select_n3A_612 = arith.select %eq3A_610, %jit3A_611, %jit3A_608 : i32
        %rem3A_613 = arith.remsi %get3A_596, %select_n3A_612 : i32
        %ne3A_614 = arith.constant 0 : i32
        %ne3A_615 = arith.cmpi ne, %rem3A_613, %ne3A_614 : i32
        %lt3A_616 = arith.constant 0 : i32
        %lt3A_617 = arith.cmpi slt, %rem3A_613, %lt3A_616 : i32
        %lt3A_618 = arith.constant 0 : i32
        %lt3A_619 = arith.cmpi slt, %select_n3A_612, %lt3A_618 : i32
        %ne3A_620 = arith.xori %lt3A_617, %lt3A_619 : i1
        %and3A_621 = arith.andi %ne3A_620, %ne3A_615 : i1
        %add3A_622 = arith.addi %rem3A_613, %select_n3A_612 : i32
        %select_n3A_623 = arith.select %and3A_621, %add3A_622, %rem3A_613 : i32
        %dma_start3A = tpu.memref_slice %arg7[%select_n3A_623] : memref<64x!tpu.dma_semaphore, #tpu.memory_space<semaphore_mem>> -> memref<1x!tpu.dma_semaphore, #tpu.memory_space<semaphore_mem>>
        %dma_start3A_624 = tpu.memref_squeeze %dma_start3A : memref<1x!tpu.dma_semaphore, #tpu.memory_space<semaphore_mem>> -> memref<!tpu.dma_semaphore, #tpu.memory_space<semaphore_mem>>
        %dma_start3A_625 = arith.constant 0 : i32
        %dma_start3A_626 = arith.constant 0 : i32
        %dma_start3A_627 = arith.constant 0 : i32
        %dma_start3A_628 = tpu.memref_slice %arg6[%select_n3A_607, %dma_start3A_625, %dma_start3A_626, %dma_start3A_627] : memref<64x2x40x512xf32, #tpu.memory_space<vmem>> -> memref<1x2x40x512xf32, #tpu.memory_space<vmem>>
        %dma_start3A_629 = tpu.memref_squeeze %dma_start3A_628 : memref<1x2x40x512xf32, #tpu.memory_space<vmem>> -> memref<2x40x512xf32, #tpu.memory_space<vmem>>
        %dma_start3A_630 = arith.constant 0 : i32
        %dma_start3A_631 = arith.constant 0 : i32
        %dma_start3A_632 = arith.constant 0 : i32
        %dma_start3A_633 = tpu.memref_slice %arg2[%get3A_512, %dma_start3A_630, %dma_start3A_631, %dma_start3A_632] : memref<512x2x40x512xf32, #tpu.memory_space<hbm>> -> memref<1x2x40x512xf32, #tpu.memory_space<hbm>>
        %dma_start3A_634 = tpu.memref_squeeze %dma_start3A_633 : memref<1x2x40x512xf32, #tpu.memory_space<hbm>> -> memref<2x40x512xf32, #tpu.memory_space<hbm>>
        tpu.enqueue_dma source(%dma_start3A_634 : memref<2x40x512xf32, #tpu.memory_space<hbm>>) target(%dma_start3A_629 : memref<2x40x512xf32, #tpu.memory_space<vmem>>) target_semaphore(%dma_start3A_624 : memref<!tpu.dma_semaphore, #tpu.memory_space<semaphore_mem>>)
        %add3A_635 = arith.constant 1 : i32
        %add3A_636 = arith.addi %get3A_596, %add3A_635 : i32
        %swap3A_637 = arith.constant 0 : index
        %swap3A_638 = memref.load %arg5[%swap3A_637] : memref<2xi32, #tpu.memory_space<smem>>
        memref.store %add3A_636, %arg5[%swap3A_637] : memref<2xi32, #tpu.memory_space<smem>>
      } else {
      }
      %get3A_518 = arith.constant 21 : index
      %get3A_519 = memref.load %arg1[%get3A_518] : memref<1024xi32, #tpu.memory_space<smem>>
      %ge3A_520 = arith.constant 0 : i32
      %ge3A_521 = arith.cmpi sge, %get3A_519, %ge3A_520 : i32
      %convert_element_type3A_522 = arith.extui %ge3A_521 : i1 to i32
      %cond3A_523 = arith.constant 0 : i32
      %cond3A_524 = arith.cmpi ne, %convert_element_type3A_522, %cond3A_523 : i32
      scf.if %cond3A_524 {
        %get3A_595 = arith.constant 0 : index
        %get3A_596 = memref.load %arg5[%get3A_595] : memref<2xi32, #tpu.memory_space<smem>>
        %jit3A = arith.constant 64 : i32
        %eq3A_597 = arith.constant 0 : i32
        %eq3A_598 = arith.cmpi eq, %jit3A, %eq3A_597 : i32
        %jit3A_599 = arith.constant 1 : i32
        %select_n3A = arith.select %eq3A_598, %jit3A_599, %jit3A : i32
        %rem3A = arith.remsi %get3A_596, %select_n3A : i32
        %ne3A = arith.constant 0 : i32
        %ne3A_600 = arith.cmpi ne, %rem3A, %ne3A : i32
        %lt3A_601 = arith.constant 0 : i32
        %lt3A_602 = arith.cmpi slt, %rem3A, %lt3A_601 : i32
        %lt3A_603 = arith.constant 0 : i32
        %lt3A_604 = arith.cmpi slt, %select_n3A, %lt3A_603 : i32
        %ne3A_605 = arith.xori %lt3A_602, %lt3A_604 : i1
        %and3A = arith.andi %ne3A_605, %ne3A_600 : i1
        %add3A_606 = arith.addi %rem3A, %select_n3A : i32
        %select_n3A_607 = arith.select %and3A, %add3A_606, %rem3A : i32
        %jit3A_608 = arith.constant 64 : i32
        %eq3A_609 = arith.constant 0 : i32
        %eq3A_610 = arith.cmpi eq, %jit3A_608, %eq3A_609 : i32
        %jit3A_611 = arith.constant 1 : i32
        %select_n3A_612 = arith.select %eq3A_610, %jit3A_611, %jit3A_608 : i32
        %rem3A_613 = arith.remsi %get3A_596, %select_n3A_612 : i32
        %ne3A_614 = arith.constant 0 : i32
        %ne3A_615 = arith.cmpi ne, %rem3A_613, %ne3A_614 : i32
        %lt3A_616 = arith.constant 0 : i32
        %lt3A_617 = arith.cmpi slt, %rem3A_613, %lt3A_616 : i32
        %lt3A_618 = arith.constant 0 : i32
        %lt3A_619 = arith.cmpi slt, %select_n3A_612, %lt3A_618 : i32
        %ne3A_620 = arith.xori %lt3A_617, %lt3A_619 : i1
        %and3A_621 = arith.andi %ne3A_620, %ne3A_615 : i1
        %add3A_622 = arith.addi %rem3A_613, %select_n3A_612 : i32
        %select_n3A_623 = arith.select %and3A_621, %add3A_622, %rem3A_613 : i32
        %dma_start3A = tpu.memref_slice %arg7[%select_n3A_623] : memref<64x!tpu.dma_semaphore, #tpu.memory_space<semaphore_mem>> -> memref<1x!tpu.dma_semaphore, #tpu.memory_space<semaphore_mem>>
        %dma_start3A_624 = tpu.memref_squeeze %dma_start3A : memref<1x!tpu.dma_semaphore, #tpu.memory_space<semaphore_mem>> -> memref<!tpu.dma_semaphore, #tpu.memory_space<semaphore_mem>>
        %dma_start3A_625 = arith.constant 0 : i32
        %dma_start3A_626 = arith.constant 0 : i32
        %dma_start3A_627 = arith.constant 0 : i32
        %dma_start3A_628 = tpu.memref_slice %arg6[%select_n3A_607, %dma_start3A_625, %dma_start3A_626, %dma_start3A_627] : memref<64x2x40x512xf32, #tpu.memory_space<vmem>> -> memref<1x2x40x512xf32, #tpu.memory_space<vmem>>
        %dma_start3A_629 = tpu.memref_squeeze %dma_start3A_628 : memref<1x2x40x512xf32, #tpu.memory_space<vmem>> -> memref<2x40x512xf32, #tpu.memory_space<vmem>>
        %dma_start3A_630 = arith.constant 0 : i32
        %dma_start3A_631 = arith.constant 0 : i32
        %dma_start3A_632 = arith.constant 0 : i32
        %dma_start3A_633 = tpu.memref_slice %arg2[%get3A_519, %dma_start3A_630, %dma_start3A_631, %dma_start3A_632] : memref<512x2x40x512xf32, #tpu.memory_space<hbm>> -> memref<1x2x40x512xf32, #tpu.memory_space<hbm>>
        %dma_start3A_634 = tpu.memref_squeeze %dma_start3A_633 : memref<1x2x40x512xf32, #tpu.memory_space<hbm>> -> memref<2x40x512xf32, #tpu.memory_space<hbm>>
        tpu.enqueue_dma source(%dma_start3A_634 : memref<2x40x512xf32, #tpu.memory_space<hbm>>) target(%dma_start3A_629 : memref<2x40x512xf32, #tpu.memory_space<vmem>>) target_semaphore(%dma_start3A_624 : memref<!tpu.dma_semaphore, #tpu.memory_space<semaphore_mem>>)
        %add3A_635 = arith.constant 1 : i32
        %add3A_636 = arith.addi %get3A_596, %add3A_635 : i32
        %swap3A_637 = arith.constant 0 : index
        %swap3A_638 = memref.load %arg5[%swap3A_637] : memref<2xi32, #tpu.memory_space<smem>>
        memref.store %add3A_636, %arg5[%swap3A_637] : memref<2xi32, #tpu.memory_space<smem>>
      } else {
      }
      %get3A_525 = arith.constant 22 : index
      %get3A_526 = memref.load %arg1[%get3A_525] : memref<1024xi32, #tpu.memory_space<smem>>
      %ge3A_527 = arith.constant 0 : i32
      %ge3A_528 = arith.cmpi sge, %get3A_526, %ge3A_527 : i32
      %convert_element_type3A_529 = arith.extui %ge3A_528 : i1 to i32
      %cond3A_530 = arith.constant 0 : i32
      %cond3A_531 = arith.cmpi ne, %convert_element_type3A_529, %cond3A_530 : i32
      scf.if %cond3A_531 {
        %get3A_595 = arith.constant 0 : index
        %get3A_596 = memref.load %arg5[%get3A_595] : memref<2xi32, #tpu.memory_space<smem>>
        %jit3A = arith.constant 64 : i32
        %eq3A_597 = arith.constant 0 : i32
        %eq3A_598 = arith.cmpi eq, %jit3A, %eq3A_597 : i32
        %jit3A_599 = arith.constant 1 : i32
        %select_n3A = arith.select %eq3A_598, %jit3A_599, %jit3A : i32
        %rem3A = arith.remsi %get3A_596, %select_n3A : i32
        %ne3A = arith.constant 0 : i32
        %ne3A_600 = arith.cmpi ne, %rem3A, %ne3A : i32
        %lt3A_601 = arith.constant 0 : i32
        %lt3A_602 = arith.cmpi slt, %rem3A, %lt3A_601 : i32
        %lt3A_603 = arith.constant 0 : i32
        %lt3A_604 = arith.cmpi slt, %select_n3A, %lt3A_603 : i32
        %ne3A_605 = arith.xori %lt3A_602, %lt3A_604 : i1
        %and3A = arith.andi %ne3A_605, %ne3A_600 : i1
        %add3A_606 = arith.addi %rem3A, %select_n3A : i32
        %select_n3A_607 = arith.select %and3A, %add3A_606, %rem3A : i32
        %jit3A_608 = arith.constant 64 : i32
        %eq3A_609 = arith.constant 0 : i32
        %eq3A_610 = arith.cmpi eq, %jit3A_608, %eq3A_609 : i32
        %jit3A_611 = arith.constant 1 : i32
        %select_n3A_612 = arith.select %eq3A_610, %jit3A_611, %jit3A_608 : i32
        %rem3A_613 = arith.remsi %get3A_596, %select_n3A_612 : i32
        %ne3A_614 = arith.constant 0 : i32
        %ne3A_615 = arith.cmpi ne, %rem3A_613, %ne3A_614 : i32
        %lt3A_616 = arith.constant 0 : i32
        %lt3A_617 = arith.cmpi slt, %rem3A_613, %lt3A_616 : i32
        %lt3A_618 = arith.constant 0 : i32
        %lt3A_619 = arith.cmpi slt, %select_n3A_612, %lt3A_618 : i32
        %ne3A_620 = arith.xori %lt3A_617, %lt3A_619 : i1
        %and3A_621 = arith.andi %ne3A_620, %ne3A_615 : i1
        %add3A_622 = arith.addi %rem3A_613, %select_n3A_612 : i32
        %select_n3A_623 = arith.select %and3A_621, %add3A_622, %rem3A_613 : i32
        %dma_start3A = tpu.memref_slice %arg7[%select_n3A_623] : memref<64x!tpu.dma_semaphore, #tpu.memory_space<semaphore_mem>> -> memref<1x!tpu.dma_semaphore, #tpu.memory_space<semaphore_mem>>
        %dma_start3A_624 = tpu.memref_squeeze %dma_start3A : memref<1x!tpu.dma_semaphore, #tpu.memory_space<semaphore_mem>> -> memref<!tpu.dma_semaphore, #tpu.memory_space<semaphore_mem>>
        %dma_start3A_625 = arith.constant 0 : i32
        %dma_start3A_626 = arith.constant 0 : i32
        %dma_start3A_627 = arith.constant 0 : i32
        %dma_start3A_628 = tpu.memref_slice %arg6[%select_n3A_607, %dma_start3A_625, %dma_start3A_626, %dma_start3A_627] : memref<64x2x40x512xf32, #tpu.memory_space<vmem>> -> memref<1x2x40x512xf32, #tpu.memory_space<vmem>>
        %dma_start3A_629 = tpu.memref_squeeze %dma_start3A_628 : memref<1x2x40x512xf32, #tpu.memory_space<vmem>> -> memref<2x40x512xf32, #tpu.memory_space<vmem>>
        %dma_start3A_630 = arith.constant 0 : i32
        %dma_start3A_631 = arith.constant 0 : i32
        %dma_start3A_632 = arith.constant 0 : i32
        %dma_start3A_633 = tpu.memref_slice %arg2[%get3A_526, %dma_start3A_630, %dma_start3A_631, %dma_start3A_632] : memref<512x2x40x512xf32, #tpu.memory_space<hbm>> -> memref<1x2x40x512xf32, #tpu.memory_space<hbm>>
        %dma_start3A_634 = tpu.memref_squeeze %dma_start3A_633 : memref<1x2x40x512xf32, #tpu.memory_space<hbm>> -> memref<2x40x512xf32, #tpu.memory_space<hbm>>
        tpu.enqueue_dma source(%dma_start3A_634 : memref<2x40x512xf32, #tpu.memory_space<hbm>>) target(%dma_start3A_629 : memref<2x40x512xf32, #tpu.memory_space<vmem>>) target_semaphore(%dma_start3A_624 : memref<!tpu.dma_semaphore, #tpu.memory_space<semaphore_mem>>)
        %add3A_635 = arith.constant 1 : i32
        %add3A_636 = arith.addi %get3A_596, %add3A_635 : i32
        %swap3A_637 = arith.constant 0 : index
        %swap3A_638 = memref.load %arg5[%swap3A_637] : memref<2xi32, #tpu.memory_space<smem>>
        memref.store %add3A_636, %arg5[%swap3A_637] : memref<2xi32, #tpu.memory_space<smem>>
      } else {
      }
      %get3A_532 = arith.constant 23 : index
      %get3A_533 = memref.load %arg1[%get3A_532] : memref<1024xi32, #tpu.memory_space<smem>>
      %ge3A_534 = arith.constant 0 : i32
      %ge3A_535 = arith.cmpi sge, %get3A_533, %ge3A_534 : i32
      %convert_element_type3A_536 = arith.extui %ge3A_535 : i1 to i32
      %cond3A_537 = arith.constant 0 : i32
      %cond3A_538 = arith.cmpi ne, %convert_element_type3A_536, %cond3A_537 : i32
      scf.if %cond3A_538 {
        %get3A_595 = arith.constant 0 : index
        %get3A_596 = memref.load %arg5[%get3A_595] : memref<2xi32, #tpu.memory_space<smem>>
        %jit3A = arith.constant 64 : i32
        %eq3A_597 = arith.constant 0 : i32
        %eq3A_598 = arith.cmpi eq, %jit3A, %eq3A_597 : i32
        %jit3A_599 = arith.constant 1 : i32
        %select_n3A = arith.select %eq3A_598, %jit3A_599, %jit3A : i32
        %rem3A = arith.remsi %get3A_596, %select_n3A : i32
        %ne3A = arith.constant 0 : i32
        %ne3A_600 = arith.cmpi ne, %rem3A, %ne3A : i32
        %lt3A_601 = arith.constant 0 : i32
        %lt3A_602 = arith.cmpi slt, %rem3A, %lt3A_601 : i32
        %lt3A_603 = arith.constant 0 : i32
        %lt3A_604 = arith.cmpi slt, %select_n3A, %lt3A_603 : i32
        %ne3A_605 = arith.xori %lt3A_602, %lt3A_604 : i1
        %and3A = arith.andi %ne3A_605, %ne3A_600 : i1
        %add3A_606 = arith.addi %rem3A, %select_n3A : i32
        %select_n3A_607 = arith.select %and3A, %add3A_606, %rem3A : i32
        %jit3A_608 = arith.constant 64 : i32
        %eq3A_609 = arith.constant 0 : i32
        %eq3A_610 = arith.cmpi eq, %jit3A_608, %eq3A_609 : i32
        %jit3A_611 = arith.constant 1 : i32
        %select_n3A_612 = arith.select %eq3A_610, %jit3A_611, %jit3A_608 : i32
        %rem3A_613 = arith.remsi %get3A_596, %select_n3A_612 : i32
        %ne3A_614 = arith.constant 0 : i32
        %ne3A_615 = arith.cmpi ne, %rem3A_613, %ne3A_614 : i32
        %lt3A_616 = arith.constant 0 : i32
        %lt3A_617 = arith.cmpi slt, %rem3A_613, %lt3A_616 : i32
        %lt3A_618 = arith.constant 0 : i32
        %lt3A_619 = arith.cmpi slt, %select_n3A_612, %lt3A_618 : i32
        %ne3A_620 = arith.xori %lt3A_617, %lt3A_619 : i1
        %and3A_621 = arith.andi %ne3A_620, %ne3A_615 : i1
        %add3A_622 = arith.addi %rem3A_613, %select_n3A_612 : i32
        %select_n3A_623 = arith.select %and3A_621, %add3A_622, %rem3A_613 : i32
        %dma_start3A = tpu.memref_slice %arg7[%select_n3A_623] : memref<64x!tpu.dma_semaphore, #tpu.memory_space<semaphore_mem>> -> memref<1x!tpu.dma_semaphore, #tpu.memory_space<semaphore_mem>>
        %dma_start3A_624 = tpu.memref_squeeze %dma_start3A : memref<1x!tpu.dma_semaphore, #tpu.memory_space<semaphore_mem>> -> memref<!tpu.dma_semaphore, #tpu.memory_space<semaphore_mem>>
        %dma_start3A_625 = arith.constant 0 : i32
        %dma_start3A_626 = arith.constant 0 : i32
        %dma_start3A_627 = arith.constant 0 : i32
        %dma_start3A_628 = tpu.memref_slice %arg6[%select_n3A_607, %dma_start3A_625, %dma_start3A_626, %dma_start3A_627] : memref<64x2x40x512xf32, #tpu.memory_space<vmem>> -> memref<1x2x40x512xf32, #tpu.memory_space<vmem>>
        %dma_start3A_629 = tpu.memref_squeeze %dma_start3A_628 : memref<1x2x40x512xf32, #tpu.memory_space<vmem>> -> memref<2x40x512xf32, #tpu.memory_space<vmem>>
        %dma_start3A_630 = arith.constant 0 : i32
        %dma_start3A_631 = arith.constant 0 : i32
        %dma_start3A_632 = arith.constant 0 : i32
        %dma_start3A_633 = tpu.memref_slice %arg2[%get3A_533, %dma_start3A_630, %dma_start3A_631, %dma_start3A_632] : memref<512x2x40x512xf32, #tpu.memory_space<hbm>> -> memref<1x2x40x512xf32, #tpu.memory_space<hbm>>
        %dma_start3A_634 = tpu.memref_squeeze %dma_start3A_633 : memref<1x2x40x512xf32, #tpu.memory_space<hbm>> -> memref<2x40x512xf32, #tpu.memory_space<hbm>>
        tpu.enqueue_dma source(%dma_start3A_634 : memref<2x40x512xf32, #tpu.memory_space<hbm>>) target(%dma_start3A_629 : memref<2x40x512xf32, #tpu.memory_space<vmem>>) target_semaphore(%dma_start3A_624 : memref<!tpu.dma_semaphore, #tpu.memory_space<semaphore_mem>>)
        %add3A_635 = arith.constant 1 : i32
        %add3A_636 = arith.addi %get3A_596, %add3A_635 : i32
        %swap3A_637 = arith.constant 0 : index
        %swap3A_638 = memref.load %arg5[%swap3A_637] : memref<2xi32, #tpu.memory_space<smem>>
        memref.store %add3A_636, %arg5[%swap3A_637] : memref<2xi32, #tpu.memory_space<smem>>
      } else {
      }
      %get3A_539 = arith.constant 24 : index
      %get3A_540 = memref.load %arg1[%get3A_539] : memref<1024xi32, #tpu.memory_space<smem>>
      %ge3A_541 = arith.constant 0 : i32
      %ge3A_542 = arith.cmpi sge, %get3A_540, %ge3A_541 : i32
      %convert_element_type3A_543 = arith.extui %ge3A_542 : i1 to i32
      %cond3A_544 = arith.constant 0 : i32
      %cond3A_545 = arith.cmpi ne, %convert_element_type3A_543, %cond3A_544 : i32
      scf.if %cond3A_545 {
        %get3A_595 = arith.constant 0 : index
        %get3A_596 = memref.load %arg5[%get3A_595] : memref<2xi32, #tpu.memory_space<smem>>
        %jit3A = arith.constant 64 : i32
        %eq3A_597 = arith.constant 0 : i32
        %eq3A_598 = arith.cmpi eq, %jit3A, %eq3A_597 : i32
        %jit3A_599 = arith.constant 1 : i32
        %select_n3A = arith.select %eq3A_598, %jit3A_599, %jit3A : i32
        %rem3A = arith.remsi %get3A_596, %select_n3A : i32
        %ne3A = arith.constant 0 : i32
        %ne3A_600 = arith.cmpi ne, %rem3A, %ne3A : i32
        %lt3A_601 = arith.constant 0 : i32
        %lt3A_602 = arith.cmpi slt, %rem3A, %lt3A_601 : i32
        %lt3A_603 = arith.constant 0 : i32
        %lt3A_604 = arith.cmpi slt, %select_n3A, %lt3A_603 : i32
        %ne3A_605 = arith.xori %lt3A_602, %lt3A_604 : i1
        %and3A = arith.andi %ne3A_605, %ne3A_600 : i1
        %add3A_606 = arith.addi %rem3A, %select_n3A : i32
        %select_n3A_607 = arith.select %and3A, %add3A_606, %rem3A : i32
        %jit3A_608 = arith.constant 64 : i32
        %eq3A_609 = arith.constant 0 : i32
        %eq3A_610 = arith.cmpi eq, %jit3A_608, %eq3A_609 : i32
        %jit3A_611 = arith.constant 1 : i32
        %select_n3A_612 = arith.select %eq3A_610, %jit3A_611, %jit3A_608 : i32
        %rem3A_613 = arith.remsi %get3A_596, %select_n3A_612 : i32
        %ne3A_614 = arith.constant 0 : i32
        %ne3A_615 = arith.cmpi ne, %rem3A_613, %ne3A_614 : i32
        %lt3A_616 = arith.constant 0 : i32
        %lt3A_617 = arith.cmpi slt, %rem3A_613, %lt3A_616 : i32
        %lt3A_618 = arith.constant 0 : i32
        %lt3A_619 = arith.cmpi slt, %select_n3A_612, %lt3A_618 : i32
        %ne3A_620 = arith.xori %lt3A_617, %lt3A_619 : i1
        %and3A_621 = arith.andi %ne3A_620, %ne3A_615 : i1
        %add3A_622 = arith.addi %rem3A_613, %select_n3A_612 : i32
        %select_n3A_623 = arith.select %and3A_621, %add3A_622, %rem3A_613 : i32
        %dma_start3A = tpu.memref_slice %arg7[%select_n3A_623] : memref<64x!tpu.dma_semaphore, #tpu.memory_space<semaphore_mem>> -> memref<1x!tpu.dma_semaphore, #tpu.memory_space<semaphore_mem>>
        %dma_start3A_624 = tpu.memref_squeeze %dma_start3A : memref<1x!tpu.dma_semaphore, #tpu.memory_space<semaphore_mem>> -> memref<!tpu.dma_semaphore, #tpu.memory_space<semaphore_mem>>
        %dma_start3A_625 = arith.constant 0 : i32
        %dma_start3A_626 = arith.constant 0 : i32
        %dma_start3A_627 = arith.constant 0 : i32
        %dma_start3A_628 = tpu.memref_slice %arg6[%select_n3A_607, %dma_start3A_625, %dma_start3A_626, %dma_start3A_627] : memref<64x2x40x512xf32, #tpu.memory_space<vmem>> -> memref<1x2x40x512xf32, #tpu.memory_space<vmem>>
        %dma_start3A_629 = tpu.memref_squeeze %dma_start3A_628 : memref<1x2x40x512xf32, #tpu.memory_space<vmem>> -> memref<2x40x512xf32, #tpu.memory_space<vmem>>
        %dma_start3A_630 = arith.constant 0 : i32
        %dma_start3A_631 = arith.constant 0 : i32
        %dma_start3A_632 = arith.constant 0 : i32
        %dma_start3A_633 = tpu.memref_slice %arg2[%get3A_540, %dma_start3A_630, %dma_start3A_631, %dma_start3A_632] : memref<512x2x40x512xf32, #tpu.memory_space<hbm>> -> memref<1x2x40x512xf32, #tpu.memory_space<hbm>>
        %dma_start3A_634 = tpu.memref_squeeze %dma_start3A_633 : memref<1x2x40x512xf32, #tpu.memory_space<hbm>> -> memref<2x40x512xf32, #tpu.memory_space<hbm>>
        tpu.enqueue_dma source(%dma_start3A_634 : memref<2x40x512xf32, #tpu.memory_space<hbm>>) target(%dma_start3A_629 : memref<2x40x512xf32, #tpu.memory_space<vmem>>) target_semaphore(%dma_start3A_624 : memref<!tpu.dma_semaphore, #tpu.memory_space<semaphore_mem>>)
        %add3A_635 = arith.constant 1 : i32
        %add3A_636 = arith.addi %get3A_596, %add3A_635 : i32
        %swap3A_637 = arith.constant 0 : index
        %swap3A_638 = memref.load %arg5[%swap3A_637] : memref<2xi32, #tpu.memory_space<smem>>
        memref.store %add3A_636, %arg5[%swap3A_637] : memref<2xi32, #tpu.memory_space<smem>>
      } else {
      }
      %get3A_546 = arith.constant 25 : index
      %get3A_547 = memref.load %arg1[%get3A_546] : memref<1024xi32, #tpu.memory_space<smem>>
      %ge3A_548 = arith.constant 0 : i32
      %ge3A_549 = arith.cmpi sge, %get3A_547, %ge3A_548 : i32
      %convert_element_type3A_550 = arith.extui %ge3A_549 : i1 to i32
      %cond3A_551 = arith.constant 0 : i32
      %cond3A_552 = arith.cmpi ne, %convert_element_type3A_550, %cond3A_551 : i32
      scf.if %cond3A_552 {
        %get3A_595 = arith.constant 0 : index
        %get3A_596 = memref.load %arg5[%get3A_595] : memref<2xi32, #tpu.memory_space<smem>>
        %jit3A = arith.constant 64 : i32
        %eq3A_597 = arith.constant 0 : i32
        %eq3A_598 = arith.cmpi eq, %jit3A, %eq3A_597 : i32
        %jit3A_599 = arith.constant 1 : i32
        %select_n3A = arith.select %eq3A_598, %jit3A_599, %jit3A : i32
        %rem3A = arith.remsi %get3A_596, %select_n3A : i32
        %ne3A = arith.constant 0 : i32
        %ne3A_600 = arith.cmpi ne, %rem3A, %ne3A : i32
        %lt3A_601 = arith.constant 0 : i32
        %lt3A_602 = arith.cmpi slt, %rem3A, %lt3A_601 : i32
        %lt3A_603 = arith.constant 0 : i32
        %lt3A_604 = arith.cmpi slt, %select_n3A, %lt3A_603 : i32
        %ne3A_605 = arith.xori %lt3A_602, %lt3A_604 : i1
        %and3A = arith.andi %ne3A_605, %ne3A_600 : i1
        %add3A_606 = arith.addi %rem3A, %select_n3A : i32
        %select_n3A_607 = arith.select %and3A, %add3A_606, %rem3A : i32
        %jit3A_608 = arith.constant 64 : i32
        %eq3A_609 = arith.constant 0 : i32
        %eq3A_610 = arith.cmpi eq, %jit3A_608, %eq3A_609 : i32
        %jit3A_611 = arith.constant 1 : i32
        %select_n3A_612 = arith.select %eq3A_610, %jit3A_611, %jit3A_608 : i32
        %rem3A_613 = arith.remsi %get3A_596, %select_n3A_612 : i32
        %ne3A_614 = arith.constant 0 : i32
        %ne3A_615 = arith.cmpi ne, %rem3A_613, %ne3A_614 : i32
        %lt3A_616 = arith.constant 0 : i32
        %lt3A_617 = arith.cmpi slt, %rem3A_613, %lt3A_616 : i32
        %lt3A_618 = arith.constant 0 : i32
        %lt3A_619 = arith.cmpi slt, %select_n3A_612, %lt3A_618 : i32
        %ne3A_620 = arith.xori %lt3A_617, %lt3A_619 : i1
        %and3A_621 = arith.andi %ne3A_620, %ne3A_615 : i1
        %add3A_622 = arith.addi %rem3A_613, %select_n3A_612 : i32
        %select_n3A_623 = arith.select %and3A_621, %add3A_622, %rem3A_613 : i32
        %dma_start3A = tpu.memref_slice %arg7[%select_n3A_623] : memref<64x!tpu.dma_semaphore, #tpu.memory_space<semaphore_mem>> -> memref<1x!tpu.dma_semaphore, #tpu.memory_space<semaphore_mem>>
        %dma_start3A_624 = tpu.memref_squeeze %dma_start3A : memref<1x!tpu.dma_semaphore, #tpu.memory_space<semaphore_mem>> -> memref<!tpu.dma_semaphore, #tpu.memory_space<semaphore_mem>>
        %dma_start3A_625 = arith.constant 0 : i32
        %dma_start3A_626 = arith.constant 0 : i32
        %dma_start3A_627 = arith.constant 0 : i32
        %dma_start3A_628 = tpu.memref_slice %arg6[%select_n3A_607, %dma_start3A_625, %dma_start3A_626, %dma_start3A_627] : memref<64x2x40x512xf32, #tpu.memory_space<vmem>> -> memref<1x2x40x512xf32, #tpu.memory_space<vmem>>
        %dma_start3A_629 = tpu.memref_squeeze %dma_start3A_628 : memref<1x2x40x512xf32, #tpu.memory_space<vmem>> -> memref<2x40x512xf32, #tpu.memory_space<vmem>>
        %dma_start3A_630 = arith.constant 0 : i32
        %dma_start3A_631 = arith.constant 0 : i32
        %dma_start3A_632 = arith.constant 0 : i32
        %dma_start3A_633 = tpu.memref_slice %arg2[%get3A_547, %dma_start3A_630, %dma_start3A_631, %dma_start3A_632] : memref<512x2x40x512xf32, #tpu.memory_space<hbm>> -> memref<1x2x40x512xf32, #tpu.memory_space<hbm>>
        %dma_start3A_634 = tpu.memref_squeeze %dma_start3A_633 : memref<1x2x40x512xf32, #tpu.memory_space<hbm>> -> memref<2x40x512xf32, #tpu.memory_space<hbm>>
        tpu.enqueue_dma source(%dma_start3A_634 : memref<2x40x512xf32, #tpu.memory_space<hbm>>) target(%dma_start3A_629 : memref<2x40x512xf32, #tpu.memory_space<vmem>>) target_semaphore(%dma_start3A_624 : memref<!tpu.dma_semaphore, #tpu.memory_space<semaphore_mem>>)
        %add3A_635 = arith.constant 1 : i32
        %add3A_636 = arith.addi %get3A_596, %add3A_635 : i32
        %swap3A_637 = arith.constant 0 : index
        %swap3A_638 = memref.load %arg5[%swap3A_637] : memref<2xi32, #tpu.memory_space<smem>>
        memref.store %add3A_636, %arg5[%swap3A_637] : memref<2xi32, #tpu.memory_space<smem>>
      } else {
      }
      %get3A_553 = arith.constant 26 : index
      %get3A_554 = memref.load %arg1[%get3A_553] : memref<1024xi32, #tpu.memory_space<smem>>
      %ge3A_555 = arith.constant 0 : i32
      %ge3A_556 = arith.cmpi sge, %get3A_554, %ge3A_555 : i32
      %convert_element_type3A_557 = arith.extui %ge3A_556 : i1 to i32
      %cond3A_558 = arith.constant 0 : i32
      %cond3A_559 = arith.cmpi ne, %convert_element_type3A_557, %cond3A_558 : i32
      scf.if %cond3A_559 {
        %get3A_595 = arith.constant 0 : index
        %get3A_596 = memref.load %arg5[%get3A_595] : memref<2xi32, #tpu.memory_space<smem>>
        %jit3A = arith.constant 64 : i32
        %eq3A_597 = arith.constant 0 : i32
        %eq3A_598 = arith.cmpi eq, %jit3A, %eq3A_597 : i32
        %jit3A_599 = arith.constant 1 : i32
        %select_n3A = arith.select %eq3A_598, %jit3A_599, %jit3A : i32
        %rem3A = arith.remsi %get3A_596, %select_n3A : i32
        %ne3A = arith.constant 0 : i32
        %ne3A_600 = arith.cmpi ne, %rem3A, %ne3A : i32
        %lt3A_601 = arith.constant 0 : i32
        %lt3A_602 = arith.cmpi slt, %rem3A, %lt3A_601 : i32
        %lt3A_603 = arith.constant 0 : i32
        %lt3A_604 = arith.cmpi slt, %select_n3A, %lt3A_603 : i32
        %ne3A_605 = arith.xori %lt3A_602, %lt3A_604 : i1
        %and3A = arith.andi %ne3A_605, %ne3A_600 : i1
        %add3A_606 = arith.addi %rem3A, %select_n3A : i32
        %select_n3A_607 = arith.select %and3A, %add3A_606, %rem3A : i32
        %jit3A_608 = arith.constant 64 : i32
        %eq3A_609 = arith.constant 0 : i32
        %eq3A_610 = arith.cmpi eq, %jit3A_608, %eq3A_609 : i32
        %jit3A_611 = arith.constant 1 : i32
        %select_n3A_612 = arith.select %eq3A_610, %jit3A_611, %jit3A_608 : i32
        %rem3A_613 = arith.remsi %get3A_596, %select_n3A_612 : i32
        %ne3A_614 = arith.constant 0 : i32
        %ne3A_615 = arith.cmpi ne, %rem3A_613, %ne3A_614 : i32
        %lt3A_616 = arith.constant 0 : i32
        %lt3A_617 = arith.cmpi slt, %rem3A_613, %lt3A_616 : i32
        %lt3A_618 = arith.constant 0 : i32
        %lt3A_619 = arith.cmpi slt, %select_n3A_612, %lt3A_618 : i32
        %ne3A_620 = arith.xori %lt3A_617, %lt3A_619 : i1
        %and3A_621 = arith.andi %ne3A_620, %ne3A_615 : i1
        %add3A_622 = arith.addi %rem3A_613, %select_n3A_612 : i32
        %select_n3A_623 = arith.select %and3A_621, %add3A_622, %rem3A_613 : i32
        %dma_start3A = tpu.memref_slice %arg7[%select_n3A_623] : memref<64x!tpu.dma_semaphore, #tpu.memory_space<semaphore_mem>> -> memref<1x!tpu.dma_semaphore, #tpu.memory_space<semaphore_mem>>
        %dma_start3A_624 = tpu.memref_squeeze %dma_start3A : memref<1x!tpu.dma_semaphore, #tpu.memory_space<semaphore_mem>> -> memref<!tpu.dma_semaphore, #tpu.memory_space<semaphore_mem>>
        %dma_start3A_625 = arith.constant 0 : i32
        %dma_start3A_626 = arith.constant 0 : i32
        %dma_start3A_627 = arith.constant 0 : i32
        %dma_start3A_628 = tpu.memref_slice %arg6[%select_n3A_607, %dma_start3A_625, %dma_start3A_626, %dma_start3A_627] : memref<64x2x40x512xf32, #tpu.memory_space<vmem>> -> memref<1x2x40x512xf32, #tpu.memory_space<vmem>>
        %dma_start3A_629 = tpu.memref_squeeze %dma_start3A_628 : memref<1x2x40x512xf32, #tpu.memory_space<vmem>> -> memref<2x40x512xf32, #tpu.memory_space<vmem>>
        %dma_start3A_630 = arith.constant 0 : i32
        %dma_start3A_631 = arith.constant 0 : i32
        %dma_start3A_632 = arith.constant 0 : i32
        %dma_start3A_633 = tpu.memref_slice %arg2[%get3A_554, %dma_start3A_630, %dma_start3A_631, %dma_start3A_632] : memref<512x2x40x512xf32, #tpu.memory_space<hbm>> -> memref<1x2x40x512xf32, #tpu.memory_space<hbm>>
        %dma_start3A_634 = tpu.memref_squeeze %dma_start3A_633 : memref<1x2x40x512xf32, #tpu.memory_space<hbm>> -> memref<2x40x512xf32, #tpu.memory_space<hbm>>
        tpu.enqueue_dma source(%dma_start3A_634 : memref<2x40x512xf32, #tpu.memory_space<hbm>>) target(%dma_start3A_629 : memref<2x40x512xf32, #tpu.memory_space<vmem>>) target_semaphore(%dma_start3A_624 : memref<!tpu.dma_semaphore, #tpu.memory_space<semaphore_mem>>)
        %add3A_635 = arith.constant 1 : i32
        %add3A_636 = arith.addi %get3A_596, %add3A_635 : i32
        %swap3A_637 = arith.constant 0 : index
        %swap3A_638 = memref.load %arg5[%swap3A_637] : memref<2xi32, #tpu.memory_space<smem>>
        memref.store %add3A_636, %arg5[%swap3A_637] : memref<2xi32, #tpu.memory_space<smem>>
      } else {
      }
      %get3A_560 = arith.constant 27 : index
      %get3A_561 = memref.load %arg1[%get3A_560] : memref<1024xi32, #tpu.memory_space<smem>>
      %ge3A_562 = arith.constant 0 : i32
      %ge3A_563 = arith.cmpi sge, %get3A_561, %ge3A_562 : i32
      %convert_element_type3A_564 = arith.extui %ge3A_563 : i1 to i32
      %cond3A_565 = arith.constant 0 : i32
      %cond3A_566 = arith.cmpi ne, %convert_element_type3A_564, %cond3A_565 : i32
      scf.if %cond3A_566 {
        %get3A_595 = arith.constant 0 : index
        %get3A_596 = memref.load %arg5[%get3A_595] : memref<2xi32, #tpu.memory_space<smem>>
        %jit3A = arith.constant 64 : i32
        %eq3A_597 = arith.constant 0 : i32
        %eq3A_598 = arith.cmpi eq, %jit3A, %eq3A_597 : i32
        %jit3A_599 = arith.constant 1 : i32
        %select_n3A = arith.select %eq3A_598, %jit3A_599, %jit3A : i32
        %rem3A = arith.remsi %get3A_596, %select_n3A : i32
        %ne3A = arith.constant 0 : i32
        %ne3A_600 = arith.cmpi ne, %rem3A, %ne3A : i32
        %lt3A_601 = arith.constant 0 : i32
        %lt3A_602 = arith.cmpi slt, %rem3A, %lt3A_601 : i32
        %lt3A_603 = arith.constant 0 : i32
        %lt3A_604 = arith.cmpi slt, %select_n3A, %lt3A_603 : i32
        %ne3A_605 = arith.xori %lt3A_602, %lt3A_604 : i1
        %and3A = arith.andi %ne3A_605, %ne3A_600 : i1
        %add3A_606 = arith.addi %rem3A, %select_n3A : i32
        %select_n3A_607 = arith.select %and3A, %add3A_606, %rem3A : i32
        %jit3A_608 = arith.constant 64 : i32
        %eq3A_609 = arith.constant 0 : i32
        %eq3A_610 = arith.cmpi eq, %jit3A_608, %eq3A_609 : i32
        %jit3A_611 = arith.constant 1 : i32
        %select_n3A_612 = arith.select %eq3A_610, %jit3A_611, %jit3A_608 : i32
        %rem3A_613 = arith.remsi %get3A_596, %select_n3A_612 : i32
        %ne3A_614 = arith.constant 0 : i32
        %ne3A_615 = arith.cmpi ne, %rem3A_613, %ne3A_614 : i32
        %lt3A_616 = arith.constant 0 : i32
        %lt3A_617 = arith.cmpi slt, %rem3A_613, %lt3A_616 : i32
        %lt3A_618 = arith.constant 0 : i32
        %lt3A_619 = arith.cmpi slt, %select_n3A_612, %lt3A_618 : i32
        %ne3A_620 = arith.xori %lt3A_617, %lt3A_619 : i1
        %and3A_621 = arith.andi %ne3A_620, %ne3A_615 : i1
        %add3A_622 = arith.addi %rem3A_613, %select_n3A_612 : i32
        %select_n3A_623 = arith.select %and3A_621, %add3A_622, %rem3A_613 : i32
        %dma_start3A = tpu.memref_slice %arg7[%select_n3A_623] : memref<64x!tpu.dma_semaphore, #tpu.memory_space<semaphore_mem>> -> memref<1x!tpu.dma_semaphore, #tpu.memory_space<semaphore_mem>>
        %dma_start3A_624 = tpu.memref_squeeze %dma_start3A : memref<1x!tpu.dma_semaphore, #tpu.memory_space<semaphore_mem>> -> memref<!tpu.dma_semaphore, #tpu.memory_space<semaphore_mem>>
        %dma_start3A_625 = arith.constant 0 : i32
        %dma_start3A_626 = arith.constant 0 : i32
        %dma_start3A_627 = arith.constant 0 : i32
        %dma_start3A_628 = tpu.memref_slice %arg6[%select_n3A_607, %dma_start3A_625, %dma_start3A_626, %dma_start3A_627] : memref<64x2x40x512xf32, #tpu.memory_space<vmem>> -> memref<1x2x40x512xf32, #tpu.memory_space<vmem>>
        %dma_start3A_629 = tpu.memref_squeeze %dma_start3A_628 : memref<1x2x40x512xf32, #tpu.memory_space<vmem>> -> memref<2x40x512xf32, #tpu.memory_space<vmem>>
        %dma_start3A_630 = arith.constant 0 : i32
        %dma_start3A_631 = arith.constant 0 : i32
        %dma_start3A_632 = arith.constant 0 : i32
        %dma_start3A_633 = tpu.memref_slice %arg2[%get3A_561, %dma_start3A_630, %dma_start3A_631, %dma_start3A_632] : memref<512x2x40x512xf32, #tpu.memory_space<hbm>> -> memref<1x2x40x512xf32, #tpu.memory_space<hbm>>
        %dma_start3A_634 = tpu.memref_squeeze %dma_start3A_633 : memref<1x2x40x512xf32, #tpu.memory_space<hbm>> -> memref<2x40x512xf32, #tpu.memory_space<hbm>>
        tpu.enqueue_dma source(%dma_start3A_634 : memref<2x40x512xf32, #tpu.memory_space<hbm>>) target(%dma_start3A_629 : memref<2x40x512xf32, #tpu.memory_space<vmem>>) target_semaphore(%dma_start3A_624 : memref<!tpu.dma_semaphore, #tpu.memory_space<semaphore_mem>>)
        %add3A_635 = arith.constant 1 : i32
        %add3A_636 = arith.addi %get3A_596, %add3A_635 : i32
        %swap3A_637 = arith.constant 0 : index
        %swap3A_638 = memref.load %arg5[%swap3A_637] : memref<2xi32, #tpu.memory_space<smem>>
        memref.store %add3A_636, %arg5[%swap3A_637] : memref<2xi32, #tpu.memory_space<smem>>
      } else {
      }
      %get3A_567 = arith.constant 28 : index
      %get3A_568 = memref.load %arg1[%get3A_567] : memref<1024xi32, #tpu.memory_space<smem>>
      %ge3A_569 = arith.constant 0 : i32
      %ge3A_570 = arith.cmpi sge, %get3A_568, %ge3A_569 : i32
      %convert_element_type3A_571 = arith.extui %ge3A_570 : i1 to i32
      %cond3A_572 = arith.constant 0 : i32
      %cond3A_573 = arith.cmpi ne, %convert_element_type3A_571, %cond3A_572 : i32
      scf.if %cond3A_573 {
        %get3A_595 = arith.constant 0 : index
        %get3A_596 = memref.load %arg5[%get3A_595] : memref<2xi32, #tpu.memory_space<smem>>
        %jit3A = arith.constant 64 : i32
        %eq3A_597 = arith.constant 0 : i32
        %eq3A_598 = arith.cmpi eq, %jit3A, %eq3A_597 : i32
        %jit3A_599 = arith.constant 1 : i32
        %select_n3A = arith.select %eq3A_598, %jit3A_599, %jit3A : i32
        %rem3A = arith.remsi %get3A_596, %select_n3A : i32
        %ne3A = arith.constant 0 : i32
        %ne3A_600 = arith.cmpi ne, %rem3A, %ne3A : i32
        %lt3A_601 = arith.constant 0 : i32
        %lt3A_602 = arith.cmpi slt, %rem3A, %lt3A_601 : i32
        %lt3A_603 = arith.constant 0 : i32
        %lt3A_604 = arith.cmpi slt, %select_n3A, %lt3A_603 : i32
        %ne3A_605 = arith.xori %lt3A_602, %lt3A_604 : i1
        %and3A = arith.andi %ne3A_605, %ne3A_600 : i1
        %add3A_606 = arith.addi %rem3A, %select_n3A : i32
        %select_n3A_607 = arith.select %and3A, %add3A_606, %rem3A : i32
        %jit3A_608 = arith.constant 64 : i32
        %eq3A_609 = arith.constant 0 : i32
        %eq3A_610 = arith.cmpi eq, %jit3A_608, %eq3A_609 : i32
        %jit3A_611 = arith.constant 1 : i32
        %select_n3A_612 = arith.select %eq3A_610, %jit3A_611, %jit3A_608 : i32
        %rem3A_613 = arith.remsi %get3A_596, %select_n3A_612 : i32
        %ne3A_614 = arith.constant 0 : i32
        %ne3A_615 = arith.cmpi ne, %rem3A_613, %ne3A_614 : i32
        %lt3A_616 = arith.constant 0 : i32
        %lt3A_617 = arith.cmpi slt, %rem3A_613, %lt3A_616 : i32
        %lt3A_618 = arith.constant 0 : i32
        %lt3A_619 = arith.cmpi slt, %select_n3A_612, %lt3A_618 : i32
        %ne3A_620 = arith.xori %lt3A_617, %lt3A_619 : i1
        %and3A_621 = arith.andi %ne3A_620, %ne3A_615 : i1
        %add3A_622 = arith.addi %rem3A_613, %select_n3A_612 : i32
        %select_n3A_623 = arith.select %and3A_621, %add3A_622, %rem3A_613 : i32
        %dma_start3A = tpu.memref_slice %arg7[%select_n3A_623] : memref<64x!tpu.dma_semaphore, #tpu.memory_space<semaphore_mem>> -> memref<1x!tpu.dma_semaphore, #tpu.memory_space<semaphore_mem>>
        %dma_start3A_624 = tpu.memref_squeeze %dma_start3A : memref<1x!tpu.dma_semaphore, #tpu.memory_space<semaphore_mem>> -> memref<!tpu.dma_semaphore, #tpu.memory_space<semaphore_mem>>
        %dma_start3A_625 = arith.constant 0 : i32
        %dma_start3A_626 = arith.constant 0 : i32
        %dma_start3A_627 = arith.constant 0 : i32
        %dma_start3A_628 = tpu.memref_slice %arg6[%select_n3A_607, %dma_start3A_625, %dma_start3A_626, %dma_start3A_627] : memref<64x2x40x512xf32, #tpu.memory_space<vmem>> -> memref<1x2x40x512xf32, #tpu.memory_space<vmem>>
        %dma_start3A_629 = tpu.memref_squeeze %dma_start3A_628 : memref<1x2x40x512xf32, #tpu.memory_space<vmem>> -> memref<2x40x512xf32, #tpu.memory_space<vmem>>
        %dma_start3A_630 = arith.constant 0 : i32
        %dma_start3A_631 = arith.constant 0 : i32
        %dma_start3A_632 = arith.constant 0 : i32
        %dma_start3A_633 = tpu.memref_slice %arg2[%get3A_568, %dma_start3A_630, %dma_start3A_631, %dma_start3A_632] : memref<512x2x40x512xf32, #tpu.memory_space<hbm>> -> memref<1x2x40x512xf32, #tpu.memory_space<hbm>>
        %dma_start3A_634 = tpu.memref_squeeze %dma_start3A_633 : memref<1x2x40x512xf32, #tpu.memory_space<hbm>> -> memref<2x40x512xf32, #tpu.memory_space<hbm>>
        tpu.enqueue_dma source(%dma_start3A_634 : memref<2x40x512xf32, #tpu.memory_space<hbm>>) target(%dma_start3A_629 : memref<2x40x512xf32, #tpu.memory_space<vmem>>) target_semaphore(%dma_start3A_624 : memref<!tpu.dma_semaphore, #tpu.memory_space<semaphore_mem>>)
        %add3A_635 = arith.constant 1 : i32
        %add3A_636 = arith.addi %get3A_596, %add3A_635 : i32
        %swap3A_637 = arith.constant 0 : index
        %swap3A_638 = memref.load %arg5[%swap3A_637] : memref<2xi32, #tpu.memory_space<smem>>
        memref.store %add3A_636, %arg5[%swap3A_637] : memref<2xi32, #tpu.memory_space<smem>>
      } else {
      }
      %get3A_574 = arith.constant 29 : index
      %get3A_575 = memref.load %arg1[%get3A_574] : memref<1024xi32, #tpu.memory_space<smem>>
      %ge3A_576 = arith.constant 0 : i32
      %ge3A_577 = arith.cmpi sge, %get3A_575, %ge3A_576 : i32
      %convert_element_type3A_578 = arith.extui %ge3A_577 : i1 to i32
      %cond3A_579 = arith.constant 0 : i32
      %cond3A_580 = arith.cmpi ne, %convert_element_type3A_578, %cond3A_579 : i32
      scf.if %cond3A_580 {
        %get3A_595 = arith.constant 0 : index
        %get3A_596 = memref.load %arg5[%get3A_595] : memref<2xi32, #tpu.memory_space<smem>>
        %jit3A = arith.constant 64 : i32
        %eq3A_597 = arith.constant 0 : i32
        %eq3A_598 = arith.cmpi eq, %jit3A, %eq3A_597 : i32
        %jit3A_599 = arith.constant 1 : i32
        %select_n3A = arith.select %eq3A_598, %jit3A_599, %jit3A : i32
        %rem3A = arith.remsi %get3A_596, %select_n3A : i32
        %ne3A = arith.constant 0 : i32
        %ne3A_600 = arith.cmpi ne, %rem3A, %ne3A : i32
        %lt3A_601 = arith.constant 0 : i32
        %lt3A_602 = arith.cmpi slt, %rem3A, %lt3A_601 : i32
        %lt3A_603 = arith.constant 0 : i32
        %lt3A_604 = arith.cmpi slt, %select_n3A, %lt3A_603 : i32
        %ne3A_605 = arith.xori %lt3A_602, %lt3A_604 : i1
        %and3A = arith.andi %ne3A_605, %ne3A_600 : i1
        %add3A_606 = arith.addi %rem3A, %select_n3A : i32
        %select_n3A_607 = arith.select %and3A, %add3A_606, %rem3A : i32
        %jit3A_608 = arith.constant 64 : i32
        %eq3A_609 = arith.constant 0 : i32
        %eq3A_610 = arith.cmpi eq, %jit3A_608, %eq3A_609 : i32
        %jit3A_611 = arith.constant 1 : i32
        %select_n3A_612 = arith.select %eq3A_610, %jit3A_611, %jit3A_608 : i32
        %rem3A_613 = arith.remsi %get3A_596, %select_n3A_612 : i32
        %ne3A_614 = arith.constant 0 : i32
        %ne3A_615 = arith.cmpi ne, %rem3A_613, %ne3A_614 : i32
        %lt3A_616 = arith.constant 0 : i32
        %lt3A_617 = arith.cmpi slt, %rem3A_613, %lt3A_616 : i32
        %lt3A_618 = arith.constant 0 : i32
        %lt3A_619 = arith.cmpi slt, %select_n3A_612, %lt3A_618 : i32
        %ne3A_620 = arith.xori %lt3A_617, %lt3A_619 : i1
        %and3A_621 = arith.andi %ne3A_620, %ne3A_615 : i1
        %add3A_622 = arith.addi %rem3A_613, %select_n3A_612 : i32
        %select_n3A_623 = arith.select %and3A_621, %add3A_622, %rem3A_613 : i32
        %dma_start3A = tpu.memref_slice %arg7[%select_n3A_623] : memref<64x!tpu.dma_semaphore, #tpu.memory_space<semaphore_mem>> -> memref<1x!tpu.dma_semaphore, #tpu.memory_space<semaphore_mem>>
        %dma_start3A_624 = tpu.memref_squeeze %dma_start3A : memref<1x!tpu.dma_semaphore, #tpu.memory_space<semaphore_mem>> -> memref<!tpu.dma_semaphore, #tpu.memory_space<semaphore_mem>>
        %dma_start3A_625 = arith.constant 0 : i32
        %dma_start3A_626 = arith.constant 0 : i32
        %dma_start3A_627 = arith.constant 0 : i32
        %dma_start3A_628 = tpu.memref_slice %arg6[%select_n3A_607, %dma_start3A_625, %dma_start3A_626, %dma_start3A_627] : memref<64x2x40x512xf32, #tpu.memory_space<vmem>> -> memref<1x2x40x512xf32, #tpu.memory_space<vmem>>
        %dma_start3A_629 = tpu.memref_squeeze %dma_start3A_628 : memref<1x2x40x512xf32, #tpu.memory_space<vmem>> -> memref<2x40x512xf32, #tpu.memory_space<vmem>>
        %dma_start3A_630 = arith.constant 0 : i32
        %dma_start3A_631 = arith.constant 0 : i32
        %dma_start3A_632 = arith.constant 0 : i32
        %dma_start3A_633 = tpu.memref_slice %arg2[%get3A_575, %dma_start3A_630, %dma_start3A_631, %dma_start3A_632] : memref<512x2x40x512xf32, #tpu.memory_space<hbm>> -> memref<1x2x40x512xf32, #tpu.memory_space<hbm>>
        %dma_start3A_634 = tpu.memref_squeeze %dma_start3A_633 : memref<1x2x40x512xf32, #tpu.memory_space<hbm>> -> memref<2x40x512xf32, #tpu.memory_space<hbm>>
        tpu.enqueue_dma source(%dma_start3A_634 : memref<2x40x512xf32, #tpu.memory_space<hbm>>) target(%dma_start3A_629 : memref<2x40x512xf32, #tpu.memory_space<vmem>>) target_semaphore(%dma_start3A_624 : memref<!tpu.dma_semaphore, #tpu.memory_space<semaphore_mem>>)
        %add3A_635 = arith.constant 1 : i32
        %add3A_636 = arith.addi %get3A_596, %add3A_635 : i32
        %swap3A_637 = arith.constant 0 : index
        %swap3A_638 = memref.load %arg5[%swap3A_637] : memref<2xi32, #tpu.memory_space<smem>>
        memref.store %add3A_636, %arg5[%swap3A_637] : memref<2xi32, #tpu.memory_space<smem>>
      } else {
      }
      %get3A_581 = arith.constant 30 : index
      %get3A_582 = memref.load %arg1[%get3A_581] : memref<1024xi32, #tpu.memory_space<smem>>
      %ge3A_583 = arith.constant 0 : i32
      %ge3A_584 = arith.cmpi sge, %get3A_582, %ge3A_583 : i32
      %convert_element_type3A_585 = arith.extui %ge3A_584 : i1 to i32
      %cond3A_586 = arith.constant 0 : i32
      %cond3A_587 = arith.cmpi ne, %convert_element_type3A_585, %cond3A_586 : i32
      scf.if %cond3A_587 {
        %get3A_595 = arith.constant 0 : index
        %get3A_596 = memref.load %arg5[%get3A_595] : memref<2xi32, #tpu.memory_space<smem>>
        %jit3A = arith.constant 64 : i32
        %eq3A_597 = arith.constant 0 : i32
        %eq3A_598 = arith.cmpi eq, %jit3A, %eq3A_597 : i32
        %jit3A_599 = arith.constant 1 : i32
        %select_n3A = arith.select %eq3A_598, %jit3A_599, %jit3A : i32
        %rem3A = arith.remsi %get3A_596, %select_n3A : i32
        %ne3A = arith.constant 0 : i32
        %ne3A_600 = arith.cmpi ne, %rem3A, %ne3A : i32
        %lt3A_601 = arith.constant 0 : i32
        %lt3A_602 = arith.cmpi slt, %rem3A, %lt3A_601 : i32
        %lt3A_603 = arith.constant 0 : i32
        %lt3A_604 = arith.cmpi slt, %select_n3A, %lt3A_603 : i32
        %ne3A_605 = arith.xori %lt3A_602, %lt3A_604 : i1
        %and3A = arith.andi %ne3A_605, %ne3A_600 : i1
        %add3A_606 = arith.addi %rem3A, %select_n3A : i32
        %select_n3A_607 = arith.select %and3A, %add3A_606, %rem3A : i32
        %jit3A_608 = arith.constant 64 : i32
        %eq3A_609 = arith.constant 0 : i32
        %eq3A_610 = arith.cmpi eq, %jit3A_608, %eq3A_609 : i32
        %jit3A_611 = arith.constant 1 : i32
        %select_n3A_612 = arith.select %eq3A_610, %jit3A_611, %jit3A_608 : i32
        %rem3A_613 = arith.remsi %get3A_596, %select_n3A_612 : i32
        %ne3A_614 = arith.constant 0 : i32
        %ne3A_615 = arith.cmpi ne, %rem3A_613, %ne3A_614 : i32
        %lt3A_616 = arith.constant 0 : i32
        %lt3A_617 = arith.cmpi slt, %rem3A_613, %lt3A_616 : i32
        %lt3A_618 = arith.constant 0 : i32
        %lt3A_619 = arith.cmpi slt, %select_n3A_612, %lt3A_618 : i32
        %ne3A_620 = arith.xori %lt3A_617, %lt3A_619 : i1
        %and3A_621 = arith.andi %ne3A_620, %ne3A_615 : i1
        %add3A_622 = arith.addi %rem3A_613, %select_n3A_612 : i32
        %select_n3A_623 = arith.select %and3A_621, %add3A_622, %rem3A_613 : i32
        %dma_start3A = tpu.memref_slice %arg7[%select_n3A_623] : memref<64x!tpu.dma_semaphore, #tpu.memory_space<semaphore_mem>> -> memref<1x!tpu.dma_semaphore, #tpu.memory_space<semaphore_mem>>
        %dma_start3A_624 = tpu.memref_squeeze %dma_start3A : memref<1x!tpu.dma_semaphore, #tpu.memory_space<semaphore_mem>> -> memref<!tpu.dma_semaphore, #tpu.memory_space<semaphore_mem>>
        %dma_start3A_625 = arith.constant 0 : i32
        %dma_start3A_626 = arith.constant 0 : i32
        %dma_start3A_627 = arith.constant 0 : i32
        %dma_start3A_628 = tpu.memref_slice %arg6[%select_n3A_607, %dma_start3A_625, %dma_start3A_626, %dma_start3A_627] : memref<64x2x40x512xf32, #tpu.memory_space<vmem>> -> memref<1x2x40x512xf32, #tpu.memory_space<vmem>>
        %dma_start3A_629 = tpu.memref_squeeze %dma_start3A_628 : memref<1x2x40x512xf32, #tpu.memory_space<vmem>> -> memref<2x40x512xf32, #tpu.memory_space<vmem>>
        %dma_start3A_630 = arith.constant 0 : i32
        %dma_start3A_631 = arith.constant 0 : i32
        %dma_start3A_632 = arith.constant 0 : i32
        %dma_start3A_633 = tpu.memref_slice %arg2[%get3A_582, %dma_start3A_630, %dma_start3A_631, %dma_start3A_632] : memref<512x2x40x512xf32, #tpu.memory_space<hbm>> -> memref<1x2x40x512xf32, #tpu.memory_space<hbm>>
        %dma_start3A_634 = tpu.memref_squeeze %dma_start3A_633 : memref<1x2x40x512xf32, #tpu.memory_space<hbm>> -> memref<2x40x512xf32, #tpu.memory_space<hbm>>
        tpu.enqueue_dma source(%dma_start3A_634 : memref<2x40x512xf32, #tpu.memory_space<hbm>>) target(%dma_start3A_629 : memref<2x40x512xf32, #tpu.memory_space<vmem>>) target_semaphore(%dma_start3A_624 : memref<!tpu.dma_semaphore, #tpu.memory_space<semaphore_mem>>)
        %add3A_635 = arith.constant 1 : i32
        %add3A_636 = arith.addi %get3A_596, %add3A_635 : i32
        %swap3A_637 = arith.constant 0 : index
        %swap3A_638 = memref.load %arg5[%swap3A_637] : memref<2xi32, #tpu.memory_space<smem>>
        memref.store %add3A_636, %arg5[%swap3A_637] : memref<2xi32, #tpu.memory_space<smem>>
      } else {
      }
      %get3A_588 = arith.constant 31 : index
      %get3A_589 = memref.load %arg1[%get3A_588] : memref<1024xi32, #tpu.memory_space<smem>>
      %ge3A_590 = arith.constant 0 : i32
      %ge3A_591 = arith.cmpi sge, %get3A_589, %ge3A_590 : i32
      %convert_element_type3A_592 = arith.extui %ge3A_591 : i1 to i32
      %cond3A_593 = arith.constant 0 : i32
      %cond3A_594 = arith.cmpi ne, %convert_element_type3A_592, %cond3A_593 : i32
      scf.if %cond3A_594 {
        %get3A_595 = arith.constant 0 : index
        %get3A_596 = memref.load %arg5[%get3A_595] : memref<2xi32, #tpu.memory_space<smem>>
        %jit3A = arith.constant 64 : i32
        %eq3A_597 = arith.constant 0 : i32
        %eq3A_598 = arith.cmpi eq, %jit3A, %eq3A_597 : i32
        %jit3A_599 = arith.constant 1 : i32
        %select_n3A = arith.select %eq3A_598, %jit3A_599, %jit3A : i32
        %rem3A = arith.remsi %get3A_596, %select_n3A : i32
        %ne3A = arith.constant 0 : i32
        %ne3A_600 = arith.cmpi ne, %rem3A, %ne3A : i32
        %lt3A_601 = arith.constant 0 : i32
        %lt3A_602 = arith.cmpi slt, %rem3A, %lt3A_601 : i32
        %lt3A_603 = arith.constant 0 : i32
        %lt3A_604 = arith.cmpi slt, %select_n3A, %lt3A_603 : i32
        %ne3A_605 = arith.xori %lt3A_602, %lt3A_604 : i1
        %and3A = arith.andi %ne3A_605, %ne3A_600 : i1
        %add3A_606 = arith.addi %rem3A, %select_n3A : i32
        %select_n3A_607 = arith.select %and3A, %add3A_606, %rem3A : i32
        %jit3A_608 = arith.constant 64 : i32
        %eq3A_609 = arith.constant 0 : i32
        %eq3A_610 = arith.cmpi eq, %jit3A_608, %eq3A_609 : i32
        %jit3A_611 = arith.constant 1 : i32
        %select_n3A_612 = arith.select %eq3A_610, %jit3A_611, %jit3A_608 : i32
        %rem3A_613 = arith.remsi %get3A_596, %select_n3A_612 : i32
        %ne3A_614 = arith.constant 0 : i32
        %ne3A_615 = arith.cmpi ne, %rem3A_613, %ne3A_614 : i32
        %lt3A_616 = arith.constant 0 : i32
        %lt3A_617 = arith.cmpi slt, %rem3A_613, %lt3A_616 : i32
        %lt3A_618 = arith.constant 0 : i32
        %lt3A_619 = arith.cmpi slt, %select_n3A_612, %lt3A_618 : i32
        %ne3A_620 = arith.xori %lt3A_617, %lt3A_619 : i1
        %and3A_621 = arith.andi %ne3A_620, %ne3A_615 : i1
        %add3A_622 = arith.addi %rem3A_613, %select_n3A_612 : i32
        %select_n3A_623 = arith.select %and3A_621, %add3A_622, %rem3A_613 : i32
        %dma_start3A = tpu.memref_slice %arg7[%select_n3A_623] : memref<64x!tpu.dma_semaphore, #tpu.memory_space<semaphore_mem>> -> memref<1x!tpu.dma_semaphore, #tpu.memory_space<semaphore_mem>>
        %dma_start3A_624 = tpu.memref_squeeze %dma_start3A : memref<1x!tpu.dma_semaphore, #tpu.memory_space<semaphore_mem>> -> memref<!tpu.dma_semaphore, #tpu.memory_space<semaphore_mem>>
        %dma_start3A_625 = arith.constant 0 : i32
        %dma_start3A_626 = arith.constant 0 : i32
        %dma_start3A_627 = arith.constant 0 : i32
        %dma_start3A_628 = tpu.memref_slice %arg6[%select_n3A_607, %dma_start3A_625, %dma_start3A_626, %dma_start3A_627] : memref<64x2x40x512xf32, #tpu.memory_space<vmem>> -> memref<1x2x40x512xf32, #tpu.memory_space<vmem>>
        %dma_start3A_629 = tpu.memref_squeeze %dma_start3A_628 : memref<1x2x40x512xf32, #tpu.memory_space<vmem>> -> memref<2x40x512xf32, #tpu.memory_space<vmem>>
        %dma_start3A_630 = arith.constant 0 : i32
        %dma_start3A_631 = arith.constant 0 : i32
        %dma_start3A_632 = arith.constant 0 : i32
        %dma_start3A_633 = tpu.memref_slice %arg2[%get3A_589, %dma_start3A_630, %dma_start3A_631, %dma_start3A_632] : memref<512x2x40x512xf32, #tpu.memory_space<hbm>> -> memref<1x2x40x512xf32, #tpu.memory_space<hbm>>
        %dma_start3A_634 = tpu.memref_squeeze %dma_start3A_633 : memref<1x2x40x512xf32, #tpu.memory_space<hbm>> -> memref<2x40x512xf32, #tpu.memory_space<hbm>>
        tpu.enqueue_dma source(%dma_start3A_634 : memref<2x40x512xf32, #tpu.memory_space<hbm>>) target(%dma_start3A_629 : memref<2x40x512xf32, #tpu.memory_space<vmem>>) target_semaphore(%dma_start3A_624 : memref<!tpu.dma_semaphore, #tpu.memory_space<semaphore_mem>>)
        %add3A_635 = arith.constant 1 : i32
        %add3A_636 = arith.addi %get3A_596, %add3A_635 : i32
        %swap3A_637 = arith.constant 0 : index
        %swap3A_638 = memref.load %arg5[%swap3A_637] : memref<2xi32, #tpu.memory_space<smem>>
        memref.store %add3A_636, %arg5[%swap3A_637] : memref<2xi32, #tpu.memory_space<smem>>
      } else {
      }
    } else {
    }
    %add3A = arith.constant 1 : i32
    %add3A_2 = arith.addi %arg0, %add3A : i32
    %lt3A = arith.constant 32 : i32
    %lt3A_3 = arith.cmpi slt, %add3A_2, %lt3A : i32
    %convert_element_type3A_4 = arith.extui %lt3A_3 : i1 to i32
    %cond3A_5 = arith.constant 0 : i32
    %cond3A_6 = arith.cmpi ne, %convert_element_type3A_4, %cond3A_5 : i32
    scf.if %cond3A_6 {
      %add3A_365 = arith.constant 1 : i32
      %add3A_366 = arith.addi %arg0, %add3A_365 : i32
      %mul3A_367 = arith.constant 32 : i32
      %mul3A_368 = arith.muli %add3A_366, %mul3A_367 : i32
      %add3A_369 = arith.constant 0 : i32
      %add3A_370 = arith.addi %mul3A_368, %add3A_369 : i32
      %get3A_371 = arith.index_cast %add3A_370 : i32 to index
      %get3A_372 = memref.load %arg1[%get3A_371] : memref<1024xi32, #tpu.memory_space<smem>>
      %ge3A_373 = arith.constant 0 : i32
      %ge3A_374 = arith.cmpi sge, %get3A_372, %ge3A_373 : i32
      %convert_element_type3A_375 = arith.extui %ge3A_374 : i1 to i32
      %cond3A_376 = arith.constant 0 : i32
      %cond3A_377 = arith.cmpi ne, %convert_element_type3A_375, %cond3A_376 : i32
      scf.if %cond3A_377 {
        %get3A_719 = arith.constant 0 : index
        %get3A_720 = memref.load %arg5[%get3A_719] : memref<2xi32, #tpu.memory_space<smem>>
        %jit3A = arith.constant 64 : i32
        %eq3A_721 = arith.constant 0 : i32
        %eq3A_722 = arith.cmpi eq, %jit3A, %eq3A_721 : i32
        %jit3A_723 = arith.constant 1 : i32
        %select_n3A = arith.select %eq3A_722, %jit3A_723, %jit3A : i32
        %rem3A = arith.remsi %get3A_720, %select_n3A : i32
        %ne3A = arith.constant 0 : i32
        %ne3A_724 = arith.cmpi ne, %rem3A, %ne3A : i32
        %lt3A_725 = arith.constant 0 : i32
        %lt3A_726 = arith.cmpi slt, %rem3A, %lt3A_725 : i32
        %lt3A_727 = arith.constant 0 : i32
        %lt3A_728 = arith.cmpi slt, %select_n3A, %lt3A_727 : i32
        %ne3A_729 = arith.xori %lt3A_726, %lt3A_728 : i1
        %and3A = arith.andi %ne3A_729, %ne3A_724 : i1
        %add3A_730 = arith.addi %rem3A, %select_n3A : i32
        %select_n3A_731 = arith.select %and3A, %add3A_730, %rem3A : i32
        %jit3A_732 = arith.constant 64 : i32
        %eq3A_733 = arith.constant 0 : i32
        %eq3A_734 = arith.cmpi eq, %jit3A_732, %eq3A_733 : i32
        %jit3A_735 = arith.constant 1 : i32
        %select_n3A_736 = arith.select %eq3A_734, %jit3A_735, %jit3A_732 : i32
        %rem3A_737 = arith.remsi %get3A_720, %select_n3A_736 : i32
        %ne3A_738 = arith.constant 0 : i32
        %ne3A_739 = arith.cmpi ne, %rem3A_737, %ne3A_738 : i32
        %lt3A_740 = arith.constant 0 : i32
        %lt3A_741 = arith.cmpi slt, %rem3A_737, %lt3A_740 : i32
        %lt3A_742 = arith.constant 0 : i32
        %lt3A_743 = arith.cmpi slt, %select_n3A_736, %lt3A_742 : i32
        %ne3A_744 = arith.xori %lt3A_741, %lt3A_743 : i1
        %and3A_745 = arith.andi %ne3A_744, %ne3A_739 : i1
        %add3A_746 = arith.addi %rem3A_737, %select_n3A_736 : i32
        %select_n3A_747 = arith.select %and3A_745, %add3A_746, %rem3A_737 : i32
        %dma_start3A = tpu.memref_slice %arg7[%select_n3A_747] : memref<64x!tpu.dma_semaphore, #tpu.memory_space<semaphore_mem>> -> memref<1x!tpu.dma_semaphore, #tpu.memory_space<semaphore_mem>>
        %dma_start3A_748 = tpu.memref_squeeze %dma_start3A : memref<1x!tpu.dma_semaphore, #tpu.memory_space<semaphore_mem>> -> memref<!tpu.dma_semaphore, #tpu.memory_space<semaphore_mem>>
        %dma_start3A_749 = arith.constant 0 : i32
        %dma_start3A_750 = arith.constant 0 : i32
        %dma_start3A_751 = arith.constant 0 : i32
        %dma_start3A_752 = tpu.memref_slice %arg6[%select_n3A_731, %dma_start3A_749, %dma_start3A_750, %dma_start3A_751] : memref<64x2x40x512xf32, #tpu.memory_space<vmem>> -> memref<1x2x40x512xf32, #tpu.memory_space<vmem>>
        %dma_start3A_753 = tpu.memref_squeeze %dma_start3A_752 : memref<1x2x40x512xf32, #tpu.memory_space<vmem>> -> memref<2x40x512xf32, #tpu.memory_space<vmem>>
        %dma_start3A_754 = arith.constant 0 : i32
        %dma_start3A_755 = arith.constant 0 : i32
        %dma_start3A_756 = arith.constant 0 : i32
        %dma_start3A_757 = tpu.memref_slice %arg2[%get3A_372, %dma_start3A_754, %dma_start3A_755, %dma_start3A_756] : memref<512x2x40x512xf32, #tpu.memory_space<hbm>> -> memref<1x2x40x512xf32, #tpu.memory_space<hbm>>
        %dma_start3A_758 = tpu.memref_squeeze %dma_start3A_757 : memref<1x2x40x512xf32, #tpu.memory_space<hbm>> -> memref<2x40x512xf32, #tpu.memory_space<hbm>>
        tpu.enqueue_dma source(%dma_start3A_758 : memref<2x40x512xf32, #tpu.memory_space<hbm>>) target(%dma_start3A_753 : memref<2x40x512xf32, #tpu.memory_space<vmem>>) target_semaphore(%dma_start3A_748 : memref<!tpu.dma_semaphore, #tpu.memory_space<semaphore_mem>>)
        %add3A_759 = arith.constant 1 : i32
        %add3A_760 = arith.addi %get3A_720, %add3A_759 : i32
        %swap3A_761 = arith.constant 0 : index
        %swap3A_762 = memref.load %arg5[%swap3A_761] : memref<2xi32, #tpu.memory_space<smem>>
        memref.store %add3A_760, %arg5[%swap3A_761] : memref<2xi32, #tpu.memory_space<smem>>
      } else {
      }
      %mul3A_378 = arith.constant 32 : i32
      %mul3A_379 = arith.muli %add3A_366, %mul3A_378 : i32
      %add3A_380 = arith.constant 1 : i32
      %add3A_381 = arith.addi %mul3A_379, %add3A_380 : i32
      %get3A_382 = arith.index_cast %add3A_381 : i32 to index
      %get3A_383 = memref.load %arg1[%get3A_382] : memref<1024xi32, #tpu.memory_space<smem>>
      %ge3A_384 = arith.constant 0 : i32
      %ge3A_385 = arith.cmpi sge, %get3A_383, %ge3A_384 : i32
      %convert_element_type3A_386 = arith.extui %ge3A_385 : i1 to i32
      %cond3A_387 = arith.constant 0 : i32
      %cond3A_388 = arith.cmpi ne, %convert_element_type3A_386, %cond3A_387 : i32
      scf.if %cond3A_388 {
        %get3A_719 = arith.constant 0 : index
        %get3A_720 = memref.load %arg5[%get3A_719] : memref<2xi32, #tpu.memory_space<smem>>
        %jit3A = arith.constant 64 : i32
        %eq3A_721 = arith.constant 0 : i32
        %eq3A_722 = arith.cmpi eq, %jit3A, %eq3A_721 : i32
        %jit3A_723 = arith.constant 1 : i32
        %select_n3A = arith.select %eq3A_722, %jit3A_723, %jit3A : i32
        %rem3A = arith.remsi %get3A_720, %select_n3A : i32
        %ne3A = arith.constant 0 : i32
        %ne3A_724 = arith.cmpi ne, %rem3A, %ne3A : i32
        %lt3A_725 = arith.constant 0 : i32
        %lt3A_726 = arith.cmpi slt, %rem3A, %lt3A_725 : i32
        %lt3A_727 = arith.constant 0 : i32
        %lt3A_728 = arith.cmpi slt, %select_n3A, %lt3A_727 : i32
        %ne3A_729 = arith.xori %lt3A_726, %lt3A_728 : i1
        %and3A = arith.andi %ne3A_729, %ne3A_724 : i1
        %add3A_730 = arith.addi %rem3A, %select_n3A : i32
        %select_n3A_731 = arith.select %and3A, %add3A_730, %rem3A : i32
        %jit3A_732 = arith.constant 64 : i32
        %eq3A_733 = arith.constant 0 : i32
        %eq3A_734 = arith.cmpi eq, %jit3A_732, %eq3A_733 : i32
        %jit3A_735 = arith.constant 1 : i32
        %select_n3A_736 = arith.select %eq3A_734, %jit3A_735, %jit3A_732 : i32
        %rem3A_737 = arith.remsi %get3A_720, %select_n3A_736 : i32
        %ne3A_738 = arith.constant 0 : i32
        %ne3A_739 = arith.cmpi ne, %rem3A_737, %ne3A_738 : i32
        %lt3A_740 = arith.constant 0 : i32
        %lt3A_741 = arith.cmpi slt, %rem3A_737, %lt3A_740 : i32
        %lt3A_742 = arith.constant 0 : i32
        %lt3A_743 = arith.cmpi slt, %select_n3A_736, %lt3A_742 : i32
        %ne3A_744 = arith.xori %lt3A_741, %lt3A_743 : i1
        %and3A_745 = arith.andi %ne3A_744, %ne3A_739 : i1
        %add3A_746 = arith.addi %rem3A_737, %select_n3A_736 : i32
        %select_n3A_747 = arith.select %and3A_745, %add3A_746, %rem3A_737 : i32
        %dma_start3A = tpu.memref_slice %arg7[%select_n3A_747] : memref<64x!tpu.dma_semaphore, #tpu.memory_space<semaphore_mem>> -> memref<1x!tpu.dma_semaphore, #tpu.memory_space<semaphore_mem>>
        %dma_start3A_748 = tpu.memref_squeeze %dma_start3A : memref<1x!tpu.dma_semaphore, #tpu.memory_space<semaphore_mem>> -> memref<!tpu.dma_semaphore, #tpu.memory_space<semaphore_mem>>
        %dma_start3A_749 = arith.constant 0 : i32
        %dma_start3A_750 = arith.constant 0 : i32
        %dma_start3A_751 = arith.constant 0 : i32
        %dma_start3A_752 = tpu.memref_slice %arg6[%select_n3A_731, %dma_start3A_749, %dma_start3A_750, %dma_start3A_751] : memref<64x2x40x512xf32, #tpu.memory_space<vmem>> -> memref<1x2x40x512xf32, #tpu.memory_space<vmem>>
        %dma_start3A_753 = tpu.memref_squeeze %dma_start3A_752 : memref<1x2x40x512xf32, #tpu.memory_space<vmem>> -> memref<2x40x512xf32, #tpu.memory_space<vmem>>
        %dma_start3A_754 = arith.constant 0 : i32
        %dma_start3A_755 = arith.constant 0 : i32
        %dma_start3A_756 = arith.constant 0 : i32
        %dma_start3A_757 = tpu.memref_slice %arg2[%get3A_383, %dma_start3A_754, %dma_start3A_755, %dma_start3A_756] : memref<512x2x40x512xf32, #tpu.memory_space<hbm>> -> memref<1x2x40x512xf32, #tpu.memory_space<hbm>>
        %dma_start3A_758 = tpu.memref_squeeze %dma_start3A_757 : memref<1x2x40x512xf32, #tpu.memory_space<hbm>> -> memref<2x40x512xf32, #tpu.memory_space<hbm>>
        tpu.enqueue_dma source(%dma_start3A_758 : memref<2x40x512xf32, #tpu.memory_space<hbm>>) target(%dma_start3A_753 : memref<2x40x512xf32, #tpu.memory_space<vmem>>) target_semaphore(%dma_start3A_748 : memref<!tpu.dma_semaphore, #tpu.memory_space<semaphore_mem>>)
        %add3A_759 = arith.constant 1 : i32
        %add3A_760 = arith.addi %get3A_720, %add3A_759 : i32
        %swap3A_761 = arith.constant 0 : index
        %swap3A_762 = memref.load %arg5[%swap3A_761] : memref<2xi32, #tpu.memory_space<smem>>
        memref.store %add3A_760, %arg5[%swap3A_761] : memref<2xi32, #tpu.memory_space<smem>>
      } else {
      }
      %mul3A_389 = arith.constant 32 : i32
      %mul3A_390 = arith.muli %add3A_366, %mul3A_389 : i32
      %add3A_391 = arith.constant 2 : i32
      %add3A_392 = arith.addi %mul3A_390, %add3A_391 : i32
      %get3A_393 = arith.index_cast %add3A_392 : i32 to index
      %get3A_394 = memref.load %arg1[%get3A_393] : memref<1024xi32, #tpu.memory_space<smem>>
      %ge3A_395 = arith.constant 0 : i32
      %ge3A_396 = arith.cmpi sge, %get3A_394, %ge3A_395 : i32
      %convert_element_type3A_397 = arith.extui %ge3A_396 : i1 to i32
      %cond3A_398 = arith.constant 0 : i32
      %cond3A_399 = arith.cmpi ne, %convert_element_type3A_397, %cond3A_398 : i32
      scf.if %cond3A_399 {
        %get3A_719 = arith.constant 0 : index
        %get3A_720 = memref.load %arg5[%get3A_719] : memref<2xi32, #tpu.memory_space<smem>>
        %jit3A = arith.constant 64 : i32
        %eq3A_721 = arith.constant 0 : i32
        %eq3A_722 = arith.cmpi eq, %jit3A, %eq3A_721 : i32
        %jit3A_723 = arith.constant 1 : i32
        %select_n3A = arith.select %eq3A_722, %jit3A_723, %jit3A : i32
        %rem3A = arith.remsi %get3A_720, %select_n3A : i32
        %ne3A = arith.constant 0 : i32
        %ne3A_724 = arith.cmpi ne, %rem3A, %ne3A : i32
        %lt3A_725 = arith.constant 0 : i32
        %lt3A_726 = arith.cmpi slt, %rem3A, %lt3A_725 : i32
        %lt3A_727 = arith.constant 0 : i32
        %lt3A_728 = arith.cmpi slt, %select_n3A, %lt3A_727 : i32
        %ne3A_729 = arith.xori %lt3A_726, %lt3A_728 : i1
        %and3A = arith.andi %ne3A_729, %ne3A_724 : i1
        %add3A_730 = arith.addi %rem3A, %select_n3A : i32
        %select_n3A_731 = arith.select %and3A, %add3A_730, %rem3A : i32
        %jit3A_732 = arith.constant 64 : i32
        %eq3A_733 = arith.constant 0 : i32
        %eq3A_734 = arith.cmpi eq, %jit3A_732, %eq3A_733 : i32
        %jit3A_735 = arith.constant 1 : i32
        %select_n3A_736 = arith.select %eq3A_734, %jit3A_735, %jit3A_732 : i32
        %rem3A_737 = arith.remsi %get3A_720, %select_n3A_736 : i32
        %ne3A_738 = arith.constant 0 : i32
        %ne3A_739 = arith.cmpi ne, %rem3A_737, %ne3A_738 : i32
        %lt3A_740 = arith.constant 0 : i32
        %lt3A_741 = arith.cmpi slt, %rem3A_737, %lt3A_740 : i32
        %lt3A_742 = arith.constant 0 : i32
        %lt3A_743 = arith.cmpi slt, %select_n3A_736, %lt3A_742 : i32
        %ne3A_744 = arith.xori %lt3A_741, %lt3A_743 : i1
        %and3A_745 = arith.andi %ne3A_744, %ne3A_739 : i1
        %add3A_746 = arith.addi %rem3A_737, %select_n3A_736 : i32
        %select_n3A_747 = arith.select %and3A_745, %add3A_746, %rem3A_737 : i32
        %dma_start3A = tpu.memref_slice %arg7[%select_n3A_747] : memref<64x!tpu.dma_semaphore, #tpu.memory_space<semaphore_mem>> -> memref<1x!tpu.dma_semaphore, #tpu.memory_space<semaphore_mem>>
        %dma_start3A_748 = tpu.memref_squeeze %dma_start3A : memref<1x!tpu.dma_semaphore, #tpu.memory_space<semaphore_mem>> -> memref<!tpu.dma_semaphore, #tpu.memory_space<semaphore_mem>>
        %dma_start3A_749 = arith.constant 0 : i32
        %dma_start3A_750 = arith.constant 0 : i32
        %dma_start3A_751 = arith.constant 0 : i32
        %dma_start3A_752 = tpu.memref_slice %arg6[%select_n3A_731, %dma_start3A_749, %dma_start3A_750, %dma_start3A_751] : memref<64x2x40x512xf32, #tpu.memory_space<vmem>> -> memref<1x2x40x512xf32, #tpu.memory_space<vmem>>
        %dma_start3A_753 = tpu.memref_squeeze %dma_start3A_752 : memref<1x2x40x512xf32, #tpu.memory_space<vmem>> -> memref<2x40x512xf32, #tpu.memory_space<vmem>>
        %dma_start3A_754 = arith.constant 0 : i32
        %dma_start3A_755 = arith.constant 0 : i32
        %dma_start3A_756 = arith.constant 0 : i32
        %dma_start3A_757 = tpu.memref_slice %arg2[%get3A_394, %dma_start3A_754, %dma_start3A_755, %dma_start3A_756] : memref<512x2x40x512xf32, #tpu.memory_space<hbm>> -> memref<1x2x40x512xf32, #tpu.memory_space<hbm>>
        %dma_start3A_758 = tpu.memref_squeeze %dma_start3A_757 : memref<1x2x40x512xf32, #tpu.memory_space<hbm>> -> memref<2x40x512xf32, #tpu.memory_space<hbm>>
        tpu.enqueue_dma source(%dma_start3A_758 : memref<2x40x512xf32, #tpu.memory_space<hbm>>) target(%dma_start3A_753 : memref<2x40x512xf32, #tpu.memory_space<vmem>>) target_semaphore(%dma_start3A_748 : memref<!tpu.dma_semaphore, #tpu.memory_space<semaphore_mem>>)
        %add3A_759 = arith.constant 1 : i32
        %add3A_760 = arith.addi %get3A_720, %add3A_759 : i32
        %swap3A_761 = arith.constant 0 : index
        %swap3A_762 = memref.load %arg5[%swap3A_761] : memref<2xi32, #tpu.memory_space<smem>>
        memref.store %add3A_760, %arg5[%swap3A_761] : memref<2xi32, #tpu.memory_space<smem>>
      } else {
      }
      %mul3A_400 = arith.constant 32 : i32
      %mul3A_401 = arith.muli %add3A_366, %mul3A_400 : i32
      %add3A_402 = arith.constant 3 : i32
      %add3A_403 = arith.addi %mul3A_401, %add3A_402 : i32
      %get3A_404 = arith.index_cast %add3A_403 : i32 to index
      %get3A_405 = memref.load %arg1[%get3A_404] : memref<1024xi32, #tpu.memory_space<smem>>
      %ge3A_406 = arith.constant 0 : i32
      %ge3A_407 = arith.cmpi sge, %get3A_405, %ge3A_406 : i32
      %convert_element_type3A_408 = arith.extui %ge3A_407 : i1 to i32
      %cond3A_409 = arith.constant 0 : i32
      %cond3A_410 = arith.cmpi ne, %convert_element_type3A_408, %cond3A_409 : i32
      scf.if %cond3A_410 {
        %get3A_719 = arith.constant 0 : index
        %get3A_720 = memref.load %arg5[%get3A_719] : memref<2xi32, #tpu.memory_space<smem>>
        %jit3A = arith.constant 64 : i32
        %eq3A_721 = arith.constant 0 : i32
        %eq3A_722 = arith.cmpi eq, %jit3A, %eq3A_721 : i32
        %jit3A_723 = arith.constant 1 : i32
        %select_n3A = arith.select %eq3A_722, %jit3A_723, %jit3A : i32
        %rem3A = arith.remsi %get3A_720, %select_n3A : i32
        %ne3A = arith.constant 0 : i32
        %ne3A_724 = arith.cmpi ne, %rem3A, %ne3A : i32
        %lt3A_725 = arith.constant 0 : i32
        %lt3A_726 = arith.cmpi slt, %rem3A, %lt3A_725 : i32
        %lt3A_727 = arith.constant 0 : i32
        %lt3A_728 = arith.cmpi slt, %select_n3A, %lt3A_727 : i32
        %ne3A_729 = arith.xori %lt3A_726, %lt3A_728 : i1
        %and3A = arith.andi %ne3A_729, %ne3A_724 : i1
        %add3A_730 = arith.addi %rem3A, %select_n3A : i32
        %select_n3A_731 = arith.select %and3A, %add3A_730, %rem3A : i32
        %jit3A_732 = arith.constant 64 : i32
        %eq3A_733 = arith.constant 0 : i32
        %eq3A_734 = arith.cmpi eq, %jit3A_732, %eq3A_733 : i32
        %jit3A_735 = arith.constant 1 : i32
        %select_n3A_736 = arith.select %eq3A_734, %jit3A_735, %jit3A_732 : i32
        %rem3A_737 = arith.remsi %get3A_720, %select_n3A_736 : i32
        %ne3A_738 = arith.constant 0 : i32
        %ne3A_739 = arith.cmpi ne, %rem3A_737, %ne3A_738 : i32
        %lt3A_740 = arith.constant 0 : i32
        %lt3A_741 = arith.cmpi slt, %rem3A_737, %lt3A_740 : i32
        %lt3A_742 = arith.constant 0 : i32
        %lt3A_743 = arith.cmpi slt, %select_n3A_736, %lt3A_742 : i32
        %ne3A_744 = arith.xori %lt3A_741, %lt3A_743 : i1
        %and3A_745 = arith.andi %ne3A_744, %ne3A_739 : i1
        %add3A_746 = arith.addi %rem3A_737, %select_n3A_736 : i32
        %select_n3A_747 = arith.select %and3A_745, %add3A_746, %rem3A_737 : i32
        %dma_start3A = tpu.memref_slice %arg7[%select_n3A_747] : memref<64x!tpu.dma_semaphore, #tpu.memory_space<semaphore_mem>> -> memref<1x!tpu.dma_semaphore, #tpu.memory_space<semaphore_mem>>
        %dma_start3A_748 = tpu.memref_squeeze %dma_start3A : memref<1x!tpu.dma_semaphore, #tpu.memory_space<semaphore_mem>> -> memref<!tpu.dma_semaphore, #tpu.memory_space<semaphore_mem>>
        %dma_start3A_749 = arith.constant 0 : i32
        %dma_start3A_750 = arith.constant 0 : i32
        %dma_start3A_751 = arith.constant 0 : i32
        %dma_start3A_752 = tpu.memref_slice %arg6[%select_n3A_731, %dma_start3A_749, %dma_start3A_750, %dma_start3A_751] : memref<64x2x40x512xf32, #tpu.memory_space<vmem>> -> memref<1x2x40x512xf32, #tpu.memory_space<vmem>>
        %dma_start3A_753 = tpu.memref_squeeze %dma_start3A_752 : memref<1x2x40x512xf32, #tpu.memory_space<vmem>> -> memref<2x40x512xf32, #tpu.memory_space<vmem>>
        %dma_start3A_754 = arith.constant 0 : i32
        %dma_start3A_755 = arith.constant 0 : i32
        %dma_start3A_756 = arith.constant 0 : i32
        %dma_start3A_757 = tpu.memref_slice %arg2[%get3A_405, %dma_start3A_754, %dma_start3A_755, %dma_start3A_756] : memref<512x2x40x512xf32, #tpu.memory_space<hbm>> -> memref<1x2x40x512xf32, #tpu.memory_space<hbm>>
        %dma_start3A_758 = tpu.memref_squeeze %dma_start3A_757 : memref<1x2x40x512xf32, #tpu.memory_space<hbm>> -> memref<2x40x512xf32, #tpu.memory_space<hbm>>
        tpu.enqueue_dma source(%dma_start3A_758 : memref<2x40x512xf32, #tpu.memory_space<hbm>>) target(%dma_start3A_753 : memref<2x40x512xf32, #tpu.memory_space<vmem>>) target_semaphore(%dma_start3A_748 : memref<!tpu.dma_semaphore, #tpu.memory_space<semaphore_mem>>)
        %add3A_759 = arith.constant 1 : i32
        %add3A_760 = arith.addi %get3A_720, %add3A_759 : i32
        %swap3A_761 = arith.constant 0 : index
        %swap3A_762 = memref.load %arg5[%swap3A_761] : memref<2xi32, #tpu.memory_space<smem>>
        memref.store %add3A_760, %arg5[%swap3A_761] : memref<2xi32, #tpu.memory_space<smem>>
      } else {
      }
      %mul3A_411 = arith.constant 32 : i32
      %mul3A_412 = arith.muli %add3A_366, %mul3A_411 : i32
      %add3A_413 = arith.constant 4 : i32
      %add3A_414 = arith.addi %mul3A_412, %add3A_413 : i32
      %get3A_415 = arith.index_cast %add3A_414 : i32 to index
      %get3A_416 = memref.load %arg1[%get3A_415] : memref<1024xi32, #tpu.memory_space<smem>>
      %ge3A_417 = arith.constant 0 : i32
      %ge3A_418 = arith.cmpi sge, %get3A_416, %ge3A_417 : i32
      %convert_element_type3A_419 = arith.extui %ge3A_418 : i1 to i32
      %cond3A_420 = arith.constant 0 : i32
      %cond3A_421 = arith.cmpi ne, %convert_element_type3A_419, %cond3A_420 : i32
      scf.if %cond3A_421 {
        %get3A_719 = arith.constant 0 : index
        %get3A_720 = memref.load %arg5[%get3A_719] : memref<2xi32, #tpu.memory_space<smem>>
        %jit3A = arith.constant 64 : i32
        %eq3A_721 = arith.constant 0 : i32
        %eq3A_722 = arith.cmpi eq, %jit3A, %eq3A_721 : i32
        %jit3A_723 = arith.constant 1 : i32
        %select_n3A = arith.select %eq3A_722, %jit3A_723, %jit3A : i32
        %rem3A = arith.remsi %get3A_720, %select_n3A : i32
        %ne3A = arith.constant 0 : i32
        %ne3A_724 = arith.cmpi ne, %rem3A, %ne3A : i32
        %lt3A_725 = arith.constant 0 : i32
        %lt3A_726 = arith.cmpi slt, %rem3A, %lt3A_725 : i32
        %lt3A_727 = arith.constant 0 : i32
        %lt3A_728 = arith.cmpi slt, %select_n3A, %lt3A_727 : i32
        %ne3A_729 = arith.xori %lt3A_726, %lt3A_728 : i1
        %and3A = arith.andi %ne3A_729, %ne3A_724 : i1
        %add3A_730 = arith.addi %rem3A, %select_n3A : i32
        %select_n3A_731 = arith.select %and3A, %add3A_730, %rem3A : i32
        %jit3A_732 = arith.constant 64 : i32
        %eq3A_733 = arith.constant 0 : i32
        %eq3A_734 = arith.cmpi eq, %jit3A_732, %eq3A_733 : i32
        %jit3A_735 = arith.constant 1 : i32
        %select_n3A_736 = arith.select %eq3A_734, %jit3A_735, %jit3A_732 : i32
        %rem3A_737 = arith.remsi %get3A_720, %select_n3A_736 : i32
        %ne3A_738 = arith.constant 0 : i32
        %ne3A_739 = arith.cmpi ne, %rem3A_737, %ne3A_738 : i32
        %lt3A_740 = arith.constant 0 : i32
        %lt3A_741 = arith.cmpi slt, %rem3A_737, %lt3A_740 : i32
        %lt3A_742 = arith.constant 0 : i32
        %lt3A_743 = arith.cmpi slt, %select_n3A_736, %lt3A_742 : i32
        %ne3A_744 = arith.xori %lt3A_741, %lt3A_743 : i1
        %and3A_745 = arith.andi %ne3A_744, %ne3A_739 : i1
        %add3A_746 = arith.addi %rem3A_737, %select_n3A_736 : i32
        %select_n3A_747 = arith.select %and3A_745, %add3A_746, %rem3A_737 : i32
        %dma_start3A = tpu.memref_slice %arg7[%select_n3A_747] : memref<64x!tpu.dma_semaphore, #tpu.memory_space<semaphore_mem>> -> memref<1x!tpu.dma_semaphore, #tpu.memory_space<semaphore_mem>>
        %dma_start3A_748 = tpu.memref_squeeze %dma_start3A : memref<1x!tpu.dma_semaphore, #tpu.memory_space<semaphore_mem>> -> memref<!tpu.dma_semaphore, #tpu.memory_space<semaphore_mem>>
        %dma_start3A_749 = arith.constant 0 : i32
        %dma_start3A_750 = arith.constant 0 : i32
        %dma_start3A_751 = arith.constant 0 : i32
        %dma_start3A_752 = tpu.memref_slice %arg6[%select_n3A_731, %dma_start3A_749, %dma_start3A_750, %dma_start3A_751] : memref<64x2x40x512xf32, #tpu.memory_space<vmem>> -> memref<1x2x40x512xf32, #tpu.memory_space<vmem>>
        %dma_start3A_753 = tpu.memref_squeeze %dma_start3A_752 : memref<1x2x40x512xf32, #tpu.memory_space<vmem>> -> memref<2x40x512xf32, #tpu.memory_space<vmem>>
        %dma_start3A_754 = arith.constant 0 : i32
        %dma_start3A_755 = arith.constant 0 : i32
        %dma_start3A_756 = arith.constant 0 : i32
        %dma_start3A_757 = tpu.memref_slice %arg2[%get3A_416, %dma_start3A_754, %dma_start3A_755, %dma_start3A_756] : memref<512x2x40x512xf32, #tpu.memory_space<hbm>> -> memref<1x2x40x512xf32, #tpu.memory_space<hbm>>
        %dma_start3A_758 = tpu.memref_squeeze %dma_start3A_757 : memref<1x2x40x512xf32, #tpu.memory_space<hbm>> -> memref<2x40x512xf32, #tpu.memory_space<hbm>>
        tpu.enqueue_dma source(%dma_start3A_758 : memref<2x40x512xf32, #tpu.memory_space<hbm>>) target(%dma_start3A_753 : memref<2x40x512xf32, #tpu.memory_space<vmem>>) target_semaphore(%dma_start3A_748 : memref<!tpu.dma_semaphore, #tpu.memory_space<semaphore_mem>>)
        %add3A_759 = arith.constant 1 : i32
        %add3A_760 = arith.addi %get3A_720, %add3A_759 : i32
        %swap3A_761 = arith.constant 0 : index
        %swap3A_762 = memref.load %arg5[%swap3A_761] : memref<2xi32, #tpu.memory_space<smem>>
        memref.store %add3A_760, %arg5[%swap3A_761] : memref<2xi32, #tpu.memory_space<smem>>
      } else {
      }
      %mul3A_422 = arith.constant 32 : i32
      %mul3A_423 = arith.muli %add3A_366, %mul3A_422 : i32
      %add3A_424 = arith.constant 5 : i32
      %add3A_425 = arith.addi %mul3A_423, %add3A_424 : i32
      %get3A_426 = arith.index_cast %add3A_425 : i32 to index
      %get3A_427 = memref.load %arg1[%get3A_426] : memref<1024xi32, #tpu.memory_space<smem>>
      %ge3A_428 = arith.constant 0 : i32
      %ge3A_429 = arith.cmpi sge, %get3A_427, %ge3A_428 : i32
      %convert_element_type3A_430 = arith.extui %ge3A_429 : i1 to i32
      %cond3A_431 = arith.constant 0 : i32
      %cond3A_432 = arith.cmpi ne, %convert_element_type3A_430, %cond3A_431 : i32
      scf.if %cond3A_432 {
        %get3A_719 = arith.constant 0 : index
        %get3A_720 = memref.load %arg5[%get3A_719] : memref<2xi32, #tpu.memory_space<smem>>
        %jit3A = arith.constant 64 : i32
        %eq3A_721 = arith.constant 0 : i32
        %eq3A_722 = arith.cmpi eq, %jit3A, %eq3A_721 : i32
        %jit3A_723 = arith.constant 1 : i32
        %select_n3A = arith.select %eq3A_722, %jit3A_723, %jit3A : i32
        %rem3A = arith.remsi %get3A_720, %select_n3A : i32
        %ne3A = arith.constant 0 : i32
        %ne3A_724 = arith.cmpi ne, %rem3A, %ne3A : i32
        %lt3A_725 = arith.constant 0 : i32
        %lt3A_726 = arith.cmpi slt, %rem3A, %lt3A_725 : i32
        %lt3A_727 = arith.constant 0 : i32
        %lt3A_728 = arith.cmpi slt, %select_n3A, %lt3A_727 : i32
        %ne3A_729 = arith.xori %lt3A_726, %lt3A_728 : i1
        %and3A = arith.andi %ne3A_729, %ne3A_724 : i1
        %add3A_730 = arith.addi %rem3A, %select_n3A : i32
        %select_n3A_731 = arith.select %and3A, %add3A_730, %rem3A : i32
        %jit3A_732 = arith.constant 64 : i32
        %eq3A_733 = arith.constant 0 : i32
        %eq3A_734 = arith.cmpi eq, %jit3A_732, %eq3A_733 : i32
        %jit3A_735 = arith.constant 1 : i32
        %select_n3A_736 = arith.select %eq3A_734, %jit3A_735, %jit3A_732 : i32
        %rem3A_737 = arith.remsi %get3A_720, %select_n3A_736 : i32
        %ne3A_738 = arith.constant 0 : i32
        %ne3A_739 = arith.cmpi ne, %rem3A_737, %ne3A_738 : i32
        %lt3A_740 = arith.constant 0 : i32
        %lt3A_741 = arith.cmpi slt, %rem3A_737, %lt3A_740 : i32
        %lt3A_742 = arith.constant 0 : i32
        %lt3A_743 = arith.cmpi slt, %select_n3A_736, %lt3A_742 : i32
        %ne3A_744 = arith.xori %lt3A_741, %lt3A_743 : i1
        %and3A_745 = arith.andi %ne3A_744, %ne3A_739 : i1
        %add3A_746 = arith.addi %rem3A_737, %select_n3A_736 : i32
        %select_n3A_747 = arith.select %and3A_745, %add3A_746, %rem3A_737 : i32
        %dma_start3A = tpu.memref_slice %arg7[%select_n3A_747] : memref<64x!tpu.dma_semaphore, #tpu.memory_space<semaphore_mem>> -> memref<1x!tpu.dma_semaphore, #tpu.memory_space<semaphore_mem>>
        %dma_start3A_748 = tpu.memref_squeeze %dma_start3A : memref<1x!tpu.dma_semaphore, #tpu.memory_space<semaphore_mem>> -> memref<!tpu.dma_semaphore, #tpu.memory_space<semaphore_mem>>
        %dma_start3A_749 = arith.constant 0 : i32
        %dma_start3A_750 = arith.constant 0 : i32
        %dma_start3A_751 = arith.constant 0 : i32
        %dma_start3A_752 = tpu.memref_slice %arg6[%select_n3A_731, %dma_start3A_749, %dma_start3A_750, %dma_start3A_751] : memref<64x2x40x512xf32, #tpu.memory_space<vmem>> -> memref<1x2x40x512xf32, #tpu.memory_space<vmem>>
        %dma_start3A_753 = tpu.memref_squeeze %dma_start3A_752 : memref<1x2x40x512xf32, #tpu.memory_space<vmem>> -> memref<2x40x512xf32, #tpu.memory_space<vmem>>
        %dma_start3A_754 = arith.constant 0 : i32
        %dma_start3A_755 = arith.constant 0 : i32
        %dma_start3A_756 = arith.constant 0 : i32
        %dma_start3A_757 = tpu.memref_slice %arg2[%get3A_427, %dma_start3A_754, %dma_start3A_755, %dma_start3A_756] : memref<512x2x40x512xf32, #tpu.memory_space<hbm>> -> memref<1x2x40x512xf32, #tpu.memory_space<hbm>>
        %dma_start3A_758 = tpu.memref_squeeze %dma_start3A_757 : memref<1x2x40x512xf32, #tpu.memory_space<hbm>> -> memref<2x40x512xf32, #tpu.memory_space<hbm>>
        tpu.enqueue_dma source(%dma_start3A_758 : memref<2x40x512xf32, #tpu.memory_space<hbm>>) target(%dma_start3A_753 : memref<2x40x512xf32, #tpu.memory_space<vmem>>) target_semaphore(%dma_start3A_748 : memref<!tpu.dma_semaphore, #tpu.memory_space<semaphore_mem>>)
        %add3A_759 = arith.constant 1 : i32
        %add3A_760 = arith.addi %get3A_720, %add3A_759 : i32
        %swap3A_761 = arith.constant 0 : index
        %swap3A_762 = memref.load %arg5[%swap3A_761] : memref<2xi32, #tpu.memory_space<smem>>
        memref.store %add3A_760, %arg5[%swap3A_761] : memref<2xi32, #tpu.memory_space<smem>>
      } else {
      }
      %mul3A_433 = arith.constant 32 : i32
      %mul3A_434 = arith.muli %add3A_366, %mul3A_433 : i32
      %add3A_435 = arith.constant 6 : i32
      %add3A_436 = arith.addi %mul3A_434, %add3A_435 : i32
      %get3A_437 = arith.index_cast %add3A_436 : i32 to index
      %get3A_438 = memref.load %arg1[%get3A_437] : memref<1024xi32, #tpu.memory_space<smem>>
      %ge3A_439 = arith.constant 0 : i32
      %ge3A_440 = arith.cmpi sge, %get3A_438, %ge3A_439 : i32
      %convert_element_type3A_441 = arith.extui %ge3A_440 : i1 to i32
      %cond3A_442 = arith.constant 0 : i32
      %cond3A_443 = arith.cmpi ne, %convert_element_type3A_441, %cond3A_442 : i32
      scf.if %cond3A_443 {
        %get3A_719 = arith.constant 0 : index
        %get3A_720 = memref.load %arg5[%get3A_719] : memref<2xi32, #tpu.memory_space<smem>>
        %jit3A = arith.constant 64 : i32
        %eq3A_721 = arith.constant 0 : i32
        %eq3A_722 = arith.cmpi eq, %jit3A, %eq3A_721 : i32
        %jit3A_723 = arith.constant 1 : i32
        %select_n3A = arith.select %eq3A_722, %jit3A_723, %jit3A : i32
        %rem3A = arith.remsi %get3A_720, %select_n3A : i32
        %ne3A = arith.constant 0 : i32
        %ne3A_724 = arith.cmpi ne, %rem3A, %ne3A : i32
        %lt3A_725 = arith.constant 0 : i32
        %lt3A_726 = arith.cmpi slt, %rem3A, %lt3A_725 : i32
        %lt3A_727 = arith.constant 0 : i32
        %lt3A_728 = arith.cmpi slt, %select_n3A, %lt3A_727 : i32
        %ne3A_729 = arith.xori %lt3A_726, %lt3A_728 : i1
        %and3A = arith.andi %ne3A_729, %ne3A_724 : i1
        %add3A_730 = arith.addi %rem3A, %select_n3A : i32
        %select_n3A_731 = arith.select %and3A, %add3A_730, %rem3A : i32
        %jit3A_732 = arith.constant 64 : i32
        %eq3A_733 = arith.constant 0 : i32
        %eq3A_734 = arith.cmpi eq, %jit3A_732, %eq3A_733 : i32
        %jit3A_735 = arith.constant 1 : i32
        %select_n3A_736 = arith.select %eq3A_734, %jit3A_735, %jit3A_732 : i32
        %rem3A_737 = arith.remsi %get3A_720, %select_n3A_736 : i32
        %ne3A_738 = arith.constant 0 : i32
        %ne3A_739 = arith.cmpi ne, %rem3A_737, %ne3A_738 : i32
        %lt3A_740 = arith.constant 0 : i32
        %lt3A_741 = arith.cmpi slt, %rem3A_737, %lt3A_740 : i32
        %lt3A_742 = arith.constant 0 : i32
        %lt3A_743 = arith.cmpi slt, %select_n3A_736, %lt3A_742 : i32
        %ne3A_744 = arith.xori %lt3A_741, %lt3A_743 : i1
        %and3A_745 = arith.andi %ne3A_744, %ne3A_739 : i1
        %add3A_746 = arith.addi %rem3A_737, %select_n3A_736 : i32
        %select_n3A_747 = arith.select %and3A_745, %add3A_746, %rem3A_737 : i32
        %dma_start3A = tpu.memref_slice %arg7[%select_n3A_747] : memref<64x!tpu.dma_semaphore, #tpu.memory_space<semaphore_mem>> -> memref<1x!tpu.dma_semaphore, #tpu.memory_space<semaphore_mem>>
        %dma_start3A_748 = tpu.memref_squeeze %dma_start3A : memref<1x!tpu.dma_semaphore, #tpu.memory_space<semaphore_mem>> -> memref<!tpu.dma_semaphore, #tpu.memory_space<semaphore_mem>>
        %dma_start3A_749 = arith.constant 0 : i32
        %dma_start3A_750 = arith.constant 0 : i32
        %dma_start3A_751 = arith.constant 0 : i32
        %dma_start3A_752 = tpu.memref_slice %arg6[%select_n3A_731, %dma_start3A_749, %dma_start3A_750, %dma_start3A_751] : memref<64x2x40x512xf32, #tpu.memory_space<vmem>> -> memref<1x2x40x512xf32, #tpu.memory_space<vmem>>
        %dma_start3A_753 = tpu.memref_squeeze %dma_start3A_752 : memref<1x2x40x512xf32, #tpu.memory_space<vmem>> -> memref<2x40x512xf32, #tpu.memory_space<vmem>>
        %dma_start3A_754 = arith.constant 0 : i32
        %dma_start3A_755 = arith.constant 0 : i32
        %dma_start3A_756 = arith.constant 0 : i32
        %dma_start3A_757 = tpu.memref_slice %arg2[%get3A_438, %dma_start3A_754, %dma_start3A_755, %dma_start3A_756] : memref<512x2x40x512xf32, #tpu.memory_space<hbm>> -> memref<1x2x40x512xf32, #tpu.memory_space<hbm>>
        %dma_start3A_758 = tpu.memref_squeeze %dma_start3A_757 : memref<1x2x40x512xf32, #tpu.memory_space<hbm>> -> memref<2x40x512xf32, #tpu.memory_space<hbm>>
        tpu.enqueue_dma source(%dma_start3A_758 : memref<2x40x512xf32, #tpu.memory_space<hbm>>) target(%dma_start3A_753 : memref<2x40x512xf32, #tpu.memory_space<vmem>>) target_semaphore(%dma_start3A_748 : memref<!tpu.dma_semaphore, #tpu.memory_space<semaphore_mem>>)
        %add3A_759 = arith.constant 1 : i32
        %add3A_760 = arith.addi %get3A_720, %add3A_759 : i32
        %swap3A_761 = arith.constant 0 : index
        %swap3A_762 = memref.load %arg5[%swap3A_761] : memref<2xi32, #tpu.memory_space<smem>>
        memref.store %add3A_760, %arg5[%swap3A_761] : memref<2xi32, #tpu.memory_space<smem>>
      } else {
      }
      %mul3A_444 = arith.constant 32 : i32
      %mul3A_445 = arith.muli %add3A_366, %mul3A_444 : i32
      %add3A_446 = arith.constant 7 : i32
      %add3A_447 = arith.addi %mul3A_445, %add3A_446 : i32
      %get3A_448 = arith.index_cast %add3A_447 : i32 to index
      %get3A_449 = memref.load %arg1[%get3A_448] : memref<1024xi32, #tpu.memory_space<smem>>
      %ge3A_450 = arith.constant 0 : i32
      %ge3A_451 = arith.cmpi sge, %get3A_449, %ge3A_450 : i32
      %convert_element_type3A_452 = arith.extui %ge3A_451 : i1 to i32
      %cond3A_453 = arith.constant 0 : i32
      %cond3A_454 = arith.cmpi ne, %convert_element_type3A_452, %cond3A_453 : i32
      scf.if %cond3A_454 {
        %get3A_719 = arith.constant 0 : index
        %get3A_720 = memref.load %arg5[%get3A_719] : memref<2xi32, #tpu.memory_space<smem>>
        %jit3A = arith.constant 64 : i32
        %eq3A_721 = arith.constant 0 : i32
        %eq3A_722 = arith.cmpi eq, %jit3A, %eq3A_721 : i32
        %jit3A_723 = arith.constant 1 : i32
        %select_n3A = arith.select %eq3A_722, %jit3A_723, %jit3A : i32
        %rem3A = arith.remsi %get3A_720, %select_n3A : i32
        %ne3A = arith.constant 0 : i32
        %ne3A_724 = arith.cmpi ne, %rem3A, %ne3A : i32
        %lt3A_725 = arith.constant 0 : i32
        %lt3A_726 = arith.cmpi slt, %rem3A, %lt3A_725 : i32
        %lt3A_727 = arith.constant 0 : i32
        %lt3A_728 = arith.cmpi slt, %select_n3A, %lt3A_727 : i32
        %ne3A_729 = arith.xori %lt3A_726, %lt3A_728 : i1
        %and3A = arith.andi %ne3A_729, %ne3A_724 : i1
        %add3A_730 = arith.addi %rem3A, %select_n3A : i32
        %select_n3A_731 = arith.select %and3A, %add3A_730, %rem3A : i32
        %jit3A_732 = arith.constant 64 : i32
        %eq3A_733 = arith.constant 0 : i32
        %eq3A_734 = arith.cmpi eq, %jit3A_732, %eq3A_733 : i32
        %jit3A_735 = arith.constant 1 : i32
        %select_n3A_736 = arith.select %eq3A_734, %jit3A_735, %jit3A_732 : i32
        %rem3A_737 = arith.remsi %get3A_720, %select_n3A_736 : i32
        %ne3A_738 = arith.constant 0 : i32
        %ne3A_739 = arith.cmpi ne, %rem3A_737, %ne3A_738 : i32
        %lt3A_740 = arith.constant 0 : i32
        %lt3A_741 = arith.cmpi slt, %rem3A_737, %lt3A_740 : i32
        %lt3A_742 = arith.constant 0 : i32
        %lt3A_743 = arith.cmpi slt, %select_n3A_736, %lt3A_742 : i32
        %ne3A_744 = arith.xori %lt3A_741, %lt3A_743 : i1
        %and3A_745 = arith.andi %ne3A_744, %ne3A_739 : i1
        %add3A_746 = arith.addi %rem3A_737, %select_n3A_736 : i32
        %select_n3A_747 = arith.select %and3A_745, %add3A_746, %rem3A_737 : i32
        %dma_start3A = tpu.memref_slice %arg7[%select_n3A_747] : memref<64x!tpu.dma_semaphore, #tpu.memory_space<semaphore_mem>> -> memref<1x!tpu.dma_semaphore, #tpu.memory_space<semaphore_mem>>
        %dma_start3A_748 = tpu.memref_squeeze %dma_start3A : memref<1x!tpu.dma_semaphore, #tpu.memory_space<semaphore_mem>> -> memref<!tpu.dma_semaphore, #tpu.memory_space<semaphore_mem>>
        %dma_start3A_749 = arith.constant 0 : i32
        %dma_start3A_750 = arith.constant 0 : i32
        %dma_start3A_751 = arith.constant 0 : i32
        %dma_start3A_752 = tpu.memref_slice %arg6[%select_n3A_731, %dma_start3A_749, %dma_start3A_750, %dma_start3A_751] : memref<64x2x40x512xf32, #tpu.memory_space<vmem>> -> memref<1x2x40x512xf32, #tpu.memory_space<vmem>>
        %dma_start3A_753 = tpu.memref_squeeze %dma_start3A_752 : memref<1x2x40x512xf32, #tpu.memory_space<vmem>> -> memref<2x40x512xf32, #tpu.memory_space<vmem>>
        %dma_start3A_754 = arith.constant 0 : i32
        %dma_start3A_755 = arith.constant 0 : i32
        %dma_start3A_756 = arith.constant 0 : i32
        %dma_start3A_757 = tpu.memref_slice %arg2[%get3A_449, %dma_start3A_754, %dma_start3A_755, %dma_start3A_756] : memref<512x2x40x512xf32, #tpu.memory_space<hbm>> -> memref<1x2x40x512xf32, #tpu.memory_space<hbm>>
        %dma_start3A_758 = tpu.memref_squeeze %dma_start3A_757 : memref<1x2x40x512xf32, #tpu.memory_space<hbm>> -> memref<2x40x512xf32, #tpu.memory_space<hbm>>
        tpu.enqueue_dma source(%dma_start3A_758 : memref<2x40x512xf32, #tpu.memory_space<hbm>>) target(%dma_start3A_753 : memref<2x40x512xf32, #tpu.memory_space<vmem>>) target_semaphore(%dma_start3A_748 : memref<!tpu.dma_semaphore, #tpu.memory_space<semaphore_mem>>)
        %add3A_759 = arith.constant 1 : i32
        %add3A_760 = arith.addi %get3A_720, %add3A_759 : i32
        %swap3A_761 = arith.constant 0 : index
        %swap3A_762 = memref.load %arg5[%swap3A_761] : memref<2xi32, #tpu.memory_space<smem>>
        memref.store %add3A_760, %arg5[%swap3A_761] : memref<2xi32, #tpu.memory_space<smem>>
      } else {
      }
      %mul3A_455 = arith.constant 32 : i32
      %mul3A_456 = arith.muli %add3A_366, %mul3A_455 : i32
      %add3A_457 = arith.constant 8 : i32
      %add3A_458 = arith.addi %mul3A_456, %add3A_457 : i32
      %get3A_459 = arith.index_cast %add3A_458 : i32 to index
      %get3A_460 = memref.load %arg1[%get3A_459] : memref<1024xi32, #tpu.memory_space<smem>>
      %ge3A_461 = arith.constant 0 : i32
      %ge3A_462 = arith.cmpi sge, %get3A_460, %ge3A_461 : i32
      %convert_element_type3A_463 = arith.extui %ge3A_462 : i1 to i32
      %cond3A_464 = arith.constant 0 : i32
      %cond3A_465 = arith.cmpi ne, %convert_element_type3A_463, %cond3A_464 : i32
      scf.if %cond3A_465 {
        %get3A_719 = arith.constant 0 : index
        %get3A_720 = memref.load %arg5[%get3A_719] : memref<2xi32, #tpu.memory_space<smem>>
        %jit3A = arith.constant 64 : i32
        %eq3A_721 = arith.constant 0 : i32
        %eq3A_722 = arith.cmpi eq, %jit3A, %eq3A_721 : i32
        %jit3A_723 = arith.constant 1 : i32
        %select_n3A = arith.select %eq3A_722, %jit3A_723, %jit3A : i32
        %rem3A = arith.remsi %get3A_720, %select_n3A : i32
        %ne3A = arith.constant 0 : i32
        %ne3A_724 = arith.cmpi ne, %rem3A, %ne3A : i32
        %lt3A_725 = arith.constant 0 : i32
        %lt3A_726 = arith.cmpi slt, %rem3A, %lt3A_725 : i32
        %lt3A_727 = arith.constant 0 : i32
        %lt3A_728 = arith.cmpi slt, %select_n3A, %lt3A_727 : i32
        %ne3A_729 = arith.xori %lt3A_726, %lt3A_728 : i1
        %and3A = arith.andi %ne3A_729, %ne3A_724 : i1
        %add3A_730 = arith.addi %rem3A, %select_n3A : i32
        %select_n3A_731 = arith.select %and3A, %add3A_730, %rem3A : i32
        %jit3A_732 = arith.constant 64 : i32
        %eq3A_733 = arith.constant 0 : i32
        %eq3A_734 = arith.cmpi eq, %jit3A_732, %eq3A_733 : i32
        %jit3A_735 = arith.constant 1 : i32
        %select_n3A_736 = arith.select %eq3A_734, %jit3A_735, %jit3A_732 : i32
        %rem3A_737 = arith.remsi %get3A_720, %select_n3A_736 : i32
        %ne3A_738 = arith.constant 0 : i32
        %ne3A_739 = arith.cmpi ne, %rem3A_737, %ne3A_738 : i32
        %lt3A_740 = arith.constant 0 : i32
        %lt3A_741 = arith.cmpi slt, %rem3A_737, %lt3A_740 : i32
        %lt3A_742 = arith.constant 0 : i32
        %lt3A_743 = arith.cmpi slt, %select_n3A_736, %lt3A_742 : i32
        %ne3A_744 = arith.xori %lt3A_741, %lt3A_743 : i1
        %and3A_745 = arith.andi %ne3A_744, %ne3A_739 : i1
        %add3A_746 = arith.addi %rem3A_737, %select_n3A_736 : i32
        %select_n3A_747 = arith.select %and3A_745, %add3A_746, %rem3A_737 : i32
        %dma_start3A = tpu.memref_slice %arg7[%select_n3A_747] : memref<64x!tpu.dma_semaphore, #tpu.memory_space<semaphore_mem>> -> memref<1x!tpu.dma_semaphore, #tpu.memory_space<semaphore_mem>>
        %dma_start3A_748 = tpu.memref_squeeze %dma_start3A : memref<1x!tpu.dma_semaphore, #tpu.memory_space<semaphore_mem>> -> memref<!tpu.dma_semaphore, #tpu.memory_space<semaphore_mem>>
        %dma_start3A_749 = arith.constant 0 : i32
        %dma_start3A_750 = arith.constant 0 : i32
        %dma_start3A_751 = arith.constant 0 : i32
        %dma_start3A_752 = tpu.memref_slice %arg6[%select_n3A_731, %dma_start3A_749, %dma_start3A_750, %dma_start3A_751] : memref<64x2x40x512xf32, #tpu.memory_space<vmem>> -> memref<1x2x40x512xf32, #tpu.memory_space<vmem>>
        %dma_start3A_753 = tpu.memref_squeeze %dma_start3A_752 : memref<1x2x40x512xf32, #tpu.memory_space<vmem>> -> memref<2x40x512xf32, #tpu.memory_space<vmem>>
        %dma_start3A_754 = arith.constant 0 : i32
        %dma_start3A_755 = arith.constant 0 : i32
        %dma_start3A_756 = arith.constant 0 : i32
        %dma_start3A_757 = tpu.memref_slice %arg2[%get3A_460, %dma_start3A_754, %dma_start3A_755, %dma_start3A_756] : memref<512x2x40x512xf32, #tpu.memory_space<hbm>> -> memref<1x2x40x512xf32, #tpu.memory_space<hbm>>
        %dma_start3A_758 = tpu.memref_squeeze %dma_start3A_757 : memref<1x2x40x512xf32, #tpu.memory_space<hbm>> -> memref<2x40x512xf32, #tpu.memory_space<hbm>>
        tpu.enqueue_dma source(%dma_start3A_758 : memref<2x40x512xf32, #tpu.memory_space<hbm>>) target(%dma_start3A_753 : memref<2x40x512xf32, #tpu.memory_space<vmem>>) target_semaphore(%dma_start3A_748 : memref<!tpu.dma_semaphore, #tpu.memory_space<semaphore_mem>>)
        %add3A_759 = arith.constant 1 : i32
        %add3A_760 = arith.addi %get3A_720, %add3A_759 : i32
        %swap3A_761 = arith.constant 0 : index
        %swap3A_762 = memref.load %arg5[%swap3A_761] : memref<2xi32, #tpu.memory_space<smem>>
        memref.store %add3A_760, %arg5[%swap3A_761] : memref<2xi32, #tpu.memory_space<smem>>
      } else {
      }
      %mul3A_466 = arith.constant 32 : i32
      %mul3A_467 = arith.muli %add3A_366, %mul3A_466 : i32
      %add3A_468 = arith.constant 9 : i32
      %add3A_469 = arith.addi %mul3A_467, %add3A_468 : i32
      %get3A_470 = arith.index_cast %add3A_469 : i32 to index
      %get3A_471 = memref.load %arg1[%get3A_470] : memref<1024xi32, #tpu.memory_space<smem>>
      %ge3A_472 = arith.constant 0 : i32
      %ge3A_473 = arith.cmpi sge, %get3A_471, %ge3A_472 : i32
      %convert_element_type3A_474 = arith.extui %ge3A_473 : i1 to i32
      %cond3A_475 = arith.constant 0 : i32
      %cond3A_476 = arith.cmpi ne, %convert_element_type3A_474, %cond3A_475 : i32
      scf.if %cond3A_476 {
        %get3A_719 = arith.constant 0 : index
        %get3A_720 = memref.load %arg5[%get3A_719] : memref<2xi32, #tpu.memory_space<smem>>
        %jit3A = arith.constant 64 : i32
        %eq3A_721 = arith.constant 0 : i32
        %eq3A_722 = arith.cmpi eq, %jit3A, %eq3A_721 : i32
        %jit3A_723 = arith.constant 1 : i32
        %select_n3A = arith.select %eq3A_722, %jit3A_723, %jit3A : i32
        %rem3A = arith.remsi %get3A_720, %select_n3A : i32
        %ne3A = arith.constant 0 : i32
        %ne3A_724 = arith.cmpi ne, %rem3A, %ne3A : i32
        %lt3A_725 = arith.constant 0 : i32
        %lt3A_726 = arith.cmpi slt, %rem3A, %lt3A_725 : i32
        %lt3A_727 = arith.constant 0 : i32
        %lt3A_728 = arith.cmpi slt, %select_n3A, %lt3A_727 : i32
        %ne3A_729 = arith.xori %lt3A_726, %lt3A_728 : i1
        %and3A = arith.andi %ne3A_729, %ne3A_724 : i1
        %add3A_730 = arith.addi %rem3A, %select_n3A : i32
        %select_n3A_731 = arith.select %and3A, %add3A_730, %rem3A : i32
        %jit3A_732 = arith.constant 64 : i32
        %eq3A_733 = arith.constant 0 : i32
        %eq3A_734 = arith.cmpi eq, %jit3A_732, %eq3A_733 : i32
        %jit3A_735 = arith.constant 1 : i32
        %select_n3A_736 = arith.select %eq3A_734, %jit3A_735, %jit3A_732 : i32
        %rem3A_737 = arith.remsi %get3A_720, %select_n3A_736 : i32
        %ne3A_738 = arith.constant 0 : i32
        %ne3A_739 = arith.cmpi ne, %rem3A_737, %ne3A_738 : i32
        %lt3A_740 = arith.constant 0 : i32
        %lt3A_741 = arith.cmpi slt, %rem3A_737, %lt3A_740 : i32
        %lt3A_742 = arith.constant 0 : i32
        %lt3A_743 = arith.cmpi slt, %select_n3A_736, %lt3A_742 : i32
        %ne3A_744 = arith.xori %lt3A_741, %lt3A_743 : i1
        %and3A_745 = arith.andi %ne3A_744, %ne3A_739 : i1
        %add3A_746 = arith.addi %rem3A_737, %select_n3A_736 : i32
        %select_n3A_747 = arith.select %and3A_745, %add3A_746, %rem3A_737 : i32
        %dma_start3A = tpu.memref_slice %arg7[%select_n3A_747] : memref<64x!tpu.dma_semaphore, #tpu.memory_space<semaphore_mem>> -> memref<1x!tpu.dma_semaphore, #tpu.memory_space<semaphore_mem>>
        %dma_start3A_748 = tpu.memref_squeeze %dma_start3A : memref<1x!tpu.dma_semaphore, #tpu.memory_space<semaphore_mem>> -> memref<!tpu.dma_semaphore, #tpu.memory_space<semaphore_mem>>
        %dma_start3A_749 = arith.constant 0 : i32
        %dma_start3A_750 = arith.constant 0 : i32
        %dma_start3A_751 = arith.constant 0 : i32
        %dma_start3A_752 = tpu.memref_slice %arg6[%select_n3A_731, %dma_start3A_749, %dma_start3A_750, %dma_start3A_751] : memref<64x2x40x512xf32, #tpu.memory_space<vmem>> -> memref<1x2x40x512xf32, #tpu.memory_space<vmem>>
        %dma_start3A_753 = tpu.memref_squeeze %dma_start3A_752 : memref<1x2x40x512xf32, #tpu.memory_space<vmem>> -> memref<2x40x512xf32, #tpu.memory_space<vmem>>
        %dma_start3A_754 = arith.constant 0 : i32
        %dma_start3A_755 = arith.constant 0 : i32
        %dma_start3A_756 = arith.constant 0 : i32
        %dma_start3A_757 = tpu.memref_slice %arg2[%get3A_471, %dma_start3A_754, %dma_start3A_755, %dma_start3A_756] : memref<512x2x40x512xf32, #tpu.memory_space<hbm>> -> memref<1x2x40x512xf32, #tpu.memory_space<hbm>>
        %dma_start3A_758 = tpu.memref_squeeze %dma_start3A_757 : memref<1x2x40x512xf32, #tpu.memory_space<hbm>> -> memref<2x40x512xf32, #tpu.memory_space<hbm>>
        tpu.enqueue_dma source(%dma_start3A_758 : memref<2x40x512xf32, #tpu.memory_space<hbm>>) target(%dma_start3A_753 : memref<2x40x512xf32, #tpu.memory_space<vmem>>) target_semaphore(%dma_start3A_748 : memref<!tpu.dma_semaphore, #tpu.memory_space<semaphore_mem>>)
        %add3A_759 = arith.constant 1 : i32
        %add3A_760 = arith.addi %get3A_720, %add3A_759 : i32
        %swap3A_761 = arith.constant 0 : index
        %swap3A_762 = memref.load %arg5[%swap3A_761] : memref<2xi32, #tpu.memory_space<smem>>
        memref.store %add3A_760, %arg5[%swap3A_761] : memref<2xi32, #tpu.memory_space<smem>>
      } else {
      }
      %mul3A_477 = arith.constant 32 : i32
      %mul3A_478 = arith.muli %add3A_366, %mul3A_477 : i32
      %add3A_479 = arith.constant 10 : i32
      %add3A_480 = arith.addi %mul3A_478, %add3A_479 : i32
      %get3A_481 = arith.index_cast %add3A_480 : i32 to index
      %get3A_482 = memref.load %arg1[%get3A_481] : memref<1024xi32, #tpu.memory_space<smem>>
      %ge3A_483 = arith.constant 0 : i32
      %ge3A_484 = arith.cmpi sge, %get3A_482, %ge3A_483 : i32
      %convert_element_type3A_485 = arith.extui %ge3A_484 : i1 to i32
      %cond3A_486 = arith.constant 0 : i32
      %cond3A_487 = arith.cmpi ne, %convert_element_type3A_485, %cond3A_486 : i32
      scf.if %cond3A_487 {
        %get3A_719 = arith.constant 0 : index
        %get3A_720 = memref.load %arg5[%get3A_719] : memref<2xi32, #tpu.memory_space<smem>>
        %jit3A = arith.constant 64 : i32
        %eq3A_721 = arith.constant 0 : i32
        %eq3A_722 = arith.cmpi eq, %jit3A, %eq3A_721 : i32
        %jit3A_723 = arith.constant 1 : i32
        %select_n3A = arith.select %eq3A_722, %jit3A_723, %jit3A : i32
        %rem3A = arith.remsi %get3A_720, %select_n3A : i32
        %ne3A = arith.constant 0 : i32
        %ne3A_724 = arith.cmpi ne, %rem3A, %ne3A : i32
        %lt3A_725 = arith.constant 0 : i32
        %lt3A_726 = arith.cmpi slt, %rem3A, %lt3A_725 : i32
        %lt3A_727 = arith.constant 0 : i32
        %lt3A_728 = arith.cmpi slt, %select_n3A, %lt3A_727 : i32
        %ne3A_729 = arith.xori %lt3A_726, %lt3A_728 : i1
        %and3A = arith.andi %ne3A_729, %ne3A_724 : i1
        %add3A_730 = arith.addi %rem3A, %select_n3A : i32
        %select_n3A_731 = arith.select %and3A, %add3A_730, %rem3A : i32
        %jit3A_732 = arith.constant 64 : i32
        %eq3A_733 = arith.constant 0 : i32
        %eq3A_734 = arith.cmpi eq, %jit3A_732, %eq3A_733 : i32
        %jit3A_735 = arith.constant 1 : i32
        %select_n3A_736 = arith.select %eq3A_734, %jit3A_735, %jit3A_732 : i32
        %rem3A_737 = arith.remsi %get3A_720, %select_n3A_736 : i32
        %ne3A_738 = arith.constant 0 : i32
        %ne3A_739 = arith.cmpi ne, %rem3A_737, %ne3A_738 : i32
        %lt3A_740 = arith.constant 0 : i32
        %lt3A_741 = arith.cmpi slt, %rem3A_737, %lt3A_740 : i32
        %lt3A_742 = arith.constant 0 : i32
        %lt3A_743 = arith.cmpi slt, %select_n3A_736, %lt3A_742 : i32
        %ne3A_744 = arith.xori %lt3A_741, %lt3A_743 : i1
        %and3A_745 = arith.andi %ne3A_744, %ne3A_739 : i1
        %add3A_746 = arith.addi %rem3A_737, %select_n3A_736 : i32
        %select_n3A_747 = arith.select %and3A_745, %add3A_746, %rem3A_737 : i32
        %dma_start3A = tpu.memref_slice %arg7[%select_n3A_747] : memref<64x!tpu.dma_semaphore, #tpu.memory_space<semaphore_mem>> -> memref<1x!tpu.dma_semaphore, #tpu.memory_space<semaphore_mem>>
        %dma_start3A_748 = tpu.memref_squeeze %dma_start3A : memref<1x!tpu.dma_semaphore, #tpu.memory_space<semaphore_mem>> -> memref<!tpu.dma_semaphore, #tpu.memory_space<semaphore_mem>>
        %dma_start3A_749 = arith.constant 0 : i32
        %dma_start3A_750 = arith.constant 0 : i32
        %dma_start3A_751 = arith.constant 0 : i32
        %dma_start3A_752 = tpu.memref_slice %arg6[%select_n3A_731, %dma_start3A_749, %dma_start3A_750, %dma_start3A_751] : memref<64x2x40x512xf32, #tpu.memory_space<vmem>> -> memref<1x2x40x512xf32, #tpu.memory_space<vmem>>
        %dma_start3A_753 = tpu.memref_squeeze %dma_start3A_752 : memref<1x2x40x512xf32, #tpu.memory_space<vmem>> -> memref<2x40x512xf32, #tpu.memory_space<vmem>>
        %dma_start3A_754 = arith.constant 0 : i32
        %dma_start3A_755 = arith.constant 0 : i32
        %dma_start3A_756 = arith.constant 0 : i32
        %dma_start3A_757 = tpu.memref_slice %arg2[%get3A_482, %dma_start3A_754, %dma_start3A_755, %dma_start3A_756] : memref<512x2x40x512xf32, #tpu.memory_space<hbm>> -> memref<1x2x40x512xf32, #tpu.memory_space<hbm>>
        %dma_start3A_758 = tpu.memref_squeeze %dma_start3A_757 : memref<1x2x40x512xf32, #tpu.memory_space<hbm>> -> memref<2x40x512xf32, #tpu.memory_space<hbm>>
        tpu.enqueue_dma source(%dma_start3A_758 : memref<2x40x512xf32, #tpu.memory_space<hbm>>) target(%dma_start3A_753 : memref<2x40x512xf32, #tpu.memory_space<vmem>>) target_semaphore(%dma_start3A_748 : memref<!tpu.dma_semaphore, #tpu.memory_space<semaphore_mem>>)
        %add3A_759 = arith.constant 1 : i32
        %add3A_760 = arith.addi %get3A_720, %add3A_759 : i32
        %swap3A_761 = arith.constant 0 : index
        %swap3A_762 = memref.load %arg5[%swap3A_761] : memref<2xi32, #tpu.memory_space<smem>>
        memref.store %add3A_760, %arg5[%swap3A_761] : memref<2xi32, #tpu.memory_space<smem>>
      } else {
      }
      %mul3A_488 = arith.constant 32 : i32
      %mul3A_489 = arith.muli %add3A_366, %mul3A_488 : i32
      %add3A_490 = arith.constant 11 : i32
      %add3A_491 = arith.addi %mul3A_489, %add3A_490 : i32
      %get3A_492 = arith.index_cast %add3A_491 : i32 to index
      %get3A_493 = memref.load %arg1[%get3A_492] : memref<1024xi32, #tpu.memory_space<smem>>
      %ge3A_494 = arith.constant 0 : i32
      %ge3A_495 = arith.cmpi sge, %get3A_493, %ge3A_494 : i32
      %convert_element_type3A_496 = arith.extui %ge3A_495 : i1 to i32
      %cond3A_497 = arith.constant 0 : i32
      %cond3A_498 = arith.cmpi ne, %convert_element_type3A_496, %cond3A_497 : i32
      scf.if %cond3A_498 {
        %get3A_719 = arith.constant 0 : index
        %get3A_720 = memref.load %arg5[%get3A_719] : memref<2xi32, #tpu.memory_space<smem>>
        %jit3A = arith.constant 64 : i32
        %eq3A_721 = arith.constant 0 : i32
        %eq3A_722 = arith.cmpi eq, %jit3A, %eq3A_721 : i32
        %jit3A_723 = arith.constant 1 : i32
        %select_n3A = arith.select %eq3A_722, %jit3A_723, %jit3A : i32
        %rem3A = arith.remsi %get3A_720, %select_n3A : i32
        %ne3A = arith.constant 0 : i32
        %ne3A_724 = arith.cmpi ne, %rem3A, %ne3A : i32
        %lt3A_725 = arith.constant 0 : i32
        %lt3A_726 = arith.cmpi slt, %rem3A, %lt3A_725 : i32
        %lt3A_727 = arith.constant 0 : i32
        %lt3A_728 = arith.cmpi slt, %select_n3A, %lt3A_727 : i32
        %ne3A_729 = arith.xori %lt3A_726, %lt3A_728 : i1
        %and3A = arith.andi %ne3A_729, %ne3A_724 : i1
        %add3A_730 = arith.addi %rem3A, %select_n3A : i32
        %select_n3A_731 = arith.select %and3A, %add3A_730, %rem3A : i32
        %jit3A_732 = arith.constant 64 : i32
        %eq3A_733 = arith.constant 0 : i32
        %eq3A_734 = arith.cmpi eq, %jit3A_732, %eq3A_733 : i32
        %jit3A_735 = arith.constant 1 : i32
        %select_n3A_736 = arith.select %eq3A_734, %jit3A_735, %jit3A_732 : i32
        %rem3A_737 = arith.remsi %get3A_720, %select_n3A_736 : i32
        %ne3A_738 = arith.constant 0 : i32
        %ne3A_739 = arith.cmpi ne, %rem3A_737, %ne3A_738 : i32
        %lt3A_740 = arith.constant 0 : i32
        %lt3A_741 = arith.cmpi slt, %rem3A_737, %lt3A_740 : i32
        %lt3A_742 = arith.constant 0 : i32
        %lt3A_743 = arith.cmpi slt, %select_n3A_736, %lt3A_742 : i32
        %ne3A_744 = arith.xori %lt3A_741, %lt3A_743 : i1
        %and3A_745 = arith.andi %ne3A_744, %ne3A_739 : i1
        %add3A_746 = arith.addi %rem3A_737, %select_n3A_736 : i32
        %select_n3A_747 = arith.select %and3A_745, %add3A_746, %rem3A_737 : i32
        %dma_start3A = tpu.memref_slice %arg7[%select_n3A_747] : memref<64x!tpu.dma_semaphore, #tpu.memory_space<semaphore_mem>> -> memref<1x!tpu.dma_semaphore, #tpu.memory_space<semaphore_mem>>
        %dma_start3A_748 = tpu.memref_squeeze %dma_start3A : memref<1x!tpu.dma_semaphore, #tpu.memory_space<semaphore_mem>> -> memref<!tpu.dma_semaphore, #tpu.memory_space<semaphore_mem>>
        %dma_start3A_749 = arith.constant 0 : i32
        %dma_start3A_750 = arith.constant 0 : i32
        %dma_start3A_751 = arith.constant 0 : i32
        %dma_start3A_752 = tpu.memref_slice %arg6[%select_n3A_731, %dma_start3A_749, %dma_start3A_750, %dma_start3A_751] : memref<64x2x40x512xf32, #tpu.memory_space<vmem>> -> memref<1x2x40x512xf32, #tpu.memory_space<vmem>>
        %dma_start3A_753 = tpu.memref_squeeze %dma_start3A_752 : memref<1x2x40x512xf32, #tpu.memory_space<vmem>> -> memref<2x40x512xf32, #tpu.memory_space<vmem>>
        %dma_start3A_754 = arith.constant 0 : i32
        %dma_start3A_755 = arith.constant 0 : i32
        %dma_start3A_756 = arith.constant 0 : i32
        %dma_start3A_757 = tpu.memref_slice %arg2[%get3A_493, %dma_start3A_754, %dma_start3A_755, %dma_start3A_756] : memref<512x2x40x512xf32, #tpu.memory_space<hbm>> -> memref<1x2x40x512xf32, #tpu.memory_space<hbm>>
        %dma_start3A_758 = tpu.memref_squeeze %dma_start3A_757 : memref<1x2x40x512xf32, #tpu.memory_space<hbm>> -> memref<2x40x512xf32, #tpu.memory_space<hbm>>
        tpu.enqueue_dma source(%dma_start3A_758 : memref<2x40x512xf32, #tpu.memory_space<hbm>>) target(%dma_start3A_753 : memref<2x40x512xf32, #tpu.memory_space<vmem>>) target_semaphore(%dma_start3A_748 : memref<!tpu.dma_semaphore, #tpu.memory_space<semaphore_mem>>)
        %add3A_759 = arith.constant 1 : i32
        %add3A_760 = arith.addi %get3A_720, %add3A_759 : i32
        %swap3A_761 = arith.constant 0 : index
        %swap3A_762 = memref.load %arg5[%swap3A_761] : memref<2xi32, #tpu.memory_space<smem>>
        memref.store %add3A_760, %arg5[%swap3A_761] : memref<2xi32, #tpu.memory_space<smem>>
      } else {
      }
      %mul3A_499 = arith.constant 32 : i32
      %mul3A_500 = arith.muli %add3A_366, %mul3A_499 : i32
      %add3A_501 = arith.constant 12 : i32
      %add3A_502 = arith.addi %mul3A_500, %add3A_501 : i32
      %get3A_503 = arith.index_cast %add3A_502 : i32 to index
      %get3A_504 = memref.load %arg1[%get3A_503] : memref<1024xi32, #tpu.memory_space<smem>>
      %ge3A_505 = arith.constant 0 : i32
      %ge3A_506 = arith.cmpi sge, %get3A_504, %ge3A_505 : i32
      %convert_element_type3A_507 = arith.extui %ge3A_506 : i1 to i32
      %cond3A_508 = arith.constant 0 : i32
      %cond3A_509 = arith.cmpi ne, %convert_element_type3A_507, %cond3A_508 : i32
      scf.if %cond3A_509 {
        %get3A_719 = arith.constant 0 : index
        %get3A_720 = memref.load %arg5[%get3A_719] : memref<2xi32, #tpu.memory_space<smem>>
        %jit3A = arith.constant 64 : i32
        %eq3A_721 = arith.constant 0 : i32
        %eq3A_722 = arith.cmpi eq, %jit3A, %eq3A_721 : i32
        %jit3A_723 = arith.constant 1 : i32
        %select_n3A = arith.select %eq3A_722, %jit3A_723, %jit3A : i32
        %rem3A = arith.remsi %get3A_720, %select_n3A : i32
        %ne3A = arith.constant 0 : i32
        %ne3A_724 = arith.cmpi ne, %rem3A, %ne3A : i32
        %lt3A_725 = arith.constant 0 : i32
        %lt3A_726 = arith.cmpi slt, %rem3A, %lt3A_725 : i32
        %lt3A_727 = arith.constant 0 : i32
        %lt3A_728 = arith.cmpi slt, %select_n3A, %lt3A_727 : i32
        %ne3A_729 = arith.xori %lt3A_726, %lt3A_728 : i1
        %and3A = arith.andi %ne3A_729, %ne3A_724 : i1
        %add3A_730 = arith.addi %rem3A, %select_n3A : i32
        %select_n3A_731 = arith.select %and3A, %add3A_730, %rem3A : i32
        %jit3A_732 = arith.constant 64 : i32
        %eq3A_733 = arith.constant 0 : i32
        %eq3A_734 = arith.cmpi eq, %jit3A_732, %eq3A_733 : i32
        %jit3A_735 = arith.constant 1 : i32
        %select_n3A_736 = arith.select %eq3A_734, %jit3A_735, %jit3A_732 : i32
        %rem3A_737 = arith.remsi %get3A_720, %select_n3A_736 : i32
        %ne3A_738 = arith.constant 0 : i32
        %ne3A_739 = arith.cmpi ne, %rem3A_737, %ne3A_738 : i32
        %lt3A_740 = arith.constant 0 : i32
        %lt3A_741 = arith.cmpi slt, %rem3A_737, %lt3A_740 : i32
        %lt3A_742 = arith.constant 0 : i32
        %lt3A_743 = arith.cmpi slt, %select_n3A_736, %lt3A_742 : i32
        %ne3A_744 = arith.xori %lt3A_741, %lt3A_743 : i1
        %and3A_745 = arith.andi %ne3A_744, %ne3A_739 : i1
        %add3A_746 = arith.addi %rem3A_737, %select_n3A_736 : i32
        %select_n3A_747 = arith.select %and3A_745, %add3A_746, %rem3A_737 : i32
        %dma_start3A = tpu.memref_slice %arg7[%select_n3A_747] : memref<64x!tpu.dma_semaphore, #tpu.memory_space<semaphore_mem>> -> memref<1x!tpu.dma_semaphore, #tpu.memory_space<semaphore_mem>>
        %dma_start3A_748 = tpu.memref_squeeze %dma_start3A : memref<1x!tpu.dma_semaphore, #tpu.memory_space<semaphore_mem>> -> memref<!tpu.dma_semaphore, #tpu.memory_space<semaphore_mem>>
        %dma_start3A_749 = arith.constant 0 : i32
        %dma_start3A_750 = arith.constant 0 : i32
        %dma_start3A_751 = arith.constant 0 : i32
        %dma_start3A_752 = tpu.memref_slice %arg6[%select_n3A_731, %dma_start3A_749, %dma_start3A_750, %dma_start3A_751] : memref<64x2x40x512xf32, #tpu.memory_space<vmem>> -> memref<1x2x40x512xf32, #tpu.memory_space<vmem>>
        %dma_start3A_753 = tpu.memref_squeeze %dma_start3A_752 : memref<1x2x40x512xf32, #tpu.memory_space<vmem>> -> memref<2x40x512xf32, #tpu.memory_space<vmem>>
        %dma_start3A_754 = arith.constant 0 : i32
        %dma_start3A_755 = arith.constant 0 : i32
        %dma_start3A_756 = arith.constant 0 : i32
        %dma_start3A_757 = tpu.memref_slice %arg2[%get3A_504, %dma_start3A_754, %dma_start3A_755, %dma_start3A_756] : memref<512x2x40x512xf32, #tpu.memory_space<hbm>> -> memref<1x2x40x512xf32, #tpu.memory_space<hbm>>
        %dma_start3A_758 = tpu.memref_squeeze %dma_start3A_757 : memref<1x2x40x512xf32, #tpu.memory_space<hbm>> -> memref<2x40x512xf32, #tpu.memory_space<hbm>>
        tpu.enqueue_dma source(%dma_start3A_758 : memref<2x40x512xf32, #tpu.memory_space<hbm>>) target(%dma_start3A_753 : memref<2x40x512xf32, #tpu.memory_space<vmem>>) target_semaphore(%dma_start3A_748 : memref<!tpu.dma_semaphore, #tpu.memory_space<semaphore_mem>>)
        %add3A_759 = arith.constant 1 : i32
        %add3A_760 = arith.addi %get3A_720, %add3A_759 : i32
        %swap3A_761 = arith.constant 0 : index
        %swap3A_762 = memref.load %arg5[%swap3A_761] : memref<2xi32, #tpu.memory_space<smem>>
        memref.store %add3A_760, %arg5[%swap3A_761] : memref<2xi32, #tpu.memory_space<smem>>
      } else {
      }
      %mul3A_510 = arith.constant 32 : i32
      %mul3A_511 = arith.muli %add3A_366, %mul3A_510 : i32
      %add3A_512 = arith.constant 13 : i32
      %add3A_513 = arith.addi %mul3A_511, %add3A_512 : i32
      %get3A_514 = arith.index_cast %add3A_513 : i32 to index
      %get3A_515 = memref.load %arg1[%get3A_514] : memref<1024xi32, #tpu.memory_space<smem>>
      %ge3A_516 = arith.constant 0 : i32
      %ge3A_517 = arith.cmpi sge, %get3A_515, %ge3A_516 : i32
      %convert_element_type3A_518 = arith.extui %ge3A_517 : i1 to i32
      %cond3A_519 = arith.constant 0 : i32
      %cond3A_520 = arith.cmpi ne, %convert_element_type3A_518, %cond3A_519 : i32
      scf.if %cond3A_520 {
        %get3A_719 = arith.constant 0 : index
        %get3A_720 = memref.load %arg5[%get3A_719] : memref<2xi32, #tpu.memory_space<smem>>
        %jit3A = arith.constant 64 : i32
        %eq3A_721 = arith.constant 0 : i32
        %eq3A_722 = arith.cmpi eq, %jit3A, %eq3A_721 : i32
        %jit3A_723 = arith.constant 1 : i32
        %select_n3A = arith.select %eq3A_722, %jit3A_723, %jit3A : i32
        %rem3A = arith.remsi %get3A_720, %select_n3A : i32
        %ne3A = arith.constant 0 : i32
        %ne3A_724 = arith.cmpi ne, %rem3A, %ne3A : i32
        %lt3A_725 = arith.constant 0 : i32
        %lt3A_726 = arith.cmpi slt, %rem3A, %lt3A_725 : i32
        %lt3A_727 = arith.constant 0 : i32
        %lt3A_728 = arith.cmpi slt, %select_n3A, %lt3A_727 : i32
        %ne3A_729 = arith.xori %lt3A_726, %lt3A_728 : i1
        %and3A = arith.andi %ne3A_729, %ne3A_724 : i1
        %add3A_730 = arith.addi %rem3A, %select_n3A : i32
        %select_n3A_731 = arith.select %and3A, %add3A_730, %rem3A : i32
        %jit3A_732 = arith.constant 64 : i32
        %eq3A_733 = arith.constant 0 : i32
        %eq3A_734 = arith.cmpi eq, %jit3A_732, %eq3A_733 : i32
        %jit3A_735 = arith.constant 1 : i32
        %select_n3A_736 = arith.select %eq3A_734, %jit3A_735, %jit3A_732 : i32
        %rem3A_737 = arith.remsi %get3A_720, %select_n3A_736 : i32
        %ne3A_738 = arith.constant 0 : i32
        %ne3A_739 = arith.cmpi ne, %rem3A_737, %ne3A_738 : i32
        %lt3A_740 = arith.constant 0 : i32
        %lt3A_741 = arith.cmpi slt, %rem3A_737, %lt3A_740 : i32
        %lt3A_742 = arith.constant 0 : i32
        %lt3A_743 = arith.cmpi slt, %select_n3A_736, %lt3A_742 : i32
        %ne3A_744 = arith.xori %lt3A_741, %lt3A_743 : i1
        %and3A_745 = arith.andi %ne3A_744, %ne3A_739 : i1
        %add3A_746 = arith.addi %rem3A_737, %select_n3A_736 : i32
        %select_n3A_747 = arith.select %and3A_745, %add3A_746, %rem3A_737 : i32
        %dma_start3A = tpu.memref_slice %arg7[%select_n3A_747] : memref<64x!tpu.dma_semaphore, #tpu.memory_space<semaphore_mem>> -> memref<1x!tpu.dma_semaphore, #tpu.memory_space<semaphore_mem>>
        %dma_start3A_748 = tpu.memref_squeeze %dma_start3A : memref<1x!tpu.dma_semaphore, #tpu.memory_space<semaphore_mem>> -> memref<!tpu.dma_semaphore, #tpu.memory_space<semaphore_mem>>
        %dma_start3A_749 = arith.constant 0 : i32
        %dma_start3A_750 = arith.constant 0 : i32
        %dma_start3A_751 = arith.constant 0 : i32
        %dma_start3A_752 = tpu.memref_slice %arg6[%select_n3A_731, %dma_start3A_749, %dma_start3A_750, %dma_start3A_751] : memref<64x2x40x512xf32, #tpu.memory_space<vmem>> -> memref<1x2x40x512xf32, #tpu.memory_space<vmem>>
        %dma_start3A_753 = tpu.memref_squeeze %dma_start3A_752 : memref<1x2x40x512xf32, #tpu.memory_space<vmem>> -> memref<2x40x512xf32, #tpu.memory_space<vmem>>
        %dma_start3A_754 = arith.constant 0 : i32
        %dma_start3A_755 = arith.constant 0 : i32
        %dma_start3A_756 = arith.constant 0 : i32
        %dma_start3A_757 = tpu.memref_slice %arg2[%get3A_515, %dma_start3A_754, %dma_start3A_755, %dma_start3A_756] : memref<512x2x40x512xf32, #tpu.memory_space<hbm>> -> memref<1x2x40x512xf32, #tpu.memory_space<hbm>>
        %dma_start3A_758 = tpu.memref_squeeze %dma_start3A_757 : memref<1x2x40x512xf32, #tpu.memory_space<hbm>> -> memref<2x40x512xf32, #tpu.memory_space<hbm>>
        tpu.enqueue_dma source(%dma_start3A_758 : memref<2x40x512xf32, #tpu.memory_space<hbm>>) target(%dma_start3A_753 : memref<2x40x512xf32, #tpu.memory_space<vmem>>) target_semaphore(%dma_start3A_748 : memref<!tpu.dma_semaphore, #tpu.memory_space<semaphore_mem>>)
        %add3A_759 = arith.constant 1 : i32
        %add3A_760 = arith.addi %get3A_720, %add3A_759 : i32
        %swap3A_761 = arith.constant 0 : index
        %swap3A_762 = memref.load %arg5[%swap3A_761] : memref<2xi32, #tpu.memory_space<smem>>
        memref.store %add3A_760, %arg5[%swap3A_761] : memref<2xi32, #tpu.memory_space<smem>>
      } else {
      }
      %mul3A_521 = arith.constant 32 : i32
      %mul3A_522 = arith.muli %add3A_366, %mul3A_521 : i32
      %add3A_523 = arith.constant 14 : i32
      %add3A_524 = arith.addi %mul3A_522, %add3A_523 : i32
      %get3A_525 = arith.index_cast %add3A_524 : i32 to index
      %get3A_526 = memref.load %arg1[%get3A_525] : memref<1024xi32, #tpu.memory_space<smem>>
      %ge3A_527 = arith.constant 0 : i32
      %ge3A_528 = arith.cmpi sge, %get3A_526, %ge3A_527 : i32
      %convert_element_type3A_529 = arith.extui %ge3A_528 : i1 to i32
      %cond3A_530 = arith.constant 0 : i32
      %cond3A_531 = arith.cmpi ne, %convert_element_type3A_529, %cond3A_530 : i32
      scf.if %cond3A_531 {
        %get3A_719 = arith.constant 0 : index
        %get3A_720 = memref.load %arg5[%get3A_719] : memref<2xi32, #tpu.memory_space<smem>>
        %jit3A = arith.constant 64 : i32
        %eq3A_721 = arith.constant 0 : i32
        %eq3A_722 = arith.cmpi eq, %jit3A, %eq3A_721 : i32
        %jit3A_723 = arith.constant 1 : i32
        %select_n3A = arith.select %eq3A_722, %jit3A_723, %jit3A : i32
        %rem3A = arith.remsi %get3A_720, %select_n3A : i32
        %ne3A = arith.constant 0 : i32
        %ne3A_724 = arith.cmpi ne, %rem3A, %ne3A : i32
        %lt3A_725 = arith.constant 0 : i32
        %lt3A_726 = arith.cmpi slt, %rem3A, %lt3A_725 : i32
        %lt3A_727 = arith.constant 0 : i32
        %lt3A_728 = arith.cmpi slt, %select_n3A, %lt3A_727 : i32
        %ne3A_729 = arith.xori %lt3A_726, %lt3A_728 : i1
        %and3A = arith.andi %ne3A_729, %ne3A_724 : i1
        %add3A_730 = arith.addi %rem3A, %select_n3A : i32
        %select_n3A_731 = arith.select %and3A, %add3A_730, %rem3A : i32
        %jit3A_732 = arith.constant 64 : i32
        %eq3A_733 = arith.constant 0 : i32
        %eq3A_734 = arith.cmpi eq, %jit3A_732, %eq3A_733 : i32
        %jit3A_735 = arith.constant 1 : i32
        %select_n3A_736 = arith.select %eq3A_734, %jit3A_735, %jit3A_732 : i32
        %rem3A_737 = arith.remsi %get3A_720, %select_n3A_736 : i32
        %ne3A_738 = arith.constant 0 : i32
        %ne3A_739 = arith.cmpi ne, %rem3A_737, %ne3A_738 : i32
        %lt3A_740 = arith.constant 0 : i32
        %lt3A_741 = arith.cmpi slt, %rem3A_737, %lt3A_740 : i32
        %lt3A_742 = arith.constant 0 : i32
        %lt3A_743 = arith.cmpi slt, %select_n3A_736, %lt3A_742 : i32
        %ne3A_744 = arith.xori %lt3A_741, %lt3A_743 : i1
        %and3A_745 = arith.andi %ne3A_744, %ne3A_739 : i1
        %add3A_746 = arith.addi %rem3A_737, %select_n3A_736 : i32
        %select_n3A_747 = arith.select %and3A_745, %add3A_746, %rem3A_737 : i32
        %dma_start3A = tpu.memref_slice %arg7[%select_n3A_747] : memref<64x!tpu.dma_semaphore, #tpu.memory_space<semaphore_mem>> -> memref<1x!tpu.dma_semaphore, #tpu.memory_space<semaphore_mem>>
        %dma_start3A_748 = tpu.memref_squeeze %dma_start3A : memref<1x!tpu.dma_semaphore, #tpu.memory_space<semaphore_mem>> -> memref<!tpu.dma_semaphore, #tpu.memory_space<semaphore_mem>>
        %dma_start3A_749 = arith.constant 0 : i32
        %dma_start3A_750 = arith.constant 0 : i32
        %dma_start3A_751 = arith.constant 0 : i32
        %dma_start3A_752 = tpu.memref_slice %arg6[%select_n3A_731, %dma_start3A_749, %dma_start3A_750, %dma_start3A_751] : memref<64x2x40x512xf32, #tpu.memory_space<vmem>> -> memref<1x2x40x512xf32, #tpu.memory_space<vmem>>
        %dma_start3A_753 = tpu.memref_squeeze %dma_start3A_752 : memref<1x2x40x512xf32, #tpu.memory_space<vmem>> -> memref<2x40x512xf32, #tpu.memory_space<vmem>>
        %dma_start3A_754 = arith.constant 0 : i32
        %dma_start3A_755 = arith.constant 0 : i32
        %dma_start3A_756 = arith.constant 0 : i32
        %dma_start3A_757 = tpu.memref_slice %arg2[%get3A_526, %dma_start3A_754, %dma_start3A_755, %dma_start3A_756] : memref<512x2x40x512xf32, #tpu.memory_space<hbm>> -> memref<1x2x40x512xf32, #tpu.memory_space<hbm>>
        %dma_start3A_758 = tpu.memref_squeeze %dma_start3A_757 : memref<1x2x40x512xf32, #tpu.memory_space<hbm>> -> memref<2x40x512xf32, #tpu.memory_space<hbm>>
        tpu.enqueue_dma source(%dma_start3A_758 : memref<2x40x512xf32, #tpu.memory_space<hbm>>) target(%dma_start3A_753 : memref<2x40x512xf32, #tpu.memory_space<vmem>>) target_semaphore(%dma_start3A_748 : memref<!tpu.dma_semaphore, #tpu.memory_space<semaphore_mem>>)
        %add3A_759 = arith.constant 1 : i32
        %add3A_760 = arith.addi %get3A_720, %add3A_759 : i32
        %swap3A_761 = arith.constant 0 : index
        %swap3A_762 = memref.load %arg5[%swap3A_761] : memref<2xi32, #tpu.memory_space<smem>>
        memref.store %add3A_760, %arg5[%swap3A_761] : memref<2xi32, #tpu.memory_space<smem>>
      } else {
      }
      %mul3A_532 = arith.constant 32 : i32
      %mul3A_533 = arith.muli %add3A_366, %mul3A_532 : i32
      %add3A_534 = arith.constant 15 : i32
      %add3A_535 = arith.addi %mul3A_533, %add3A_534 : i32
      %get3A_536 = arith.index_cast %add3A_535 : i32 to index
      %get3A_537 = memref.load %arg1[%get3A_536] : memref<1024xi32, #tpu.memory_space<smem>>
      %ge3A_538 = arith.constant 0 : i32
      %ge3A_539 = arith.cmpi sge, %get3A_537, %ge3A_538 : i32
      %convert_element_type3A_540 = arith.extui %ge3A_539 : i1 to i32
      %cond3A_541 = arith.constant 0 : i32
      %cond3A_542 = arith.cmpi ne, %convert_element_type3A_540, %cond3A_541 : i32
      scf.if %cond3A_542 {
        %get3A_719 = arith.constant 0 : index
        %get3A_720 = memref.load %arg5[%get3A_719] : memref<2xi32, #tpu.memory_space<smem>>
        %jit3A = arith.constant 64 : i32
        %eq3A_721 = arith.constant 0 : i32
        %eq3A_722 = arith.cmpi eq, %jit3A, %eq3A_721 : i32
        %jit3A_723 = arith.constant 1 : i32
        %select_n3A = arith.select %eq3A_722, %jit3A_723, %jit3A : i32
        %rem3A = arith.remsi %get3A_720, %select_n3A : i32
        %ne3A = arith.constant 0 : i32
        %ne3A_724 = arith.cmpi ne, %rem3A, %ne3A : i32
        %lt3A_725 = arith.constant 0 : i32
        %lt3A_726 = arith.cmpi slt, %rem3A, %lt3A_725 : i32
        %lt3A_727 = arith.constant 0 : i32
        %lt3A_728 = arith.cmpi slt, %select_n3A, %lt3A_727 : i32
        %ne3A_729 = arith.xori %lt3A_726, %lt3A_728 : i1
        %and3A = arith.andi %ne3A_729, %ne3A_724 : i1
        %add3A_730 = arith.addi %rem3A, %select_n3A : i32
        %select_n3A_731 = arith.select %and3A, %add3A_730, %rem3A : i32
        %jit3A_732 = arith.constant 64 : i32
        %eq3A_733 = arith.constant 0 : i32
        %eq3A_734 = arith.cmpi eq, %jit3A_732, %eq3A_733 : i32
        %jit3A_735 = arith.constant 1 : i32
        %select_n3A_736 = arith.select %eq3A_734, %jit3A_735, %jit3A_732 : i32
        %rem3A_737 = arith.remsi %get3A_720, %select_n3A_736 : i32
        %ne3A_738 = arith.constant 0 : i32
        %ne3A_739 = arith.cmpi ne, %rem3A_737, %ne3A_738 : i32
        %lt3A_740 = arith.constant 0 : i32
        %lt3A_741 = arith.cmpi slt, %rem3A_737, %lt3A_740 : i32
        %lt3A_742 = arith.constant 0 : i32
        %lt3A_743 = arith.cmpi slt, %select_n3A_736, %lt3A_742 : i32
        %ne3A_744 = arith.xori %lt3A_741, %lt3A_743 : i1
        %and3A_745 = arith.andi %ne3A_744, %ne3A_739 : i1
        %add3A_746 = arith.addi %rem3A_737, %select_n3A_736 : i32
        %select_n3A_747 = arith.select %and3A_745, %add3A_746, %rem3A_737 : i32
        %dma_start3A = tpu.memref_slice %arg7[%select_n3A_747] : memref<64x!tpu.dma_semaphore, #tpu.memory_space<semaphore_mem>> -> memref<1x!tpu.dma_semaphore, #tpu.memory_space<semaphore_mem>>
        %dma_start3A_748 = tpu.memref_squeeze %dma_start3A : memref<1x!tpu.dma_semaphore, #tpu.memory_space<semaphore_mem>> -> memref<!tpu.dma_semaphore, #tpu.memory_space<semaphore_mem>>
        %dma_start3A_749 = arith.constant 0 : i32
        %dma_start3A_750 = arith.constant 0 : i32
        %dma_start3A_751 = arith.constant 0 : i32
        %dma_start3A_752 = tpu.memref_slice %arg6[%select_n3A_731, %dma_start3A_749, %dma_start3A_750, %dma_start3A_751] : memref<64x2x40x512xf32, #tpu.memory_space<vmem>> -> memref<1x2x40x512xf32, #tpu.memory_space<vmem>>
        %dma_start3A_753 = tpu.memref_squeeze %dma_start3A_752 : memref<1x2x40x512xf32, #tpu.memory_space<vmem>> -> memref<2x40x512xf32, #tpu.memory_space<vmem>>
        %dma_start3A_754 = arith.constant 0 : i32
        %dma_start3A_755 = arith.constant 0 : i32
        %dma_start3A_756 = arith.constant 0 : i32
        %dma_start3A_757 = tpu.memref_slice %arg2[%get3A_537, %dma_start3A_754, %dma_start3A_755, %dma_start3A_756] : memref<512x2x40x512xf32, #tpu.memory_space<hbm>> -> memref<1x2x40x512xf32, #tpu.memory_space<hbm>>
        %dma_start3A_758 = tpu.memref_squeeze %dma_start3A_757 : memref<1x2x40x512xf32, #tpu.memory_space<hbm>> -> memref<2x40x512xf32, #tpu.memory_space<hbm>>
        tpu.enqueue_dma source(%dma_start3A_758 : memref<2x40x512xf32, #tpu.memory_space<hbm>>) target(%dma_start3A_753 : memref<2x40x512xf32, #tpu.memory_space<vmem>>) target_semaphore(%dma_start3A_748 : memref<!tpu.dma_semaphore, #tpu.memory_space<semaphore_mem>>)
        %add3A_759 = arith.constant 1 : i32
        %add3A_760 = arith.addi %get3A_720, %add3A_759 : i32
        %swap3A_761 = arith.constant 0 : index
        %swap3A_762 = memref.load %arg5[%swap3A_761] : memref<2xi32, #tpu.memory_space<smem>>
        memref.store %add3A_760, %arg5[%swap3A_761] : memref<2xi32, #tpu.memory_space<smem>>
      } else {
      }
      %mul3A_543 = arith.constant 32 : i32
      %mul3A_544 = arith.muli %add3A_366, %mul3A_543 : i32
      %add3A_545 = arith.constant 16 : i32
      %add3A_546 = arith.addi %mul3A_544, %add3A_545 : i32
      %get3A_547 = arith.index_cast %add3A_546 : i32 to index
      %get3A_548 = memref.load %arg1[%get3A_547] : memref<1024xi32, #tpu.memory_space<smem>>
      %ge3A_549 = arith.constant 0 : i32
      %ge3A_550 = arith.cmpi sge, %get3A_548, %ge3A_549 : i32
      %convert_element_type3A_551 = arith.extui %ge3A_550 : i1 to i32
      %cond3A_552 = arith.constant 0 : i32
      %cond3A_553 = arith.cmpi ne, %convert_element_type3A_551, %cond3A_552 : i32
      scf.if %cond3A_553 {
        %get3A_719 = arith.constant 0 : index
        %get3A_720 = memref.load %arg5[%get3A_719] : memref<2xi32, #tpu.memory_space<smem>>
        %jit3A = arith.constant 64 : i32
        %eq3A_721 = arith.constant 0 : i32
        %eq3A_722 = arith.cmpi eq, %jit3A, %eq3A_721 : i32
        %jit3A_723 = arith.constant 1 : i32
        %select_n3A = arith.select %eq3A_722, %jit3A_723, %jit3A : i32
        %rem3A = arith.remsi %get3A_720, %select_n3A : i32
        %ne3A = arith.constant 0 : i32
        %ne3A_724 = arith.cmpi ne, %rem3A, %ne3A : i32
        %lt3A_725 = arith.constant 0 : i32
        %lt3A_726 = arith.cmpi slt, %rem3A, %lt3A_725 : i32
        %lt3A_727 = arith.constant 0 : i32
        %lt3A_728 = arith.cmpi slt, %select_n3A, %lt3A_727 : i32
        %ne3A_729 = arith.xori %lt3A_726, %lt3A_728 : i1
        %and3A = arith.andi %ne3A_729, %ne3A_724 : i1
        %add3A_730 = arith.addi %rem3A, %select_n3A : i32
        %select_n3A_731 = arith.select %and3A, %add3A_730, %rem3A : i32
        %jit3A_732 = arith.constant 64 : i32
        %eq3A_733 = arith.constant 0 : i32
        %eq3A_734 = arith.cmpi eq, %jit3A_732, %eq3A_733 : i32
        %jit3A_735 = arith.constant 1 : i32
        %select_n3A_736 = arith.select %eq3A_734, %jit3A_735, %jit3A_732 : i32
        %rem3A_737 = arith.remsi %get3A_720, %select_n3A_736 : i32
        %ne3A_738 = arith.constant 0 : i32
        %ne3A_739 = arith.cmpi ne, %rem3A_737, %ne3A_738 : i32
        %lt3A_740 = arith.constant 0 : i32
        %lt3A_741 = arith.cmpi slt, %rem3A_737, %lt3A_740 : i32
        %lt3A_742 = arith.constant 0 : i32
        %lt3A_743 = arith.cmpi slt, %select_n3A_736, %lt3A_742 : i32
        %ne3A_744 = arith.xori %lt3A_741, %lt3A_743 : i1
        %and3A_745 = arith.andi %ne3A_744, %ne3A_739 : i1
        %add3A_746 = arith.addi %rem3A_737, %select_n3A_736 : i32
        %select_n3A_747 = arith.select %and3A_745, %add3A_746, %rem3A_737 : i32
        %dma_start3A = tpu.memref_slice %arg7[%select_n3A_747] : memref<64x!tpu.dma_semaphore, #tpu.memory_space<semaphore_mem>> -> memref<1x!tpu.dma_semaphore, #tpu.memory_space<semaphore_mem>>
        %dma_start3A_748 = tpu.memref_squeeze %dma_start3A : memref<1x!tpu.dma_semaphore, #tpu.memory_space<semaphore_mem>> -> memref<!tpu.dma_semaphore, #tpu.memory_space<semaphore_mem>>
        %dma_start3A_749 = arith.constant 0 : i32
        %dma_start3A_750 = arith.constant 0 : i32
        %dma_start3A_751 = arith.constant 0 : i32
        %dma_start3A_752 = tpu.memref_slice %arg6[%select_n3A_731, %dma_start3A_749, %dma_start3A_750, %dma_start3A_751] : memref<64x2x40x512xf32, #tpu.memory_space<vmem>> -> memref<1x2x40x512xf32, #tpu.memory_space<vmem>>
        %dma_start3A_753 = tpu.memref_squeeze %dma_start3A_752 : memref<1x2x40x512xf32, #tpu.memory_space<vmem>> -> memref<2x40x512xf32, #tpu.memory_space<vmem>>
        %dma_start3A_754 = arith.constant 0 : i32
        %dma_start3A_755 = arith.constant 0 : i32
        %dma_start3A_756 = arith.constant 0 : i32
        %dma_start3A_757 = tpu.memref_slice %arg2[%get3A_548, %dma_start3A_754, %dma_start3A_755, %dma_start3A_756] : memref<512x2x40x512xf32, #tpu.memory_space<hbm>> -> memref<1x2x40x512xf32, #tpu.memory_space<hbm>>
        %dma_start3A_758 = tpu.memref_squeeze %dma_start3A_757 : memref<1x2x40x512xf32, #tpu.memory_space<hbm>> -> memref<2x40x512xf32, #tpu.memory_space<hbm>>
        tpu.enqueue_dma source(%dma_start3A_758 : memref<2x40x512xf32, #tpu.memory_space<hbm>>) target(%dma_start3A_753 : memref<2x40x512xf32, #tpu.memory_space<vmem>>) target_semaphore(%dma_start3A_748 : memref<!tpu.dma_semaphore, #tpu.memory_space<semaphore_mem>>)
        %add3A_759 = arith.constant 1 : i32
        %add3A_760 = arith.addi %get3A_720, %add3A_759 : i32
        %swap3A_761 = arith.constant 0 : index
        %swap3A_762 = memref.load %arg5[%swap3A_761] : memref<2xi32, #tpu.memory_space<smem>>
        memref.store %add3A_760, %arg5[%swap3A_761] : memref<2xi32, #tpu.memory_space<smem>>
      } else {
      }
      %mul3A_554 = arith.constant 32 : i32
      %mul3A_555 = arith.muli %add3A_366, %mul3A_554 : i32
      %add3A_556 = arith.constant 17 : i32
      %add3A_557 = arith.addi %mul3A_555, %add3A_556 : i32
      %get3A_558 = arith.index_cast %add3A_557 : i32 to index
      %get3A_559 = memref.load %arg1[%get3A_558] : memref<1024xi32, #tpu.memory_space<smem>>
      %ge3A_560 = arith.constant 0 : i32
      %ge3A_561 = arith.cmpi sge, %get3A_559, %ge3A_560 : i32
      %convert_element_type3A_562 = arith.extui %ge3A_561 : i1 to i32
      %cond3A_563 = arith.constant 0 : i32
      %cond3A_564 = arith.cmpi ne, %convert_element_type3A_562, %cond3A_563 : i32
      scf.if %cond3A_564 {
        %get3A_719 = arith.constant 0 : index
        %get3A_720 = memref.load %arg5[%get3A_719] : memref<2xi32, #tpu.memory_space<smem>>
        %jit3A = arith.constant 64 : i32
        %eq3A_721 = arith.constant 0 : i32
        %eq3A_722 = arith.cmpi eq, %jit3A, %eq3A_721 : i32
        %jit3A_723 = arith.constant 1 : i32
        %select_n3A = arith.select %eq3A_722, %jit3A_723, %jit3A : i32
        %rem3A = arith.remsi %get3A_720, %select_n3A : i32
        %ne3A = arith.constant 0 : i32
        %ne3A_724 = arith.cmpi ne, %rem3A, %ne3A : i32
        %lt3A_725 = arith.constant 0 : i32
        %lt3A_726 = arith.cmpi slt, %rem3A, %lt3A_725 : i32
        %lt3A_727 = arith.constant 0 : i32
        %lt3A_728 = arith.cmpi slt, %select_n3A, %lt3A_727 : i32
        %ne3A_729 = arith.xori %lt3A_726, %lt3A_728 : i1
        %and3A = arith.andi %ne3A_729, %ne3A_724 : i1
        %add3A_730 = arith.addi %rem3A, %select_n3A : i32
        %select_n3A_731 = arith.select %and3A, %add3A_730, %rem3A : i32
        %jit3A_732 = arith.constant 64 : i32
        %eq3A_733 = arith.constant 0 : i32
        %eq3A_734 = arith.cmpi eq, %jit3A_732, %eq3A_733 : i32
        %jit3A_735 = arith.constant 1 : i32
        %select_n3A_736 = arith.select %eq3A_734, %jit3A_735, %jit3A_732 : i32
        %rem3A_737 = arith.remsi %get3A_720, %select_n3A_736 : i32
        %ne3A_738 = arith.constant 0 : i32
        %ne3A_739 = arith.cmpi ne, %rem3A_737, %ne3A_738 : i32
        %lt3A_740 = arith.constant 0 : i32
        %lt3A_741 = arith.cmpi slt, %rem3A_737, %lt3A_740 : i32
        %lt3A_742 = arith.constant 0 : i32
        %lt3A_743 = arith.cmpi slt, %select_n3A_736, %lt3A_742 : i32
        %ne3A_744 = arith.xori %lt3A_741, %lt3A_743 : i1
        %and3A_745 = arith.andi %ne3A_744, %ne3A_739 : i1
        %add3A_746 = arith.addi %rem3A_737, %select_n3A_736 : i32
        %select_n3A_747 = arith.select %and3A_745, %add3A_746, %rem3A_737 : i32
        %dma_start3A = tpu.memref_slice %arg7[%select_n3A_747] : memref<64x!tpu.dma_semaphore, #tpu.memory_space<semaphore_mem>> -> memref<1x!tpu.dma_semaphore, #tpu.memory_space<semaphore_mem>>
        %dma_start3A_748 = tpu.memref_squeeze %dma_start3A : memref<1x!tpu.dma_semaphore, #tpu.memory_space<semaphore_mem>> -> memref<!tpu.dma_semaphore, #tpu.memory_space<semaphore_mem>>
        %dma_start3A_749 = arith.constant 0 : i32
        %dma_start3A_750 = arith.constant 0 : i32
        %dma_start3A_751 = arith.constant 0 : i32
        %dma_start3A_752 = tpu.memref_slice %arg6[%select_n3A_731, %dma_start3A_749, %dma_start3A_750, %dma_start3A_751] : memref<64x2x40x512xf32, #tpu.memory_space<vmem>> -> memref<1x2x40x512xf32, #tpu.memory_space<vmem>>
        %dma_start3A_753 = tpu.memref_squeeze %dma_start3A_752 : memref<1x2x40x512xf32, #tpu.memory_space<vmem>> -> memref<2x40x512xf32, #tpu.memory_space<vmem>>
        %dma_start3A_754 = arith.constant 0 : i32
        %dma_start3A_755 = arith.constant 0 : i32
        %dma_start3A_756 = arith.constant 0 : i32
        %dma_start3A_757 = tpu.memref_slice %arg2[%get3A_559, %dma_start3A_754, %dma_start3A_755, %dma_start3A_756] : memref<512x2x40x512xf32, #tpu.memory_space<hbm>> -> memref<1x2x40x512xf32, #tpu.memory_space<hbm>>
        %dma_start3A_758 = tpu.memref_squeeze %dma_start3A_757 : memref<1x2x40x512xf32, #tpu.memory_space<hbm>> -> memref<2x40x512xf32, #tpu.memory_space<hbm>>
        tpu.enqueue_dma source(%dma_start3A_758 : memref<2x40x512xf32, #tpu.memory_space<hbm>>) target(%dma_start3A_753 : memref<2x40x512xf32, #tpu.memory_space<vmem>>) target_semaphore(%dma_start3A_748 : memref<!tpu.dma_semaphore, #tpu.memory_space<semaphore_mem>>)
        %add3A_759 = arith.constant 1 : i32
        %add3A_760 = arith.addi %get3A_720, %add3A_759 : i32
        %swap3A_761 = arith.constant 0 : index
        %swap3A_762 = memref.load %arg5[%swap3A_761] : memref<2xi32, #tpu.memory_space<smem>>
        memref.store %add3A_760, %arg5[%swap3A_761] : memref<2xi32, #tpu.memory_space<smem>>
      } else {
      }
      %mul3A_565 = arith.constant 32 : i32
      %mul3A_566 = arith.muli %add3A_366, %mul3A_565 : i32
      %add3A_567 = arith.constant 18 : i32
      %add3A_568 = arith.addi %mul3A_566, %add3A_567 : i32
      %get3A_569 = arith.index_cast %add3A_568 : i32 to index
      %get3A_570 = memref.load %arg1[%get3A_569] : memref<1024xi32, #tpu.memory_space<smem>>
      %ge3A_571 = arith.constant 0 : i32
      %ge3A_572 = arith.cmpi sge, %get3A_570, %ge3A_571 : i32
      %convert_element_type3A_573 = arith.extui %ge3A_572 : i1 to i32
      %cond3A_574 = arith.constant 0 : i32
      %cond3A_575 = arith.cmpi ne, %convert_element_type3A_573, %cond3A_574 : i32
      scf.if %cond3A_575 {
        %get3A_719 = arith.constant 0 : index
        %get3A_720 = memref.load %arg5[%get3A_719] : memref<2xi32, #tpu.memory_space<smem>>
        %jit3A = arith.constant 64 : i32
        %eq3A_721 = arith.constant 0 : i32
        %eq3A_722 = arith.cmpi eq, %jit3A, %eq3A_721 : i32
        %jit3A_723 = arith.constant 1 : i32
        %select_n3A = arith.select %eq3A_722, %jit3A_723, %jit3A : i32
        %rem3A = arith.remsi %get3A_720, %select_n3A : i32
        %ne3A = arith.constant 0 : i32
        %ne3A_724 = arith.cmpi ne, %rem3A, %ne3A : i32
        %lt3A_725 = arith.constant 0 : i32
        %lt3A_726 = arith.cmpi slt, %rem3A, %lt3A_725 : i32
        %lt3A_727 = arith.constant 0 : i32
        %lt3A_728 = arith.cmpi slt, %select_n3A, %lt3A_727 : i32
        %ne3A_729 = arith.xori %lt3A_726, %lt3A_728 : i1
        %and3A = arith.andi %ne3A_729, %ne3A_724 : i1
        %add3A_730 = arith.addi %rem3A, %select_n3A : i32
        %select_n3A_731 = arith.select %and3A, %add3A_730, %rem3A : i32
        %jit3A_732 = arith.constant 64 : i32
        %eq3A_733 = arith.constant 0 : i32
        %eq3A_734 = arith.cmpi eq, %jit3A_732, %eq3A_733 : i32
        %jit3A_735 = arith.constant 1 : i32
        %select_n3A_736 = arith.select %eq3A_734, %jit3A_735, %jit3A_732 : i32
        %rem3A_737 = arith.remsi %get3A_720, %select_n3A_736 : i32
        %ne3A_738 = arith.constant 0 : i32
        %ne3A_739 = arith.cmpi ne, %rem3A_737, %ne3A_738 : i32
        %lt3A_740 = arith.constant 0 : i32
        %lt3A_741 = arith.cmpi slt, %rem3A_737, %lt3A_740 : i32
        %lt3A_742 = arith.constant 0 : i32
        %lt3A_743 = arith.cmpi slt, %select_n3A_736, %lt3A_742 : i32
        %ne3A_744 = arith.xori %lt3A_741, %lt3A_743 : i1
        %and3A_745 = arith.andi %ne3A_744, %ne3A_739 : i1
        %add3A_746 = arith.addi %rem3A_737, %select_n3A_736 : i32
        %select_n3A_747 = arith.select %and3A_745, %add3A_746, %rem3A_737 : i32
        %dma_start3A = tpu.memref_slice %arg7[%select_n3A_747] : memref<64x!tpu.dma_semaphore, #tpu.memory_space<semaphore_mem>> -> memref<1x!tpu.dma_semaphore, #tpu.memory_space<semaphore_mem>>
        %dma_start3A_748 = tpu.memref_squeeze %dma_start3A : memref<1x!tpu.dma_semaphore, #tpu.memory_space<semaphore_mem>> -> memref<!tpu.dma_semaphore, #tpu.memory_space<semaphore_mem>>
        %dma_start3A_749 = arith.constant 0 : i32
        %dma_start3A_750 = arith.constant 0 : i32
        %dma_start3A_751 = arith.constant 0 : i32
        %dma_start3A_752 = tpu.memref_slice %arg6[%select_n3A_731, %dma_start3A_749, %dma_start3A_750, %dma_start3A_751] : memref<64x2x40x512xf32, #tpu.memory_space<vmem>> -> memref<1x2x40x512xf32, #tpu.memory_space<vmem>>
        %dma_start3A_753 = tpu.memref_squeeze %dma_start3A_752 : memref<1x2x40x512xf32, #tpu.memory_space<vmem>> -> memref<2x40x512xf32, #tpu.memory_space<vmem>>
        %dma_start3A_754 = arith.constant 0 : i32
        %dma_start3A_755 = arith.constant 0 : i32
        %dma_start3A_756 = arith.constant 0 : i32
        %dma_start3A_757 = tpu.memref_slice %arg2[%get3A_570, %dma_start3A_754, %dma_start3A_755, %dma_start3A_756] : memref<512x2x40x512xf32, #tpu.memory_space<hbm>> -> memref<1x2x40x512xf32, #tpu.memory_space<hbm>>
        %dma_start3A_758 = tpu.memref_squeeze %dma_start3A_757 : memref<1x2x40x512xf32, #tpu.memory_space<hbm>> -> memref<2x40x512xf32, #tpu.memory_space<hbm>>
        tpu.enqueue_dma source(%dma_start3A_758 : memref<2x40x512xf32, #tpu.memory_space<hbm>>) target(%dma_start3A_753 : memref<2x40x512xf32, #tpu.memory_space<vmem>>) target_semaphore(%dma_start3A_748 : memref<!tpu.dma_semaphore, #tpu.memory_space<semaphore_mem>>)
        %add3A_759 = arith.constant 1 : i32
        %add3A_760 = arith.addi %get3A_720, %add3A_759 : i32
        %swap3A_761 = arith.constant 0 : index
        %swap3A_762 = memref.load %arg5[%swap3A_761] : memref<2xi32, #tpu.memory_space<smem>>
        memref.store %add3A_760, %arg5[%swap3A_761] : memref<2xi32, #tpu.memory_space<smem>>
      } else {
      }
      %mul3A_576 = arith.constant 32 : i32
      %mul3A_577 = arith.muli %add3A_366, %mul3A_576 : i32
      %add3A_578 = arith.constant 19 : i32
      %add3A_579 = arith.addi %mul3A_577, %add3A_578 : i32
      %get3A_580 = arith.index_cast %add3A_579 : i32 to index
      %get3A_581 = memref.load %arg1[%get3A_580] : memref<1024xi32, #tpu.memory_space<smem>>
      %ge3A_582 = arith.constant 0 : i32
      %ge3A_583 = arith.cmpi sge, %get3A_581, %ge3A_582 : i32
      %convert_element_type3A_584 = arith.extui %ge3A_583 : i1 to i32
      %cond3A_585 = arith.constant 0 : i32
      %cond3A_586 = arith.cmpi ne, %convert_element_type3A_584, %cond3A_585 : i32
      scf.if %cond3A_586 {
        %get3A_719 = arith.constant 0 : index
        %get3A_720 = memref.load %arg5[%get3A_719] : memref<2xi32, #tpu.memory_space<smem>>
        %jit3A = arith.constant 64 : i32
        %eq3A_721 = arith.constant 0 : i32
        %eq3A_722 = arith.cmpi eq, %jit3A, %eq3A_721 : i32
        %jit3A_723 = arith.constant 1 : i32
        %select_n3A = arith.select %eq3A_722, %jit3A_723, %jit3A : i32
        %rem3A = arith.remsi %get3A_720, %select_n3A : i32
        %ne3A = arith.constant 0 : i32
        %ne3A_724 = arith.cmpi ne, %rem3A, %ne3A : i32
        %lt3A_725 = arith.constant 0 : i32
        %lt3A_726 = arith.cmpi slt, %rem3A, %lt3A_725 : i32
        %lt3A_727 = arith.constant 0 : i32
        %lt3A_728 = arith.cmpi slt, %select_n3A, %lt3A_727 : i32
        %ne3A_729 = arith.xori %lt3A_726, %lt3A_728 : i1
        %and3A = arith.andi %ne3A_729, %ne3A_724 : i1
        %add3A_730 = arith.addi %rem3A, %select_n3A : i32
        %select_n3A_731 = arith.select %and3A, %add3A_730, %rem3A : i32
        %jit3A_732 = arith.constant 64 : i32
        %eq3A_733 = arith.constant 0 : i32
        %eq3A_734 = arith.cmpi eq, %jit3A_732, %eq3A_733 : i32
        %jit3A_735 = arith.constant 1 : i32
        %select_n3A_736 = arith.select %eq3A_734, %jit3A_735, %jit3A_732 : i32
        %rem3A_737 = arith.remsi %get3A_720, %select_n3A_736 : i32
        %ne3A_738 = arith.constant 0 : i32
        %ne3A_739 = arith.cmpi ne, %rem3A_737, %ne3A_738 : i32
        %lt3A_740 = arith.constant 0 : i32
        %lt3A_741 = arith.cmpi slt, %rem3A_737, %lt3A_740 : i32
        %lt3A_742 = arith.constant 0 : i32
        %lt3A_743 = arith.cmpi slt, %select_n3A_736, %lt3A_742 : i32
        %ne3A_744 = arith.xori %lt3A_741, %lt3A_743 : i1
        %and3A_745 = arith.andi %ne3A_744, %ne3A_739 : i1
        %add3A_746 = arith.addi %rem3A_737, %select_n3A_736 : i32
        %select_n3A_747 = arith.select %and3A_745, %add3A_746, %rem3A_737 : i32
        %dma_start3A = tpu.memref_slice %arg7[%select_n3A_747] : memref<64x!tpu.dma_semaphore, #tpu.memory_space<semaphore_mem>> -> memref<1x!tpu.dma_semaphore, #tpu.memory_space<semaphore_mem>>
        %dma_start3A_748 = tpu.memref_squeeze %dma_start3A : memref<1x!tpu.dma_semaphore, #tpu.memory_space<semaphore_mem>> -> memref<!tpu.dma_semaphore, #tpu.memory_space<semaphore_mem>>
        %dma_start3A_749 = arith.constant 0 : i32
        %dma_start3A_750 = arith.constant 0 : i32
        %dma_start3A_751 = arith.constant 0 : i32
        %dma_start3A_752 = tpu.memref_slice %arg6[%select_n3A_731, %dma_start3A_749, %dma_start3A_750, %dma_start3A_751] : memref<64x2x40x512xf32, #tpu.memory_space<vmem>> -> memref<1x2x40x512xf32, #tpu.memory_space<vmem>>
        %dma_start3A_753 = tpu.memref_squeeze %dma_start3A_752 : memref<1x2x40x512xf32, #tpu.memory_space<vmem>> -> memref<2x40x512xf32, #tpu.memory_space<vmem>>
        %dma_start3A_754 = arith.constant 0 : i32
        %dma_start3A_755 = arith.constant 0 : i32
        %dma_start3A_756 = arith.constant 0 : i32
        %dma_start3A_757 = tpu.memref_slice %arg2[%get3A_581, %dma_start3A_754, %dma_start3A_755, %dma_start3A_756] : memref<512x2x40x512xf32, #tpu.memory_space<hbm>> -> memref<1x2x40x512xf32, #tpu.memory_space<hbm>>
        %dma_start3A_758 = tpu.memref_squeeze %dma_start3A_757 : memref<1x2x40x512xf32, #tpu.memory_space<hbm>> -> memref<2x40x512xf32, #tpu.memory_space<hbm>>
        tpu.enqueue_dma source(%dma_start3A_758 : memref<2x40x512xf32, #tpu.memory_space<hbm>>) target(%dma_start3A_753 : memref<2x40x512xf32, #tpu.memory_space<vmem>>) target_semaphore(%dma_start3A_748 : memref<!tpu.dma_semaphore, #tpu.memory_space<semaphore_mem>>)
        %add3A_759 = arith.constant 1 : i32
        %add3A_760 = arith.addi %get3A_720, %add3A_759 : i32
        %swap3A_761 = arith.constant 0 : index
        %swap3A_762 = memref.load %arg5[%swap3A_761] : memref<2xi32, #tpu.memory_space<smem>>
        memref.store %add3A_760, %arg5[%swap3A_761] : memref<2xi32, #tpu.memory_space<smem>>
      } else {
      }
      %mul3A_587 = arith.constant 32 : i32
      %mul3A_588 = arith.muli %add3A_366, %mul3A_587 : i32
      %add3A_589 = arith.constant 20 : i32
      %add3A_590 = arith.addi %mul3A_588, %add3A_589 : i32
      %get3A_591 = arith.index_cast %add3A_590 : i32 to index
      %get3A_592 = memref.load %arg1[%get3A_591] : memref<1024xi32, #tpu.memory_space<smem>>
      %ge3A_593 = arith.constant 0 : i32
      %ge3A_594 = arith.cmpi sge, %get3A_592, %ge3A_593 : i32
      %convert_element_type3A_595 = arith.extui %ge3A_594 : i1 to i32
      %cond3A_596 = arith.constant 0 : i32
      %cond3A_597 = arith.cmpi ne, %convert_element_type3A_595, %cond3A_596 : i32
      scf.if %cond3A_597 {
        %get3A_719 = arith.constant 0 : index
        %get3A_720 = memref.load %arg5[%get3A_719] : memref<2xi32, #tpu.memory_space<smem>>
        %jit3A = arith.constant 64 : i32
        %eq3A_721 = arith.constant 0 : i32
        %eq3A_722 = arith.cmpi eq, %jit3A, %eq3A_721 : i32
        %jit3A_723 = arith.constant 1 : i32
        %select_n3A = arith.select %eq3A_722, %jit3A_723, %jit3A : i32
        %rem3A = arith.remsi %get3A_720, %select_n3A : i32
        %ne3A = arith.constant 0 : i32
        %ne3A_724 = arith.cmpi ne, %rem3A, %ne3A : i32
        %lt3A_725 = arith.constant 0 : i32
        %lt3A_726 = arith.cmpi slt, %rem3A, %lt3A_725 : i32
        %lt3A_727 = arith.constant 0 : i32
        %lt3A_728 = arith.cmpi slt, %select_n3A, %lt3A_727 : i32
        %ne3A_729 = arith.xori %lt3A_726, %lt3A_728 : i1
        %and3A = arith.andi %ne3A_729, %ne3A_724 : i1
        %add3A_730 = arith.addi %rem3A, %select_n3A : i32
        %select_n3A_731 = arith.select %and3A, %add3A_730, %rem3A : i32
        %jit3A_732 = arith.constant 64 : i32
        %eq3A_733 = arith.constant 0 : i32
        %eq3A_734 = arith.cmpi eq, %jit3A_732, %eq3A_733 : i32
        %jit3A_735 = arith.constant 1 : i32
        %select_n3A_736 = arith.select %eq3A_734, %jit3A_735, %jit3A_732 : i32
        %rem3A_737 = arith.remsi %get3A_720, %select_n3A_736 : i32
        %ne3A_738 = arith.constant 0 : i32
        %ne3A_739 = arith.cmpi ne, %rem3A_737, %ne3A_738 : i32
        %lt3A_740 = arith.constant 0 : i32
        %lt3A_741 = arith.cmpi slt, %rem3A_737, %lt3A_740 : i32
        %lt3A_742 = arith.constant 0 : i32
        %lt3A_743 = arith.cmpi slt, %select_n3A_736, %lt3A_742 : i32
        %ne3A_744 = arith.xori %lt3A_741, %lt3A_743 : i1
        %and3A_745 = arith.andi %ne3A_744, %ne3A_739 : i1
        %add3A_746 = arith.addi %rem3A_737, %select_n3A_736 : i32
        %select_n3A_747 = arith.select %and3A_745, %add3A_746, %rem3A_737 : i32
        %dma_start3A = tpu.memref_slice %arg7[%select_n3A_747] : memref<64x!tpu.dma_semaphore, #tpu.memory_space<semaphore_mem>> -> memref<1x!tpu.dma_semaphore, #tpu.memory_space<semaphore_mem>>
        %dma_start3A_748 = tpu.memref_squeeze %dma_start3A : memref<1x!tpu.dma_semaphore, #tpu.memory_space<semaphore_mem>> -> memref<!tpu.dma_semaphore, #tpu.memory_space<semaphore_mem>>
        %dma_start3A_749 = arith.constant 0 : i32
        %dma_start3A_750 = arith.constant 0 : i32
        %dma_start3A_751 = arith.constant 0 : i32
        %dma_start3A_752 = tpu.memref_slice %arg6[%select_n3A_731, %dma_start3A_749, %dma_start3A_750, %dma_start3A_751] : memref<64x2x40x512xf32, #tpu.memory_space<vmem>> -> memref<1x2x40x512xf32, #tpu.memory_space<vmem>>
        %dma_start3A_753 = tpu.memref_squeeze %dma_start3A_752 : memref<1x2x40x512xf32, #tpu.memory_space<vmem>> -> memref<2x40x512xf32, #tpu.memory_space<vmem>>
        %dma_start3A_754 = arith.constant 0 : i32
        %dma_start3A_755 = arith.constant 0 : i32
        %dma_start3A_756 = arith.constant 0 : i32
        %dma_start3A_757 = tpu.memref_slice %arg2[%get3A_592, %dma_start3A_754, %dma_start3A_755, %dma_start3A_756] : memref<512x2x40x512xf32, #tpu.memory_space<hbm>> -> memref<1x2x40x512xf32, #tpu.memory_space<hbm>>
        %dma_start3A_758 = tpu.memref_squeeze %dma_start3A_757 : memref<1x2x40x512xf32, #tpu.memory_space<hbm>> -> memref<2x40x512xf32, #tpu.memory_space<hbm>>
        tpu.enqueue_dma source(%dma_start3A_758 : memref<2x40x512xf32, #tpu.memory_space<hbm>>) target(%dma_start3A_753 : memref<2x40x512xf32, #tpu.memory_space<vmem>>) target_semaphore(%dma_start3A_748 : memref<!tpu.dma_semaphore, #tpu.memory_space<semaphore_mem>>)
        %add3A_759 = arith.constant 1 : i32
        %add3A_760 = arith.addi %get3A_720, %add3A_759 : i32
        %swap3A_761 = arith.constant 0 : index
        %swap3A_762 = memref.load %arg5[%swap3A_761] : memref<2xi32, #tpu.memory_space<smem>>
        memref.store %add3A_760, %arg5[%swap3A_761] : memref<2xi32, #tpu.memory_space<smem>>
      } else {
      }
      %mul3A_598 = arith.constant 32 : i32
      %mul3A_599 = arith.muli %add3A_366, %mul3A_598 : i32
      %add3A_600 = arith.constant 21 : i32
      %add3A_601 = arith.addi %mul3A_599, %add3A_600 : i32
      %get3A_602 = arith.index_cast %add3A_601 : i32 to index
      %get3A_603 = memref.load %arg1[%get3A_602] : memref<1024xi32, #tpu.memory_space<smem>>
      %ge3A_604 = arith.constant 0 : i32
      %ge3A_605 = arith.cmpi sge, %get3A_603, %ge3A_604 : i32
      %convert_element_type3A_606 = arith.extui %ge3A_605 : i1 to i32
      %cond3A_607 = arith.constant 0 : i32
      %cond3A_608 = arith.cmpi ne, %convert_element_type3A_606, %cond3A_607 : i32
      scf.if %cond3A_608 {
        %get3A_719 = arith.constant 0 : index
        %get3A_720 = memref.load %arg5[%get3A_719] : memref<2xi32, #tpu.memory_space<smem>>
        %jit3A = arith.constant 64 : i32
        %eq3A_721 = arith.constant 0 : i32
        %eq3A_722 = arith.cmpi eq, %jit3A, %eq3A_721 : i32
        %jit3A_723 = arith.constant 1 : i32
        %select_n3A = arith.select %eq3A_722, %jit3A_723, %jit3A : i32
        %rem3A = arith.remsi %get3A_720, %select_n3A : i32
        %ne3A = arith.constant 0 : i32
        %ne3A_724 = arith.cmpi ne, %rem3A, %ne3A : i32
        %lt3A_725 = arith.constant 0 : i32
        %lt3A_726 = arith.cmpi slt, %rem3A, %lt3A_725 : i32
        %lt3A_727 = arith.constant 0 : i32
        %lt3A_728 = arith.cmpi slt, %select_n3A, %lt3A_727 : i32
        %ne3A_729 = arith.xori %lt3A_726, %lt3A_728 : i1
        %and3A = arith.andi %ne3A_729, %ne3A_724 : i1
        %add3A_730 = arith.addi %rem3A, %select_n3A : i32
        %select_n3A_731 = arith.select %and3A, %add3A_730, %rem3A : i32
        %jit3A_732 = arith.constant 64 : i32
        %eq3A_733 = arith.constant 0 : i32
        %eq3A_734 = arith.cmpi eq, %jit3A_732, %eq3A_733 : i32
        %jit3A_735 = arith.constant 1 : i32
        %select_n3A_736 = arith.select %eq3A_734, %jit3A_735, %jit3A_732 : i32
        %rem3A_737 = arith.remsi %get3A_720, %select_n3A_736 : i32
        %ne3A_738 = arith.constant 0 : i32
        %ne3A_739 = arith.cmpi ne, %rem3A_737, %ne3A_738 : i32
        %lt3A_740 = arith.constant 0 : i32
        %lt3A_741 = arith.cmpi slt, %rem3A_737, %lt3A_740 : i32
        %lt3A_742 = arith.constant 0 : i32
        %lt3A_743 = arith.cmpi slt, %select_n3A_736, %lt3A_742 : i32
        %ne3A_744 = arith.xori %lt3A_741, %lt3A_743 : i1
        %and3A_745 = arith.andi %ne3A_744, %ne3A_739 : i1
        %add3A_746 = arith.addi %rem3A_737, %select_n3A_736 : i32
        %select_n3A_747 = arith.select %and3A_745, %add3A_746, %rem3A_737 : i32
        %dma_start3A = tpu.memref_slice %arg7[%select_n3A_747] : memref<64x!tpu.dma_semaphore, #tpu.memory_space<semaphore_mem>> -> memref<1x!tpu.dma_semaphore, #tpu.memory_space<semaphore_mem>>
        %dma_start3A_748 = tpu.memref_squeeze %dma_start3A : memref<1x!tpu.dma_semaphore, #tpu.memory_space<semaphore_mem>> -> memref<!tpu.dma_semaphore, #tpu.memory_space<semaphore_mem>>
        %dma_start3A_749 = arith.constant 0 : i32
        %dma_start3A_750 = arith.constant 0 : i32
        %dma_start3A_751 = arith.constant 0 : i32
        %dma_start3A_752 = tpu.memref_slice %arg6[%select_n3A_731, %dma_start3A_749, %dma_start3A_750, %dma_start3A_751] : memref<64x2x40x512xf32, #tpu.memory_space<vmem>> -> memref<1x2x40x512xf32, #tpu.memory_space<vmem>>
        %dma_start3A_753 = tpu.memref_squeeze %dma_start3A_752 : memref<1x2x40x512xf32, #tpu.memory_space<vmem>> -> memref<2x40x512xf32, #tpu.memory_space<vmem>>
        %dma_start3A_754 = arith.constant 0 : i32
        %dma_start3A_755 = arith.constant 0 : i32
        %dma_start3A_756 = arith.constant 0 : i32
        %dma_start3A_757 = tpu.memref_slice %arg2[%get3A_603, %dma_start3A_754, %dma_start3A_755, %dma_start3A_756] : memref<512x2x40x512xf32, #tpu.memory_space<hbm>> -> memref<1x2x40x512xf32, #tpu.memory_space<hbm>>
        %dma_start3A_758 = tpu.memref_squeeze %dma_start3A_757 : memref<1x2x40x512xf32, #tpu.memory_space<hbm>> -> memref<2x40x512xf32, #tpu.memory_space<hbm>>
        tpu.enqueue_dma source(%dma_start3A_758 : memref<2x40x512xf32, #tpu.memory_space<hbm>>) target(%dma_start3A_753 : memref<2x40x512xf32, #tpu.memory_space<vmem>>) target_semaphore(%dma_start3A_748 : memref<!tpu.dma_semaphore, #tpu.memory_space<semaphore_mem>>)
        %add3A_759 = arith.constant 1 : i32
        %add3A_760 = arith.addi %get3A_720, %add3A_759 : i32
        %swap3A_761 = arith.constant 0 : index
        %swap3A_762 = memref.load %arg5[%swap3A_761] : memref<2xi32, #tpu.memory_space<smem>>
        memref.store %add3A_760, %arg5[%swap3A_761] : memref<2xi32, #tpu.memory_space<smem>>
      } else {
      }
      %mul3A_609 = arith.constant 32 : i32
      %mul3A_610 = arith.muli %add3A_366, %mul3A_609 : i32
      %add3A_611 = arith.constant 22 : i32
      %add3A_612 = arith.addi %mul3A_610, %add3A_611 : i32
      %get3A_613 = arith.index_cast %add3A_612 : i32 to index
      %get3A_614 = memref.load %arg1[%get3A_613] : memref<1024xi32, #tpu.memory_space<smem>>
      %ge3A_615 = arith.constant 0 : i32
      %ge3A_616 = arith.cmpi sge, %get3A_614, %ge3A_615 : i32
      %convert_element_type3A_617 = arith.extui %ge3A_616 : i1 to i32
      %cond3A_618 = arith.constant 0 : i32
      %cond3A_619 = arith.cmpi ne, %convert_element_type3A_617, %cond3A_618 : i32
      scf.if %cond3A_619 {
        %get3A_719 = arith.constant 0 : index
        %get3A_720 = memref.load %arg5[%get3A_719] : memref<2xi32, #tpu.memory_space<smem>>
        %jit3A = arith.constant 64 : i32
        %eq3A_721 = arith.constant 0 : i32
        %eq3A_722 = arith.cmpi eq, %jit3A, %eq3A_721 : i32
        %jit3A_723 = arith.constant 1 : i32
        %select_n3A = arith.select %eq3A_722, %jit3A_723, %jit3A : i32
        %rem3A = arith.remsi %get3A_720, %select_n3A : i32
        %ne3A = arith.constant 0 : i32
        %ne3A_724 = arith.cmpi ne, %rem3A, %ne3A : i32
        %lt3A_725 = arith.constant 0 : i32
        %lt3A_726 = arith.cmpi slt, %rem3A, %lt3A_725 : i32
        %lt3A_727 = arith.constant 0 : i32
        %lt3A_728 = arith.cmpi slt, %select_n3A, %lt3A_727 : i32
        %ne3A_729 = arith.xori %lt3A_726, %lt3A_728 : i1
        %and3A = arith.andi %ne3A_729, %ne3A_724 : i1
        %add3A_730 = arith.addi %rem3A, %select_n3A : i32
        %select_n3A_731 = arith.select %and3A, %add3A_730, %rem3A : i32
        %jit3A_732 = arith.constant 64 : i32
        %eq3A_733 = arith.constant 0 : i32
        %eq3A_734 = arith.cmpi eq, %jit3A_732, %eq3A_733 : i32
        %jit3A_735 = arith.constant 1 : i32
        %select_n3A_736 = arith.select %eq3A_734, %jit3A_735, %jit3A_732 : i32
        %rem3A_737 = arith.remsi %get3A_720, %select_n3A_736 : i32
        %ne3A_738 = arith.constant 0 : i32
        %ne3A_739 = arith.cmpi ne, %rem3A_737, %ne3A_738 : i32
        %lt3A_740 = arith.constant 0 : i32
        %lt3A_741 = arith.cmpi slt, %rem3A_737, %lt3A_740 : i32
        %lt3A_742 = arith.constant 0 : i32
        %lt3A_743 = arith.cmpi slt, %select_n3A_736, %lt3A_742 : i32
        %ne3A_744 = arith.xori %lt3A_741, %lt3A_743 : i1
        %and3A_745 = arith.andi %ne3A_744, %ne3A_739 : i1
        %add3A_746 = arith.addi %rem3A_737, %select_n3A_736 : i32
        %select_n3A_747 = arith.select %and3A_745, %add3A_746, %rem3A_737 : i32
        %dma_start3A = tpu.memref_slice %arg7[%select_n3A_747] : memref<64x!tpu.dma_semaphore, #tpu.memory_space<semaphore_mem>> -> memref<1x!tpu.dma_semaphore, #tpu.memory_space<semaphore_mem>>
        %dma_start3A_748 = tpu.memref_squeeze %dma_start3A : memref<1x!tpu.dma_semaphore, #tpu.memory_space<semaphore_mem>> -> memref<!tpu.dma_semaphore, #tpu.memory_space<semaphore_mem>>
        %dma_start3A_749 = arith.constant 0 : i32
        %dma_start3A_750 = arith.constant 0 : i32
        %dma_start3A_751 = arith.constant 0 : i32
        %dma_start3A_752 = tpu.memref_slice %arg6[%select_n3A_731, %dma_start3A_749, %dma_start3A_750, %dma_start3A_751] : memref<64x2x40x512xf32, #tpu.memory_space<vmem>> -> memref<1x2x40x512xf32, #tpu.memory_space<vmem>>
        %dma_start3A_753 = tpu.memref_squeeze %dma_start3A_752 : memref<1x2x40x512xf32, #tpu.memory_space<vmem>> -> memref<2x40x512xf32, #tpu.memory_space<vmem>>
        %dma_start3A_754 = arith.constant 0 : i32
        %dma_start3A_755 = arith.constant 0 : i32
        %dma_start3A_756 = arith.constant 0 : i32
        %dma_start3A_757 = tpu.memref_slice %arg2[%get3A_614, %dma_start3A_754, %dma_start3A_755, %dma_start3A_756] : memref<512x2x40x512xf32, #tpu.memory_space<hbm>> -> memref<1x2x40x512xf32, #tpu.memory_space<hbm>>
        %dma_start3A_758 = tpu.memref_squeeze %dma_start3A_757 : memref<1x2x40x512xf32, #tpu.memory_space<hbm>> -> memref<2x40x512xf32, #tpu.memory_space<hbm>>
        tpu.enqueue_dma source(%dma_start3A_758 : memref<2x40x512xf32, #tpu.memory_space<hbm>>) target(%dma_start3A_753 : memref<2x40x512xf32, #tpu.memory_space<vmem>>) target_semaphore(%dma_start3A_748 : memref<!tpu.dma_semaphore, #tpu.memory_space<semaphore_mem>>)
        %add3A_759 = arith.constant 1 : i32
        %add3A_760 = arith.addi %get3A_720, %add3A_759 : i32
        %swap3A_761 = arith.constant 0 : index
        %swap3A_762 = memref.load %arg5[%swap3A_761] : memref<2xi32, #tpu.memory_space<smem>>
        memref.store %add3A_760, %arg5[%swap3A_761] : memref<2xi32, #tpu.memory_space<smem>>
      } else {
      }
      %mul3A_620 = arith.constant 32 : i32
      %mul3A_621 = arith.muli %add3A_366, %mul3A_620 : i32
      %add3A_622 = arith.constant 23 : i32
      %add3A_623 = arith.addi %mul3A_621, %add3A_622 : i32
      %get3A_624 = arith.index_cast %add3A_623 : i32 to index
      %get3A_625 = memref.load %arg1[%get3A_624] : memref<1024xi32, #tpu.memory_space<smem>>
      %ge3A_626 = arith.constant 0 : i32
      %ge3A_627 = arith.cmpi sge, %get3A_625, %ge3A_626 : i32
      %convert_element_type3A_628 = arith.extui %ge3A_627 : i1 to i32
      %cond3A_629 = arith.constant 0 : i32
      %cond3A_630 = arith.cmpi ne, %convert_element_type3A_628, %cond3A_629 : i32
      scf.if %cond3A_630 {
        %get3A_719 = arith.constant 0 : index
        %get3A_720 = memref.load %arg5[%get3A_719] : memref<2xi32, #tpu.memory_space<smem>>
        %jit3A = arith.constant 64 : i32
        %eq3A_721 = arith.constant 0 : i32
        %eq3A_722 = arith.cmpi eq, %jit3A, %eq3A_721 : i32
        %jit3A_723 = arith.constant 1 : i32
        %select_n3A = arith.select %eq3A_722, %jit3A_723, %jit3A : i32
        %rem3A = arith.remsi %get3A_720, %select_n3A : i32
        %ne3A = arith.constant 0 : i32
        %ne3A_724 = arith.cmpi ne, %rem3A, %ne3A : i32
        %lt3A_725 = arith.constant 0 : i32
        %lt3A_726 = arith.cmpi slt, %rem3A, %lt3A_725 : i32
        %lt3A_727 = arith.constant 0 : i32
        %lt3A_728 = arith.cmpi slt, %select_n3A, %lt3A_727 : i32
        %ne3A_729 = arith.xori %lt3A_726, %lt3A_728 : i1
        %and3A = arith.andi %ne3A_729, %ne3A_724 : i1
        %add3A_730 = arith.addi %rem3A, %select_n3A : i32
        %select_n3A_731 = arith.select %and3A, %add3A_730, %rem3A : i32
        %jit3A_732 = arith.constant 64 : i32
        %eq3A_733 = arith.constant 0 : i32
        %eq3A_734 = arith.cmpi eq, %jit3A_732, %eq3A_733 : i32
        %jit3A_735 = arith.constant 1 : i32
        %select_n3A_736 = arith.select %eq3A_734, %jit3A_735, %jit3A_732 : i32
        %rem3A_737 = arith.remsi %get3A_720, %select_n3A_736 : i32
        %ne3A_738 = arith.constant 0 : i32
        %ne3A_739 = arith.cmpi ne, %rem3A_737, %ne3A_738 : i32
        %lt3A_740 = arith.constant 0 : i32
        %lt3A_741 = arith.cmpi slt, %rem3A_737, %lt3A_740 : i32
        %lt3A_742 = arith.constant 0 : i32
        %lt3A_743 = arith.cmpi slt, %select_n3A_736, %lt3A_742 : i32
        %ne3A_744 = arith.xori %lt3A_741, %lt3A_743 : i1
        %and3A_745 = arith.andi %ne3A_744, %ne3A_739 : i1
        %add3A_746 = arith.addi %rem3A_737, %select_n3A_736 : i32
        %select_n3A_747 = arith.select %and3A_745, %add3A_746, %rem3A_737 : i32
        %dma_start3A = tpu.memref_slice %arg7[%select_n3A_747] : memref<64x!tpu.dma_semaphore, #tpu.memory_space<semaphore_mem>> -> memref<1x!tpu.dma_semaphore, #tpu.memory_space<semaphore_mem>>
        %dma_start3A_748 = tpu.memref_squeeze %dma_start3A : memref<1x!tpu.dma_semaphore, #tpu.memory_space<semaphore_mem>> -> memref<!tpu.dma_semaphore, #tpu.memory_space<semaphore_mem>>
        %dma_start3A_749 = arith.constant 0 : i32
        %dma_start3A_750 = arith.constant 0 : i32
        %dma_start3A_751 = arith.constant 0 : i32
        %dma_start3A_752 = tpu.memref_slice %arg6[%select_n3A_731, %dma_start3A_749, %dma_start3A_750, %dma_start3A_751] : memref<64x2x40x512xf32, #tpu.memory_space<vmem>> -> memref<1x2x40x512xf32, #tpu.memory_space<vmem>>
        %dma_start3A_753 = tpu.memref_squeeze %dma_start3A_752 : memref<1x2x40x512xf32, #tpu.memory_space<vmem>> -> memref<2x40x512xf32, #tpu.memory_space<vmem>>
        %dma_start3A_754 = arith.constant 0 : i32
        %dma_start3A_755 = arith.constant 0 : i32
        %dma_start3A_756 = arith.constant 0 : i32
        %dma_start3A_757 = tpu.memref_slice %arg2[%get3A_625, %dma_start3A_754, %dma_start3A_755, %dma_start3A_756] : memref<512x2x40x512xf32, #tpu.memory_space<hbm>> -> memref<1x2x40x512xf32, #tpu.memory_space<hbm>>
        %dma_start3A_758 = tpu.memref_squeeze %dma_start3A_757 : memref<1x2x40x512xf32, #tpu.memory_space<hbm>> -> memref<2x40x512xf32, #tpu.memory_space<hbm>>
        tpu.enqueue_dma source(%dma_start3A_758 : memref<2x40x512xf32, #tpu.memory_space<hbm>>) target(%dma_start3A_753 : memref<2x40x512xf32, #tpu.memory_space<vmem>>) target_semaphore(%dma_start3A_748 : memref<!tpu.dma_semaphore, #tpu.memory_space<semaphore_mem>>)
        %add3A_759 = arith.constant 1 : i32
        %add3A_760 = arith.addi %get3A_720, %add3A_759 : i32
        %swap3A_761 = arith.constant 0 : index
        %swap3A_762 = memref.load %arg5[%swap3A_761] : memref<2xi32, #tpu.memory_space<smem>>
        memref.store %add3A_760, %arg5[%swap3A_761] : memref<2xi32, #tpu.memory_space<smem>>
      } else {
      }
      %mul3A_631 = arith.constant 32 : i32
      %mul3A_632 = arith.muli %add3A_366, %mul3A_631 : i32
      %add3A_633 = arith.constant 24 : i32
      %add3A_634 = arith.addi %mul3A_632, %add3A_633 : i32
      %get3A_635 = arith.index_cast %add3A_634 : i32 to index
      %get3A_636 = memref.load %arg1[%get3A_635] : memref<1024xi32, #tpu.memory_space<smem>>
      %ge3A_637 = arith.constant 0 : i32
      %ge3A_638 = arith.cmpi sge, %get3A_636, %ge3A_637 : i32
      %convert_element_type3A_639 = arith.extui %ge3A_638 : i1 to i32
      %cond3A_640 = arith.constant 0 : i32
      %cond3A_641 = arith.cmpi ne, %convert_element_type3A_639, %cond3A_640 : i32
      scf.if %cond3A_641 {
        %get3A_719 = arith.constant 0 : index
        %get3A_720 = memref.load %arg5[%get3A_719] : memref<2xi32, #tpu.memory_space<smem>>
        %jit3A = arith.constant 64 : i32
        %eq3A_721 = arith.constant 0 : i32
        %eq3A_722 = arith.cmpi eq, %jit3A, %eq3A_721 : i32
        %jit3A_723 = arith.constant 1 : i32
        %select_n3A = arith.select %eq3A_722, %jit3A_723, %jit3A : i32
        %rem3A = arith.remsi %get3A_720, %select_n3A : i32
        %ne3A = arith.constant 0 : i32
        %ne3A_724 = arith.cmpi ne, %rem3A, %ne3A : i32
        %lt3A_725 = arith.constant 0 : i32
        %lt3A_726 = arith.cmpi slt, %rem3A, %lt3A_725 : i32
        %lt3A_727 = arith.constant 0 : i32
        %lt3A_728 = arith.cmpi slt, %select_n3A, %lt3A_727 : i32
        %ne3A_729 = arith.xori %lt3A_726, %lt3A_728 : i1
        %and3A = arith.andi %ne3A_729, %ne3A_724 : i1
        %add3A_730 = arith.addi %rem3A, %select_n3A : i32
        %select_n3A_731 = arith.select %and3A, %add3A_730, %rem3A : i32
        %jit3A_732 = arith.constant 64 : i32
        %eq3A_733 = arith.constant 0 : i32
        %eq3A_734 = arith.cmpi eq, %jit3A_732, %eq3A_733 : i32
        %jit3A_735 = arith.constant 1 : i32
        %select_n3A_736 = arith.select %eq3A_734, %jit3A_735, %jit3A_732 : i32
        %rem3A_737 = arith.remsi %get3A_720, %select_n3A_736 : i32
        %ne3A_738 = arith.constant 0 : i32
        %ne3A_739 = arith.cmpi ne, %rem3A_737, %ne3A_738 : i32
        %lt3A_740 = arith.constant 0 : i32
        %lt3A_741 = arith.cmpi slt, %rem3A_737, %lt3A_740 : i32
        %lt3A_742 = arith.constant 0 : i32
        %lt3A_743 = arith.cmpi slt, %select_n3A_736, %lt3A_742 : i32
        %ne3A_744 = arith.xori %lt3A_741, %lt3A_743 : i1
        %and3A_745 = arith.andi %ne3A_744, %ne3A_739 : i1
        %add3A_746 = arith.addi %rem3A_737, %select_n3A_736 : i32
        %select_n3A_747 = arith.select %and3A_745, %add3A_746, %rem3A_737 : i32
        %dma_start3A = tpu.memref_slice %arg7[%select_n3A_747] : memref<64x!tpu.dma_semaphore, #tpu.memory_space<semaphore_mem>> -> memref<1x!tpu.dma_semaphore, #tpu.memory_space<semaphore_mem>>
        %dma_start3A_748 = tpu.memref_squeeze %dma_start3A : memref<1x!tpu.dma_semaphore, #tpu.memory_space<semaphore_mem>> -> memref<!tpu.dma_semaphore, #tpu.memory_space<semaphore_mem>>
        %dma_start3A_749 = arith.constant 0 : i32
        %dma_start3A_750 = arith.constant 0 : i32
        %dma_start3A_751 = arith.constant 0 : i32
        %dma_start3A_752 = tpu.memref_slice %arg6[%select_n3A_731, %dma_start3A_749, %dma_start3A_750, %dma_start3A_751] : memref<64x2x40x512xf32, #tpu.memory_space<vmem>> -> memref<1x2x40x512xf32, #tpu.memory_space<vmem>>
        %dma_start3A_753 = tpu.memref_squeeze %dma_start3A_752 : memref<1x2x40x512xf32, #tpu.memory_space<vmem>> -> memref<2x40x512xf32, #tpu.memory_space<vmem>>
        %dma_start3A_754 = arith.constant 0 : i32
        %dma_start3A_755 = arith.constant 0 : i32
        %dma_start3A_756 = arith.constant 0 : i32
        %dma_start3A_757 = tpu.memref_slice %arg2[%get3A_636, %dma_start3A_754, %dma_start3A_755, %dma_start3A_756] : memref<512x2x40x512xf32, #tpu.memory_space<hbm>> -> memref<1x2x40x512xf32, #tpu.memory_space<hbm>>
        %dma_start3A_758 = tpu.memref_squeeze %dma_start3A_757 : memref<1x2x40x512xf32, #tpu.memory_space<hbm>> -> memref<2x40x512xf32, #tpu.memory_space<hbm>>
        tpu.enqueue_dma source(%dma_start3A_758 : memref<2x40x512xf32, #tpu.memory_space<hbm>>) target(%dma_start3A_753 : memref<2x40x512xf32, #tpu.memory_space<vmem>>) target_semaphore(%dma_start3A_748 : memref<!tpu.dma_semaphore, #tpu.memory_space<semaphore_mem>>)
        %add3A_759 = arith.constant 1 : i32
        %add3A_760 = arith.addi %get3A_720, %add3A_759 : i32
        %swap3A_761 = arith.constant 0 : index
        %swap3A_762 = memref.load %arg5[%swap3A_761] : memref<2xi32, #tpu.memory_space<smem>>
        memref.store %add3A_760, %arg5[%swap3A_761] : memref<2xi32, #tpu.memory_space<smem>>
      } else {
      }
      %mul3A_642 = arith.constant 32 : i32
      %mul3A_643 = arith.muli %add3A_366, %mul3A_642 : i32
      %add3A_644 = arith.constant 25 : i32
      %add3A_645 = arith.addi %mul3A_643, %add3A_644 : i32
      %get3A_646 = arith.index_cast %add3A_645 : i32 to index
      %get3A_647 = memref.load %arg1[%get3A_646] : memref<1024xi32, #tpu.memory_space<smem>>
      %ge3A_648 = arith.constant 0 : i32
      %ge3A_649 = arith.cmpi sge, %get3A_647, %ge3A_648 : i32
      %convert_element_type3A_650 = arith.extui %ge3A_649 : i1 to i32
      %cond3A_651 = arith.constant 0 : i32
      %cond3A_652 = arith.cmpi ne, %convert_element_type3A_650, %cond3A_651 : i32
      scf.if %cond3A_652 {
        %get3A_719 = arith.constant 0 : index
        %get3A_720 = memref.load %arg5[%get3A_719] : memref<2xi32, #tpu.memory_space<smem>>
        %jit3A = arith.constant 64 : i32
        %eq3A_721 = arith.constant 0 : i32
        %eq3A_722 = arith.cmpi eq, %jit3A, %eq3A_721 : i32
        %jit3A_723 = arith.constant 1 : i32
        %select_n3A = arith.select %eq3A_722, %jit3A_723, %jit3A : i32
        %rem3A = arith.remsi %get3A_720, %select_n3A : i32
        %ne3A = arith.constant 0 : i32
        %ne3A_724 = arith.cmpi ne, %rem3A, %ne3A : i32
        %lt3A_725 = arith.constant 0 : i32
        %lt3A_726 = arith.cmpi slt, %rem3A, %lt3A_725 : i32
        %lt3A_727 = arith.constant 0 : i32
        %lt3A_728 = arith.cmpi slt, %select_n3A, %lt3A_727 : i32
        %ne3A_729 = arith.xori %lt3A_726, %lt3A_728 : i1
        %and3A = arith.andi %ne3A_729, %ne3A_724 : i1
        %add3A_730 = arith.addi %rem3A, %select_n3A : i32
        %select_n3A_731 = arith.select %and3A, %add3A_730, %rem3A : i32
        %jit3A_732 = arith.constant 64 : i32
        %eq3A_733 = arith.constant 0 : i32
        %eq3A_734 = arith.cmpi eq, %jit3A_732, %eq3A_733 : i32
        %jit3A_735 = arith.constant 1 : i32
        %select_n3A_736 = arith.select %eq3A_734, %jit3A_735, %jit3A_732 : i32
        %rem3A_737 = arith.remsi %get3A_720, %select_n3A_736 : i32
        %ne3A_738 = arith.constant 0 : i32
        %ne3A_739 = arith.cmpi ne, %rem3A_737, %ne3A_738 : i32
        %lt3A_740 = arith.constant 0 : i32
        %lt3A_741 = arith.cmpi slt, %rem3A_737, %lt3A_740 : i32
        %lt3A_742 = arith.constant 0 : i32
        %lt3A_743 = arith.cmpi slt, %select_n3A_736, %lt3A_742 : i32
        %ne3A_744 = arith.xori %lt3A_741, %lt3A_743 : i1
        %and3A_745 = arith.andi %ne3A_744, %ne3A_739 : i1
        %add3A_746 = arith.addi %rem3A_737, %select_n3A_736 : i32
        %select_n3A_747 = arith.select %and3A_745, %add3A_746, %rem3A_737 : i32
        %dma_start3A = tpu.memref_slice %arg7[%select_n3A_747] : memref<64x!tpu.dma_semaphore, #tpu.memory_space<semaphore_mem>> -> memref<1x!tpu.dma_semaphore, #tpu.memory_space<semaphore_mem>>
        %dma_start3A_748 = tpu.memref_squeeze %dma_start3A : memref<1x!tpu.dma_semaphore, #tpu.memory_space<semaphore_mem>> -> memref<!tpu.dma_semaphore, #tpu.memory_space<semaphore_mem>>
        %dma_start3A_749 = arith.constant 0 : i32
        %dma_start3A_750 = arith.constant 0 : i32
        %dma_start3A_751 = arith.constant 0 : i32
        %dma_start3A_752 = tpu.memref_slice %arg6[%select_n3A_731, %dma_start3A_749, %dma_start3A_750, %dma_start3A_751] : memref<64x2x40x512xf32, #tpu.memory_space<vmem>> -> memref<1x2x40x512xf32, #tpu.memory_space<vmem>>
        %dma_start3A_753 = tpu.memref_squeeze %dma_start3A_752 : memref<1x2x40x512xf32, #tpu.memory_space<vmem>> -> memref<2x40x512xf32, #tpu.memory_space<vmem>>
        %dma_start3A_754 = arith.constant 0 : i32
        %dma_start3A_755 = arith.constant 0 : i32
        %dma_start3A_756 = arith.constant 0 : i32
        %dma_start3A_757 = tpu.memref_slice %arg2[%get3A_647, %dma_start3A_754, %dma_start3A_755, %dma_start3A_756] : memref<512x2x40x512xf32, #tpu.memory_space<hbm>> -> memref<1x2x40x512xf32, #tpu.memory_space<hbm>>
        %dma_start3A_758 = tpu.memref_squeeze %dma_start3A_757 : memref<1x2x40x512xf32, #tpu.memory_space<hbm>> -> memref<2x40x512xf32, #tpu.memory_space<hbm>>
        tpu.enqueue_dma source(%dma_start3A_758 : memref<2x40x512xf32, #tpu.memory_space<hbm>>) target(%dma_start3A_753 : memref<2x40x512xf32, #tpu.memory_space<vmem>>) target_semaphore(%dma_start3A_748 : memref<!tpu.dma_semaphore, #tpu.memory_space<semaphore_mem>>)
        %add3A_759 = arith.constant 1 : i32
        %add3A_760 = arith.addi %get3A_720, %add3A_759 : i32
        %swap3A_761 = arith.constant 0 : index
        %swap3A_762 = memref.load %arg5[%swap3A_761] : memref<2xi32, #tpu.memory_space<smem>>
        memref.store %add3A_760, %arg5[%swap3A_761] : memref<2xi32, #tpu.memory_space<smem>>
      } else {
      }
      %mul3A_653 = arith.constant 32 : i32
      %mul3A_654 = arith.muli %add3A_366, %mul3A_653 : i32
      %add3A_655 = arith.constant 26 : i32
      %add3A_656 = arith.addi %mul3A_654, %add3A_655 : i32
      %get3A_657 = arith.index_cast %add3A_656 : i32 to index
      %get3A_658 = memref.load %arg1[%get3A_657] : memref<1024xi32, #tpu.memory_space<smem>>
      %ge3A_659 = arith.constant 0 : i32
      %ge3A_660 = arith.cmpi sge, %get3A_658, %ge3A_659 : i32
      %convert_element_type3A_661 = arith.extui %ge3A_660 : i1 to i32
      %cond3A_662 = arith.constant 0 : i32
      %cond3A_663 = arith.cmpi ne, %convert_element_type3A_661, %cond3A_662 : i32
      scf.if %cond3A_663 {
        %get3A_719 = arith.constant 0 : index
        %get3A_720 = memref.load %arg5[%get3A_719] : memref<2xi32, #tpu.memory_space<smem>>
        %jit3A = arith.constant 64 : i32
        %eq3A_721 = arith.constant 0 : i32
        %eq3A_722 = arith.cmpi eq, %jit3A, %eq3A_721 : i32
        %jit3A_723 = arith.constant 1 : i32
        %select_n3A = arith.select %eq3A_722, %jit3A_723, %jit3A : i32
        %rem3A = arith.remsi %get3A_720, %select_n3A : i32
        %ne3A = arith.constant 0 : i32
        %ne3A_724 = arith.cmpi ne, %rem3A, %ne3A : i32
        %lt3A_725 = arith.constant 0 : i32
        %lt3A_726 = arith.cmpi slt, %rem3A, %lt3A_725 : i32
        %lt3A_727 = arith.constant 0 : i32
        %lt3A_728 = arith.cmpi slt, %select_n3A, %lt3A_727 : i32
        %ne3A_729 = arith.xori %lt3A_726, %lt3A_728 : i1
        %and3A = arith.andi %ne3A_729, %ne3A_724 : i1
        %add3A_730 = arith.addi %rem3A, %select_n3A : i32
        %select_n3A_731 = arith.select %and3A, %add3A_730, %rem3A : i32
        %jit3A_732 = arith.constant 64 : i32
        %eq3A_733 = arith.constant 0 : i32
        %eq3A_734 = arith.cmpi eq, %jit3A_732, %eq3A_733 : i32
        %jit3A_735 = arith.constant 1 : i32
        %select_n3A_736 = arith.select %eq3A_734, %jit3A_735, %jit3A_732 : i32
        %rem3A_737 = arith.remsi %get3A_720, %select_n3A_736 : i32
        %ne3A_738 = arith.constant 0 : i32
        %ne3A_739 = arith.cmpi ne, %rem3A_737, %ne3A_738 : i32
        %lt3A_740 = arith.constant 0 : i32
        %lt3A_741 = arith.cmpi slt, %rem3A_737, %lt3A_740 : i32
        %lt3A_742 = arith.constant 0 : i32
        %lt3A_743 = arith.cmpi slt, %select_n3A_736, %lt3A_742 : i32
        %ne3A_744 = arith.xori %lt3A_741, %lt3A_743 : i1
        %and3A_745 = arith.andi %ne3A_744, %ne3A_739 : i1
        %add3A_746 = arith.addi %rem3A_737, %select_n3A_736 : i32
        %select_n3A_747 = arith.select %and3A_745, %add3A_746, %rem3A_737 : i32
        %dma_start3A = tpu.memref_slice %arg7[%select_n3A_747] : memref<64x!tpu.dma_semaphore, #tpu.memory_space<semaphore_mem>> -> memref<1x!tpu.dma_semaphore, #tpu.memory_space<semaphore_mem>>
        %dma_start3A_748 = tpu.memref_squeeze %dma_start3A : memref<1x!tpu.dma_semaphore, #tpu.memory_space<semaphore_mem>> -> memref<!tpu.dma_semaphore, #tpu.memory_space<semaphore_mem>>
        %dma_start3A_749 = arith.constant 0 : i32
        %dma_start3A_750 = arith.constant 0 : i32
        %dma_start3A_751 = arith.constant 0 : i32
        %dma_start3A_752 = tpu.memref_slice %arg6[%select_n3A_731, %dma_start3A_749, %dma_start3A_750, %dma_start3A_751] : memref<64x2x40x512xf32, #tpu.memory_space<vmem>> -> memref<1x2x40x512xf32, #tpu.memory_space<vmem>>
        %dma_start3A_753 = tpu.memref_squeeze %dma_start3A_752 : memref<1x2x40x512xf32, #tpu.memory_space<vmem>> -> memref<2x40x512xf32, #tpu.memory_space<vmem>>
        %dma_start3A_754 = arith.constant 0 : i32
        %dma_start3A_755 = arith.constant 0 : i32
        %dma_start3A_756 = arith.constant 0 : i32
        %dma_start3A_757 = tpu.memref_slice %arg2[%get3A_658, %dma_start3A_754, %dma_start3A_755, %dma_start3A_756] : memref<512x2x40x512xf32, #tpu.memory_space<hbm>> -> memref<1x2x40x512xf32, #tpu.memory_space<hbm>>
        %dma_start3A_758 = tpu.memref_squeeze %dma_start3A_757 : memref<1x2x40x512xf32, #tpu.memory_space<hbm>> -> memref<2x40x512xf32, #tpu.memory_space<hbm>>
        tpu.enqueue_dma source(%dma_start3A_758 : memref<2x40x512xf32, #tpu.memory_space<hbm>>) target(%dma_start3A_753 : memref<2x40x512xf32, #tpu.memory_space<vmem>>) target_semaphore(%dma_start3A_748 : memref<!tpu.dma_semaphore, #tpu.memory_space<semaphore_mem>>)
        %add3A_759 = arith.constant 1 : i32
        %add3A_760 = arith.addi %get3A_720, %add3A_759 : i32
        %swap3A_761 = arith.constant 0 : index
        %swap3A_762 = memref.load %arg5[%swap3A_761] : memref<2xi32, #tpu.memory_space<smem>>
        memref.store %add3A_760, %arg5[%swap3A_761] : memref<2xi32, #tpu.memory_space<smem>>
      } else {
      }
      %mul3A_664 = arith.constant 32 : i32
      %mul3A_665 = arith.muli %add3A_366, %mul3A_664 : i32
      %add3A_666 = arith.constant 27 : i32
      %add3A_667 = arith.addi %mul3A_665, %add3A_666 : i32
      %get3A_668 = arith.index_cast %add3A_667 : i32 to index
      %get3A_669 = memref.load %arg1[%get3A_668] : memref<1024xi32, #tpu.memory_space<smem>>
      %ge3A_670 = arith.constant 0 : i32
      %ge3A_671 = arith.cmpi sge, %get3A_669, %ge3A_670 : i32
      %convert_element_type3A_672 = arith.extui %ge3A_671 : i1 to i32
      %cond3A_673 = arith.constant 0 : i32
      %cond3A_674 = arith.cmpi ne, %convert_element_type3A_672, %cond3A_673 : i32
      scf.if %cond3A_674 {
        %get3A_719 = arith.constant 0 : index
        %get3A_720 = memref.load %arg5[%get3A_719] : memref<2xi32, #tpu.memory_space<smem>>
        %jit3A = arith.constant 64 : i32
        %eq3A_721 = arith.constant 0 : i32
        %eq3A_722 = arith.cmpi eq, %jit3A, %eq3A_721 : i32
        %jit3A_723 = arith.constant 1 : i32
        %select_n3A = arith.select %eq3A_722, %jit3A_723, %jit3A : i32
        %rem3A = arith.remsi %get3A_720, %select_n3A : i32
        %ne3A = arith.constant 0 : i32
        %ne3A_724 = arith.cmpi ne, %rem3A, %ne3A : i32
        %lt3A_725 = arith.constant 0 : i32
        %lt3A_726 = arith.cmpi slt, %rem3A, %lt3A_725 : i32
        %lt3A_727 = arith.constant 0 : i32
        %lt3A_728 = arith.cmpi slt, %select_n3A, %lt3A_727 : i32
        %ne3A_729 = arith.xori %lt3A_726, %lt3A_728 : i1
        %and3A = arith.andi %ne3A_729, %ne3A_724 : i1
        %add3A_730 = arith.addi %rem3A, %select_n3A : i32
        %select_n3A_731 = arith.select %and3A, %add3A_730, %rem3A : i32
        %jit3A_732 = arith.constant 64 : i32
        %eq3A_733 = arith.constant 0 : i32
        %eq3A_734 = arith.cmpi eq, %jit3A_732, %eq3A_733 : i32
        %jit3A_735 = arith.constant 1 : i32
        %select_n3A_736 = arith.select %eq3A_734, %jit3A_735, %jit3A_732 : i32
        %rem3A_737 = arith.remsi %get3A_720, %select_n3A_736 : i32
        %ne3A_738 = arith.constant 0 : i32
        %ne3A_739 = arith.cmpi ne, %rem3A_737, %ne3A_738 : i32
        %lt3A_740 = arith.constant 0 : i32
        %lt3A_741 = arith.cmpi slt, %rem3A_737, %lt3A_740 : i32
        %lt3A_742 = arith.constant 0 : i32
        %lt3A_743 = arith.cmpi slt, %select_n3A_736, %lt3A_742 : i32
        %ne3A_744 = arith.xori %lt3A_741, %lt3A_743 : i1
        %and3A_745 = arith.andi %ne3A_744, %ne3A_739 : i1
        %add3A_746 = arith.addi %rem3A_737, %select_n3A_736 : i32
        %select_n3A_747 = arith.select %and3A_745, %add3A_746, %rem3A_737 : i32
        %dma_start3A = tpu.memref_slice %arg7[%select_n3A_747] : memref<64x!tpu.dma_semaphore, #tpu.memory_space<semaphore_mem>> -> memref<1x!tpu.dma_semaphore, #tpu.memory_space<semaphore_mem>>
        %dma_start3A_748 = tpu.memref_squeeze %dma_start3A : memref<1x!tpu.dma_semaphore, #tpu.memory_space<semaphore_mem>> -> memref<!tpu.dma_semaphore, #tpu.memory_space<semaphore_mem>>
        %dma_start3A_749 = arith.constant 0 : i32
        %dma_start3A_750 = arith.constant 0 : i32
        %dma_start3A_751 = arith.constant 0 : i32
        %dma_start3A_752 = tpu.memref_slice %arg6[%select_n3A_731, %dma_start3A_749, %dma_start3A_750, %dma_start3A_751] : memref<64x2x40x512xf32, #tpu.memory_space<vmem>> -> memref<1x2x40x512xf32, #tpu.memory_space<vmem>>
        %dma_start3A_753 = tpu.memref_squeeze %dma_start3A_752 : memref<1x2x40x512xf32, #tpu.memory_space<vmem>> -> memref<2x40x512xf32, #tpu.memory_space<vmem>>
        %dma_start3A_754 = arith.constant 0 : i32
        %dma_start3A_755 = arith.constant 0 : i32
        %dma_start3A_756 = arith.constant 0 : i32
        %dma_start3A_757 = tpu.memref_slice %arg2[%get3A_669, %dma_start3A_754, %dma_start3A_755, %dma_start3A_756] : memref<512x2x40x512xf32, #tpu.memory_space<hbm>> -> memref<1x2x40x512xf32, #tpu.memory_space<hbm>>
        %dma_start3A_758 = tpu.memref_squeeze %dma_start3A_757 : memref<1x2x40x512xf32, #tpu.memory_space<hbm>> -> memref<2x40x512xf32, #tpu.memory_space<hbm>>
        tpu.enqueue_dma source(%dma_start3A_758 : memref<2x40x512xf32, #tpu.memory_space<hbm>>) target(%dma_start3A_753 : memref<2x40x512xf32, #tpu.memory_space<vmem>>) target_semaphore(%dma_start3A_748 : memref<!tpu.dma_semaphore, #tpu.memory_space<semaphore_mem>>)
        %add3A_759 = arith.constant 1 : i32
        %add3A_760 = arith.addi %get3A_720, %add3A_759 : i32
        %swap3A_761 = arith.constant 0 : index
        %swap3A_762 = memref.load %arg5[%swap3A_761] : memref<2xi32, #tpu.memory_space<smem>>
        memref.store %add3A_760, %arg5[%swap3A_761] : memref<2xi32, #tpu.memory_space<smem>>
      } else {
      }
      %mul3A_675 = arith.constant 32 : i32
      %mul3A_676 = arith.muli %add3A_366, %mul3A_675 : i32
      %add3A_677 = arith.constant 28 : i32
      %add3A_678 = arith.addi %mul3A_676, %add3A_677 : i32
      %get3A_679 = arith.index_cast %add3A_678 : i32 to index
      %get3A_680 = memref.load %arg1[%get3A_679] : memref<1024xi32, #tpu.memory_space<smem>>
      %ge3A_681 = arith.constant 0 : i32
      %ge3A_682 = arith.cmpi sge, %get3A_680, %ge3A_681 : i32
      %convert_element_type3A_683 = arith.extui %ge3A_682 : i1 to i32
      %cond3A_684 = arith.constant 0 : i32
      %cond3A_685 = arith.cmpi ne, %convert_element_type3A_683, %cond3A_684 : i32
      scf.if %cond3A_685 {
        %get3A_719 = arith.constant 0 : index
        %get3A_720 = memref.load %arg5[%get3A_719] : memref<2xi32, #tpu.memory_space<smem>>
        %jit3A = arith.constant 64 : i32
        %eq3A_721 = arith.constant 0 : i32
        %eq3A_722 = arith.cmpi eq, %jit3A, %eq3A_721 : i32
        %jit3A_723 = arith.constant 1 : i32
        %select_n3A = arith.select %eq3A_722, %jit3A_723, %jit3A : i32
        %rem3A = arith.remsi %get3A_720, %select_n3A : i32
        %ne3A = arith.constant 0 : i32
        %ne3A_724 = arith.cmpi ne, %rem3A, %ne3A : i32
        %lt3A_725 = arith.constant 0 : i32
        %lt3A_726 = arith.cmpi slt, %rem3A, %lt3A_725 : i32
        %lt3A_727 = arith.constant 0 : i32
        %lt3A_728 = arith.cmpi slt, %select_n3A, %lt3A_727 : i32
        %ne3A_729 = arith.xori %lt3A_726, %lt3A_728 : i1
        %and3A = arith.andi %ne3A_729, %ne3A_724 : i1
        %add3A_730 = arith.addi %rem3A, %select_n3A : i32
        %select_n3A_731 = arith.select %and3A, %add3A_730, %rem3A : i32
        %jit3A_732 = arith.constant 64 : i32
        %eq3A_733 = arith.constant 0 : i32
        %eq3A_734 = arith.cmpi eq, %jit3A_732, %eq3A_733 : i32
        %jit3A_735 = arith.constant 1 : i32
        %select_n3A_736 = arith.select %eq3A_734, %jit3A_735, %jit3A_732 : i32
        %rem3A_737 = arith.remsi %get3A_720, %select_n3A_736 : i32
        %ne3A_738 = arith.constant 0 : i32
        %ne3A_739 = arith.cmpi ne, %rem3A_737, %ne3A_738 : i32
        %lt3A_740 = arith.constant 0 : i32
        %lt3A_741 = arith.cmpi slt, %rem3A_737, %lt3A_740 : i32
        %lt3A_742 = arith.constant 0 : i32
        %lt3A_743 = arith.cmpi slt, %select_n3A_736, %lt3A_742 : i32
        %ne3A_744 = arith.xori %lt3A_741, %lt3A_743 : i1
        %and3A_745 = arith.andi %ne3A_744, %ne3A_739 : i1
        %add3A_746 = arith.addi %rem3A_737, %select_n3A_736 : i32
        %select_n3A_747 = arith.select %and3A_745, %add3A_746, %rem3A_737 : i32
        %dma_start3A = tpu.memref_slice %arg7[%select_n3A_747] : memref<64x!tpu.dma_semaphore, #tpu.memory_space<semaphore_mem>> -> memref<1x!tpu.dma_semaphore, #tpu.memory_space<semaphore_mem>>
        %dma_start3A_748 = tpu.memref_squeeze %dma_start3A : memref<1x!tpu.dma_semaphore, #tpu.memory_space<semaphore_mem>> -> memref<!tpu.dma_semaphore, #tpu.memory_space<semaphore_mem>>
        %dma_start3A_749 = arith.constant 0 : i32
        %dma_start3A_750 = arith.constant 0 : i32
        %dma_start3A_751 = arith.constant 0 : i32
        %dma_start3A_752 = tpu.memref_slice %arg6[%select_n3A_731, %dma_start3A_749, %dma_start3A_750, %dma_start3A_751] : memref<64x2x40x512xf32, #tpu.memory_space<vmem>> -> memref<1x2x40x512xf32, #tpu.memory_space<vmem>>
        %dma_start3A_753 = tpu.memref_squeeze %dma_start3A_752 : memref<1x2x40x512xf32, #tpu.memory_space<vmem>> -> memref<2x40x512xf32, #tpu.memory_space<vmem>>
        %dma_start3A_754 = arith.constant 0 : i32
        %dma_start3A_755 = arith.constant 0 : i32
        %dma_start3A_756 = arith.constant 0 : i32
        %dma_start3A_757 = tpu.memref_slice %arg2[%get3A_680, %dma_start3A_754, %dma_start3A_755, %dma_start3A_756] : memref<512x2x40x512xf32, #tpu.memory_space<hbm>> -> memref<1x2x40x512xf32, #tpu.memory_space<hbm>>
        %dma_start3A_758 = tpu.memref_squeeze %dma_start3A_757 : memref<1x2x40x512xf32, #tpu.memory_space<hbm>> -> memref<2x40x512xf32, #tpu.memory_space<hbm>>
        tpu.enqueue_dma source(%dma_start3A_758 : memref<2x40x512xf32, #tpu.memory_space<hbm>>) target(%dma_start3A_753 : memref<2x40x512xf32, #tpu.memory_space<vmem>>) target_semaphore(%dma_start3A_748 : memref<!tpu.dma_semaphore, #tpu.memory_space<semaphore_mem>>)
        %add3A_759 = arith.constant 1 : i32
        %add3A_760 = arith.addi %get3A_720, %add3A_759 : i32
        %swap3A_761 = arith.constant 0 : index
        %swap3A_762 = memref.load %arg5[%swap3A_761] : memref<2xi32, #tpu.memory_space<smem>>
        memref.store %add3A_760, %arg5[%swap3A_761] : memref<2xi32, #tpu.memory_space<smem>>
      } else {
      }
      %mul3A_686 = arith.constant 32 : i32
      %mul3A_687 = arith.muli %add3A_366, %mul3A_686 : i32
      %add3A_688 = arith.constant 29 : i32
      %add3A_689 = arith.addi %mul3A_687, %add3A_688 : i32
      %get3A_690 = arith.index_cast %add3A_689 : i32 to index
      %get3A_691 = memref.load %arg1[%get3A_690] : memref<1024xi32, #tpu.memory_space<smem>>
      %ge3A_692 = arith.constant 0 : i32
      %ge3A_693 = arith.cmpi sge, %get3A_691, %ge3A_692 : i32
      %convert_element_type3A_694 = arith.extui %ge3A_693 : i1 to i32
      %cond3A_695 = arith.constant 0 : i32
      %cond3A_696 = arith.cmpi ne, %convert_element_type3A_694, %cond3A_695 : i32
      scf.if %cond3A_696 {
        %get3A_719 = arith.constant 0 : index
        %get3A_720 = memref.load %arg5[%get3A_719] : memref<2xi32, #tpu.memory_space<smem>>
        %jit3A = arith.constant 64 : i32
        %eq3A_721 = arith.constant 0 : i32
        %eq3A_722 = arith.cmpi eq, %jit3A, %eq3A_721 : i32
        %jit3A_723 = arith.constant 1 : i32
        %select_n3A = arith.select %eq3A_722, %jit3A_723, %jit3A : i32
        %rem3A = arith.remsi %get3A_720, %select_n3A : i32
        %ne3A = arith.constant 0 : i32
        %ne3A_724 = arith.cmpi ne, %rem3A, %ne3A : i32
        %lt3A_725 = arith.constant 0 : i32
        %lt3A_726 = arith.cmpi slt, %rem3A, %lt3A_725 : i32
        %lt3A_727 = arith.constant 0 : i32
        %lt3A_728 = arith.cmpi slt, %select_n3A, %lt3A_727 : i32
        %ne3A_729 = arith.xori %lt3A_726, %lt3A_728 : i1
        %and3A = arith.andi %ne3A_729, %ne3A_724 : i1
        %add3A_730 = arith.addi %rem3A, %select_n3A : i32
        %select_n3A_731 = arith.select %and3A, %add3A_730, %rem3A : i32
        %jit3A_732 = arith.constant 64 : i32
        %eq3A_733 = arith.constant 0 : i32
        %eq3A_734 = arith.cmpi eq, %jit3A_732, %eq3A_733 : i32
        %jit3A_735 = arith.constant 1 : i32
        %select_n3A_736 = arith.select %eq3A_734, %jit3A_735, %jit3A_732 : i32
        %rem3A_737 = arith.remsi %get3A_720, %select_n3A_736 : i32
        %ne3A_738 = arith.constant 0 : i32
        %ne3A_739 = arith.cmpi ne, %rem3A_737, %ne3A_738 : i32
        %lt3A_740 = arith.constant 0 : i32
        %lt3A_741 = arith.cmpi slt, %rem3A_737, %lt3A_740 : i32
        %lt3A_742 = arith.constant 0 : i32
        %lt3A_743 = arith.cmpi slt, %select_n3A_736, %lt3A_742 : i32
        %ne3A_744 = arith.xori %lt3A_741, %lt3A_743 : i1
        %and3A_745 = arith.andi %ne3A_744, %ne3A_739 : i1
        %add3A_746 = arith.addi %rem3A_737, %select_n3A_736 : i32
        %select_n3A_747 = arith.select %and3A_745, %add3A_746, %rem3A_737 : i32
        %dma_start3A = tpu.memref_slice %arg7[%select_n3A_747] : memref<64x!tpu.dma_semaphore, #tpu.memory_space<semaphore_mem>> -> memref<1x!tpu.dma_semaphore, #tpu.memory_space<semaphore_mem>>
        %dma_start3A_748 = tpu.memref_squeeze %dma_start3A : memref<1x!tpu.dma_semaphore, #tpu.memory_space<semaphore_mem>> -> memref<!tpu.dma_semaphore, #tpu.memory_space<semaphore_mem>>
        %dma_start3A_749 = arith.constant 0 : i32
        %dma_start3A_750 = arith.constant 0 : i32
        %dma_start3A_751 = arith.constant 0 : i32
        %dma_start3A_752 = tpu.memref_slice %arg6[%select_n3A_731, %dma_start3A_749, %dma_start3A_750, %dma_start3A_751] : memref<64x2x40x512xf32, #tpu.memory_space<vmem>> -> memref<1x2x40x512xf32, #tpu.memory_space<vmem>>
        %dma_start3A_753 = tpu.memref_squeeze %dma_start3A_752 : memref<1x2x40x512xf32, #tpu.memory_space<vmem>> -> memref<2x40x512xf32, #tpu.memory_space<vmem>>
        %dma_start3A_754 = arith.constant 0 : i32
        %dma_start3A_755 = arith.constant 0 : i32
        %dma_start3A_756 = arith.constant 0 : i32
        %dma_start3A_757 = tpu.memref_slice %arg2[%get3A_691, %dma_start3A_754, %dma_start3A_755, %dma_start3A_756] : memref<512x2x40x512xf32, #tpu.memory_space<hbm>> -> memref<1x2x40x512xf32, #tpu.memory_space<hbm>>
        %dma_start3A_758 = tpu.memref_squeeze %dma_start3A_757 : memref<1x2x40x512xf32, #tpu.memory_space<hbm>> -> memref<2x40x512xf32, #tpu.memory_space<hbm>>
        tpu.enqueue_dma source(%dma_start3A_758 : memref<2x40x512xf32, #tpu.memory_space<hbm>>) target(%dma_start3A_753 : memref<2x40x512xf32, #tpu.memory_space<vmem>>) target_semaphore(%dma_start3A_748 : memref<!tpu.dma_semaphore, #tpu.memory_space<semaphore_mem>>)
        %add3A_759 = arith.constant 1 : i32
        %add3A_760 = arith.addi %get3A_720, %add3A_759 : i32
        %swap3A_761 = arith.constant 0 : index
        %swap3A_762 = memref.load %arg5[%swap3A_761] : memref<2xi32, #tpu.memory_space<smem>>
        memref.store %add3A_760, %arg5[%swap3A_761] : memref<2xi32, #tpu.memory_space<smem>>
      } else {
      }
      %mul3A_697 = arith.constant 32 : i32
      %mul3A_698 = arith.muli %add3A_366, %mul3A_697 : i32
      %add3A_699 = arith.constant 30 : i32
      %add3A_700 = arith.addi %mul3A_698, %add3A_699 : i32
      %get3A_701 = arith.index_cast %add3A_700 : i32 to index
      %get3A_702 = memref.load %arg1[%get3A_701] : memref<1024xi32, #tpu.memory_space<smem>>
      %ge3A_703 = arith.constant 0 : i32
      %ge3A_704 = arith.cmpi sge, %get3A_702, %ge3A_703 : i32
      %convert_element_type3A_705 = arith.extui %ge3A_704 : i1 to i32
      %cond3A_706 = arith.constant 0 : i32
      %cond3A_707 = arith.cmpi ne, %convert_element_type3A_705, %cond3A_706 : i32
      scf.if %cond3A_707 {
        %get3A_719 = arith.constant 0 : index
        %get3A_720 = memref.load %arg5[%get3A_719] : memref<2xi32, #tpu.memory_space<smem>>
        %jit3A = arith.constant 64 : i32
        %eq3A_721 = arith.constant 0 : i32
        %eq3A_722 = arith.cmpi eq, %jit3A, %eq3A_721 : i32
        %jit3A_723 = arith.constant 1 : i32
        %select_n3A = arith.select %eq3A_722, %jit3A_723, %jit3A : i32
        %rem3A = arith.remsi %get3A_720, %select_n3A : i32
        %ne3A = arith.constant 0 : i32
        %ne3A_724 = arith.cmpi ne, %rem3A, %ne3A : i32
        %lt3A_725 = arith.constant 0 : i32
        %lt3A_726 = arith.cmpi slt, %rem3A, %lt3A_725 : i32
        %lt3A_727 = arith.constant 0 : i32
        %lt3A_728 = arith.cmpi slt, %select_n3A, %lt3A_727 : i32
        %ne3A_729 = arith.xori %lt3A_726, %lt3A_728 : i1
        %and3A = arith.andi %ne3A_729, %ne3A_724 : i1
        %add3A_730 = arith.addi %rem3A, %select_n3A : i32
        %select_n3A_731 = arith.select %and3A, %add3A_730, %rem3A : i32
        %jit3A_732 = arith.constant 64 : i32
        %eq3A_733 = arith.constant 0 : i32
        %eq3A_734 = arith.cmpi eq, %jit3A_732, %eq3A_733 : i32
        %jit3A_735 = arith.constant 1 : i32
        %select_n3A_736 = arith.select %eq3A_734, %jit3A_735, %jit3A_732 : i32
        %rem3A_737 = arith.remsi %get3A_720, %select_n3A_736 : i32
        %ne3A_738 = arith.constant 0 : i32
        %ne3A_739 = arith.cmpi ne, %rem3A_737, %ne3A_738 : i32
        %lt3A_740 = arith.constant 0 : i32
        %lt3A_741 = arith.cmpi slt, %rem3A_737, %lt3A_740 : i32
        %lt3A_742 = arith.constant 0 : i32
        %lt3A_743 = arith.cmpi slt, %select_n3A_736, %lt3A_742 : i32
        %ne3A_744 = arith.xori %lt3A_741, %lt3A_743 : i1
        %and3A_745 = arith.andi %ne3A_744, %ne3A_739 : i1
        %add3A_746 = arith.addi %rem3A_737, %select_n3A_736 : i32
        %select_n3A_747 = arith.select %and3A_745, %add3A_746, %rem3A_737 : i32
        %dma_start3A = tpu.memref_slice %arg7[%select_n3A_747] : memref<64x!tpu.dma_semaphore, #tpu.memory_space<semaphore_mem>> -> memref<1x!tpu.dma_semaphore, #tpu.memory_space<semaphore_mem>>
        %dma_start3A_748 = tpu.memref_squeeze %dma_start3A : memref<1x!tpu.dma_semaphore, #tpu.memory_space<semaphore_mem>> -> memref<!tpu.dma_semaphore, #tpu.memory_space<semaphore_mem>>
        %dma_start3A_749 = arith.constant 0 : i32
        %dma_start3A_750 = arith.constant 0 : i32
        %dma_start3A_751 = arith.constant 0 : i32
        %dma_start3A_752 = tpu.memref_slice %arg6[%select_n3A_731, %dma_start3A_749, %dma_start3A_750, %dma_start3A_751] : memref<64x2x40x512xf32, #tpu.memory_space<vmem>> -> memref<1x2x40x512xf32, #tpu.memory_space<vmem>>
        %dma_start3A_753 = tpu.memref_squeeze %dma_start3A_752 : memref<1x2x40x512xf32, #tpu.memory_space<vmem>> -> memref<2x40x512xf32, #tpu.memory_space<vmem>>
        %dma_start3A_754 = arith.constant 0 : i32
        %dma_start3A_755 = arith.constant 0 : i32
        %dma_start3A_756 = arith.constant 0 : i32
        %dma_start3A_757 = tpu.memref_slice %arg2[%get3A_702, %dma_start3A_754, %dma_start3A_755, %dma_start3A_756] : memref<512x2x40x512xf32, #tpu.memory_space<hbm>> -> memref<1x2x40x512xf32, #tpu.memory_space<hbm>>
        %dma_start3A_758 = tpu.memref_squeeze %dma_start3A_757 : memref<1x2x40x512xf32, #tpu.memory_space<hbm>> -> memref<2x40x512xf32, #tpu.memory_space<hbm>>
        tpu.enqueue_dma source(%dma_start3A_758 : memref<2x40x512xf32, #tpu.memory_space<hbm>>) target(%dma_start3A_753 : memref<2x40x512xf32, #tpu.memory_space<vmem>>) target_semaphore(%dma_start3A_748 : memref<!tpu.dma_semaphore, #tpu.memory_space<semaphore_mem>>)
        %add3A_759 = arith.constant 1 : i32
        %add3A_760 = arith.addi %get3A_720, %add3A_759 : i32
        %swap3A_761 = arith.constant 0 : index
        %swap3A_762 = memref.load %arg5[%swap3A_761] : memref<2xi32, #tpu.memory_space<smem>>
        memref.store %add3A_760, %arg5[%swap3A_761] : memref<2xi32, #tpu.memory_space<smem>>
      } else {
      }
      %mul3A_708 = arith.constant 32 : i32
      %mul3A_709 = arith.muli %add3A_366, %mul3A_708 : i32
      %add3A_710 = arith.constant 31 : i32
      %add3A_711 = arith.addi %mul3A_709, %add3A_710 : i32
      %get3A_712 = arith.index_cast %add3A_711 : i32 to index
      %get3A_713 = memref.load %arg1[%get3A_712] : memref<1024xi32, #tpu.memory_space<smem>>
      %ge3A_714 = arith.constant 0 : i32
      %ge3A_715 = arith.cmpi sge, %get3A_713, %ge3A_714 : i32
      %convert_element_type3A_716 = arith.extui %ge3A_715 : i1 to i32
      %cond3A_717 = arith.constant 0 : i32
      %cond3A_718 = arith.cmpi ne, %convert_element_type3A_716, %cond3A_717 : i32
      scf.if %cond3A_718 {
        %get3A_719 = arith.constant 0 : index
        %get3A_720 = memref.load %arg5[%get3A_719] : memref<2xi32, #tpu.memory_space<smem>>
        %jit3A = arith.constant 64 : i32
        %eq3A_721 = arith.constant 0 : i32
        %eq3A_722 = arith.cmpi eq, %jit3A, %eq3A_721 : i32
        %jit3A_723 = arith.constant 1 : i32
        %select_n3A = arith.select %eq3A_722, %jit3A_723, %jit3A : i32
        %rem3A = arith.remsi %get3A_720, %select_n3A : i32
        %ne3A = arith.constant 0 : i32
        %ne3A_724 = arith.cmpi ne, %rem3A, %ne3A : i32
        %lt3A_725 = arith.constant 0 : i32
        %lt3A_726 = arith.cmpi slt, %rem3A, %lt3A_725 : i32
        %lt3A_727 = arith.constant 0 : i32
        %lt3A_728 = arith.cmpi slt, %select_n3A, %lt3A_727 : i32
        %ne3A_729 = arith.xori %lt3A_726, %lt3A_728 : i1
        %and3A = arith.andi %ne3A_729, %ne3A_724 : i1
        %add3A_730 = arith.addi %rem3A, %select_n3A : i32
        %select_n3A_731 = arith.select %and3A, %add3A_730, %rem3A : i32
        %jit3A_732 = arith.constant 64 : i32
        %eq3A_733 = arith.constant 0 : i32
        %eq3A_734 = arith.cmpi eq, %jit3A_732, %eq3A_733 : i32
        %jit3A_735 = arith.constant 1 : i32
        %select_n3A_736 = arith.select %eq3A_734, %jit3A_735, %jit3A_732 : i32
        %rem3A_737 = arith.remsi %get3A_720, %select_n3A_736 : i32
        %ne3A_738 = arith.constant 0 : i32
        %ne3A_739 = arith.cmpi ne, %rem3A_737, %ne3A_738 : i32
        %lt3A_740 = arith.constant 0 : i32
        %lt3A_741 = arith.cmpi slt, %rem3A_737, %lt3A_740 : i32
        %lt3A_742 = arith.constant 0 : i32
        %lt3A_743 = arith.cmpi slt, %select_n3A_736, %lt3A_742 : i32
        %ne3A_744 = arith.xori %lt3A_741, %lt3A_743 : i1
        %and3A_745 = arith.andi %ne3A_744, %ne3A_739 : i1
        %add3A_746 = arith.addi %rem3A_737, %select_n3A_736 : i32
        %select_n3A_747 = arith.select %and3A_745, %add3A_746, %rem3A_737 : i32
        %dma_start3A = tpu.memref_slice %arg7[%select_n3A_747] : memref<64x!tpu.dma_semaphore, #tpu.memory_space<semaphore_mem>> -> memref<1x!tpu.dma_semaphore, #tpu.memory_space<semaphore_mem>>
        %dma_start3A_748 = tpu.memref_squeeze %dma_start3A : memref<1x!tpu.dma_semaphore, #tpu.memory_space<semaphore_mem>> -> memref<!tpu.dma_semaphore, #tpu.memory_space<semaphore_mem>>
        %dma_start3A_749 = arith.constant 0 : i32
        %dma_start3A_750 = arith.constant 0 : i32
        %dma_start3A_751 = arith.constant 0 : i32
        %dma_start3A_752 = tpu.memref_slice %arg6[%select_n3A_731, %dma_start3A_749, %dma_start3A_750, %dma_start3A_751] : memref<64x2x40x512xf32, #tpu.memory_space<vmem>> -> memref<1x2x40x512xf32, #tpu.memory_space<vmem>>
        %dma_start3A_753 = tpu.memref_squeeze %dma_start3A_752 : memref<1x2x40x512xf32, #tpu.memory_space<vmem>> -> memref<2x40x512xf32, #tpu.memory_space<vmem>>
        %dma_start3A_754 = arith.constant 0 : i32
        %dma_start3A_755 = arith.constant 0 : i32
        %dma_start3A_756 = arith.constant 0 : i32
        %dma_start3A_757 = tpu.memref_slice %arg2[%get3A_713, %dma_start3A_754, %dma_start3A_755, %dma_start3A_756] : memref<512x2x40x512xf32, #tpu.memory_space<hbm>> -> memref<1x2x40x512xf32, #tpu.memory_space<hbm>>
        %dma_start3A_758 = tpu.memref_squeeze %dma_start3A_757 : memref<1x2x40x512xf32, #tpu.memory_space<hbm>> -> memref<2x40x512xf32, #tpu.memory_space<hbm>>
        tpu.enqueue_dma source(%dma_start3A_758 : memref<2x40x512xf32, #tpu.memory_space<hbm>>) target(%dma_start3A_753 : memref<2x40x512xf32, #tpu.memory_space<vmem>>) target_semaphore(%dma_start3A_748 : memref<!tpu.dma_semaphore, #tpu.memory_space<semaphore_mem>>)
        %add3A_759 = arith.constant 1 : i32
        %add3A_760 = arith.addi %get3A_720, %add3A_759 : i32
        %swap3A_761 = arith.constant 0 : index
        %swap3A_762 = memref.load %arg5[%swap3A_761] : memref<2xi32, #tpu.memory_space<smem>>
        memref.store %add3A_760, %arg5[%swap3A_761] : memref<2xi32, #tpu.memory_space<smem>>
      } else {
      }
    } else {
    }
    %get3A = arith.constant 0 : index
    %get3A_7 = arith.constant 0 : index
    %get3A_8 = arith.constant 0 : index
    %get3A_9 = arith.constant 0 : index
    %get3A_10 = vector.load %arg3[%get3A, %get3A_7, %get3A_8, %get3A_9] : memref<32x2x40x512xf32, #tpu.memory_space<vmem>>, vector<32x2x40x512xf32>
    %swap3A = arith.constant 0 : index
    %swap3A_11 = arith.constant 0 : index
    %swap3A_12 = arith.constant 0 : index
    %swap3A_13 = arith.constant 0 : index
    %swap3A_14 = vector.load %arg4[%swap3A, %swap3A_11, %swap3A_12, %swap3A_13] : memref<32x2x40x512xf32, #tpu.memory_space<vmem>>, vector<32x2x40x512xf32>
    tpu.vector_store %arg4[%swap3A, %swap3A_11, %swap3A_12, %swap3A_13], %get3A_10 {strides = array<i32>} : memref<32x2x40x512xf32, #tpu.memory_space<vmem>>, vector<32x2x40x512xf32>,
    %mul3A = arith.constant 32 : i32
    %mul3A_15 = arith.muli %arg0, %mul3A : i32
    %add3A_16 = arith.constant 0 : i32
    %add3A_17 = arith.addi %mul3A_15, %add3A_16 : i32
    %get3A_18 = arith.index_cast %add3A_17 : i32 to index
    %get3A_19 = memref.load %arg1[%get3A_18] : memref<1024xi32, #tpu.memory_space<smem>>
    %ge3A = arith.constant 0 : i32
    %ge3A_20 = arith.cmpi sge, %get3A_19, %ge3A : i32
    %convert_element_type3A_21 = arith.extui %ge3A_20 : i1 to i32
    %cond3A_22 = arith.constant 0 : i32
    %cond3A_23 = arith.cmpi ne, %convert_element_type3A_21, %cond3A_22 : i32
    scf.if %cond3A_23 {
      %get3A_365 = arith.constant 1 : index
      %get3A_366 = memref.load %arg5[%get3A_365] : memref<2xi32, #tpu.memory_space<smem>>
      %jit3A = arith.constant 64 : i32
      %eq3A_367 = arith.constant 0 : i32
      %eq3A_368 = arith.cmpi eq, %jit3A, %eq3A_367 : i32
      %jit3A_369 = arith.constant 1 : i32
      %select_n3A = arith.select %eq3A_368, %jit3A_369, %jit3A : i32
      %rem3A = arith.remsi %get3A_366, %select_n3A : i32
      %ne3A = arith.constant 0 : i32
      %ne3A_370 = arith.cmpi ne, %rem3A, %ne3A : i32
      %lt3A_371 = arith.constant 0 : i32
      %lt3A_372 = arith.cmpi slt, %rem3A, %lt3A_371 : i32
      %lt3A_373 = arith.constant 0 : i32
      %lt3A_374 = arith.cmpi slt, %select_n3A, %lt3A_373 : i32
      %ne3A_375 = arith.xori %lt3A_372, %lt3A_374 : i1
      %and3A = arith.andi %ne3A_375, %ne3A_370 : i1
      %add3A_376 = arith.addi %rem3A, %select_n3A : i32
      %select_n3A_377 = arith.select %and3A, %add3A_376, %rem3A : i32
      %dma_wait3A = tpu.memref_slice %arg7[%select_n3A_377] : memref<64x!tpu.dma_semaphore, #tpu.memory_space<semaphore_mem>> -> memref<1x!tpu.dma_semaphore, #tpu.memory_space<semaphore_mem>>
      %dma_wait3A_378 = tpu.memref_squeeze %dma_wait3A : memref<1x!tpu.dma_semaphore, #tpu.memory_space<semaphore_mem>> -> memref<!tpu.dma_semaphore, #tpu.memory_space<semaphore_mem>>
      %dma_wait3A_379 = arith.constant 0 : i32
      %dma_wait3A_380 = arith.constant 0 : i32
      %dma_wait3A_381 = arith.constant 0 : i32
      %dma_wait3A_382 = tpu.memref_slice %arg6[%select_n3A_377, %dma_wait3A_379, %dma_wait3A_380, %dma_wait3A_381] : memref<64x2x40x512xf32, #tpu.memory_space<vmem>> -> memref<1x2x40x512xf32, #tpu.memory_space<vmem>>
      %dma_wait3A_383 = tpu.memref_squeeze %dma_wait3A_382 : memref<1x2x40x512xf32, #tpu.memory_space<vmem>> -> memref<2x40x512xf32, #tpu.memory_space<vmem>>
      %dma_wait3A_384 = arith.constant 0 : i32
      %dma_wait3A_385 = arith.constant 0 : i32
      %dma_wait3A_386 = arith.constant 0 : i32
      %dma_wait3A_387 = tpu.memref_slice %arg2[%get3A_19, %dma_wait3A_384, %dma_wait3A_385, %dma_wait3A_386] : memref<512x2x40x512xf32, #tpu.memory_space<hbm>> -> memref<1x2x40x512xf32, #tpu.memory_space<hbm>>
      %dma_wait3A_388 = tpu.memref_squeeze %dma_wait3A_387 : memref<1x2x40x512xf32, #tpu.memory_space<hbm>> -> memref<2x40x512xf32, #tpu.memory_space<hbm>>
      tpu.wait_dma2 semaphore(%dma_wait3A_378 : memref<!tpu.dma_semaphore, #tpu.memory_space<semaphore_mem>>) src(%dma_wait3A_388 : memref<2x40x512xf32, #tpu.memory_space<hbm>>) dst(%dma_wait3A_383 : memref<2x40x512xf32, #tpu.memory_space<vmem>>)
      %get3A_389 = arith.index_cast %select_n3A_377 : i32 to index
      %get3A_390 = arith.constant 0 : index
      %get3A_391 = arith.constant 0 : index
      %get3A_392 = arith.constant 0 : index
      %get3A_393 = vector.load %arg6[%get3A_389, %get3A_390, %get3A_391, %get3A_392] : memref<64x2x40x512xf32, #tpu.memory_space<vmem>>, vector<1x2x40x512xf32>
      %swap3A_394 = arith.constant 0 : index
      %swap3A_395 = arith.constant 0 : index
      %swap3A_396 = arith.constant 0 : index
      %swap3A_397 = arith.constant 0 : index
      %swap3A_398 = vector.load %arg4[%swap3A_394, %swap3A_395, %swap3A_396, %swap3A_397] : memref<32x2x40x512xf32, #tpu.memory_space<vmem>>, vector<1x2x40x512xf32>
      tpu.vector_store %arg4[%swap3A_394, %swap3A_395, %swap3A_396, %swap3A_397], %get3A_393 {strides = array<i32>} : memref<32x2x40x512xf32, #tpu.memory_space<vmem>>, vector<1x2x40x512xf32>,
      %add3A_399 = arith.constant 1 : i32
      %add3A_400 = arith.addi %get3A_366, %add3A_399 : i32
      %swap3A_401 = arith.constant 1 : index
      %swap3A_402 = memref.load %arg5[%swap3A_401] : memref<2xi32, #tpu.memory_space<smem>>
      memref.store %add3A_400, %arg5[%swap3A_401] : memref<2xi32, #tpu.memory_space<smem>>
    } else {
    }
    %mul3A_24 = arith.constant 32 : i32
    %mul3A_25 = arith.muli %arg0, %mul3A_24 : i32
    %add3A_26 = arith.constant 1 : i32
    %add3A_27 = arith.addi %mul3A_25, %add3A_26 : i32
    %get3A_28 = arith.index_cast %add3A_27 : i32 to index
    %get3A_29 = memref.load %arg1[%get3A_28] : memref<1024xi32, #tpu.memory_space<smem>>
    %ge3A_30 = arith.constant 0 : i32
    %ge3A_31 = arith.cmpi sge, %get3A_29, %ge3A_30 : i32
    %convert_element_type3A_32 = arith.extui %ge3A_31 : i1 to i32
    %cond3A_33 = arith.constant 0 : i32
    %cond3A_34 = arith.cmpi ne, %convert_element_type3A_32, %cond3A_33 : i32
    scf.if %cond3A_34 {
      %get3A_365 = arith.constant 1 : index
      %get3A_366 = memref.load %arg5[%get3A_365] : memref<2xi32, #tpu.memory_space<smem>>
      %jit3A = arith.constant 64 : i32
      %eq3A_367 = arith.constant 0 : i32
      %eq3A_368 = arith.cmpi eq, %jit3A, %eq3A_367 : i32
      %jit3A_369 = arith.constant 1 : i32
      %select_n3A = arith.select %eq3A_368, %jit3A_369, %jit3A : i32
      %rem3A = arith.remsi %get3A_366, %select_n3A : i32
      %ne3A = arith.constant 0 : i32
      %ne3A_370 = arith.cmpi ne, %rem3A, %ne3A : i32
      %lt3A_371 = arith.constant 0 : i32
      %lt3A_372 = arith.cmpi slt, %rem3A, %lt3A_371 : i32
      %lt3A_373 = arith.constant 0 : i32
      %lt3A_374 = arith.cmpi slt, %select_n3A, %lt3A_373 : i32
      %ne3A_375 = arith.xori %lt3A_372, %lt3A_374 : i1
      %and3A = arith.andi %ne3A_375, %ne3A_370 : i1
      %add3A_376 = arith.addi %rem3A, %select_n3A : i32
      %select_n3A_377 = arith.select %and3A, %add3A_376, %rem3A : i32
      %dma_wait3A = tpu.memref_slice %arg7[%select_n3A_377] : memref<64x!tpu.dma_semaphore, #tpu.memory_space<semaphore_mem>> -> memref<1x!tpu.dma_semaphore, #tpu.memory_space<semaphore_mem>>
      %dma_wait3A_378 = tpu.memref_squeeze %dma_wait3A : memref<1x!tpu.dma_semaphore, #tpu.memory_space<semaphore_mem>> -> memref<!tpu.dma_semaphore, #tpu.memory_space<semaphore_mem>>
      %dma_wait3A_379 = arith.constant 0 : i32
      %dma_wait3A_380 = arith.constant 0 : i32
      %dma_wait3A_381 = arith.constant 0 : i32
      %dma_wait3A_382 = tpu.memref_slice %arg6[%select_n3A_377, %dma_wait3A_379, %dma_wait3A_380, %dma_wait3A_381] : memref<64x2x40x512xf32, #tpu.memory_space<vmem>> -> memref<1x2x40x512xf32, #tpu.memory_space<vmem>>
      %dma_wait3A_383 = tpu.memref_squeeze %dma_wait3A_382 : memref<1x2x40x512xf32, #tpu.memory_space<vmem>> -> memref<2x40x512xf32, #tpu.memory_space<vmem>>
      %dma_wait3A_384 = arith.constant 0 : i32
      %dma_wait3A_385 = arith.constant 0 : i32
      %dma_wait3A_386 = arith.constant 0 : i32
      %dma_wait3A_387 = tpu.memref_slice %arg2[%get3A_29, %dma_wait3A_384, %dma_wait3A_385, %dma_wait3A_386] : memref<512x2x40x512xf32, #tpu.memory_space<hbm>> -> memref<1x2x40x512xf32, #tpu.memory_space<hbm>>
      %dma_wait3A_388 = tpu.memref_squeeze %dma_wait3A_387 : memref<1x2x40x512xf32, #tpu.memory_space<hbm>> -> memref<2x40x512xf32, #tpu.memory_space<hbm>>
      tpu.wait_dma2 semaphore(%dma_wait3A_378 : memref<!tpu.dma_semaphore, #tpu.memory_space<semaphore_mem>>) src(%dma_wait3A_388 : memref<2x40x512xf32, #tpu.memory_space<hbm>>) dst(%dma_wait3A_383 : memref<2x40x512xf32, #tpu.memory_space<vmem>>)
      %get3A_389 = arith.index_cast %select_n3A_377 : i32 to index
      %get3A_390 = arith.constant 0 : index
      %get3A_391 = arith.constant 0 : index
      %get3A_392 = arith.constant 0 : index
      %get3A_393 = vector.load %arg6[%get3A_389, %get3A_390, %get3A_391, %get3A_392] : memref<64x2x40x512xf32, #tpu.memory_space<vmem>>, vector<1x2x40x512xf32>
      %swap3A_394 = arith.constant 1 : index
      %swap3A_395 = arith.constant 0 : index
      %swap3A_396 = arith.constant 0 : index
      %swap3A_397 = arith.constant 0 : index
      %swap3A_398 = vector.load %arg4[%swap3A_394, %swap3A_395, %swap3A_396, %swap3A_397] : memref<32x2x40x512xf32, #tpu.memory_space<vmem>>, vector<1x2x40x512xf32>
      tpu.vector_store %arg4[%swap3A_394, %swap3A_395, %swap3A_396, %swap3A_397], %get3A_393 {strides = array<i32>} : memref<32x2x40x512xf32, #tpu.memory_space<vmem>>, vector<1x2x40x512xf32>,
      %add3A_399 = arith.constant 1 : i32
      %add3A_400 = arith.addi %get3A_366, %add3A_399 : i32
      %swap3A_401 = arith.constant 1 : index
      %swap3A_402 = memref.load %arg5[%swap3A_401] : memref<2xi32, #tpu.memory_space<smem>>
      memref.store %add3A_400, %arg5[%swap3A_401] : memref<2xi32, #tpu.memory_space<smem>>
    } else {
    }
    %mul3A_35 = arith.constant 32 : i32
    %mul3A_36 = arith.muli %arg0, %mul3A_35 : i32
    %add3A_37 = arith.constant 2 : i32
    %add3A_38 = arith.addi %mul3A_36, %add3A_37 : i32
    %get3A_39 = arith.index_cast %add3A_38 : i32 to index
    %get3A_40 = memref.load %arg1[%get3A_39] : memref<1024xi32, #tpu.memory_space<smem>>
    %ge3A_41 = arith.constant 0 : i32
    %ge3A_42 = arith.cmpi sge, %get3A_40, %ge3A_41 : i32
    %convert_element_type3A_43 = arith.extui %ge3A_42 : i1 to i32
    %cond3A_44 = arith.constant 0 : i32
    %cond3A_45 = arith.cmpi ne, %convert_element_type3A_43, %cond3A_44 : i32
    scf.if %cond3A_45 {
      %get3A_365 = arith.constant 1 : index
      %get3A_366 = memref.load %arg5[%get3A_365] : memref<2xi32, #tpu.memory_space<smem>>
      %jit3A = arith.constant 64 : i32
      %eq3A_367 = arith.constant 0 : i32
      %eq3A_368 = arith.cmpi eq, %jit3A, %eq3A_367 : i32
      %jit3A_369 = arith.constant 1 : i32
      %select_n3A = arith.select %eq3A_368, %jit3A_369, %jit3A : i32
      %rem3A = arith.remsi %get3A_366, %select_n3A : i32
      %ne3A = arith.constant 0 : i32
      %ne3A_370 = arith.cmpi ne, %rem3A, %ne3A : i32
      %lt3A_371 = arith.constant 0 : i32
      %lt3A_372 = arith.cmpi slt, %rem3A, %lt3A_371 : i32
      %lt3A_373 = arith.constant 0 : i32
      %lt3A_374 = arith.cmpi slt, %select_n3A, %lt3A_373 : i32
      %ne3A_375 = arith.xori %lt3A_372, %lt3A_374 : i1
      %and3A = arith.andi %ne3A_375, %ne3A_370 : i1
      %add3A_376 = arith.addi %rem3A, %select_n3A : i32
      %select_n3A_377 = arith.select %and3A, %add3A_376, %rem3A : i32
      %dma_wait3A = tpu.memref_slice %arg7[%select_n3A_377] : memref<64x!tpu.dma_semaphore, #tpu.memory_space<semaphore_mem>> -> memref<1x!tpu.dma_semaphore, #tpu.memory_space<semaphore_mem>>
      %dma_wait3A_378 = tpu.memref_squeeze %dma_wait3A : memref<1x!tpu.dma_semaphore, #tpu.memory_space<semaphore_mem>> -> memref<!tpu.dma_semaphore, #tpu.memory_space<semaphore_mem>>
      %dma_wait3A_379 = arith.constant 0 : i32
      %dma_wait3A_380 = arith.constant 0 : i32
      %dma_wait3A_381 = arith.constant 0 : i32
      %dma_wait3A_382 = tpu.memref_slice %arg6[%select_n3A_377, %dma_wait3A_379, %dma_wait3A_380, %dma_wait3A_381] : memref<64x2x40x512xf32, #tpu.memory_space<vmem>> -> memref<1x2x40x512xf32, #tpu.memory_space<vmem>>
      %dma_wait3A_383 = tpu.memref_squeeze %dma_wait3A_382 : memref<1x2x40x512xf32, #tpu.memory_space<vmem>> -> memref<2x40x512xf32, #tpu.memory_space<vmem>>
      %dma_wait3A_384 = arith.constant 0 : i32
      %dma_wait3A_385 = arith.constant 0 : i32
      %dma_wait3A_386 = arith.constant 0 : i32
      %dma_wait3A_387 = tpu.memref_slice %arg2[%get3A_40, %dma_wait3A_384, %dma_wait3A_385, %dma_wait3A_386] : memref<512x2x40x512xf32, #tpu.memory_space<hbm>> -> memref<1x2x40x512xf32, #tpu.memory_space<hbm>>
      %dma_wait3A_388 = tpu.memref_squeeze %dma_wait3A_387 : memref<1x2x40x512xf32, #tpu.memory_space<hbm>> -> memref<2x40x512xf32, #tpu.memory_space<hbm>>
      tpu.wait_dma2 semaphore(%dma_wait3A_378 : memref<!tpu.dma_semaphore, #tpu.memory_space<semaphore_mem>>) src(%dma_wait3A_388 : memref<2x40x512xf32, #tpu.memory_space<hbm>>) dst(%dma_wait3A_383 : memref<2x40x512xf32, #tpu.memory_space<vmem>>)
      %get3A_389 = arith.index_cast %select_n3A_377 : i32 to index
      %get3A_390 = arith.constant 0 : index
      %get3A_391 = arith.constant 0 : index
      %get3A_392 = arith.constant 0 : index
      %get3A_393 = vector.load %arg6[%get3A_389, %get3A_390, %get3A_391, %get3A_392] : memref<64x2x40x512xf32, #tpu.memory_space<vmem>>, vector<1x2x40x512xf32>
      %swap3A_394 = arith.constant 2 : index
      %swap3A_395 = arith.constant 0 : index
      %swap3A_396 = arith.constant 0 : index
      %swap3A_397 = arith.constant 0 : index
      %swap3A_398 = vector.load %arg4[%swap3A_394, %swap3A_395, %swap3A_396, %swap3A_397] : memref<32x2x40x512xf32, #tpu.memory_space<vmem>>, vector<1x2x40x512xf32>
      tpu.vector_store %arg4[%swap3A_394, %swap3A_395, %swap3A_396, %swap3A_397], %get3A_393 {strides = array<i32>} : memref<32x2x40x512xf32, #tpu.memory_space<vmem>>, vector<1x2x40x512xf32>,
      %add3A_399 = arith.constant 1 : i32
      %add3A_400 = arith.addi %get3A_366, %add3A_399 : i32
      %swap3A_401 = arith.constant 1 : index
      %swap3A_402 = memref.load %arg5[%swap3A_401] : memref<2xi32, #tpu.memory_space<smem>>
      memref.store %add3A_400, %arg5[%swap3A_401] : memref<2xi32, #tpu.memory_space<smem>>
    } else {
    }
    %mul3A_46 = arith.constant 32 : i32
    %mul3A_47 = arith.muli %arg0, %mul3A_46 : i32
    %add3A_48 = arith.constant 3 : i32
    %add3A_49 = arith.addi %mul3A_47, %add3A_48 : i32
    %get3A_50 = arith.index_cast %add3A_49 : i32 to index
    %get3A_51 = memref.load %arg1[%get3A_50] : memref<1024xi32, #tpu.memory_space<smem>>
    %ge3A_52 = arith.constant 0 : i32
    %ge3A_53 = arith.cmpi sge, %get3A_51, %ge3A_52 : i32
    %convert_element_type3A_54 = arith.extui %ge3A_53 : i1 to i32
    %cond3A_55 = arith.constant 0 : i32
    %cond3A_56 = arith.cmpi ne, %convert_element_type3A_54, %cond3A_55 : i32
    scf.if %cond3A_56 {
      %get3A_365 = arith.constant 1 : index
      %get3A_366 = memref.load %arg5[%get3A_365] : memref<2xi32, #tpu.memory_space<smem>>
      %jit3A = arith.constant 64 : i32
      %eq3A_367 = arith.constant 0 : i32
      %eq3A_368 = arith.cmpi eq, %jit3A, %eq3A_367 : i32
      %jit3A_369 = arith.constant 1 : i32
      %select_n3A = arith.select %eq3A_368, %jit3A_369, %jit3A : i32
      %rem3A = arith.remsi %get3A_366, %select_n3A : i32
      %ne3A = arith.constant 0 : i32
      %ne3A_370 = arith.cmpi ne, %rem3A, %ne3A : i32
      %lt3A_371 = arith.constant 0 : i32
      %lt3A_372 = arith.cmpi slt, %rem3A, %lt3A_371 : i32
      %lt3A_373 = arith.constant 0 : i32
      %lt3A_374 = arith.cmpi slt, %select_n3A, %lt3A_373 : i32
      %ne3A_375 = arith.xori %lt3A_372, %lt3A_374 : i1
      %and3A = arith.andi %ne3A_375, %ne3A_370 : i1
      %add3A_376 = arith.addi %rem3A, %select_n3A : i32
      %select_n3A_377 = arith.select %and3A, %add3A_376, %rem3A : i32
      %dma_wait3A = tpu.memref_slice %arg7[%select_n3A_377] : memref<64x!tpu.dma_semaphore, #tpu.memory_space<semaphore_mem>> -> memref<1x!tpu.dma_semaphore, #tpu.memory_space<semaphore_mem>>
      %dma_wait3A_378 = tpu.memref_squeeze %dma_wait3A : memref<1x!tpu.dma_semaphore, #tpu.memory_space<semaphore_mem>> -> memref<!tpu.dma_semaphore, #tpu.memory_space<semaphore_mem>>
      %dma_wait3A_379 = arith.constant 0 : i32
      %dma_wait3A_380 = arith.constant 0 : i32
      %dma_wait3A_381 = arith.constant 0 : i32
      %dma_wait3A_382 = tpu.memref_slice %arg6[%select_n3A_377, %dma_wait3A_379, %dma_wait3A_380, %dma_wait3A_381] : memref<64x2x40x512xf32, #tpu.memory_space<vmem>> -> memref<1x2x40x512xf32, #tpu.memory_space<vmem>>
      %dma_wait3A_383 = tpu.memref_squeeze %dma_wait3A_382 : memref<1x2x40x512xf32, #tpu.memory_space<vmem>> -> memref<2x40x512xf32, #tpu.memory_space<vmem>>
      %dma_wait3A_384 = arith.constant 0 : i32
      %dma_wait3A_385 = arith.constant 0 : i32
      %dma_wait3A_386 = arith.constant 0 : i32
      %dma_wait3A_387 = tpu.memref_slice %arg2[%get3A_51, %dma_wait3A_384, %dma_wait3A_385, %dma_wait3A_386] : memref<512x2x40x512xf32, #tpu.memory_space<hbm>> -> memref<1x2x40x512xf32, #tpu.memory_space<hbm>>
      %dma_wait3A_388 = tpu.memref_squeeze %dma_wait3A_387 : memref<1x2x40x512xf32, #tpu.memory_space<hbm>> -> memref<2x40x512xf32, #tpu.memory_space<hbm>>
      tpu.wait_dma2 semaphore(%dma_wait3A_378 : memref<!tpu.dma_semaphore, #tpu.memory_space<semaphore_mem>>) src(%dma_wait3A_388 : memref<2x40x512xf32, #tpu.memory_space<hbm>>) dst(%dma_wait3A_383 : memref<2x40x512xf32, #tpu.memory_space<vmem>>)
      %get3A_389 = arith.index_cast %select_n3A_377 : i32 to index
      %get3A_390 = arith.constant 0 : index
      %get3A_391 = arith.constant 0 : index
      %get3A_392 = arith.constant 0 : index
      %get3A_393 = vector.load %arg6[%get3A_389, %get3A_390, %get3A_391, %get3A_392] : memref<64x2x40x512xf32, #tpu.memory_space<vmem>>, vector<1x2x40x512xf32>
      %swap3A_394 = arith.constant 3 : index
      %swap3A_395 = arith.constant 0 : index
      %swap3A_396 = arith.constant 0 : index
      %swap3A_397 = arith.constant 0 : index
      %swap3A_398 = vector.load %arg4[%swap3A_394, %swap3A_395, %swap3A_396, %swap3A_397] : memref<32x2x40x512xf32, #tpu.memory_space<vmem>>, vector<1x2x40x512xf32>
      tpu.vector_store %arg4[%swap3A_394, %swap3A_395, %swap3A_396, %swap3A_397], %get3A_393 {strides = array<i32>} : memref<32x2x40x512xf32, #tpu.memory_space<vmem>>, vector<1x2x40x512xf32>,
      %add3A_399 = arith.constant 1 : i32
      %add3A_400 = arith.addi %get3A_366, %add3A_399 : i32
      %swap3A_401 = arith.constant 1 : index
      %swap3A_402 = memref.load %arg5[%swap3A_401] : memref<2xi32, #tpu.memory_space<smem>>
      memref.store %add3A_400, %arg5[%swap3A_401] : memref<2xi32, #tpu.memory_space<smem>>
    } else {
    }
    %mul3A_57 = arith.constant 32 : i32
    %mul3A_58 = arith.muli %arg0, %mul3A_57 : i32
    %add3A_59 = arith.constant 4 : i32
    %add3A_60 = arith.addi %mul3A_58, %add3A_59 : i32
    %get3A_61 = arith.index_cast %add3A_60 : i32 to index
    %get3A_62 = memref.load %arg1[%get3A_61] : memref<1024xi32, #tpu.memory_space<smem>>
    %ge3A_63 = arith.constant 0 : i32
    %ge3A_64 = arith.cmpi sge, %get3A_62, %ge3A_63 : i32
    %convert_element_type3A_65 = arith.extui %ge3A_64 : i1 to i32
    %cond3A_66 = arith.constant 0 : i32
    %cond3A_67 = arith.cmpi ne, %convert_element_type3A_65, %cond3A_66 : i32
    scf.if %cond3A_67 {
      %get3A_365 = arith.constant 1 : index
      %get3A_366 = memref.load %arg5[%get3A_365] : memref<2xi32, #tpu.memory_space<smem>>
      %jit3A = arith.constant 64 : i32
      %eq3A_367 = arith.constant 0 : i32
      %eq3A_368 = arith.cmpi eq, %jit3A, %eq3A_367 : i32
      %jit3A_369 = arith.constant 1 : i32
      %select_n3A = arith.select %eq3A_368, %jit3A_369, %jit3A : i32
      %rem3A = arith.remsi %get3A_366, %select_n3A : i32
      %ne3A = arith.constant 0 : i32
      %ne3A_370 = arith.cmpi ne, %rem3A, %ne3A : i32
      %lt3A_371 = arith.constant 0 : i32
      %lt3A_372 = arith.cmpi slt, %rem3A, %lt3A_371 : i32
      %lt3A_373 = arith.constant 0 : i32
      %lt3A_374 = arith.cmpi slt, %select_n3A, %lt3A_373 : i32
      %ne3A_375 = arith.xori %lt3A_372, %lt3A_374 : i1
      %and3A = arith.andi %ne3A_375, %ne3A_370 : i1
      %add3A_376 = arith.addi %rem3A, %select_n3A : i32
      %select_n3A_377 = arith.select %and3A, %add3A_376, %rem3A : i32
      %dma_wait3A = tpu.memref_slice %arg7[%select_n3A_377] : memref<64x!tpu.dma_semaphore, #tpu.memory_space<semaphore_mem>> -> memref<1x!tpu.dma_semaphore, #tpu.memory_space<semaphore_mem>>
      %dma_wait3A_378 = tpu.memref_squeeze %dma_wait3A : memref<1x!tpu.dma_semaphore, #tpu.memory_space<semaphore_mem>> -> memref<!tpu.dma_semaphore, #tpu.memory_space<semaphore_mem>>
      %dma_wait3A_379 = arith.constant 0 : i32
      %dma_wait3A_380 = arith.constant 0 : i32
      %dma_wait3A_381 = arith.constant 0 : i32
      %dma_wait3A_382 = tpu.memref_slice %arg6[%select_n3A_377, %dma_wait3A_379, %dma_wait3A_380, %dma_wait3A_381] : memref<64x2x40x512xf32, #tpu.memory_space<vmem>> -> memref<1x2x40x512xf32, #tpu.memory_space<vmem>>
      %dma_wait3A_383 = tpu.memref_squeeze %dma_wait3A_382 : memref<1x2x40x512xf32, #tpu.memory_space<vmem>> -> memref<2x40x512xf32, #tpu.memory_space<vmem>>
      %dma_wait3A_384 = arith.constant 0 : i32
      %dma_wait3A_385 = arith.constant 0 : i32
      %dma_wait3A_386 = arith.constant 0 : i32
      %dma_wait3A_387 = tpu.memref_slice %arg2[%get3A_62, %dma_wait3A_384, %dma_wait3A_385, %dma_wait3A_386] : memref<512x2x40x512xf32, #tpu.memory_space<hbm>> -> memref<1x2x40x512xf32, #tpu.memory_space<hbm>>
      %dma_wait3A_388 = tpu.memref_squeeze %dma_wait3A_387 : memref<1x2x40x512xf32, #tpu.memory_space<hbm>> -> memref<2x40x512xf32, #tpu.memory_space<hbm>>
      tpu.wait_dma2 semaphore(%dma_wait3A_378 : memref<!tpu.dma_semaphore, #tpu.memory_space<semaphore_mem>>) src(%dma_wait3A_388 : memref<2x40x512xf32, #tpu.memory_space<hbm>>) dst(%dma_wait3A_383 : memref<2x40x512xf32, #tpu.memory_space<vmem>>)
      %get3A_389 = arith.index_cast %select_n3A_377 : i32 to index
      %get3A_390 = arith.constant 0 : index
      %get3A_391 = arith.constant 0 : index
      %get3A_392 = arith.constant 0 : index
      %get3A_393 = vector.load %arg6[%get3A_389, %get3A_390, %get3A_391, %get3A_392] : memref<64x2x40x512xf32, #tpu.memory_space<vmem>>, vector<1x2x40x512xf32>
      %swap3A_394 = arith.constant 4 : index
      %swap3A_395 = arith.constant 0 : index
      %swap3A_396 = arith.constant 0 : index
      %swap3A_397 = arith.constant 0 : index
      %swap3A_398 = vector.load %arg4[%swap3A_394, %swap3A_395, %swap3A_396, %swap3A_397] : memref<32x2x40x512xf32, #tpu.memory_space<vmem>>, vector<1x2x40x512xf32>
      tpu.vector_store %arg4[%swap3A_394, %swap3A_395, %swap3A_396, %swap3A_397], %get3A_393 {strides = array<i32>} : memref<32x2x40x512xf32, #tpu.memory_space<vmem>>, vector<1x2x40x512xf32>,
      %add3A_399 = arith.constant 1 : i32
      %add3A_400 = arith.addi %get3A_366, %add3A_399 : i32
      %swap3A_401 = arith.constant 1 : index
      %swap3A_402 = memref.load %arg5[%swap3A_401] : memref<2xi32, #tpu.memory_space<smem>>
      memref.store %add3A_400, %arg5[%swap3A_401] : memref<2xi32, #tpu.memory_space<smem>>
    } else {
    }
    %mul3A_68 = arith.constant 32 : i32
    %mul3A_69 = arith.muli %arg0, %mul3A_68 : i32
    %add3A_70 = arith.constant 5 : i32
    %add3A_71 = arith.addi %mul3A_69, %add3A_70 : i32
    %get3A_72 = arith.index_cast %add3A_71 : i32 to index
    %get3A_73 = memref.load %arg1[%get3A_72] : memref<1024xi32, #tpu.memory_space<smem>>
    %ge3A_74 = arith.constant 0 : i32
    %ge3A_75 = arith.cmpi sge, %get3A_73, %ge3A_74 : i32
    %convert_element_type3A_76 = arith.extui %ge3A_75 : i1 to i32
    %cond3A_77 = arith.constant 0 : i32
    %cond3A_78 = arith.cmpi ne, %convert_element_type3A_76, %cond3A_77 : i32
    scf.if %cond3A_78 {
      %get3A_365 = arith.constant 1 : index
      %get3A_366 = memref.load %arg5[%get3A_365] : memref<2xi32, #tpu.memory_space<smem>>
      %jit3A = arith.constant 64 : i32
      %eq3A_367 = arith.constant 0 : i32
      %eq3A_368 = arith.cmpi eq, %jit3A, %eq3A_367 : i32
      %jit3A_369 = arith.constant 1 : i32
      %select_n3A = arith.select %eq3A_368, %jit3A_369, %jit3A : i32
      %rem3A = arith.remsi %get3A_366, %select_n3A : i32
      %ne3A = arith.constant 0 : i32
      %ne3A_370 = arith.cmpi ne, %rem3A, %ne3A : i32
      %lt3A_371 = arith.constant 0 : i32
      %lt3A_372 = arith.cmpi slt, %rem3A, %lt3A_371 : i32
      %lt3A_373 = arith.constant 0 : i32
      %lt3A_374 = arith.cmpi slt, %select_n3A, %lt3A_373 : i32
      %ne3A_375 = arith.xori %lt3A_372, %lt3A_374 : i1
      %and3A = arith.andi %ne3A_375, %ne3A_370 : i1
      %add3A_376 = arith.addi %rem3A, %select_n3A : i32
      %select_n3A_377 = arith.select %and3A, %add3A_376, %rem3A : i32
      %dma_wait3A = tpu.memref_slice %arg7[%select_n3A_377] : memref<64x!tpu.dma_semaphore, #tpu.memory_space<semaphore_mem>> -> memref<1x!tpu.dma_semaphore, #tpu.memory_space<semaphore_mem>>
      %dma_wait3A_378 = tpu.memref_squeeze %dma_wait3A : memref<1x!tpu.dma_semaphore, #tpu.memory_space<semaphore_mem>> -> memref<!tpu.dma_semaphore, #tpu.memory_space<semaphore_mem>>
      %dma_wait3A_379 = arith.constant 0 : i32
      %dma_wait3A_380 = arith.constant 0 : i32
      %dma_wait3A_381 = arith.constant 0 : i32
      %dma_wait3A_382 = tpu.memref_slice %arg6[%select_n3A_377, %dma_wait3A_379, %dma_wait3A_380, %dma_wait3A_381] : memref<64x2x40x512xf32, #tpu.memory_space<vmem>> -> memref<1x2x40x512xf32, #tpu.memory_space<vmem>>
      %dma_wait3A_383 = tpu.memref_squeeze %dma_wait3A_382 : memref<1x2x40x512xf32, #tpu.memory_space<vmem>> -> memref<2x40x512xf32, #tpu.memory_space<vmem>>
      %dma_wait3A_384 = arith.constant 0 : i32
      %dma_wait3A_385 = arith.constant 0 : i32
      %dma_wait3A_386 = arith.constant 0 : i32
      %dma_wait3A_387 = tpu.memref_slice %arg2[%get3A_73, %dma_wait3A_384, %dma_wait3A_385, %dma_wait3A_386] : memref<512x2x40x512xf32, #tpu.memory_space<hbm>> -> memref<1x2x40x512xf32, #tpu.memory_space<hbm>>
      %dma_wait3A_388 = tpu.memref_squeeze %dma_wait3A_387 : memref<1x2x40x512xf32, #tpu.memory_space<hbm>> -> memref<2x40x512xf32, #tpu.memory_space<hbm>>
      tpu.wait_dma2 semaphore(%dma_wait3A_378 : memref<!tpu.dma_semaphore, #tpu.memory_space<semaphore_mem>>) src(%dma_wait3A_388 : memref<2x40x512xf32, #tpu.memory_space<hbm>>) dst(%dma_wait3A_383 : memref<2x40x512xf32, #tpu.memory_space<vmem>>)
      %get3A_389 = arith.index_cast %select_n3A_377 : i32 to index
      %get3A_390 = arith.constant 0 : index
      %get3A_391 = arith.constant 0 : index
      %get3A_392 = arith.constant 0 : index
      %get3A_393 = vector.load %arg6[%get3A_389, %get3A_390, %get3A_391, %get3A_392] : memref<64x2x40x512xf32, #tpu.memory_space<vmem>>, vector<1x2x40x512xf32>
      %swap3A_394 = arith.constant 5 : index
      %swap3A_395 = arith.constant 0 : index
      %swap3A_396 = arith.constant 0 : index
      %swap3A_397 = arith.constant 0 : index
      %swap3A_398 = vector.load %arg4[%swap3A_394, %swap3A_395, %swap3A_396, %swap3A_397] : memref<32x2x40x512xf32, #tpu.memory_space<vmem>>, vector<1x2x40x512xf32>
      tpu.vector_store %arg4[%swap3A_394, %swap3A_395, %swap3A_396, %swap3A_397], %get3A_393 {strides = array<i32>} : memref<32x2x40x512xf32, #tpu.memory_space<vmem>>, vector<1x2x40x512xf32>,
      %add3A_399 = arith.constant 1 : i32
      %add3A_400 = arith.addi %get3A_366, %add3A_399 : i32
      %swap3A_401 = arith.constant 1 : index
      %swap3A_402 = memref.load %arg5[%swap3A_401] : memref<2xi32, #tpu.memory_space<smem>>
      memref.store %add3A_400, %arg5[%swap3A_401] : memref<2xi32, #tpu.memory_space<smem>>
    } else {
    }
    %mul3A_79 = arith.constant 32 : i32
    %mul3A_80 = arith.muli %arg0, %mul3A_79 : i32
    %add3A_81 = arith.constant 6 : i32
    %add3A_82 = arith.addi %mul3A_80, %add3A_81 : i32
    %get3A_83 = arith.index_cast %add3A_82 : i32 to index
    %get3A_84 = memref.load %arg1[%get3A_83] : memref<1024xi32, #tpu.memory_space<smem>>
    %ge3A_85 = arith.constant 0 : i32
    %ge3A_86 = arith.cmpi sge, %get3A_84, %ge3A_85 : i32
    %convert_element_type3A_87 = arith.extui %ge3A_86 : i1 to i32
    %cond3A_88 = arith.constant 0 : i32
    %cond3A_89 = arith.cmpi ne, %convert_element_type3A_87, %cond3A_88 : i32
    scf.if %cond3A_89 {
      %get3A_365 = arith.constant 1 : index
      %get3A_366 = memref.load %arg5[%get3A_365] : memref<2xi32, #tpu.memory_space<smem>>
      %jit3A = arith.constant 64 : i32
      %eq3A_367 = arith.constant 0 : i32
      %eq3A_368 = arith.cmpi eq, %jit3A, %eq3A_367 : i32
      %jit3A_369 = arith.constant 1 : i32
      %select_n3A = arith.select %eq3A_368, %jit3A_369, %jit3A : i32
      %rem3A = arith.remsi %get3A_366, %select_n3A : i32
      %ne3A = arith.constant 0 : i32
      %ne3A_370 = arith.cmpi ne, %rem3A, %ne3A : i32
      %lt3A_371 = arith.constant 0 : i32
      %lt3A_372 = arith.cmpi slt, %rem3A, %lt3A_371 : i32
      %lt3A_373 = arith.constant 0 : i32
      %lt3A_374 = arith.cmpi slt, %select_n3A, %lt3A_373 : i32
      %ne3A_375 = arith.xori %lt3A_372, %lt3A_374 : i1
      %and3A = arith.andi %ne3A_375, %ne3A_370 : i1
      %add3A_376 = arith.addi %rem3A, %select_n3A : i32
      %select_n3A_377 = arith.select %and3A, %add3A_376, %rem3A : i32
      %dma_wait3A = tpu.memref_slice %arg7[%select_n3A_377] : memref<64x!tpu.dma_semaphore, #tpu.memory_space<semaphore_mem>> -> memref<1x!tpu.dma_semaphore, #tpu.memory_space<semaphore_mem>>
      %dma_wait3A_378 = tpu.memref_squeeze %dma_wait3A : memref<1x!tpu.dma_semaphore, #tpu.memory_space<semaphore_mem>> -> memref<!tpu.dma_semaphore, #tpu.memory_space<semaphore_mem>>
      %dma_wait3A_379 = arith.constant 0 : i32
      %dma_wait3A_380 = arith.constant 0 : i32
      %dma_wait3A_381 = arith.constant 0 : i32
      %dma_wait3A_382 = tpu.memref_slice %arg6[%select_n3A_377, %dma_wait3A_379, %dma_wait3A_380, %dma_wait3A_381] : memref<64x2x40x512xf32, #tpu.memory_space<vmem>> -> memref<1x2x40x512xf32, #tpu.memory_space<vmem>>
      %dma_wait3A_383 = tpu.memref_squeeze %dma_wait3A_382 : memref<1x2x40x512xf32, #tpu.memory_space<vmem>> -> memref<2x40x512xf32, #tpu.memory_space<vmem>>
      %dma_wait3A_384 = arith.constant 0 : i32
      %dma_wait3A_385 = arith.constant 0 : i32
      %dma_wait3A_386 = arith.constant 0 : i32
      %dma_wait3A_387 = tpu.memref_slice %arg2[%get3A_84, %dma_wait3A_384, %dma_wait3A_385, %dma_wait3A_386] : memref<512x2x40x512xf32, #tpu.memory_space<hbm>> -> memref<1x2x40x512xf32, #tpu.memory_space<hbm>>
      %dma_wait3A_388 = tpu.memref_squeeze %dma_wait3A_387 : memref<1x2x40x512xf32, #tpu.memory_space<hbm>> -> memref<2x40x512xf32, #tpu.memory_space<hbm>>
      tpu.wait_dma2 semaphore(%dma_wait3A_378 : memref<!tpu.dma_semaphore, #tpu.memory_space<semaphore_mem>>) src(%dma_wait3A_388 : memref<2x40x512xf32, #tpu.memory_space<hbm>>) dst(%dma_wait3A_383 : memref<2x40x512xf32, #tpu.memory_space<vmem>>)
      %get3A_389 = arith.index_cast %select_n3A_377 : i32 to index
      %get3A_390 = arith.constant 0 : index
      %get3A_391 = arith.constant 0 : index
      %get3A_392 = arith.constant 0 : index
      %get3A_393 = vector.load %arg6[%get3A_389, %get3A_390, %get3A_391, %get3A_392] : memref<64x2x40x512xf32, #tpu.memory_space<vmem>>, vector<1x2x40x512xf32>
      %swap3A_394 = arith.constant 6 : index
      %swap3A_395 = arith.constant 0 : index
      %swap3A_396 = arith.constant 0 : index
      %swap3A_397 = arith.constant 0 : index
      %swap3A_398 = vector.load %arg4[%swap3A_394, %swap3A_395, %swap3A_396, %swap3A_397] : memref<32x2x40x512xf32, #tpu.memory_space<vmem>>, vector<1x2x40x512xf32>
      tpu.vector_store %arg4[%swap3A_394, %swap3A_395, %swap3A_396, %swap3A_397], %get3A_393 {strides = array<i32>} : memref<32x2x40x512xf32, #tpu.memory_space<vmem>>, vector<1x2x40x512xf32>,
      %add3A_399 = arith.constant 1 : i32
      %add3A_400 = arith.addi %get3A_366, %add3A_399 : i32
      %swap3A_401 = arith.constant 1 : index
      %swap3A_402 = memref.load %arg5[%swap3A_401] : memref<2xi32, #tpu.memory_space<smem>>
      memref.store %add3A_400, %arg5[%swap3A_401] : memref<2xi32, #tpu.memory_space<smem>>
    } else {
    }
    %mul3A_90 = arith.constant 32 : i32
    %mul3A_91 = arith.muli %arg0, %mul3A_90 : i32
    %add3A_92 = arith.constant 7 : i32
    %add3A_93 = arith.addi %mul3A_91, %add3A_92 : i32
    %get3A_94 = arith.index_cast %add3A_93 : i32 to index
    %get3A_95 = memref.load %arg1[%get3A_94] : memref<1024xi32, #tpu.memory_space<smem>>
    %ge3A_96 = arith.constant 0 : i32
    %ge3A_97 = arith.cmpi sge, %get3A_95, %ge3A_96 : i32
    %convert_element_type3A_98 = arith.extui %ge3A_97 : i1 to i32
    %cond3A_99 = arith.constant 0 : i32
    %cond3A_100 = arith.cmpi ne, %convert_element_type3A_98, %cond3A_99 : i32
    scf.if %cond3A_100 {
      %get3A_365 = arith.constant 1 : index
      %get3A_366 = memref.load %arg5[%get3A_365] : memref<2xi32, #tpu.memory_space<smem>>
      %jit3A = arith.constant 64 : i32
      %eq3A_367 = arith.constant 0 : i32
      %eq3A_368 = arith.cmpi eq, %jit3A, %eq3A_367 : i32
      %jit3A_369 = arith.constant 1 : i32
      %select_n3A = arith.select %eq3A_368, %jit3A_369, %jit3A : i32
      %rem3A = arith.remsi %get3A_366, %select_n3A : i32
      %ne3A = arith.constant 0 : i32
      %ne3A_370 = arith.cmpi ne, %rem3A, %ne3A : i32
      %lt3A_371 = arith.constant 0 : i32
      %lt3A_372 = arith.cmpi slt, %rem3A, %lt3A_371 : i32
      %lt3A_373 = arith.constant 0 : i32
      %lt3A_374 = arith.cmpi slt, %select_n3A, %lt3A_373 : i32
      %ne3A_375 = arith.xori %lt3A_372, %lt3A_374 : i1
      %and3A = arith.andi %ne3A_375, %ne3A_370 : i1
      %add3A_376 = arith.addi %rem3A, %select_n3A : i32
      %select_n3A_377 = arith.select %and3A, %add3A_376, %rem3A : i32
      %dma_wait3A = tpu.memref_slice %arg7[%select_n3A_377] : memref<64x!tpu.dma_semaphore, #tpu.memory_space<semaphore_mem>> -> memref<1x!tpu.dma_semaphore, #tpu.memory_space<semaphore_mem>>
      %dma_wait3A_378 = tpu.memref_squeeze %dma_wait3A : memref<1x!tpu.dma_semaphore, #tpu.memory_space<semaphore_mem>> -> memref<!tpu.dma_semaphore, #tpu.memory_space<semaphore_mem>>
      %dma_wait3A_379 = arith.constant 0 : i32
      %dma_wait3A_380 = arith.constant 0 : i32
      %dma_wait3A_381 = arith.constant 0 : i32
      %dma_wait3A_382 = tpu.memref_slice %arg6[%select_n3A_377, %dma_wait3A_379, %dma_wait3A_380, %dma_wait3A_381] : memref<64x2x40x512xf32, #tpu.memory_space<vmem>> -> memref<1x2x40x512xf32, #tpu.memory_space<vmem>>
      %dma_wait3A_383 = tpu.memref_squeeze %dma_wait3A_382 : memref<1x2x40x512xf32, #tpu.memory_space<vmem>> -> memref<2x40x512xf32, #tpu.memory_space<vmem>>
      %dma_wait3A_384 = arith.constant 0 : i32
      %dma_wait3A_385 = arith.constant 0 : i32
      %dma_wait3A_386 = arith.constant 0 : i32
      %dma_wait3A_387 = tpu.memref_slice %arg2[%get3A_95, %dma_wait3A_384, %dma_wait3A_385, %dma_wait3A_386] : memref<512x2x40x512xf32, #tpu.memory_space<hbm>> -> memref<1x2x40x512xf32, #tpu.memory_space<hbm>>
      %dma_wait3A_388 = tpu.memref_squeeze %dma_wait3A_387 : memref<1x2x40x512xf32, #tpu.memory_space<hbm>> -> memref<2x40x512xf32, #tpu.memory_space<hbm>>
      tpu.wait_dma2 semaphore(%dma_wait3A_378 : memref<!tpu.dma_semaphore, #tpu.memory_space<semaphore_mem>>) src(%dma_wait3A_388 : memref<2x40x512xf32, #tpu.memory_space<hbm>>) dst(%dma_wait3A_383 : memref<2x40x512xf32, #tpu.memory_space<vmem>>)
      %get3A_389 = arith.index_cast %select_n3A_377 : i32 to index
      %get3A_390 = arith.constant 0 : index
      %get3A_391 = arith.constant 0 : index
      %get3A_392 = arith.constant 0 : index
      %get3A_393 = vector.load %arg6[%get3A_389, %get3A_390, %get3A_391, %get3A_392] : memref<64x2x40x512xf32, #tpu.memory_space<vmem>>, vector<1x2x40x512xf32>
      %swap3A_394 = arith.constant 7 : index
      %swap3A_395 = arith.constant 0 : index
      %swap3A_396 = arith.constant 0 : index
      %swap3A_397 = arith.constant 0 : index
      %swap3A_398 = vector.load %arg4[%swap3A_394, %swap3A_395, %swap3A_396, %swap3A_397] : memref<32x2x40x512xf32, #tpu.memory_space<vmem>>, vector<1x2x40x512xf32>
      tpu.vector_store %arg4[%swap3A_394, %swap3A_395, %swap3A_396, %swap3A_397], %get3A_393 {strides = array<i32>} : memref<32x2x40x512xf32, #tpu.memory_space<vmem>>, vector<1x2x40x512xf32>,
      %add3A_399 = arith.constant 1 : i32
      %add3A_400 = arith.addi %get3A_366, %add3A_399 : i32
      %swap3A_401 = arith.constant 1 : index
      %swap3A_402 = memref.load %arg5[%swap3A_401] : memref<2xi32, #tpu.memory_space<smem>>
      memref.store %add3A_400, %arg5[%swap3A_401] : memref<2xi32, #tpu.memory_space<smem>>
    } else {
    }
    %mul3A_101 = arith.constant 32 : i32
    %mul3A_102 = arith.muli %arg0, %mul3A_101 : i32
    %add3A_103 = arith.constant 8 : i32
    %add3A_104 = arith.addi %mul3A_102, %add3A_103 : i32
    %get3A_105 = arith.index_cast %add3A_104 : i32 to index
    %get3A_106 = memref.load %arg1[%get3A_105] : memref<1024xi32, #tpu.memory_space<smem>>
    %ge3A_107 = arith.constant 0 : i32
    %ge3A_108 = arith.cmpi sge, %get3A_106, %ge3A_107 : i32
    %convert_element_type3A_109 = arith.extui %ge3A_108 : i1 to i32
    %cond3A_110 = arith.constant 0 : i32
    %cond3A_111 = arith.cmpi ne, %convert_element_type3A_109, %cond3A_110 : i32
    scf.if %cond3A_111 {
      %get3A_365 = arith.constant 1 : index
      %get3A_366 = memref.load %arg5[%get3A_365] : memref<2xi32, #tpu.memory_space<smem>>
      %jit3A = arith.constant 64 : i32
      %eq3A_367 = arith.constant 0 : i32
      %eq3A_368 = arith.cmpi eq, %jit3A, %eq3A_367 : i32
      %jit3A_369 = arith.constant 1 : i32
      %select_n3A = arith.select %eq3A_368, %jit3A_369, %jit3A : i32
      %rem3A = arith.remsi %get3A_366, %select_n3A : i32
      %ne3A = arith.constant 0 : i32
      %ne3A_370 = arith.cmpi ne, %rem3A, %ne3A : i32
      %lt3A_371 = arith.constant 0 : i32
      %lt3A_372 = arith.cmpi slt, %rem3A, %lt3A_371 : i32
      %lt3A_373 = arith.constant 0 : i32
      %lt3A_374 = arith.cmpi slt, %select_n3A, %lt3A_373 : i32
      %ne3A_375 = arith.xori %lt3A_372, %lt3A_374 : i1
      %and3A = arith.andi %ne3A_375, %ne3A_370 : i1
      %add3A_376 = arith.addi %rem3A, %select_n3A : i32
      %select_n3A_377 = arith.select %and3A, %add3A_376, %rem3A : i32
      %dma_wait3A = tpu.memref_slice %arg7[%select_n3A_377] : memref<64x!tpu.dma_semaphore, #tpu.memory_space<semaphore_mem>> -> memref<1x!tpu.dma_semaphore, #tpu.memory_space<semaphore_mem>>
      %dma_wait3A_378 = tpu.memref_squeeze %dma_wait3A : memref<1x!tpu.dma_semaphore, #tpu.memory_space<semaphore_mem>> -> memref<!tpu.dma_semaphore, #tpu.memory_space<semaphore_mem>>
      %dma_wait3A_379 = arith.constant 0 : i32
      %dma_wait3A_380 = arith.constant 0 : i32
      %dma_wait3A_381 = arith.constant 0 : i32
      %dma_wait3A_382 = tpu.memref_slice %arg6[%select_n3A_377, %dma_wait3A_379, %dma_wait3A_380, %dma_wait3A_381] : memref<64x2x40x512xf32, #tpu.memory_space<vmem>> -> memref<1x2x40x512xf32, #tpu.memory_space<vmem>>
      %dma_wait3A_383 = tpu.memref_squeeze %dma_wait3A_382 : memref<1x2x40x512xf32, #tpu.memory_space<vmem>> -> memref<2x40x512xf32, #tpu.memory_space<vmem>>
      %dma_wait3A_384 = arith.constant 0 : i32
      %dma_wait3A_385 = arith.constant 0 : i32
      %dma_wait3A_386 = arith.constant 0 : i32
      %dma_wait3A_387 = tpu.memref_slice %arg2[%get3A_106, %dma_wait3A_384, %dma_wait3A_385, %dma_wait3A_386] : memref<512x2x40x512xf32, #tpu.memory_space<hbm>> -> memref<1x2x40x512xf32, #tpu.memory_space<hbm>>
      %dma_wait3A_388 = tpu.memref_squeeze %dma_wait3A_387 : memref<1x2x40x512xf32, #tpu.memory_space<hbm>> -> memref<2x40x512xf32, #tpu.memory_space<hbm>>
      tpu.wait_dma2 semaphore(%dma_wait3A_378 : memref<!tpu.dma_semaphore, #tpu.memory_space<semaphore_mem>>) src(%dma_wait3A_388 : memref<2x40x512xf32, #tpu.memory_space<hbm>>) dst(%dma_wait3A_383 : memref<2x40x512xf32, #tpu.memory_space<vmem>>)
      %get3A_389 = arith.index_cast %select_n3A_377 : i32 to index
      %get3A_390 = arith.constant 0 : index
      %get3A_391 = arith.constant 0 : index
      %get3A_392 = arith.constant 0 : index
      %get3A_393 = vector.load %arg6[%get3A_389, %get3A_390, %get3A_391, %get3A_392] : memref<64x2x40x512xf32, #tpu.memory_space<vmem>>, vector<1x2x40x512xf32>
      %swap3A_394 = arith.constant 8 : index
      %swap3A_395 = arith.constant 0 : index
      %swap3A_396 = arith.constant 0 : index
      %swap3A_397 = arith.constant 0 : index
      %swap3A_398 = vector.load %arg4[%swap3A_394, %swap3A_395, %swap3A_396, %swap3A_397] : memref<32x2x40x512xf32, #tpu.memory_space<vmem>>, vector<1x2x40x512xf32>
      tpu.vector_store %arg4[%swap3A_394, %swap3A_395, %swap3A_396, %swap3A_397], %get3A_393 {strides = array<i32>} : memref<32x2x40x512xf32, #tpu.memory_space<vmem>>, vector<1x2x40x512xf32>,
      %add3A_399 = arith.constant 1 : i32
      %add3A_400 = arith.addi %get3A_366, %add3A_399 : i32
      %swap3A_401 = arith.constant 1 : index
      %swap3A_402 = memref.load %arg5[%swap3A_401] : memref<2xi32, #tpu.memory_space<smem>>
      memref.store %add3A_400, %arg5[%swap3A_401] : memref<2xi32, #tpu.memory_space<smem>>
    } else {
    }
    %mul3A_112 = arith.constant 32 : i32
    %mul3A_113 = arith.muli %arg0, %mul3A_112 : i32
    %add3A_114 = arith.constant 9 : i32
    %add3A_115 = arith.addi %mul3A_113, %add3A_114 : i32
    %get3A_116 = arith.index_cast %add3A_115 : i32 to index
    %get3A_117 = memref.load %arg1[%get3A_116] : memref<1024xi32, #tpu.memory_space<smem>>
    %ge3A_118 = arith.constant 0 : i32
    %ge3A_119 = arith.cmpi sge, %get3A_117, %ge3A_118 : i32
    %convert_element_type3A_120 = arith.extui %ge3A_119 : i1 to i32
    %cond3A_121 = arith.constant 0 : i32
    %cond3A_122 = arith.cmpi ne, %convert_element_type3A_120, %cond3A_121 : i32
    scf.if %cond3A_122 {
      %get3A_365 = arith.constant 1 : index
      %get3A_366 = memref.load %arg5[%get3A_365] : memref<2xi32, #tpu.memory_space<smem>>
      %jit3A = arith.constant 64 : i32
      %eq3A_367 = arith.constant 0 : i32
      %eq3A_368 = arith.cmpi eq, %jit3A, %eq3A_367 : i32
      %jit3A_369 = arith.constant 1 : i32
      %select_n3A = arith.select %eq3A_368, %jit3A_369, %jit3A : i32
      %rem3A = arith.remsi %get3A_366, %select_n3A : i32
      %ne3A = arith.constant 0 : i32
      %ne3A_370 = arith.cmpi ne, %rem3A, %ne3A : i32
      %lt3A_371 = arith.constant 0 : i32
      %lt3A_372 = arith.cmpi slt, %rem3A, %lt3A_371 : i32
      %lt3A_373 = arith.constant 0 : i32
      %lt3A_374 = arith.cmpi slt, %select_n3A, %lt3A_373 : i32
      %ne3A_375 = arith.xori %lt3A_372, %lt3A_374 : i1
      %and3A = arith.andi %ne3A_375, %ne3A_370 : i1
      %add3A_376 = arith.addi %rem3A, %select_n3A : i32
      %select_n3A_377 = arith.select %and3A, %add3A_376, %rem3A : i32
      %dma_wait3A = tpu.memref_slice %arg7[%select_n3A_377] : memref<64x!tpu.dma_semaphore, #tpu.memory_space<semaphore_mem>> -> memref<1x!tpu.dma_semaphore, #tpu.memory_space<semaphore_mem>>
      %dma_wait3A_378 = tpu.memref_squeeze %dma_wait3A : memref<1x!tpu.dma_semaphore, #tpu.memory_space<semaphore_mem>> -> memref<!tpu.dma_semaphore, #tpu.memory_space<semaphore_mem>>
      %dma_wait3A_379 = arith.constant 0 : i32
      %dma_wait3A_380 = arith.constant 0 : i32
      %dma_wait3A_381 = arith.constant 0 : i32
      %dma_wait3A_382 = tpu.memref_slice %arg6[%select_n3A_377, %dma_wait3A_379, %dma_wait3A_380, %dma_wait3A_381] : memref<64x2x40x512xf32, #tpu.memory_space<vmem>> -> memref<1x2x40x512xf32, #tpu.memory_space<vmem>>
      %dma_wait3A_383 = tpu.memref_squeeze %dma_wait3A_382 : memref<1x2x40x512xf32, #tpu.memory_space<vmem>> -> memref<2x40x512xf32, #tpu.memory_space<vmem>>
      %dma_wait3A_384 = arith.constant 0 : i32
      %dma_wait3A_385 = arith.constant 0 : i32
      %dma_wait3A_386 = arith.constant 0 : i32
      %dma_wait3A_387 = tpu.memref_slice %arg2[%get3A_117, %dma_wait3A_384, %dma_wait3A_385, %dma_wait3A_386] : memref<512x2x40x512xf32, #tpu.memory_space<hbm>> -> memref<1x2x40x512xf32, #tpu.memory_space<hbm>>
      %dma_wait3A_388 = tpu.memref_squeeze %dma_wait3A_387 : memref<1x2x40x512xf32, #tpu.memory_space<hbm>> -> memref<2x40x512xf32, #tpu.memory_space<hbm>>
      tpu.wait_dma2 semaphore(%dma_wait3A_378 : memref<!tpu.dma_semaphore, #tpu.memory_space<semaphore_mem>>) src(%dma_wait3A_388 : memref<2x40x512xf32, #tpu.memory_space<hbm>>) dst(%dma_wait3A_383 : memref<2x40x512xf32, #tpu.memory_space<vmem>>)
      %get3A_389 = arith.index_cast %select_n3A_377 : i32 to index
      %get3A_390 = arith.constant 0 : index
      %get3A_391 = arith.constant 0 : index
      %get3A_392 = arith.constant 0 : index
      %get3A_393 = vector.load %arg6[%get3A_389, %get3A_390, %get3A_391, %get3A_392] : memref<64x2x40x512xf32, #tpu.memory_space<vmem>>, vector<1x2x40x512xf32>
      %swap3A_394 = arith.constant 9 : index
      %swap3A_395 = arith.constant 0 : index
      %swap3A_396 = arith.constant 0 : index
      %swap3A_397 = arith.constant 0 : index
      %swap3A_398 = vector.load %arg4[%swap3A_394, %swap3A_395, %swap3A_396, %swap3A_397] : memref<32x2x40x512xf32, #tpu.memory_space<vmem>>, vector<1x2x40x512xf32>
      tpu.vector_store %arg4[%swap3A_394, %swap3A_395, %swap3A_396, %swap3A_397], %get3A_393 {strides = array<i32>} : memref<32x2x40x512xf32, #tpu.memory_space<vmem>>, vector<1x2x40x512xf32>,
      %add3A_399 = arith.constant 1 : i32
      %add3A_400 = arith.addi %get3A_366, %add3A_399 : i32
      %swap3A_401 = arith.constant 1 : index
      %swap3A_402 = memref.load %arg5[%swap3A_401] : memref<2xi32, #tpu.memory_space<smem>>
      memref.store %add3A_400, %arg5[%swap3A_401] : memref<2xi32, #tpu.memory_space<smem>>
    } else {
    }
    %mul3A_123 = arith.constant 32 : i32
    %mul3A_124 = arith.muli %arg0, %mul3A_123 : i32
    %add3A_125 = arith.constant 10 : i32
    %add3A_126 = arith.addi %mul3A_124, %add3A_125 : i32
    %get3A_127 = arith.index_cast %add3A_126 : i32 to index
    %get3A_128 = memref.load %arg1[%get3A_127] : memref<1024xi32, #tpu.memory_space<smem>>
    %ge3A_129 = arith.constant 0 : i32
    %ge3A_130 = arith.cmpi sge, %get3A_128, %ge3A_129 : i32
    %convert_element_type3A_131 = arith.extui %ge3A_130 : i1 to i32
    %cond3A_132 = arith.constant 0 : i32
    %cond3A_133 = arith.cmpi ne, %convert_element_type3A_131, %cond3A_132 : i32
    scf.if %cond3A_133 {
      %get3A_365 = arith.constant 1 : index
      %get3A_366 = memref.load %arg5[%get3A_365] : memref<2xi32, #tpu.memory_space<smem>>
      %jit3A = arith.constant 64 : i32
      %eq3A_367 = arith.constant 0 : i32
      %eq3A_368 = arith.cmpi eq, %jit3A, %eq3A_367 : i32
      %jit3A_369 = arith.constant 1 : i32
      %select_n3A = arith.select %eq3A_368, %jit3A_369, %jit3A : i32
      %rem3A = arith.remsi %get3A_366, %select_n3A : i32
      %ne3A = arith.constant 0 : i32
      %ne3A_370 = arith.cmpi ne, %rem3A, %ne3A : i32
      %lt3A_371 = arith.constant 0 : i32
      %lt3A_372 = arith.cmpi slt, %rem3A, %lt3A_371 : i32
      %lt3A_373 = arith.constant 0 : i32
      %lt3A_374 = arith.cmpi slt, %select_n3A, %lt3A_373 : i32
      %ne3A_375 = arith.xori %lt3A_372, %lt3A_374 : i1
      %and3A = arith.andi %ne3A_375, %ne3A_370 : i1
      %add3A_376 = arith.addi %rem3A, %select_n3A : i32
      %select_n3A_377 = arith.select %and3A, %add3A_376, %rem3A : i32
      %dma_wait3A = tpu.memref_slice %arg7[%select_n3A_377] : memref<64x!tpu.dma_semaphore, #tpu.memory_space<semaphore_mem>> -> memref<1x!tpu.dma_semaphore, #tpu.memory_space<semaphore_mem>>
      %dma_wait3A_378 = tpu.memref_squeeze %dma_wait3A : memref<1x!tpu.dma_semaphore, #tpu.memory_space<semaphore_mem>> -> memref<!tpu.dma_semaphore, #tpu.memory_space<semaphore_mem>>
      %dma_wait3A_379 = arith.constant 0 : i32
      %dma_wait3A_380 = arith.constant 0 : i32
      %dma_wait3A_381 = arith.constant 0 : i32
      %dma_wait3A_382 = tpu.memref_slice %arg6[%select_n3A_377, %dma_wait3A_379, %dma_wait3A_380, %dma_wait3A_381] : memref<64x2x40x512xf32, #tpu.memory_space<vmem>> -> memref<1x2x40x512xf32, #tpu.memory_space<vmem>>
      %dma_wait3A_383 = tpu.memref_squeeze %dma_wait3A_382 : memref<1x2x40x512xf32, #tpu.memory_space<vmem>> -> memref<2x40x512xf32, #tpu.memory_space<vmem>>
      %dma_wait3A_384 = arith.constant 0 : i32
      %dma_wait3A_385 = arith.constant 0 : i32
      %dma_wait3A_386 = arith.constant 0 : i32
      %dma_wait3A_387 = tpu.memref_slice %arg2[%get3A_128, %dma_wait3A_384, %dma_wait3A_385, %dma_wait3A_386] : memref<512x2x40x512xf32, #tpu.memory_space<hbm>> -> memref<1x2x40x512xf32, #tpu.memory_space<hbm>>
      %dma_wait3A_388 = tpu.memref_squeeze %dma_wait3A_387 : memref<1x2x40x512xf32, #tpu.memory_space<hbm>> -> memref<2x40x512xf32, #tpu.memory_space<hbm>>
      tpu.wait_dma2 semaphore(%dma_wait3A_378 : memref<!tpu.dma_semaphore, #tpu.memory_space<semaphore_mem>>) src(%dma_wait3A_388 : memref<2x40x512xf32, #tpu.memory_space<hbm>>) dst(%dma_wait3A_383 : memref<2x40x512xf32, #tpu.memory_space<vmem>>)
      %get3A_389 = arith.index_cast %select_n3A_377 : i32 to index
      %get3A_390 = arith.constant 0 : index
      %get3A_391 = arith.constant 0 : index
      %get3A_392 = arith.constant 0 : index
      %get3A_393 = vector.load %arg6[%get3A_389, %get3A_390, %get3A_391, %get3A_392] : memref<64x2x40x512xf32, #tpu.memory_space<vmem>>, vector<1x2x40x512xf32>
      %swap3A_394 = arith.constant 10 : index
      %swap3A_395 = arith.constant 0 : index
      %swap3A_396 = arith.constant 0 : index
      %swap3A_397 = arith.constant 0 : index
      %swap3A_398 = vector.load %arg4[%swap3A_394, %swap3A_395, %swap3A_396, %swap3A_397] : memref<32x2x40x512xf32, #tpu.memory_space<vmem>>, vector<1x2x40x512xf32>
      tpu.vector_store %arg4[%swap3A_394, %swap3A_395, %swap3A_396, %swap3A_397], %get3A_393 {strides = array<i32>} : memref<32x2x40x512xf32, #tpu.memory_space<vmem>>, vector<1x2x40x512xf32>,
      %add3A_399 = arith.constant 1 : i32
      %add3A_400 = arith.addi %get3A_366, %add3A_399 : i32
      %swap3A_401 = arith.constant 1 : index
      %swap3A_402 = memref.load %arg5[%swap3A_401] : memref<2xi32, #tpu.memory_space<smem>>
      memref.store %add3A_400, %arg5[%swap3A_401] : memref<2xi32, #tpu.memory_space<smem>>
    } else {
    }
    %mul3A_134 = arith.constant 32 : i32
    %mul3A_135 = arith.muli %arg0, %mul3A_134 : i32
    %add3A_136 = arith.constant 11 : i32
    %add3A_137 = arith.addi %mul3A_135, %add3A_136 : i32
    %get3A_138 = arith.index_cast %add3A_137 : i32 to index
    %get3A_139 = memref.load %arg1[%get3A_138] : memref<1024xi32, #tpu.memory_space<smem>>
    %ge3A_140 = arith.constant 0 : i32
    %ge3A_141 = arith.cmpi sge, %get3A_139, %ge3A_140 : i32
    %convert_element_type3A_142 = arith.extui %ge3A_141 : i1 to i32
    %cond3A_143 = arith.constant 0 : i32
    %cond3A_144 = arith.cmpi ne, %convert_element_type3A_142, %cond3A_143 : i32
    scf.if %cond3A_144 {
      %get3A_365 = arith.constant 1 : index
      %get3A_366 = memref.load %arg5[%get3A_365] : memref<2xi32, #tpu.memory_space<smem>>
      %jit3A = arith.constant 64 : i32
      %eq3A_367 = arith.constant 0 : i32
      %eq3A_368 = arith.cmpi eq, %jit3A, %eq3A_367 : i32
      %jit3A_369 = arith.constant 1 : i32
      %select_n3A = arith.select %eq3A_368, %jit3A_369, %jit3A : i32
      %rem3A = arith.remsi %get3A_366, %select_n3A : i32
      %ne3A = arith.constant 0 : i32
      %ne3A_370 = arith.cmpi ne, %rem3A, %ne3A : i32
      %lt3A_371 = arith.constant 0 : i32
      %lt3A_372 = arith.cmpi slt, %rem3A, %lt3A_371 : i32
      %lt3A_373 = arith.constant 0 : i32
      %lt3A_374 = arith.cmpi slt, %select_n3A, %lt3A_373 : i32
      %ne3A_375 = arith.xori %lt3A_372, %lt3A_374 : i1
      %and3A = arith.andi %ne3A_375, %ne3A_370 : i1
      %add3A_376 = arith.addi %rem3A, %select_n3A : i32
      %select_n3A_377 = arith.select %and3A, %add3A_376, %rem3A : i32
      %dma_wait3A = tpu.memref_slice %arg7[%select_n3A_377] : memref<64x!tpu.dma_semaphore, #tpu.memory_space<semaphore_mem>> -> memref<1x!tpu.dma_semaphore, #tpu.memory_space<semaphore_mem>>
      %dma_wait3A_378 = tpu.memref_squeeze %dma_wait3A : memref<1x!tpu.dma_semaphore, #tpu.memory_space<semaphore_mem>> -> memref<!tpu.dma_semaphore, #tpu.memory_space<semaphore_mem>>
      %dma_wait3A_379 = arith.constant 0 : i32
      %dma_wait3A_380 = arith.constant 0 : i32
      %dma_wait3A_381 = arith.constant 0 : i32
      %dma_wait3A_382 = tpu.memref_slice %arg6[%select_n3A_377, %dma_wait3A_379, %dma_wait3A_380, %dma_wait3A_381] : memref<64x2x40x512xf32, #tpu.memory_space<vmem>> -> memref<1x2x40x512xf32, #tpu.memory_space<vmem>>
      %dma_wait3A_383 = tpu.memref_squeeze %dma_wait3A_382 : memref<1x2x40x512xf32, #tpu.memory_space<vmem>> -> memref<2x40x512xf32, #tpu.memory_space<vmem>>
      %dma_wait3A_384 = arith.constant 0 : i32
      %dma_wait3A_385 = arith.constant 0 : i32
      %dma_wait3A_386 = arith.constant 0 : i32
      %dma_wait3A_387 = tpu.memref_slice %arg2[%get3A_139, %dma_wait3A_384, %dma_wait3A_385, %dma_wait3A_386] : memref<512x2x40x512xf32, #tpu.memory_space<hbm>> -> memref<1x2x40x512xf32, #tpu.memory_space<hbm>>
      %dma_wait3A_388 = tpu.memref_squeeze %dma_wait3A_387 : memref<1x2x40x512xf32, #tpu.memory_space<hbm>> -> memref<2x40x512xf32, #tpu.memory_space<hbm>>
      tpu.wait_dma2 semaphore(%dma_wait3A_378 : memref<!tpu.dma_semaphore, #tpu.memory_space<semaphore_mem>>) src(%dma_wait3A_388 : memref<2x40x512xf32, #tpu.memory_space<hbm>>) dst(%dma_wait3A_383 : memref<2x40x512xf32, #tpu.memory_space<vmem>>)
      %get3A_389 = arith.index_cast %select_n3A_377 : i32 to index
      %get3A_390 = arith.constant 0 : index
      %get3A_391 = arith.constant 0 : index
      %get3A_392 = arith.constant 0 : index
      %get3A_393 = vector.load %arg6[%get3A_389, %get3A_390, %get3A_391, %get3A_392] : memref<64x2x40x512xf32, #tpu.memory_space<vmem>>, vector<1x2x40x512xf32>
      %swap3A_394 = arith.constant 11 : index
      %swap3A_395 = arith.constant 0 : index
      %swap3A_396 = arith.constant 0 : index
      %swap3A_397 = arith.constant 0 : index
      %swap3A_398 = vector.load %arg4[%swap3A_394, %swap3A_395, %swap3A_396, %swap3A_397] : memref<32x2x40x512xf32, #tpu.memory_space<vmem>>, vector<1x2x40x512xf32>
      tpu.vector_store %arg4[%swap3A_394, %swap3A_395, %swap3A_396, %swap3A_397], %get3A_393 {strides = array<i32>} : memref<32x2x40x512xf32, #tpu.memory_space<vmem>>, vector<1x2x40x512xf32>,
      %add3A_399 = arith.constant 1 : i32
      %add3A_400 = arith.addi %get3A_366, %add3A_399 : i32
      %swap3A_401 = arith.constant 1 : index
      %swap3A_402 = memref.load %arg5[%swap3A_401] : memref<2xi32, #tpu.memory_space<smem>>
      memref.store %add3A_400, %arg5[%swap3A_401] : memref<2xi32, #tpu.memory_space<smem>>
    } else {
    }
    %mul3A_145 = arith.constant 32 : i32
    %mul3A_146 = arith.muli %arg0, %mul3A_145 : i32
    %add3A_147 = arith.constant 12 : i32
    %add3A_148 = arith.addi %mul3A_146, %add3A_147 : i32
    %get3A_149 = arith.index_cast %add3A_148 : i32 to index
    %get3A_150 = memref.load %arg1[%get3A_149] : memref<1024xi32, #tpu.memory_space<smem>>
    %ge3A_151 = arith.constant 0 : i32
    %ge3A_152 = arith.cmpi sge, %get3A_150, %ge3A_151 : i32
    %convert_element_type3A_153 = arith.extui %ge3A_152 : i1 to i32
    %cond3A_154 = arith.constant 0 : i32
    %cond3A_155 = arith.cmpi ne, %convert_element_type3A_153, %cond3A_154 : i32
    scf.if %cond3A_155 {
      %get3A_365 = arith.constant 1 : index
      %get3A_366 = memref.load %arg5[%get3A_365] : memref<2xi32, #tpu.memory_space<smem>>
      %jit3A = arith.constant 64 : i32
      %eq3A_367 = arith.constant 0 : i32
      %eq3A_368 = arith.cmpi eq, %jit3A, %eq3A_367 : i32
      %jit3A_369 = arith.constant 1 : i32
      %select_n3A = arith.select %eq3A_368, %jit3A_369, %jit3A : i32
      %rem3A = arith.remsi %get3A_366, %select_n3A : i32
      %ne3A = arith.constant 0 : i32
      %ne3A_370 = arith.cmpi ne, %rem3A, %ne3A : i32
      %lt3A_371 = arith.constant 0 : i32
      %lt3A_372 = arith.cmpi slt, %rem3A, %lt3A_371 : i32
      %lt3A_373 = arith.constant 0 : i32
      %lt3A_374 = arith.cmpi slt, %select_n3A, %lt3A_373 : i32
      %ne3A_375 = arith.xori %lt3A_372, %lt3A_374 : i1
      %and3A = arith.andi %ne3A_375, %ne3A_370 : i1
      %add3A_376 = arith.addi %rem3A, %select_n3A : i32
      %select_n3A_377 = arith.select %and3A, %add3A_376, %rem3A : i32
      %dma_wait3A = tpu.memref_slice %arg7[%select_n3A_377] : memref<64x!tpu.dma_semaphore, #tpu.memory_space<semaphore_mem>> -> memref<1x!tpu.dma_semaphore, #tpu.memory_space<semaphore_mem>>
      %dma_wait3A_378 = tpu.memref_squeeze %dma_wait3A : memref<1x!tpu.dma_semaphore, #tpu.memory_space<semaphore_mem>> -> memref<!tpu.dma_semaphore, #tpu.memory_space<semaphore_mem>>
      %dma_wait3A_379 = arith.constant 0 : i32
      %dma_wait3A_380 = arith.constant 0 : i32
      %dma_wait3A_381 = arith.constant 0 : i32
      %dma_wait3A_382 = tpu.memref_slice %arg6[%select_n3A_377, %dma_wait3A_379, %dma_wait3A_380, %dma_wait3A_381] : memref<64x2x40x512xf32, #tpu.memory_space<vmem>> -> memref<1x2x40x512xf32, #tpu.memory_space<vmem>>
      %dma_wait3A_383 = tpu.memref_squeeze %dma_wait3A_382 : memref<1x2x40x512xf32, #tpu.memory_space<vmem>> -> memref<2x40x512xf32, #tpu.memory_space<vmem>>
      %dma_wait3A_384 = arith.constant 0 : i32
      %dma_wait3A_385 = arith.constant 0 : i32
      %dma_wait3A_386 = arith.constant 0 : i32
      %dma_wait3A_387 = tpu.memref_slice %arg2[%get3A_150, %dma_wait3A_384, %dma_wait3A_385, %dma_wait3A_386] : memref<512x2x40x512xf32, #tpu.memory_space<hbm>> -> memref<1x2x40x512xf32, #tpu.memory_space<hbm>>
      %dma_wait3A_388 = tpu.memref_squeeze %dma_wait3A_387 : memref<1x2x40x512xf32, #tpu.memory_space<hbm>> -> memref<2x40x512xf32, #tpu.memory_space<hbm>>
      tpu.wait_dma2 semaphore(%dma_wait3A_378 : memref<!tpu.dma_semaphore, #tpu.memory_space<semaphore_mem>>) src(%dma_wait3A_388 : memref<2x40x512xf32, #tpu.memory_space<hbm>>) dst(%dma_wait3A_383 : memref<2x40x512xf32, #tpu.memory_space<vmem>>)
      %get3A_389 = arith.index_cast %select_n3A_377 : i32 to index
      %get3A_390 = arith.constant 0 : index
      %get3A_391 = arith.constant 0 : index
      %get3A_392 = arith.constant 0 : index
      %get3A_393 = vector.load %arg6[%get3A_389, %get3A_390, %get3A_391, %get3A_392] : memref<64x2x40x512xf32, #tpu.memory_space<vmem>>, vector<1x2x40x512xf32>
      %swap3A_394 = arith.constant 12 : index
      %swap3A_395 = arith.constant 0 : index
      %swap3A_396 = arith.constant 0 : index
      %swap3A_397 = arith.constant 0 : index
      %swap3A_398 = vector.load %arg4[%swap3A_394, %swap3A_395, %swap3A_396, %swap3A_397] : memref<32x2x40x512xf32, #tpu.memory_space<vmem>>, vector<1x2x40x512xf32>
      tpu.vector_store %arg4[%swap3A_394, %swap3A_395, %swap3A_396, %swap3A_397], %get3A_393 {strides = array<i32>} : memref<32x2x40x512xf32, #tpu.memory_space<vmem>>, vector<1x2x40x512xf32>,
      %add3A_399 = arith.constant 1 : i32
      %add3A_400 = arith.addi %get3A_366, %add3A_399 : i32
      %swap3A_401 = arith.constant 1 : index
      %swap3A_402 = memref.load %arg5[%swap3A_401] : memref<2xi32, #tpu.memory_space<smem>>
      memref.store %add3A_400, %arg5[%swap3A_401] : memref<2xi32, #tpu.memory_space<smem>>
    } else {
    }
    %mul3A_156 = arith.constant 32 : i32
    %mul3A_157 = arith.muli %arg0, %mul3A_156 : i32
    %add3A_158 = arith.constant 13 : i32
    %add3A_159 = arith.addi %mul3A_157, %add3A_158 : i32
    %get3A_160 = arith.index_cast %add3A_159 : i32 to index
    %get3A_161 = memref.load %arg1[%get3A_160] : memref<1024xi32, #tpu.memory_space<smem>>
    %ge3A_162 = arith.constant 0 : i32
    %ge3A_163 = arith.cmpi sge, %get3A_161, %ge3A_162 : i32
    %convert_element_type3A_164 = arith.extui %ge3A_163 : i1 to i32
    %cond3A_165 = arith.constant 0 : i32
    %cond3A_166 = arith.cmpi ne, %convert_element_type3A_164, %cond3A_165 : i32
    scf.if %cond3A_166 {
      %get3A_365 = arith.constant 1 : index
      %get3A_366 = memref.load %arg5[%get3A_365] : memref<2xi32, #tpu.memory_space<smem>>
      %jit3A = arith.constant 64 : i32
      %eq3A_367 = arith.constant 0 : i32
      %eq3A_368 = arith.cmpi eq, %jit3A, %eq3A_367 : i32
      %jit3A_369 = arith.constant 1 : i32
      %select_n3A = arith.select %eq3A_368, %jit3A_369, %jit3A : i32
      %rem3A = arith.remsi %get3A_366, %select_n3A : i32
      %ne3A = arith.constant 0 : i32
      %ne3A_370 = arith.cmpi ne, %rem3A, %ne3A : i32
      %lt3A_371 = arith.constant 0 : i32
      %lt3A_372 = arith.cmpi slt, %rem3A, %lt3A_371 : i32
      %lt3A_373 = arith.constant 0 : i32
      %lt3A_374 = arith.cmpi slt, %select_n3A, %lt3A_373 : i32
      %ne3A_375 = arith.xori %lt3A_372, %lt3A_374 : i1
      %and3A = arith.andi %ne3A_375, %ne3A_370 : i1
      %add3A_376 = arith.addi %rem3A, %select_n3A : i32
      %select_n3A_377 = arith.select %and3A, %add3A_376, %rem3A : i32
      %dma_wait3A = tpu.memref_slice %arg7[%select_n3A_377] : memref<64x!tpu.dma_semaphore, #tpu.memory_space<semaphore_mem>> -> memref<1x!tpu.dma_semaphore, #tpu.memory_space<semaphore_mem>>
      %dma_wait3A_378 = tpu.memref_squeeze %dma_wait3A : memref<1x!tpu.dma_semaphore, #tpu.memory_space<semaphore_mem>> -> memref<!tpu.dma_semaphore, #tpu.memory_space<semaphore_mem>>
      %dma_wait3A_379 = arith.constant 0 : i32
      %dma_wait3A_380 = arith.constant 0 : i32
      %dma_wait3A_381 = arith.constant 0 : i32
      %dma_wait3A_382 = tpu.memref_slice %arg6[%select_n3A_377, %dma_wait3A_379, %dma_wait3A_380, %dma_wait3A_381] : memref<64x2x40x512xf32, #tpu.memory_space<vmem>> -> memref<1x2x40x512xf32, #tpu.memory_space<vmem>>
      %dma_wait3A_383 = tpu.memref_squeeze %dma_wait3A_382 : memref<1x2x40x512xf32, #tpu.memory_space<vmem>> -> memref<2x40x512xf32, #tpu.memory_space<vmem>>
      %dma_wait3A_384 = arith.constant 0 : i32
      %dma_wait3A_385 = arith.constant 0 : i32
      %dma_wait3A_386 = arith.constant 0 : i32
      %dma_wait3A_387 = tpu.memref_slice %arg2[%get3A_161, %dma_wait3A_384, %dma_wait3A_385, %dma_wait3A_386] : memref<512x2x40x512xf32, #tpu.memory_space<hbm>> -> memref<1x2x40x512xf32, #tpu.memory_space<hbm>>
      %dma_wait3A_388 = tpu.memref_squeeze %dma_wait3A_387 : memref<1x2x40x512xf32, #tpu.memory_space<hbm>> -> memref<2x40x512xf32, #tpu.memory_space<hbm>>
      tpu.wait_dma2 semaphore(%dma_wait3A_378 : memref<!tpu.dma_semaphore, #tpu.memory_space<semaphore_mem>>) src(%dma_wait3A_388 : memref<2x40x512xf32, #tpu.memory_space<hbm>>) dst(%dma_wait3A_383 : memref<2x40x512xf32, #tpu.memory_space<vmem>>)
      %get3A_389 = arith.index_cast %select_n3A_377 : i32 to index
      %get3A_390 = arith.constant 0 : index
      %get3A_391 = arith.constant 0 : index
      %get3A_392 = arith.constant 0 : index
      %get3A_393 = vector.load %arg6[%get3A_389, %get3A_390, %get3A_391, %get3A_392] : memref<64x2x40x512xf32, #tpu.memory_space<vmem>>, vector<1x2x40x512xf32>
      %swap3A_394 = arith.constant 13 : index
      %swap3A_395 = arith.constant 0 : index
      %swap3A_396 = arith.constant 0 : index
      %swap3A_397 = arith.constant 0 : index
      %swap3A_398 = vector.load %arg4[%swap3A_394, %swap3A_395, %swap3A_396, %swap3A_397] : memref<32x2x40x512xf32, #tpu.memory_space<vmem>>, vector<1x2x40x512xf32>
      tpu.vector_store %arg4[%swap3A_394, %swap3A_395, %swap3A_396, %swap3A_397], %get3A_393 {strides = array<i32>} : memref<32x2x40x512xf32, #tpu.memory_space<vmem>>, vector<1x2x40x512xf32>,
      %add3A_399 = arith.constant 1 : i32
      %add3A_400 = arith.addi %get3A_366, %add3A_399 : i32
      %swap3A_401 = arith.constant 1 : index
      %swap3A_402 = memref.load %arg5[%swap3A_401] : memref<2xi32, #tpu.memory_space<smem>>
      memref.store %add3A_400, %arg5[%swap3A_401] : memref<2xi32, #tpu.memory_space<smem>>
    } else {
    }
    %mul3A_167 = arith.constant 32 : i32
    %mul3A_168 = arith.muli %arg0, %mul3A_167 : i32
    %add3A_169 = arith.constant 14 : i32
    %add3A_170 = arith.addi %mul3A_168, %add3A_169 : i32
    %get3A_171 = arith.index_cast %add3A_170 : i32 to index
    %get3A_172 = memref.load %arg1[%get3A_171] : memref<1024xi32, #tpu.memory_space<smem>>
    %ge3A_173 = arith.constant 0 : i32
    %ge3A_174 = arith.cmpi sge, %get3A_172, %ge3A_173 : i32
    %convert_element_type3A_175 = arith.extui %ge3A_174 : i1 to i32
    %cond3A_176 = arith.constant 0 : i32
    %cond3A_177 = arith.cmpi ne, %convert_element_type3A_175, %cond3A_176 : i32
    scf.if %cond3A_177 {
      %get3A_365 = arith.constant 1 : index
      %get3A_366 = memref.load %arg5[%get3A_365] : memref<2xi32, #tpu.memory_space<smem>>
      %jit3A = arith.constant 64 : i32
      %eq3A_367 = arith.constant 0 : i32
      %eq3A_368 = arith.cmpi eq, %jit3A, %eq3A_367 : i32
      %jit3A_369 = arith.constant 1 : i32
      %select_n3A = arith.select %eq3A_368, %jit3A_369, %jit3A : i32
      %rem3A = arith.remsi %get3A_366, %select_n3A : i32
      %ne3A = arith.constant 0 : i32
      %ne3A_370 = arith.cmpi ne, %rem3A, %ne3A : i32
      %lt3A_371 = arith.constant 0 : i32
      %lt3A_372 = arith.cmpi slt, %rem3A, %lt3A_371 : i32
      %lt3A_373 = arith.constant 0 : i32
      %lt3A_374 = arith.cmpi slt, %select_n3A, %lt3A_373 : i32
      %ne3A_375 = arith.xori %lt3A_372, %lt3A_374 : i1
      %and3A = arith.andi %ne3A_375, %ne3A_370 : i1
      %add3A_376 = arith.addi %rem3A, %select_n3A : i32
      %select_n3A_377 = arith.select %and3A, %add3A_376, %rem3A : i32
      %dma_wait3A = tpu.memref_slice %arg7[%select_n3A_377] : memref<64x!tpu.dma_semaphore, #tpu.memory_space<semaphore_mem>> -> memref<1x!tpu.dma_semaphore, #tpu.memory_space<semaphore_mem>>
      %dma_wait3A_378 = tpu.memref_squeeze %dma_wait3A : memref<1x!tpu.dma_semaphore, #tpu.memory_space<semaphore_mem>> -> memref<!tpu.dma_semaphore, #tpu.memory_space<semaphore_mem>>
      %dma_wait3A_379 = arith.constant 0 : i32
      %dma_wait3A_380 = arith.constant 0 : i32
      %dma_wait3A_381 = arith.constant 0 : i32
      %dma_wait3A_382 = tpu.memref_slice %arg6[%select_n3A_377, %dma_wait3A_379, %dma_wait3A_380, %dma_wait3A_381] : memref<64x2x40x512xf32, #tpu.memory_space<vmem>> -> memref<1x2x40x512xf32, #tpu.memory_space<vmem>>
      %dma_wait3A_383 = tpu.memref_squeeze %dma_wait3A_382 : memref<1x2x40x512xf32, #tpu.memory_space<vmem>> -> memref<2x40x512xf32, #tpu.memory_space<vmem>>
      %dma_wait3A_384 = arith.constant 0 : i32
      %dma_wait3A_385 = arith.constant 0 : i32
      %dma_wait3A_386 = arith.constant 0 : i32
      %dma_wait3A_387 = tpu.memref_slice %arg2[%get3A_172, %dma_wait3A_384, %dma_wait3A_385, %dma_wait3A_386] : memref<512x2x40x512xf32, #tpu.memory_space<hbm>> -> memref<1x2x40x512xf32, #tpu.memory_space<hbm>>
      %dma_wait3A_388 = tpu.memref_squeeze %dma_wait3A_387 : memref<1x2x40x512xf32, #tpu.memory_space<hbm>> -> memref<2x40x512xf32, #tpu.memory_space<hbm>>
      tpu.wait_dma2 semaphore(%dma_wait3A_378 : memref<!tpu.dma_semaphore, #tpu.memory_space<semaphore_mem>>) src(%dma_wait3A_388 : memref<2x40x512xf32, #tpu.memory_space<hbm>>) dst(%dma_wait3A_383 : memref<2x40x512xf32, #tpu.memory_space<vmem>>)
      %get3A_389 = arith.index_cast %select_n3A_377 : i32 to index
      %get3A_390 = arith.constant 0 : index
      %get3A_391 = arith.constant 0 : index
      %get3A_392 = arith.constant 0 : index
      %get3A_393 = vector.load %arg6[%get3A_389, %get3A_390, %get3A_391, %get3A_392] : memref<64x2x40x512xf32, #tpu.memory_space<vmem>>, vector<1x2x40x512xf32>
      %swap3A_394 = arith.constant 14 : index
      %swap3A_395 = arith.constant 0 : index
      %swap3A_396 = arith.constant 0 : index
      %swap3A_397 = arith.constant 0 : index
      %swap3A_398 = vector.load %arg4[%swap3A_394, %swap3A_395, %swap3A_396, %swap3A_397] : memref<32x2x40x512xf32, #tpu.memory_space<vmem>>, vector<1x2x40x512xf32>
      tpu.vector_store %arg4[%swap3A_394, %swap3A_395, %swap3A_396, %swap3A_397], %get3A_393 {strides = array<i32>} : memref<32x2x40x512xf32, #tpu.memory_space<vmem>>, vector<1x2x40x512xf32>,
      %add3A_399 = arith.constant 1 : i32
      %add3A_400 = arith.addi %get3A_366, %add3A_399 : i32
      %swap3A_401 = arith.constant 1 : index
      %swap3A_402 = memref.load %arg5[%swap3A_401] : memref<2xi32, #tpu.memory_space<smem>>
      memref.store %add3A_400, %arg5[%swap3A_401] : memref<2xi32, #tpu.memory_space<smem>>
    } else {
    }
    %mul3A_178 = arith.constant 32 : i32
    %mul3A_179 = arith.muli %arg0, %mul3A_178 : i32
    %add3A_180 = arith.constant 15 : i32
    %add3A_181 = arith.addi %mul3A_179, %add3A_180 : i32
    %get3A_182 = arith.index_cast %add3A_181 : i32 to index
    %get3A_183 = memref.load %arg1[%get3A_182] : memref<1024xi32, #tpu.memory_space<smem>>
    %ge3A_184 = arith.constant 0 : i32
    %ge3A_185 = arith.cmpi sge, %get3A_183, %ge3A_184 : i32
    %convert_element_type3A_186 = arith.extui %ge3A_185 : i1 to i32
    %cond3A_187 = arith.constant 0 : i32
    %cond3A_188 = arith.cmpi ne, %convert_element_type3A_186, %cond3A_187 : i32
    scf.if %cond3A_188 {
      %get3A_365 = arith.constant 1 : index
      %get3A_366 = memref.load %arg5[%get3A_365] : memref<2xi32, #tpu.memory_space<smem>>
      %jit3A = arith.constant 64 : i32
      %eq3A_367 = arith.constant 0 : i32
      %eq3A_368 = arith.cmpi eq, %jit3A, %eq3A_367 : i32
      %jit3A_369 = arith.constant 1 : i32
      %select_n3A = arith.select %eq3A_368, %jit3A_369, %jit3A : i32
      %rem3A = arith.remsi %get3A_366, %select_n3A : i32
      %ne3A = arith.constant 0 : i32
      %ne3A_370 = arith.cmpi ne, %rem3A, %ne3A : i32
      %lt3A_371 = arith.constant 0 : i32
      %lt3A_372 = arith.cmpi slt, %rem3A, %lt3A_371 : i32
      %lt3A_373 = arith.constant 0 : i32
      %lt3A_374 = arith.cmpi slt, %select_n3A, %lt3A_373 : i32
      %ne3A_375 = arith.xori %lt3A_372, %lt3A_374 : i1
      %and3A = arith.andi %ne3A_375, %ne3A_370 : i1
      %add3A_376 = arith.addi %rem3A, %select_n3A : i32
      %select_n3A_377 = arith.select %and3A, %add3A_376, %rem3A : i32
      %dma_wait3A = tpu.memref_slice %arg7[%select_n3A_377] : memref<64x!tpu.dma_semaphore, #tpu.memory_space<semaphore_mem>> -> memref<1x!tpu.dma_semaphore, #tpu.memory_space<semaphore_mem>>
      %dma_wait3A_378 = tpu.memref_squeeze %dma_wait3A : memref<1x!tpu.dma_semaphore, #tpu.memory_space<semaphore_mem>> -> memref<!tpu.dma_semaphore, #tpu.memory_space<semaphore_mem>>
      %dma_wait3A_379 = arith.constant 0 : i32
      %dma_wait3A_380 = arith.constant 0 : i32
      %dma_wait3A_381 = arith.constant 0 : i32
      %dma_wait3A_382 = tpu.memref_slice %arg6[%select_n3A_377, %dma_wait3A_379, %dma_wait3A_380, %dma_wait3A_381] : memref<64x2x40x512xf32, #tpu.memory_space<vmem>> -> memref<1x2x40x512xf32, #tpu.memory_space<vmem>>
      %dma_wait3A_383 = tpu.memref_squeeze %dma_wait3A_382 : memref<1x2x40x512xf32, #tpu.memory_space<vmem>> -> memref<2x40x512xf32, #tpu.memory_space<vmem>>
      %dma_wait3A_384 = arith.constant 0 : i32
      %dma_wait3A_385 = arith.constant 0 : i32
      %dma_wait3A_386 = arith.constant 0 : i32
      %dma_wait3A_387 = tpu.memref_slice %arg2[%get3A_183, %dma_wait3A_384, %dma_wait3A_385, %dma_wait3A_386] : memref<512x2x40x512xf32, #tpu.memory_space<hbm>> -> memref<1x2x40x512xf32, #tpu.memory_space<hbm>>
      %dma_wait3A_388 = tpu.memref_squeeze %dma_wait3A_387 : memref<1x2x40x512xf32, #tpu.memory_space<hbm>> -> memref<2x40x512xf32, #tpu.memory_space<hbm>>
      tpu.wait_dma2 semaphore(%dma_wait3A_378 : memref<!tpu.dma_semaphore, #tpu.memory_space<semaphore_mem>>) src(%dma_wait3A_388 : memref<2x40x512xf32, #tpu.memory_space<hbm>>) dst(%dma_wait3A_383 : memref<2x40x512xf32, #tpu.memory_space<vmem>>)
      %get3A_389 = arith.index_cast %select_n3A_377 : i32 to index
      %get3A_390 = arith.constant 0 : index
      %get3A_391 = arith.constant 0 : index
      %get3A_392 = arith.constant 0 : index
      %get3A_393 = vector.load %arg6[%get3A_389, %get3A_390, %get3A_391, %get3A_392] : memref<64x2x40x512xf32, #tpu.memory_space<vmem>>, vector<1x2x40x512xf32>
      %swap3A_394 = arith.constant 15 : index
      %swap3A_395 = arith.constant 0 : index
      %swap3A_396 = arith.constant 0 : index
      %swap3A_397 = arith.constant 0 : index
      %swap3A_398 = vector.load %arg4[%swap3A_394, %swap3A_395, %swap3A_396, %swap3A_397] : memref<32x2x40x512xf32, #tpu.memory_space<vmem>>, vector<1x2x40x512xf32>
      tpu.vector_store %arg4[%swap3A_394, %swap3A_395, %swap3A_396, %swap3A_397], %get3A_393 {strides = array<i32>} : memref<32x2x40x512xf32, #tpu.memory_space<vmem>>, vector<1x2x40x512xf32>,
      %add3A_399 = arith.constant 1 : i32
      %add3A_400 = arith.addi %get3A_366, %add3A_399 : i32
      %swap3A_401 = arith.constant 1 : index
      %swap3A_402 = memref.load %arg5[%swap3A_401] : memref<2xi32, #tpu.memory_space<smem>>
      memref.store %add3A_400, %arg5[%swap3A_401] : memref<2xi32, #tpu.memory_space<smem>>
    } else {
    }
    %mul3A_189 = arith.constant 32 : i32
    %mul3A_190 = arith.muli %arg0, %mul3A_189 : i32
    %add3A_191 = arith.constant 16 : i32
    %add3A_192 = arith.addi %mul3A_190, %add3A_191 : i32
    %get3A_193 = arith.index_cast %add3A_192 : i32 to index
    %get3A_194 = memref.load %arg1[%get3A_193] : memref<1024xi32, #tpu.memory_space<smem>>
    %ge3A_195 = arith.constant 0 : i32
    %ge3A_196 = arith.cmpi sge, %get3A_194, %ge3A_195 : i32
    %convert_element_type3A_197 = arith.extui %ge3A_196 : i1 to i32
    %cond3A_198 = arith.constant 0 : i32
    %cond3A_199 = arith.cmpi ne, %convert_element_type3A_197, %cond3A_198 : i32
    scf.if %cond3A_199 {
      %get3A_365 = arith.constant 1 : index
      %get3A_366 = memref.load %arg5[%get3A_365] : memref<2xi32, #tpu.memory_space<smem>>
      %jit3A = arith.constant 64 : i32
      %eq3A_367 = arith.constant 0 : i32
      %eq3A_368 = arith.cmpi eq, %jit3A, %eq3A_367 : i32
      %jit3A_369 = arith.constant 1 : i32
      %select_n3A = arith.select %eq3A_368, %jit3A_369, %jit3A : i32
      %rem3A = arith.remsi %get3A_366, %select_n3A : i32
      %ne3A = arith.constant 0 : i32
      %ne3A_370 = arith.cmpi ne, %rem3A, %ne3A : i32
      %lt3A_371 = arith.constant 0 : i32
      %lt3A_372 = arith.cmpi slt, %rem3A, %lt3A_371 : i32
      %lt3A_373 = arith.constant 0 : i32
      %lt3A_374 = arith.cmpi slt, %select_n3A, %lt3A_373 : i32
      %ne3A_375 = arith.xori %lt3A_372, %lt3A_374 : i1
      %and3A = arith.andi %ne3A_375, %ne3A_370 : i1
      %add3A_376 = arith.addi %rem3A, %select_n3A : i32
      %select_n3A_377 = arith.select %and3A, %add3A_376, %rem3A : i32
      %dma_wait3A = tpu.memref_slice %arg7[%select_n3A_377] : memref<64x!tpu.dma_semaphore, #tpu.memory_space<semaphore_mem>> -> memref<1x!tpu.dma_semaphore, #tpu.memory_space<semaphore_mem>>
      %dma_wait3A_378 = tpu.memref_squeeze %dma_wait3A : memref<1x!tpu.dma_semaphore, #tpu.memory_space<semaphore_mem>> -> memref<!tpu.dma_semaphore, #tpu.memory_space<semaphore_mem>>
      %dma_wait3A_379 = arith.constant 0 : i32
      %dma_wait3A_380 = arith.constant 0 : i32
      %dma_wait3A_381 = arith.constant 0 : i32
      %dma_wait3A_382 = tpu.memref_slice %arg6[%select_n3A_377, %dma_wait3A_379, %dma_wait3A_380, %dma_wait3A_381] : memref<64x2x40x512xf32, #tpu.memory_space<vmem>> -> memref<1x2x40x512xf32, #tpu.memory_space<vmem>>
      %dma_wait3A_383 = tpu.memref_squeeze %dma_wait3A_382 : memref<1x2x40x512xf32, #tpu.memory_space<vmem>> -> memref<2x40x512xf32, #tpu.memory_space<vmem>>
      %dma_wait3A_384 = arith.constant 0 : i32
      %dma_wait3A_385 = arith.constant 0 : i32
      %dma_wait3A_386 = arith.constant 0 : i32
      %dma_wait3A_387 = tpu.memref_slice %arg2[%get3A_194, %dma_wait3A_384, %dma_wait3A_385, %dma_wait3A_386] : memref<512x2x40x512xf32, #tpu.memory_space<hbm>> -> memref<1x2x40x512xf32, #tpu.memory_space<hbm>>
      %dma_wait3A_388 = tpu.memref_squeeze %dma_wait3A_387 : memref<1x2x40x512xf32, #tpu.memory_space<hbm>> -> memref<2x40x512xf32, #tpu.memory_space<hbm>>
      tpu.wait_dma2 semaphore(%dma_wait3A_378 : memref<!tpu.dma_semaphore, #tpu.memory_space<semaphore_mem>>) src(%dma_wait3A_388 : memref<2x40x512xf32, #tpu.memory_space<hbm>>) dst(%dma_wait3A_383 : memref<2x40x512xf32, #tpu.memory_space<vmem>>)
      %get3A_389 = arith.index_cast %select_n3A_377 : i32 to index
      %get3A_390 = arith.constant 0 : index
      %get3A_391 = arith.constant 0 : index
      %get3A_392 = arith.constant 0 : index
      %get3A_393 = vector.load %arg6[%get3A_389, %get3A_390, %get3A_391, %get3A_392] : memref<64x2x40x512xf32, #tpu.memory_space<vmem>>, vector<1x2x40x512xf32>
      %swap3A_394 = arith.constant 16 : index
      %swap3A_395 = arith.constant 0 : index
      %swap3A_396 = arith.constant 0 : index
      %swap3A_397 = arith.constant 0 : index
      %swap3A_398 = vector.load %arg4[%swap3A_394, %swap3A_395, %swap3A_396, %swap3A_397] : memref<32x2x40x512xf32, #tpu.memory_space<vmem>>, vector<1x2x40x512xf32>
      tpu.vector_store %arg4[%swap3A_394, %swap3A_395, %swap3A_396, %swap3A_397], %get3A_393 {strides = array<i32>} : memref<32x2x40x512xf32, #tpu.memory_space<vmem>>, vector<1x2x40x512xf32>,
      %add3A_399 = arith.constant 1 : i32
      %add3A_400 = arith.addi %get3A_366, %add3A_399 : i32
      %swap3A_401 = arith.constant 1 : index
      %swap3A_402 = memref.load %arg5[%swap3A_401] : memref<2xi32, #tpu.memory_space<smem>>
      memref.store %add3A_400, %arg5[%swap3A_401] : memref<2xi32, #tpu.memory_space<smem>>
    } else {
    }
    %mul3A_200 = arith.constant 32 : i32
    %mul3A_201 = arith.muli %arg0, %mul3A_200 : i32
    %add3A_202 = arith.constant 17 : i32
    %add3A_203 = arith.addi %mul3A_201, %add3A_202 : i32
    %get3A_204 = arith.index_cast %add3A_203 : i32 to index
    %get3A_205 = memref.load %arg1[%get3A_204] : memref<1024xi32, #tpu.memory_space<smem>>
    %ge3A_206 = arith.constant 0 : i32
    %ge3A_207 = arith.cmpi sge, %get3A_205, %ge3A_206 : i32
    %convert_element_type3A_208 = arith.extui %ge3A_207 : i1 to i32
    %cond3A_209 = arith.constant 0 : i32
    %cond3A_210 = arith.cmpi ne, %convert_element_type3A_208, %cond3A_209 : i32
    scf.if %cond3A_210 {
      %get3A_365 = arith.constant 1 : index
      %get3A_366 = memref.load %arg5[%get3A_365] : memref<2xi32, #tpu.memory_space<smem>>
      %jit3A = arith.constant 64 : i32
      %eq3A_367 = arith.constant 0 : i32
      %eq3A_368 = arith.cmpi eq, %jit3A, %eq3A_367 : i32
      %jit3A_369 = arith.constant 1 : i32
      %select_n3A = arith.select %eq3A_368, %jit3A_369, %jit3A : i32
      %rem3A = arith.remsi %get3A_366, %select_n3A : i32
      %ne3A = arith.constant 0 : i32
      %ne3A_370 = arith.cmpi ne, %rem3A, %ne3A : i32
      %lt3A_371 = arith.constant 0 : i32
      %lt3A_372 = arith.cmpi slt, %rem3A, %lt3A_371 : i32
      %lt3A_373 = arith.constant 0 : i32
      %lt3A_374 = arith.cmpi slt, %select_n3A, %lt3A_373 : i32
      %ne3A_375 = arith.xori %lt3A_372, %lt3A_374 : i1
      %and3A = arith.andi %ne3A_375, %ne3A_370 : i1
      %add3A_376 = arith.addi %rem3A, %select_n3A : i32
      %select_n3A_377 = arith.select %and3A, %add3A_376, %rem3A : i32
      %dma_wait3A = tpu.memref_slice %arg7[%select_n3A_377] : memref<64x!tpu.dma_semaphore, #tpu.memory_space<semaphore_mem>> -> memref<1x!tpu.dma_semaphore, #tpu.memory_space<semaphore_mem>>
      %dma_wait3A_378 = tpu.memref_squeeze %dma_wait3A : memref<1x!tpu.dma_semaphore, #tpu.memory_space<semaphore_mem>> -> memref<!tpu.dma_semaphore, #tpu.memory_space<semaphore_mem>>
      %dma_wait3A_379 = arith.constant 0 : i32
      %dma_wait3A_380 = arith.constant 0 : i32
      %dma_wait3A_381 = arith.constant 0 : i32
      %dma_wait3A_382 = tpu.memref_slice %arg6[%select_n3A_377, %dma_wait3A_379, %dma_wait3A_380, %dma_wait3A_381] : memref<64x2x40x512xf32, #tpu.memory_space<vmem>> -> memref<1x2x40x512xf32, #tpu.memory_space<vmem>>
      %dma_wait3A_383 = tpu.memref_squeeze %dma_wait3A_382 : memref<1x2x40x512xf32, #tpu.memory_space<vmem>> -> memref<2x40x512xf32, #tpu.memory_space<vmem>>
      %dma_wait3A_384 = arith.constant 0 : i32
      %dma_wait3A_385 = arith.constant 0 : i32
      %dma_wait3A_386 = arith.constant 0 : i32
      %dma_wait3A_387 = tpu.memref_slice %arg2[%get3A_205, %dma_wait3A_384, %dma_wait3A_385, %dma_wait3A_386] : memref<512x2x40x512xf32, #tpu.memory_space<hbm>> -> memref<1x2x40x512xf32, #tpu.memory_space<hbm>>
      %dma_wait3A_388 = tpu.memref_squeeze %dma_wait3A_387 : memref<1x2x40x512xf32, #tpu.memory_space<hbm>> -> memref<2x40x512xf32, #tpu.memory_space<hbm>>
      tpu.wait_dma2 semaphore(%dma_wait3A_378 : memref<!tpu.dma_semaphore, #tpu.memory_space<semaphore_mem>>) src(%dma_wait3A_388 : memref<2x40x512xf32, #tpu.memory_space<hbm>>) dst(%dma_wait3A_383 : memref<2x40x512xf32, #tpu.memory_space<vmem>>)
      %get3A_389 = arith.index_cast %select_n3A_377 : i32 to index
      %get3A_390 = arith.constant 0 : index
      %get3A_391 = arith.constant 0 : index
      %get3A_392 = arith.constant 0 : index
      %get3A_393 = vector.load %arg6[%get3A_389, %get3A_390, %get3A_391, %get3A_392] : memref<64x2x40x512xf32, #tpu.memory_space<vmem>>, vector<1x2x40x512xf32>
      %swap3A_394 = arith.constant 17 : index
      %swap3A_395 = arith.constant 0 : index
      %swap3A_396 = arith.constant 0 : index
      %swap3A_397 = arith.constant 0 : index
      %swap3A_398 = vector.load %arg4[%swap3A_394, %swap3A_395, %swap3A_396, %swap3A_397] : memref<32x2x40x512xf32, #tpu.memory_space<vmem>>, vector<1x2x40x512xf32>
      tpu.vector_store %arg4[%swap3A_394, %swap3A_395, %swap3A_396, %swap3A_397], %get3A_393 {strides = array<i32>} : memref<32x2x40x512xf32, #tpu.memory_space<vmem>>, vector<1x2x40x512xf32>,
      %add3A_399 = arith.constant 1 : i32
      %add3A_400 = arith.addi %get3A_366, %add3A_399 : i32
      %swap3A_401 = arith.constant 1 : index
      %swap3A_402 = memref.load %arg5[%swap3A_401] : memref<2xi32, #tpu.memory_space<smem>>
      memref.store %add3A_400, %arg5[%swap3A_401] : memref<2xi32, #tpu.memory_space<smem>>
    } else {
    }
    %mul3A_211 = arith.constant 32 : i32
    %mul3A_212 = arith.muli %arg0, %mul3A_211 : i32
    %add3A_213 = arith.constant 18 : i32
    %add3A_214 = arith.addi %mul3A_212, %add3A_213 : i32
    %get3A_215 = arith.index_cast %add3A_214 : i32 to index
    %get3A_216 = memref.load %arg1[%get3A_215] : memref<1024xi32, #tpu.memory_space<smem>>
    %ge3A_217 = arith.constant 0 : i32
    %ge3A_218 = arith.cmpi sge, %get3A_216, %ge3A_217 : i32
    %convert_element_type3A_219 = arith.extui %ge3A_218 : i1 to i32
    %cond3A_220 = arith.constant 0 : i32
    %cond3A_221 = arith.cmpi ne, %convert_element_type3A_219, %cond3A_220 : i32
    scf.if %cond3A_221 {
      %get3A_365 = arith.constant 1 : index
      %get3A_366 = memref.load %arg5[%get3A_365] : memref<2xi32, #tpu.memory_space<smem>>
      %jit3A = arith.constant 64 : i32
      %eq3A_367 = arith.constant 0 : i32
      %eq3A_368 = arith.cmpi eq, %jit3A, %eq3A_367 : i32
      %jit3A_369 = arith.constant 1 : i32
      %select_n3A = arith.select %eq3A_368, %jit3A_369, %jit3A : i32
      %rem3A = arith.remsi %get3A_366, %select_n3A : i32
      %ne3A = arith.constant 0 : i32
      %ne3A_370 = arith.cmpi ne, %rem3A, %ne3A : i32
      %lt3A_371 = arith.constant 0 : i32
      %lt3A_372 = arith.cmpi slt, %rem3A, %lt3A_371 : i32
      %lt3A_373 = arith.constant 0 : i32
      %lt3A_374 = arith.cmpi slt, %select_n3A, %lt3A_373 : i32
      %ne3A_375 = arith.xori %lt3A_372, %lt3A_374 : i1
      %and3A = arith.andi %ne3A_375, %ne3A_370 : i1
      %add3A_376 = arith.addi %rem3A, %select_n3A : i32
      %select_n3A_377 = arith.select %and3A, %add3A_376, %rem3A : i32
      %dma_wait3A = tpu.memref_slice %arg7[%select_n3A_377] : memref<64x!tpu.dma_semaphore, #tpu.memory_space<semaphore_mem>> -> memref<1x!tpu.dma_semaphore, #tpu.memory_space<semaphore_mem>>
      %dma_wait3A_378 = tpu.memref_squeeze %dma_wait3A : memref<1x!tpu.dma_semaphore, #tpu.memory_space<semaphore_mem>> -> memref<!tpu.dma_semaphore, #tpu.memory_space<semaphore_mem>>
      %dma_wait3A_379 = arith.constant 0 : i32
      %dma_wait3A_380 = arith.constant 0 : i32
      %dma_wait3A_381 = arith.constant 0 : i32
      %dma_wait3A_382 = tpu.memref_slice %arg6[%select_n3A_377, %dma_wait3A_379, %dma_wait3A_380, %dma_wait3A_381] : memref<64x2x40x512xf32, #tpu.memory_space<vmem>> -> memref<1x2x40x512xf32, #tpu.memory_space<vmem>>
      %dma_wait3A_383 = tpu.memref_squeeze %dma_wait3A_382 : memref<1x2x40x512xf32, #tpu.memory_space<vmem>> -> memref<2x40x512xf32, #tpu.memory_space<vmem>>
      %dma_wait3A_384 = arith.constant 0 : i32
      %dma_wait3A_385 = arith.constant 0 : i32
      %dma_wait3A_386 = arith.constant 0 : i32
      %dma_wait3A_387 = tpu.memref_slice %arg2[%get3A_216, %dma_wait3A_384, %dma_wait3A_385, %dma_wait3A_386] : memref<512x2x40x512xf32, #tpu.memory_space<hbm>> -> memref<1x2x40x512xf32, #tpu.memory_space<hbm>>
      %dma_wait3A_388 = tpu.memref_squeeze %dma_wait3A_387 : memref<1x2x40x512xf32, #tpu.memory_space<hbm>> -> memref<2x40x512xf32, #tpu.memory_space<hbm>>
      tpu.wait_dma2 semaphore(%dma_wait3A_378 : memref<!tpu.dma_semaphore, #tpu.memory_space<semaphore_mem>>) src(%dma_wait3A_388 : memref<2x40x512xf32, #tpu.memory_space<hbm>>) dst(%dma_wait3A_383 : memref<2x40x512xf32, #tpu.memory_space<vmem>>)
      %get3A_389 = arith.index_cast %select_n3A_377 : i32 to index
      %get3A_390 = arith.constant 0 : index
      %get3A_391 = arith.constant 0 : index
      %get3A_392 = arith.constant 0 : index
      %get3A_393 = vector.load %arg6[%get3A_389, %get3A_390, %get3A_391, %get3A_392] : memref<64x2x40x512xf32, #tpu.memory_space<vmem>>, vector<1x2x40x512xf32>
      %swap3A_394 = arith.constant 18 : index
      %swap3A_395 = arith.constant 0 : index
      %swap3A_396 = arith.constant 0 : index
      %swap3A_397 = arith.constant 0 : index
      %swap3A_398 = vector.load %arg4[%swap3A_394, %swap3A_395, %swap3A_396, %swap3A_397] : memref<32x2x40x512xf32, #tpu.memory_space<vmem>>, vector<1x2x40x512xf32>
      tpu.vector_store %arg4[%swap3A_394, %swap3A_395, %swap3A_396, %swap3A_397], %get3A_393 {strides = array<i32>} : memref<32x2x40x512xf32, #tpu.memory_space<vmem>>, vector<1x2x40x512xf32>,
      %add3A_399 = arith.constant 1 : i32
      %add3A_400 = arith.addi %get3A_366, %add3A_399 : i32
      %swap3A_401 = arith.constant 1 : index
      %swap3A_402 = memref.load %arg5[%swap3A_401] : memref<2xi32, #tpu.memory_space<smem>>
      memref.store %add3A_400, %arg5[%swap3A_401] : memref<2xi32, #tpu.memory_space<smem>>
    } else {
    }
    %mul3A_222 = arith.constant 32 : i32
    %mul3A_223 = arith.muli %arg0, %mul3A_222 : i32
    %add3A_224 = arith.constant 19 : i32
    %add3A_225 = arith.addi %mul3A_223, %add3A_224 : i32
    %get3A_226 = arith.index_cast %add3A_225 : i32 to index
    %get3A_227 = memref.load %arg1[%get3A_226] : memref<1024xi32, #tpu.memory_space<smem>>
    %ge3A_228 = arith.constant 0 : i32
    %ge3A_229 = arith.cmpi sge, %get3A_227, %ge3A_228 : i32
    %convert_element_type3A_230 = arith.extui %ge3A_229 : i1 to i32
    %cond3A_231 = arith.constant 0 : i32
    %cond3A_232 = arith.cmpi ne, %convert_element_type3A_230, %cond3A_231 : i32
    scf.if %cond3A_232 {
      %get3A_365 = arith.constant 1 : index
      %get3A_366 = memref.load %arg5[%get3A_365] : memref<2xi32, #tpu.memory_space<smem>>
      %jit3A = arith.constant 64 : i32
      %eq3A_367 = arith.constant 0 : i32
      %eq3A_368 = arith.cmpi eq, %jit3A, %eq3A_367 : i32
      %jit3A_369 = arith.constant 1 : i32
      %select_n3A = arith.select %eq3A_368, %jit3A_369, %jit3A : i32
      %rem3A = arith.remsi %get3A_366, %select_n3A : i32
      %ne3A = arith.constant 0 : i32
      %ne3A_370 = arith.cmpi ne, %rem3A, %ne3A : i32
      %lt3A_371 = arith.constant 0 : i32
      %lt3A_372 = arith.cmpi slt, %rem3A, %lt3A_371 : i32
      %lt3A_373 = arith.constant 0 : i32
      %lt3A_374 = arith.cmpi slt, %select_n3A, %lt3A_373 : i32
      %ne3A_375 = arith.xori %lt3A_372, %lt3A_374 : i1
      %and3A = arith.andi %ne3A_375, %ne3A_370 : i1
      %add3A_376 = arith.addi %rem3A, %select_n3A : i32
      %select_n3A_377 = arith.select %and3A, %add3A_376, %rem3A : i32
      %dma_wait3A = tpu.memref_slice %arg7[%select_n3A_377] : memref<64x!tpu.dma_semaphore, #tpu.memory_space<semaphore_mem>> -> memref<1x!tpu.dma_semaphore, #tpu.memory_space<semaphore_mem>>
      %dma_wait3A_378 = tpu.memref_squeeze %dma_wait3A : memref<1x!tpu.dma_semaphore, #tpu.memory_space<semaphore_mem>> -> memref<!tpu.dma_semaphore, #tpu.memory_space<semaphore_mem>>
      %dma_wait3A_379 = arith.constant 0 : i32
      %dma_wait3A_380 = arith.constant 0 : i32
      %dma_wait3A_381 = arith.constant 0 : i32
      %dma_wait3A_382 = tpu.memref_slice %arg6[%select_n3A_377, %dma_wait3A_379, %dma_wait3A_380, %dma_wait3A_381] : memref<64x2x40x512xf32, #tpu.memory_space<vmem>> -> memref<1x2x40x512xf32, #tpu.memory_space<vmem>>
      %dma_wait3A_383 = tpu.memref_squeeze %dma_wait3A_382 : memref<1x2x40x512xf32, #tpu.memory_space<vmem>> -> memref<2x40x512xf32, #tpu.memory_space<vmem>>
      %dma_wait3A_384 = arith.constant 0 : i32
      %dma_wait3A_385 = arith.constant 0 : i32
      %dma_wait3A_386 = arith.constant 0 : i32
      %dma_wait3A_387 = tpu.memref_slice %arg2[%get3A_227, %dma_wait3A_384, %dma_wait3A_385, %dma_wait3A_386] : memref<512x2x40x512xf32, #tpu.memory_space<hbm>> -> memref<1x2x40x512xf32, #tpu.memory_space<hbm>>
      %dma_wait3A_388 = tpu.memref_squeeze %dma_wait3A_387 : memref<1x2x40x512xf32, #tpu.memory_space<hbm>> -> memref<2x40x512xf32, #tpu.memory_space<hbm>>
      tpu.wait_dma2 semaphore(%dma_wait3A_378 : memref<!tpu.dma_semaphore, #tpu.memory_space<semaphore_mem>>) src(%dma_wait3A_388 : memref<2x40x512xf32, #tpu.memory_space<hbm>>) dst(%dma_wait3A_383 : memref<2x40x512xf32, #tpu.memory_space<vmem>>)
      %get3A_389 = arith.index_cast %select_n3A_377 : i32 to index
      %get3A_390 = arith.constant 0 : index
      %get3A_391 = arith.constant 0 : index
      %get3A_392 = arith.constant 0 : index
      %get3A_393 = vector.load %arg6[%get3A_389, %get3A_390, %get3A_391, %get3A_392] : memref<64x2x40x512xf32, #tpu.memory_space<vmem>>, vector<1x2x40x512xf32>
      %swap3A_394 = arith.constant 19 : index
      %swap3A_395 = arith.constant 0 : index
      %swap3A_396 = arith.constant 0 : index
      %swap3A_397 = arith.constant 0 : index
      %swap3A_398 = vector.load %arg4[%swap3A_394, %swap3A_395, %swap3A_396, %swap3A_397] : memref<32x2x40x512xf32, #tpu.memory_space<vmem>>, vector<1x2x40x512xf32>
      tpu.vector_store %arg4[%swap3A_394, %swap3A_395, %swap3A_396, %swap3A_397], %get3A_393 {strides = array<i32>} : memref<32x2x40x512xf32, #tpu.memory_space<vmem>>, vector<1x2x40x512xf32>,
      %add3A_399 = arith.constant 1 : i32
      %add3A_400 = arith.addi %get3A_366, %add3A_399 : i32
      %swap3A_401 = arith.constant 1 : index
      %swap3A_402 = memref.load %arg5[%swap3A_401] : memref<2xi32, #tpu.memory_space<smem>>
      memref.store %add3A_400, %arg5[%swap3A_401] : memref<2xi32, #tpu.memory_space<smem>>
    } else {
    }
    %mul3A_233 = arith.constant 32 : i32
    %mul3A_234 = arith.muli %arg0, %mul3A_233 : i32
    %add3A_235 = arith.constant 20 : i32
    %add3A_236 = arith.addi %mul3A_234, %add3A_235 : i32
    %get3A_237 = arith.index_cast %add3A_236 : i32 to index
    %get3A_238 = memref.load %arg1[%get3A_237] : memref<1024xi32, #tpu.memory_space<smem>>
    %ge3A_239 = arith.constant 0 : i32
    %ge3A_240 = arith.cmpi sge, %get3A_238, %ge3A_239 : i32
    %convert_element_type3A_241 = arith.extui %ge3A_240 : i1 to i32
    %cond3A_242 = arith.constant 0 : i32
    %cond3A_243 = arith.cmpi ne, %convert_element_type3A_241, %cond3A_242 : i32
    scf.if %cond3A_243 {
      %get3A_365 = arith.constant 1 : index
      %get3A_366 = memref.load %arg5[%get3A_365] : memref<2xi32, #tpu.memory_space<smem>>
      %jit3A = arith.constant 64 : i32
      %eq3A_367 = arith.constant 0 : i32
      %eq3A_368 = arith.cmpi eq, %jit3A, %eq3A_367 : i32
      %jit3A_369 = arith.constant 1 : i32
      %select_n3A = arith.select %eq3A_368, %jit3A_369, %jit3A : i32
      %rem3A = arith.remsi %get3A_366, %select_n3A : i32
      %ne3A = arith.constant 0 : i32
      %ne3A_370 = arith.cmpi ne, %rem3A, %ne3A : i32
      %lt3A_371 = arith.constant 0 : i32
      %lt3A_372 = arith.cmpi slt, %rem3A, %lt3A_371 : i32
      %lt3A_373 = arith.constant 0 : i32
      %lt3A_374 = arith.cmpi slt, %select_n3A, %lt3A_373 : i32
      %ne3A_375 = arith.xori %lt3A_372, %lt3A_374 : i1
      %and3A = arith.andi %ne3A_375, %ne3A_370 : i1
      %add3A_376 = arith.addi %rem3A, %select_n3A : i32
      %select_n3A_377 = arith.select %and3A, %add3A_376, %rem3A : i32
      %dma_wait3A = tpu.memref_slice %arg7[%select_n3A_377] : memref<64x!tpu.dma_semaphore, #tpu.memory_space<semaphore_mem>> -> memref<1x!tpu.dma_semaphore, #tpu.memory_space<semaphore_mem>>
      %dma_wait3A_378 = tpu.memref_squeeze %dma_wait3A : memref<1x!tpu.dma_semaphore, #tpu.memory_space<semaphore_mem>> -> memref<!tpu.dma_semaphore, #tpu.memory_space<semaphore_mem>>
      %dma_wait3A_379 = arith.constant 0 : i32
      %dma_wait3A_380 = arith.constant 0 : i32
      %dma_wait3A_381 = arith.constant 0 : i32
      %dma_wait3A_382 = tpu.memref_slice %arg6[%select_n3A_377, %dma_wait3A_379, %dma_wait3A_380, %dma_wait3A_381] : memref<64x2x40x512xf32, #tpu.memory_space<vmem>> -> memref<1x2x40x512xf32, #tpu.memory_space<vmem>>
      %dma_wait3A_383 = tpu.memref_squeeze %dma_wait3A_382 : memref<1x2x40x512xf32, #tpu.memory_space<vmem>> -> memref<2x40x512xf32, #tpu.memory_space<vmem>>
      %dma_wait3A_384 = arith.constant 0 : i32
      %dma_wait3A_385 = arith.constant 0 : i32
      %dma_wait3A_386 = arith.constant 0 : i32
      %dma_wait3A_387 = tpu.memref_slice %arg2[%get3A_238, %dma_wait3A_384, %dma_wait3A_385, %dma_wait3A_386] : memref<512x2x40x512xf32, #tpu.memory_space<hbm>> -> memref<1x2x40x512xf32, #tpu.memory_space<hbm>>
      %dma_wait3A_388 = tpu.memref_squeeze %dma_wait3A_387 : memref<1x2x40x512xf32, #tpu.memory_space<hbm>> -> memref<2x40x512xf32, #tpu.memory_space<hbm>>
      tpu.wait_dma2 semaphore(%dma_wait3A_378 : memref<!tpu.dma_semaphore, #tpu.memory_space<semaphore_mem>>) src(%dma_wait3A_388 : memref<2x40x512xf32, #tpu.memory_space<hbm>>) dst(%dma_wait3A_383 : memref<2x40x512xf32, #tpu.memory_space<vmem>>)
      %get3A_389 = arith.index_cast %select_n3A_377 : i32 to index
      %get3A_390 = arith.constant 0 : index
      %get3A_391 = arith.constant 0 : index
      %get3A_392 = arith.constant 0 : index
      %get3A_393 = vector.load %arg6[%get3A_389, %get3A_390, %get3A_391, %get3A_392] : memref<64x2x40x512xf32, #tpu.memory_space<vmem>>, vector<1x2x40x512xf32>
      %swap3A_394 = arith.constant 20 : index
      %swap3A_395 = arith.constant 0 : index
      %swap3A_396 = arith.constant 0 : index
      %swap3A_397 = arith.constant 0 : index
      %swap3A_398 = vector.load %arg4[%swap3A_394, %swap3A_395, %swap3A_396, %swap3A_397] : memref<32x2x40x512xf32, #tpu.memory_space<vmem>>, vector<1x2x40x512xf32>
      tpu.vector_store %arg4[%swap3A_394, %swap3A_395, %swap3A_396, %swap3A_397], %get3A_393 {strides = array<i32>} : memref<32x2x40x512xf32, #tpu.memory_space<vmem>>, vector<1x2x40x512xf32>,
      %add3A_399 = arith.constant 1 : i32
      %add3A_400 = arith.addi %get3A_366, %add3A_399 : i32
      %swap3A_401 = arith.constant 1 : index
      %swap3A_402 = memref.load %arg5[%swap3A_401] : memref<2xi32, #tpu.memory_space<smem>>
      memref.store %add3A_400, %arg5[%swap3A_401] : memref<2xi32, #tpu.memory_space<smem>>
    } else {
    }
    %mul3A_244 = arith.constant 32 : i32
    %mul3A_245 = arith.muli %arg0, %mul3A_244 : i32
    %add3A_246 = arith.constant 21 : i32
    %add3A_247 = arith.addi %mul3A_245, %add3A_246 : i32
    %get3A_248 = arith.index_cast %add3A_247 : i32 to index
    %get3A_249 = memref.load %arg1[%get3A_248] : memref<1024xi32, #tpu.memory_space<smem>>
    %ge3A_250 = arith.constant 0 : i32
    %ge3A_251 = arith.cmpi sge, %get3A_249, %ge3A_250 : i32
    %convert_element_type3A_252 = arith.extui %ge3A_251 : i1 to i32
    %cond3A_253 = arith.constant 0 : i32
    %cond3A_254 = arith.cmpi ne, %convert_element_type3A_252, %cond3A_253 : i32
    scf.if %cond3A_254 {
      %get3A_365 = arith.constant 1 : index
      %get3A_366 = memref.load %arg5[%get3A_365] : memref<2xi32, #tpu.memory_space<smem>>
      %jit3A = arith.constant 64 : i32
      %eq3A_367 = arith.constant 0 : i32
      %eq3A_368 = arith.cmpi eq, %jit3A, %eq3A_367 : i32
      %jit3A_369 = arith.constant 1 : i32
      %select_n3A = arith.select %eq3A_368, %jit3A_369, %jit3A : i32
      %rem3A = arith.remsi %get3A_366, %select_n3A : i32
      %ne3A = arith.constant 0 : i32
      %ne3A_370 = arith.cmpi ne, %rem3A, %ne3A : i32
      %lt3A_371 = arith.constant 0 : i32
      %lt3A_372 = arith.cmpi slt, %rem3A, %lt3A_371 : i32
      %lt3A_373 = arith.constant 0 : i32
      %lt3A_374 = arith.cmpi slt, %select_n3A, %lt3A_373 : i32
      %ne3A_375 = arith.xori %lt3A_372, %lt3A_374 : i1
      %and3A = arith.andi %ne3A_375, %ne3A_370 : i1
      %add3A_376 = arith.addi %rem3A, %select_n3A : i32
      %select_n3A_377 = arith.select %and3A, %add3A_376, %rem3A : i32
      %dma_wait3A = tpu.memref_slice %arg7[%select_n3A_377] : memref<64x!tpu.dma_semaphore, #tpu.memory_space<semaphore_mem>> -> memref<1x!tpu.dma_semaphore, #tpu.memory_space<semaphore_mem>>
      %dma_wait3A_378 = tpu.memref_squeeze %dma_wait3A : memref<1x!tpu.dma_semaphore, #tpu.memory_space<semaphore_mem>> -> memref<!tpu.dma_semaphore, #tpu.memory_space<semaphore_mem>>
      %dma_wait3A_379 = arith.constant 0 : i32
      %dma_wait3A_380 = arith.constant 0 : i32
      %dma_wait3A_381 = arith.constant 0 : i32
      %dma_wait3A_382 = tpu.memref_slice %arg6[%select_n3A_377, %dma_wait3A_379, %dma_wait3A_380, %dma_wait3A_381] : memref<64x2x40x512xf32, #tpu.memory_space<vmem>> -> memref<1x2x40x512xf32, #tpu.memory_space<vmem>>
      %dma_wait3A_383 = tpu.memref_squeeze %dma_wait3A_382 : memref<1x2x40x512xf32, #tpu.memory_space<vmem>> -> memref<2x40x512xf32, #tpu.memory_space<vmem>>
      %dma_wait3A_384 = arith.constant 0 : i32
      %dma_wait3A_385 = arith.constant 0 : i32
      %dma_wait3A_386 = arith.constant 0 : i32
      %dma_wait3A_387 = tpu.memref_slice %arg2[%get3A_249, %dma_wait3A_384, %dma_wait3A_385, %dma_wait3A_386] : memref<512x2x40x512xf32, #tpu.memory_space<hbm>> -> memref<1x2x40x512xf32, #tpu.memory_space<hbm>>
      %dma_wait3A_388 = tpu.memref_squeeze %dma_wait3A_387 : memref<1x2x40x512xf32, #tpu.memory_space<hbm>> -> memref<2x40x512xf32, #tpu.memory_space<hbm>>
      tpu.wait_dma2 semaphore(%dma_wait3A_378 : memref<!tpu.dma_semaphore, #tpu.memory_space<semaphore_mem>>) src(%dma_wait3A_388 : memref<2x40x512xf32, #tpu.memory_space<hbm>>) dst(%dma_wait3A_383 : memref<2x40x512xf32, #tpu.memory_space<vmem>>)
      %get3A_389 = arith.index_cast %select_n3A_377 : i32 to index
      %get3A_390 = arith.constant 0 : index
      %get3A_391 = arith.constant 0 : index
      %get3A_392 = arith.constant 0 : index
      %get3A_393 = vector.load %arg6[%get3A_389, %get3A_390, %get3A_391, %get3A_392] : memref<64x2x40x512xf32, #tpu.memory_space<vmem>>, vector<1x2x40x512xf32>
      %swap3A_394 = arith.constant 21 : index
      %swap3A_395 = arith.constant 0 : index
      %swap3A_396 = arith.constant 0 : index
      %swap3A_397 = arith.constant 0 : index
      %swap3A_398 = vector.load %arg4[%swap3A_394, %swap3A_395, %swap3A_396, %swap3A_397] : memref<32x2x40x512xf32, #tpu.memory_space<vmem>>, vector<1x2x40x512xf32>
      tpu.vector_store %arg4[%swap3A_394, %swap3A_395, %swap3A_396, %swap3A_397], %get3A_393 {strides = array<i32>} : memref<32x2x40x512xf32, #tpu.memory_space<vmem>>, vector<1x2x40x512xf32>,
      %add3A_399 = arith.constant 1 : i32
      %add3A_400 = arith.addi %get3A_366, %add3A_399 : i32
      %swap3A_401 = arith.constant 1 : index
      %swap3A_402 = memref.load %arg5[%swap3A_401] : memref<2xi32, #tpu.memory_space<smem>>
      memref.store %add3A_400, %arg5[%swap3A_401] : memref<2xi32, #tpu.memory_space<smem>>
    } else {
    }
    %mul3A_255 = arith.constant 32 : i32
    %mul3A_256 = arith.muli %arg0, %mul3A_255 : i32
    %add3A_257 = arith.constant 22 : i32
    %add3A_258 = arith.addi %mul3A_256, %add3A_257 : i32
    %get3A_259 = arith.index_cast %add3A_258 : i32 to index
    %get3A_260 = memref.load %arg1[%get3A_259] : memref<1024xi32, #tpu.memory_space<smem>>
    %ge3A_261 = arith.constant 0 : i32
    %ge3A_262 = arith.cmpi sge, %get3A_260, %ge3A_261 : i32
    %convert_element_type3A_263 = arith.extui %ge3A_262 : i1 to i32
    %cond3A_264 = arith.constant 0 : i32
    %cond3A_265 = arith.cmpi ne, %convert_element_type3A_263, %cond3A_264 : i32
    scf.if %cond3A_265 {
      %get3A_365 = arith.constant 1 : index
      %get3A_366 = memref.load %arg5[%get3A_365] : memref<2xi32, #tpu.memory_space<smem>>
      %jit3A = arith.constant 64 : i32
      %eq3A_367 = arith.constant 0 : i32
      %eq3A_368 = arith.cmpi eq, %jit3A, %eq3A_367 : i32
      %jit3A_369 = arith.constant 1 : i32
      %select_n3A = arith.select %eq3A_368, %jit3A_369, %jit3A : i32
      %rem3A = arith.remsi %get3A_366, %select_n3A : i32
      %ne3A = arith.constant 0 : i32
      %ne3A_370 = arith.cmpi ne, %rem3A, %ne3A : i32
      %lt3A_371 = arith.constant 0 : i32
      %lt3A_372 = arith.cmpi slt, %rem3A, %lt3A_371 : i32
      %lt3A_373 = arith.constant 0 : i32
      %lt3A_374 = arith.cmpi slt, %select_n3A, %lt3A_373 : i32
      %ne3A_375 = arith.xori %lt3A_372, %lt3A_374 : i1
      %and3A = arith.andi %ne3A_375, %ne3A_370 : i1
      %add3A_376 = arith.addi %rem3A, %select_n3A : i32
      %select_n3A_377 = arith.select %and3A, %add3A_376, %rem3A : i32
      %dma_wait3A = tpu.memref_slice %arg7[%select_n3A_377] : memref<64x!tpu.dma_semaphore, #tpu.memory_space<semaphore_mem>> -> memref<1x!tpu.dma_semaphore, #tpu.memory_space<semaphore_mem>>
      %dma_wait3A_378 = tpu.memref_squeeze %dma_wait3A : memref<1x!tpu.dma_semaphore, #tpu.memory_space<semaphore_mem>> -> memref<!tpu.dma_semaphore, #tpu.memory_space<semaphore_mem>>
      %dma_wait3A_379 = arith.constant 0 : i32
      %dma_wait3A_380 = arith.constant 0 : i32
      %dma_wait3A_381 = arith.constant 0 : i32
      %dma_wait3A_382 = tpu.memref_slice %arg6[%select_n3A_377, %dma_wait3A_379, %dma_wait3A_380, %dma_wait3A_381] : memref<64x2x40x512xf32, #tpu.memory_space<vmem>> -> memref<1x2x40x512xf32, #tpu.memory_space<vmem>>
      %dma_wait3A_383 = tpu.memref_squeeze %dma_wait3A_382 : memref<1x2x40x512xf32, #tpu.memory_space<vmem>> -> memref<2x40x512xf32, #tpu.memory_space<vmem>>
      %dma_wait3A_384 = arith.constant 0 : i32
      %dma_wait3A_385 = arith.constant 0 : i32
      %dma_wait3A_386 = arith.constant 0 : i32
      %dma_wait3A_387 = tpu.memref_slice %arg2[%get3A_260, %dma_wait3A_384, %dma_wait3A_385, %dma_wait3A_386] : memref<512x2x40x512xf32, #tpu.memory_space<hbm>> -> memref<1x2x40x512xf32, #tpu.memory_space<hbm>>
      %dma_wait3A_388 = tpu.memref_squeeze %dma_wait3A_387 : memref<1x2x40x512xf32, #tpu.memory_space<hbm>> -> memref<2x40x512xf32, #tpu.memory_space<hbm>>
      tpu.wait_dma2 semaphore(%dma_wait3A_378 : memref<!tpu.dma_semaphore, #tpu.memory_space<semaphore_mem>>) src(%dma_wait3A_388 : memref<2x40x512xf32, #tpu.memory_space<hbm>>) dst(%dma_wait3A_383 : memref<2x40x512xf32, #tpu.memory_space<vmem>>)
      %get3A_389 = arith.index_cast %select_n3A_377 : i32 to index
      %get3A_390 = arith.constant 0 : index
      %get3A_391 = arith.constant 0 : index
      %get3A_392 = arith.constant 0 : index
      %get3A_393 = vector.load %arg6[%get3A_389, %get3A_390, %get3A_391, %get3A_392] : memref<64x2x40x512xf32, #tpu.memory_space<vmem>>, vector<1x2x40x512xf32>
      %swap3A_394 = arith.constant 22 : index
      %swap3A_395 = arith.constant 0 : index
      %swap3A_396 = arith.constant 0 : index
      %swap3A_397 = arith.constant 0 : index
      %swap3A_398 = vector.load %arg4[%swap3A_394, %swap3A_395, %swap3A_396, %swap3A_397] : memref<32x2x40x512xf32, #tpu.memory_space<vmem>>, vector<1x2x40x512xf32>
      tpu.vector_store %arg4[%swap3A_394, %swap3A_395, %swap3A_396, %swap3A_397], %get3A_393 {strides = array<i32>} : memref<32x2x40x512xf32, #tpu.memory_space<vmem>>, vector<1x2x40x512xf32>,
      %add3A_399 = arith.constant 1 : i32
      %add3A_400 = arith.addi %get3A_366, %add3A_399 : i32
      %swap3A_401 = arith.constant 1 : index
      %swap3A_402 = memref.load %arg5[%swap3A_401] : memref<2xi32, #tpu.memory_space<smem>>
      memref.store %add3A_400, %arg5[%swap3A_401] : memref<2xi32, #tpu.memory_space<smem>>
    } else {
    }
    %mul3A_266 = arith.constant 32 : i32
    %mul3A_267 = arith.muli %arg0, %mul3A_266 : i32
    %add3A_268 = arith.constant 23 : i32
    %add3A_269 = arith.addi %mul3A_267, %add3A_268 : i32
    %get3A_270 = arith.index_cast %add3A_269 : i32 to index
    %get3A_271 = memref.load %arg1[%get3A_270] : memref<1024xi32, #tpu.memory_space<smem>>
    %ge3A_272 = arith.constant 0 : i32
    %ge3A_273 = arith.cmpi sge, %get3A_271, %ge3A_272 : i32
    %convert_element_type3A_274 = arith.extui %ge3A_273 : i1 to i32
    %cond3A_275 = arith.constant 0 : i32
    %cond3A_276 = arith.cmpi ne, %convert_element_type3A_274, %cond3A_275 : i32
    scf.if %cond3A_276 {
      %get3A_365 = arith.constant 1 : index
      %get3A_366 = memref.load %arg5[%get3A_365] : memref<2xi32, #tpu.memory_space<smem>>
      %jit3A = arith.constant 64 : i32
      %eq3A_367 = arith.constant 0 : i32
      %eq3A_368 = arith.cmpi eq, %jit3A, %eq3A_367 : i32
      %jit3A_369 = arith.constant 1 : i32
      %select_n3A = arith.select %eq3A_368, %jit3A_369, %jit3A : i32
      %rem3A = arith.remsi %get3A_366, %select_n3A : i32
      %ne3A = arith.constant 0 : i32
      %ne3A_370 = arith.cmpi ne, %rem3A, %ne3A : i32
      %lt3A_371 = arith.constant 0 : i32
      %lt3A_372 = arith.cmpi slt, %rem3A, %lt3A_371 : i32
      %lt3A_373 = arith.constant 0 : i32
      %lt3A_374 = arith.cmpi slt, %select_n3A, %lt3A_373 : i32
      %ne3A_375 = arith.xori %lt3A_372, %lt3A_374 : i1
      %and3A = arith.andi %ne3A_375, %ne3A_370 : i1
      %add3A_376 = arith.addi %rem3A, %select_n3A : i32
      %select_n3A_377 = arith.select %and3A, %add3A_376, %rem3A : i32
      %dma_wait3A = tpu.memref_slice %arg7[%select_n3A_377] : memref<64x!tpu.dma_semaphore, #tpu.memory_space<semaphore_mem>> -> memref<1x!tpu.dma_semaphore, #tpu.memory_space<semaphore_mem>>
      %dma_wait3A_378 = tpu.memref_squeeze %dma_wait3A : memref<1x!tpu.dma_semaphore, #tpu.memory_space<semaphore_mem>> -> memref<!tpu.dma_semaphore, #tpu.memory_space<semaphore_mem>>
      %dma_wait3A_379 = arith.constant 0 : i32
      %dma_wait3A_380 = arith.constant 0 : i32
      %dma_wait3A_381 = arith.constant 0 : i32
      %dma_wait3A_382 = tpu.memref_slice %arg6[%select_n3A_377, %dma_wait3A_379, %dma_wait3A_380, %dma_wait3A_381] : memref<64x2x40x512xf32, #tpu.memory_space<vmem>> -> memref<1x2x40x512xf32, #tpu.memory_space<vmem>>
      %dma_wait3A_383 = tpu.memref_squeeze %dma_wait3A_382 : memref<1x2x40x512xf32, #tpu.memory_space<vmem>> -> memref<2x40x512xf32, #tpu.memory_space<vmem>>
      %dma_wait3A_384 = arith.constant 0 : i32
      %dma_wait3A_385 = arith.constant 0 : i32
      %dma_wait3A_386 = arith.constant 0 : i32
      %dma_wait3A_387 = tpu.memref_slice %arg2[%get3A_271, %dma_wait3A_384, %dma_wait3A_385, %dma_wait3A_386] : memref<512x2x40x512xf32, #tpu.memory_space<hbm>> -> memref<1x2x40x512xf32, #tpu.memory_space<hbm>>
      %dma_wait3A_388 = tpu.memref_squeeze %dma_wait3A_387 : memref<1x2x40x512xf32, #tpu.memory_space<hbm>> -> memref<2x40x512xf32, #tpu.memory_space<hbm>>
      tpu.wait_dma2 semaphore(%dma_wait3A_378 : memref<!tpu.dma_semaphore, #tpu.memory_space<semaphore_mem>>) src(%dma_wait3A_388 : memref<2x40x512xf32, #tpu.memory_space<hbm>>) dst(%dma_wait3A_383 : memref<2x40x512xf32, #tpu.memory_space<vmem>>)
      %get3A_389 = arith.index_cast %select_n3A_377 : i32 to index
      %get3A_390 = arith.constant 0 : index
      %get3A_391 = arith.constant 0 : index
      %get3A_392 = arith.constant 0 : index
      %get3A_393 = vector.load %arg6[%get3A_389, %get3A_390, %get3A_391, %get3A_392] : memref<64x2x40x512xf32, #tpu.memory_space<vmem>>, vector<1x2x40x512xf32>
      %swap3A_394 = arith.constant 23 : index
      %swap3A_395 = arith.constant 0 : index
      %swap3A_396 = arith.constant 0 : index
      %swap3A_397 = arith.constant 0 : index
      %swap3A_398 = vector.load %arg4[%swap3A_394, %swap3A_395, %swap3A_396, %swap3A_397] : memref<32x2x40x512xf32, #tpu.memory_space<vmem>>, vector<1x2x40x512xf32>
      tpu.vector_store %arg4[%swap3A_394, %swap3A_395, %swap3A_396, %swap3A_397], %get3A_393 {strides = array<i32>} : memref<32x2x40x512xf32, #tpu.memory_space<vmem>>, vector<1x2x40x512xf32>,
      %add3A_399 = arith.constant 1 : i32
      %add3A_400 = arith.addi %get3A_366, %add3A_399 : i32
      %swap3A_401 = arith.constant 1 : index
      %swap3A_402 = memref.load %arg5[%swap3A_401] : memref<2xi32, #tpu.memory_space<smem>>
      memref.store %add3A_400, %arg5[%swap3A_401] : memref<2xi32, #tpu.memory_space<smem>>
    } else {
    }
    %mul3A_277 = arith.constant 32 : i32
    %mul3A_278 = arith.muli %arg0, %mul3A_277 : i32
    %add3A_279 = arith.constant 24 : i32
    %add3A_280 = arith.addi %mul3A_278, %add3A_279 : i32
    %get3A_281 = arith.index_cast %add3A_280 : i32 to index
    %get3A_282 = memref.load %arg1[%get3A_281] : memref<1024xi32, #tpu.memory_space<smem>>
    %ge3A_283 = arith.constant 0 : i32
    %ge3A_284 = arith.cmpi sge, %get3A_282, %ge3A_283 : i32
    %convert_element_type3A_285 = arith.extui %ge3A_284 : i1 to i32
    %cond3A_286 = arith.constant 0 : i32
    %cond3A_287 = arith.cmpi ne, %convert_element_type3A_285, %cond3A_286 : i32
    scf.if %cond3A_287 {
      %get3A_365 = arith.constant 1 : index
      %get3A_366 = memref.load %arg5[%get3A_365] : memref<2xi32, #tpu.memory_space<smem>>
      %jit3A = arith.constant 64 : i32
      %eq3A_367 = arith.constant 0 : i32
      %eq3A_368 = arith.cmpi eq, %jit3A, %eq3A_367 : i32
      %jit3A_369 = arith.constant 1 : i32
      %select_n3A = arith.select %eq3A_368, %jit3A_369, %jit3A : i32
      %rem3A = arith.remsi %get3A_366, %select_n3A : i32
      %ne3A = arith.constant 0 : i32
      %ne3A_370 = arith.cmpi ne, %rem3A, %ne3A : i32
      %lt3A_371 = arith.constant 0 : i32
      %lt3A_372 = arith.cmpi slt, %rem3A, %lt3A_371 : i32
      %lt3A_373 = arith.constant 0 : i32
      %lt3A_374 = arith.cmpi slt, %select_n3A, %lt3A_373 : i32
      %ne3A_375 = arith.xori %lt3A_372, %lt3A_374 : i1
      %and3A = arith.andi %ne3A_375, %ne3A_370 : i1
      %add3A_376 = arith.addi %rem3A, %select_n3A : i32
      %select_n3A_377 = arith.select %and3A, %add3A_376, %rem3A : i32
      %dma_wait3A = tpu.memref_slice %arg7[%select_n3A_377] : memref<64x!tpu.dma_semaphore, #tpu.memory_space<semaphore_mem>> -> memref<1x!tpu.dma_semaphore, #tpu.memory_space<semaphore_mem>>
      %dma_wait3A_378 = tpu.memref_squeeze %dma_wait3A : memref<1x!tpu.dma_semaphore, #tpu.memory_space<semaphore_mem>> -> memref<!tpu.dma_semaphore, #tpu.memory_space<semaphore_mem>>
      %dma_wait3A_379 = arith.constant 0 : i32
      %dma_wait3A_380 = arith.constant 0 : i32
      %dma_wait3A_381 = arith.constant 0 : i32
      %dma_wait3A_382 = tpu.memref_slice %arg6[%select_n3A_377, %dma_wait3A_379, %dma_wait3A_380, %dma_wait3A_381] : memref<64x2x40x512xf32, #tpu.memory_space<vmem>> -> memref<1x2x40x512xf32, #tpu.memory_space<vmem>>
      %dma_wait3A_383 = tpu.memref_squeeze %dma_wait3A_382 : memref<1x2x40x512xf32, #tpu.memory_space<vmem>> -> memref<2x40x512xf32, #tpu.memory_space<vmem>>
      %dma_wait3A_384 = arith.constant 0 : i32
      %dma_wait3A_385 = arith.constant 0 : i32
      %dma_wait3A_386 = arith.constant 0 : i32
      %dma_wait3A_387 = tpu.memref_slice %arg2[%get3A_282, %dma_wait3A_384, %dma_wait3A_385, %dma_wait3A_386] : memref<512x2x40x512xf32, #tpu.memory_space<hbm>> -> memref<1x2x40x512xf32, #tpu.memory_space<hbm>>
      %dma_wait3A_388 = tpu.memref_squeeze %dma_wait3A_387 : memref<1x2x40x512xf32, #tpu.memory_space<hbm>> -> memref<2x40x512xf32, #tpu.memory_space<hbm>>
      tpu.wait_dma2 semaphore(%dma_wait3A_378 : memref<!tpu.dma_semaphore, #tpu.memory_space<semaphore_mem>>) src(%dma_wait3A_388 : memref<2x40x512xf32, #tpu.memory_space<hbm>>) dst(%dma_wait3A_383 : memref<2x40x512xf32, #tpu.memory_space<vmem>>)
      %get3A_389 = arith.index_cast %select_n3A_377 : i32 to index
      %get3A_390 = arith.constant 0 : index
      %get3A_391 = arith.constant 0 : index
      %get3A_392 = arith.constant 0 : index
      %get3A_393 = vector.load %arg6[%get3A_389, %get3A_390, %get3A_391, %get3A_392] : memref<64x2x40x512xf32, #tpu.memory_space<vmem>>, vector<1x2x40x512xf32>
      %swap3A_394 = arith.constant 24 : index
      %swap3A_395 = arith.constant 0 : index
      %swap3A_396 = arith.constant 0 : index
      %swap3A_397 = arith.constant 0 : index
      %swap3A_398 = vector.load %arg4[%swap3A_394, %swap3A_395, %swap3A_396, %swap3A_397] : memref<32x2x40x512xf32, #tpu.memory_space<vmem>>, vector<1x2x40x512xf32>
      tpu.vector_store %arg4[%swap3A_394, %swap3A_395, %swap3A_396, %swap3A_397], %get3A_393 {strides = array<i32>} : memref<32x2x40x512xf32, #tpu.memory_space<vmem>>, vector<1x2x40x512xf32>,
      %add3A_399 = arith.constant 1 : i32
      %add3A_400 = arith.addi %get3A_366, %add3A_399 : i32
      %swap3A_401 = arith.constant 1 : index
      %swap3A_402 = memref.load %arg5[%swap3A_401] : memref<2xi32, #tpu.memory_space<smem>>
      memref.store %add3A_400, %arg5[%swap3A_401] : memref<2xi32, #tpu.memory_space<smem>>
    } else {
    }
    %mul3A_288 = arith.constant 32 : i32
    %mul3A_289 = arith.muli %arg0, %mul3A_288 : i32
    %add3A_290 = arith.constant 25 : i32
    %add3A_291 = arith.addi %mul3A_289, %add3A_290 : i32
    %get3A_292 = arith.index_cast %add3A_291 : i32 to index
    %get3A_293 = memref.load %arg1[%get3A_292] : memref<1024xi32, #tpu.memory_space<smem>>
    %ge3A_294 = arith.constant 0 : i32
    %ge3A_295 = arith.cmpi sge, %get3A_293, %ge3A_294 : i32
    %convert_element_type3A_296 = arith.extui %ge3A_295 : i1 to i32
    %cond3A_297 = arith.constant 0 : i32
    %cond3A_298 = arith.cmpi ne, %convert_element_type3A_296, %cond3A_297 : i32
    scf.if %cond3A_298 {
      %get3A_365 = arith.constant 1 : index
      %get3A_366 = memref.load %arg5[%get3A_365] : memref<2xi32, #tpu.memory_space<smem>>
      %jit3A = arith.constant 64 : i32
      %eq3A_367 = arith.constant 0 : i32
      %eq3A_368 = arith.cmpi eq, %jit3A, %eq3A_367 : i32
      %jit3A_369 = arith.constant 1 : i32
      %select_n3A = arith.select %eq3A_368, %jit3A_369, %jit3A : i32
      %rem3A = arith.remsi %get3A_366, %select_n3A : i32
      %ne3A = arith.constant 0 : i32
      %ne3A_370 = arith.cmpi ne, %rem3A, %ne3A : i32
      %lt3A_371 = arith.constant 0 : i32
      %lt3A_372 = arith.cmpi slt, %rem3A, %lt3A_371 : i32
      %lt3A_373 = arith.constant 0 : i32
      %lt3A_374 = arith.cmpi slt, %select_n3A, %lt3A_373 : i32
      %ne3A_375 = arith.xori %lt3A_372, %lt3A_374 : i1
      %and3A = arith.andi %ne3A_375, %ne3A_370 : i1
      %add3A_376 = arith.addi %rem3A, %select_n3A : i32
      %select_n3A_377 = arith.select %and3A, %add3A_376, %rem3A : i32
      %dma_wait3A = tpu.memref_slice %arg7[%select_n3A_377] : memref<64x!tpu.dma_semaphore, #tpu.memory_space<semaphore_mem>> -> memref<1x!tpu.dma_semaphore, #tpu.memory_space<semaphore_mem>>
      %dma_wait3A_378 = tpu.memref_squeeze %dma_wait3A : memref<1x!tpu.dma_semaphore, #tpu.memory_space<semaphore_mem>> -> memref<!tpu.dma_semaphore, #tpu.memory_space<semaphore_mem>>
      %dma_wait3A_379 = arith.constant 0 : i32
      %dma_wait3A_380 = arith.constant 0 : i32
      %dma_wait3A_381 = arith.constant 0 : i32
      %dma_wait3A_382 = tpu.memref_slice %arg6[%select_n3A_377, %dma_wait3A_379, %dma_wait3A_380, %dma_wait3A_381] : memref<64x2x40x512xf32, #tpu.memory_space<vmem>> -> memref<1x2x40x512xf32, #tpu.memory_space<vmem>>
      %dma_wait3A_383 = tpu.memref_squeeze %dma_wait3A_382 : memref<1x2x40x512xf32, #tpu.memory_space<vmem>> -> memref<2x40x512xf32, #tpu.memory_space<vmem>>
      %dma_wait3A_384 = arith.constant 0 : i32
      %dma_wait3A_385 = arith.constant 0 : i32
      %dma_wait3A_386 = arith.constant 0 : i32
      %dma_wait3A_387 = tpu.memref_slice %arg2[%get3A_293, %dma_wait3A_384, %dma_wait3A_385, %dma_wait3A_386] : memref<512x2x40x512xf32, #tpu.memory_space<hbm>> -> memref<1x2x40x512xf32, #tpu.memory_space<hbm>>
      %dma_wait3A_388 = tpu.memref_squeeze %dma_wait3A_387 : memref<1x2x40x512xf32, #tpu.memory_space<hbm>> -> memref<2x40x512xf32, #tpu.memory_space<hbm>>
      tpu.wait_dma2 semaphore(%dma_wait3A_378 : memref<!tpu.dma_semaphore, #tpu.memory_space<semaphore_mem>>) src(%dma_wait3A_388 : memref<2x40x512xf32, #tpu.memory_space<hbm>>) dst(%dma_wait3A_383 : memref<2x40x512xf32, #tpu.memory_space<vmem>>)
      %get3A_389 = arith.index_cast %select_n3A_377 : i32 to index
      %get3A_390 = arith.constant 0 : index
      %get3A_391 = arith.constant 0 : index
      %get3A_392 = arith.constant 0 : index
      %get3A_393 = vector.load %arg6[%get3A_389, %get3A_390, %get3A_391, %get3A_392] : memref<64x2x40x512xf32, #tpu.memory_space<vmem>>, vector<1x2x40x512xf32>
      %swap3A_394 = arith.constant 25 : index
      %swap3A_395 = arith.constant 0 : index
      %swap3A_396 = arith.constant 0 : index
      %swap3A_397 = arith.constant 0 : index
      %swap3A_398 = vector.load %arg4[%swap3A_394, %swap3A_395, %swap3A_396, %swap3A_397] : memref<32x2x40x512xf32, #tpu.memory_space<vmem>>, vector<1x2x40x512xf32>
      tpu.vector_store %arg4[%swap3A_394, %swap3A_395, %swap3A_396, %swap3A_397], %get3A_393 {strides = array<i32>} : memref<32x2x40x512xf32, #tpu.memory_space<vmem>>, vector<1x2x40x512xf32>,
      %add3A_399 = arith.constant 1 : i32
      %add3A_400 = arith.addi %get3A_366, %add3A_399 : i32
      %swap3A_401 = arith.constant 1 : index
      %swap3A_402 = memref.load %arg5[%swap3A_401] : memref<2xi32, #tpu.memory_space<smem>>
      memref.store %add3A_400, %arg5[%swap3A_401] : memref<2xi32, #tpu.memory_space<smem>>
    } else {
    }
    %mul3A_299 = arith.constant 32 : i32
    %mul3A_300 = arith.muli %arg0, %mul3A_299 : i32
    %add3A_301 = arith.constant 26 : i32
    %add3A_302 = arith.addi %mul3A_300, %add3A_301 : i32
    %get3A_303 = arith.index_cast %add3A_302 : i32 to index
    %get3A_304 = memref.load %arg1[%get3A_303] : memref<1024xi32, #tpu.memory_space<smem>>
    %ge3A_305 = arith.constant 0 : i32
    %ge3A_306 = arith.cmpi sge, %get3A_304, %ge3A_305 : i32
    %convert_element_type3A_307 = arith.extui %ge3A_306 : i1 to i32
    %cond3A_308 = arith.constant 0 : i32
    %cond3A_309 = arith.cmpi ne, %convert_element_type3A_307, %cond3A_308 : i32
    scf.if %cond3A_309 {
      %get3A_365 = arith.constant 1 : index
      %get3A_366 = memref.load %arg5[%get3A_365] : memref<2xi32, #tpu.memory_space<smem>>
      %jit3A = arith.constant 64 : i32
      %eq3A_367 = arith.constant 0 : i32
      %eq3A_368 = arith.cmpi eq, %jit3A, %eq3A_367 : i32
      %jit3A_369 = arith.constant 1 : i32
      %select_n3A = arith.select %eq3A_368, %jit3A_369, %jit3A : i32
      %rem3A = arith.remsi %get3A_366, %select_n3A : i32
      %ne3A = arith.constant 0 : i32
      %ne3A_370 = arith.cmpi ne, %rem3A, %ne3A : i32
      %lt3A_371 = arith.constant 0 : i32
      %lt3A_372 = arith.cmpi slt, %rem3A, %lt3A_371 : i32
      %lt3A_373 = arith.constant 0 : i32
      %lt3A_374 = arith.cmpi slt, %select_n3A, %lt3A_373 : i32
      %ne3A_375 = arith.xori %lt3A_372, %lt3A_374 : i1
      %and3A = arith.andi %ne3A_375, %ne3A_370 : i1
      %add3A_376 = arith.addi %rem3A, %select_n3A : i32
      %select_n3A_377 = arith.select %and3A, %add3A_376, %rem3A : i32
      %dma_wait3A = tpu.memref_slice %arg7[%select_n3A_377] : memref<64x!tpu.dma_semaphore, #tpu.memory_space<semaphore_mem>> -> memref<1x!tpu.dma_semaphore, #tpu.memory_space<semaphore_mem>>
      %dma_wait3A_378 = tpu.memref_squeeze %dma_wait3A : memref<1x!tpu.dma_semaphore, #tpu.memory_space<semaphore_mem>> -> memref<!tpu.dma_semaphore, #tpu.memory_space<semaphore_mem>>
      %dma_wait3A_379 = arith.constant 0 : i32
      %dma_wait3A_380 = arith.constant 0 : i32
      %dma_wait3A_381 = arith.constant 0 : i32
      %dma_wait3A_382 = tpu.memref_slice %arg6[%select_n3A_377, %dma_wait3A_379, %dma_wait3A_380, %dma_wait3A_381] : memref<64x2x40x512xf32, #tpu.memory_space<vmem>> -> memref<1x2x40x512xf32, #tpu.memory_space<vmem>>
      %dma_wait3A_383 = tpu.memref_squeeze %dma_wait3A_382 : memref<1x2x40x512xf32, #tpu.memory_space<vmem>> -> memref<2x40x512xf32, #tpu.memory_space<vmem>>
      %dma_wait3A_384 = arith.constant 0 : i32
      %dma_wait3A_385 = arith.constant 0 : i32
      %dma_wait3A_386 = arith.constant 0 : i32
      %dma_wait3A_387 = tpu.memref_slice %arg2[%get3A_304, %dma_wait3A_384, %dma_wait3A_385, %dma_wait3A_386] : memref<512x2x40x512xf32, #tpu.memory_space<hbm>> -> memref<1x2x40x512xf32, #tpu.memory_space<hbm>>
      %dma_wait3A_388 = tpu.memref_squeeze %dma_wait3A_387 : memref<1x2x40x512xf32, #tpu.memory_space<hbm>> -> memref<2x40x512xf32, #tpu.memory_space<hbm>>
      tpu.wait_dma2 semaphore(%dma_wait3A_378 : memref<!tpu.dma_semaphore, #tpu.memory_space<semaphore_mem>>) src(%dma_wait3A_388 : memref<2x40x512xf32, #tpu.memory_space<hbm>>) dst(%dma_wait3A_383 : memref<2x40x512xf32, #tpu.memory_space<vmem>>)
      %get3A_389 = arith.index_cast %select_n3A_377 : i32 to index
      %get3A_390 = arith.constant 0 : index
      %get3A_391 = arith.constant 0 : index
      %get3A_392 = arith.constant 0 : index
      %get3A_393 = vector.load %arg6[%get3A_389, %get3A_390, %get3A_391, %get3A_392] : memref<64x2x40x512xf32, #tpu.memory_space<vmem>>, vector<1x2x40x512xf32>
      %swap3A_394 = arith.constant 26 : index
      %swap3A_395 = arith.constant 0 : index
      %swap3A_396 = arith.constant 0 : index
      %swap3A_397 = arith.constant 0 : index
      %swap3A_398 = vector.load %arg4[%swap3A_394, %swap3A_395, %swap3A_396, %swap3A_397] : memref<32x2x40x512xf32, #tpu.memory_space<vmem>>, vector<1x2x40x512xf32>
      tpu.vector_store %arg4[%swap3A_394, %swap3A_395, %swap3A_396, %swap3A_397], %get3A_393 {strides = array<i32>} : memref<32x2x40x512xf32, #tpu.memory_space<vmem>>, vector<1x2x40x512xf32>,
      %add3A_399 = arith.constant 1 : i32
      %add3A_400 = arith.addi %get3A_366, %add3A_399 : i32
      %swap3A_401 = arith.constant 1 : index
      %swap3A_402 = memref.load %arg5[%swap3A_401] : memref<2xi32, #tpu.memory_space<smem>>
      memref.store %add3A_400, %arg5[%swap3A_401] : memref<2xi32, #tpu.memory_space<smem>>
    } else {
    }
    %mul3A_310 = arith.constant 32 : i32
    %mul3A_311 = arith.muli %arg0, %mul3A_310 : i32
    %add3A_312 = arith.constant 27 : i32
    %add3A_313 = arith.addi %mul3A_311, %add3A_312 : i32
    %get3A_314 = arith.index_cast %add3A_313 : i32 to index
    %get3A_315 = memref.load %arg1[%get3A_314] : memref<1024xi32, #tpu.memory_space<smem>>
    %ge3A_316 = arith.constant 0 : i32
    %ge3A_317 = arith.cmpi sge, %get3A_315, %ge3A_316 : i32
    %convert_element_type3A_318 = arith.extui %ge3A_317 : i1 to i32
    %cond3A_319 = arith.constant 0 : i32
    %cond3A_320 = arith.cmpi ne, %convert_element_type3A_318, %cond3A_319 : i32
    scf.if %cond3A_320 {
      %get3A_365 = arith.constant 1 : index
      %get3A_366 = memref.load %arg5[%get3A_365] : memref<2xi32, #tpu.memory_space<smem>>
      %jit3A = arith.constant 64 : i32
      %eq3A_367 = arith.constant 0 : i32
      %eq3A_368 = arith.cmpi eq, %jit3A, %eq3A_367 : i32
      %jit3A_369 = arith.constant 1 : i32
      %select_n3A = arith.select %eq3A_368, %jit3A_369, %jit3A : i32
      %rem3A = arith.remsi %get3A_366, %select_n3A : i32
      %ne3A = arith.constant 0 : i32
      %ne3A_370 = arith.cmpi ne, %rem3A, %ne3A : i32
      %lt3A_371 = arith.constant 0 : i32
      %lt3A_372 = arith.cmpi slt, %rem3A, %lt3A_371 : i32
      %lt3A_373 = arith.constant 0 : i32
      %lt3A_374 = arith.cmpi slt, %select_n3A, %lt3A_373 : i32
      %ne3A_375 = arith.xori %lt3A_372, %lt3A_374 : i1
      %and3A = arith.andi %ne3A_375, %ne3A_370 : i1
      %add3A_376 = arith.addi %rem3A, %select_n3A : i32
      %select_n3A_377 = arith.select %and3A, %add3A_376, %rem3A : i32
      %dma_wait3A = tpu.memref_slice %arg7[%select_n3A_377] : memref<64x!tpu.dma_semaphore, #tpu.memory_space<semaphore_mem>> -> memref<1x!tpu.dma_semaphore, #tpu.memory_space<semaphore_mem>>
      %dma_wait3A_378 = tpu.memref_squeeze %dma_wait3A : memref<1x!tpu.dma_semaphore, #tpu.memory_space<semaphore_mem>> -> memref<!tpu.dma_semaphore, #tpu.memory_space<semaphore_mem>>
      %dma_wait3A_379 = arith.constant 0 : i32
      %dma_wait3A_380 = arith.constant 0 : i32
      %dma_wait3A_381 = arith.constant 0 : i32
      %dma_wait3A_382 = tpu.memref_slice %arg6[%select_n3A_377, %dma_wait3A_379, %dma_wait3A_380, %dma_wait3A_381] : memref<64x2x40x512xf32, #tpu.memory_space<vmem>> -> memref<1x2x40x512xf32, #tpu.memory_space<vmem>>
      %dma_wait3A_383 = tpu.memref_squeeze %dma_wait3A_382 : memref<1x2x40x512xf32, #tpu.memory_space<vmem>> -> memref<2x40x512xf32, #tpu.memory_space<vmem>>
      %dma_wait3A_384 = arith.constant 0 : i32
      %dma_wait3A_385 = arith.constant 0 : i32
      %dma_wait3A_386 = arith.constant 0 : i32
      %dma_wait3A_387 = tpu.memref_slice %arg2[%get3A_315, %dma_wait3A_384, %dma_wait3A_385, %dma_wait3A_386] : memref<512x2x40x512xf32, #tpu.memory_space<hbm>> -> memref<1x2x40x512xf32, #tpu.memory_space<hbm>>
      %dma_wait3A_388 = tpu.memref_squeeze %dma_wait3A_387 : memref<1x2x40x512xf32, #tpu.memory_space<hbm>> -> memref<2x40x512xf32, #tpu.memory_space<hbm>>
      tpu.wait_dma2 semaphore(%dma_wait3A_378 : memref<!tpu.dma_semaphore, #tpu.memory_space<semaphore_mem>>) src(%dma_wait3A_388 : memref<2x40x512xf32, #tpu.memory_space<hbm>>) dst(%dma_wait3A_383 : memref<2x40x512xf32, #tpu.memory_space<vmem>>)
      %get3A_389 = arith.index_cast %select_n3A_377 : i32 to index
      %get3A_390 = arith.constant 0 : index
      %get3A_391 = arith.constant 0 : index
      %get3A_392 = arith.constant 0 : index
      %get3A_393 = vector.load %arg6[%get3A_389, %get3A_390, %get3A_391, %get3A_392] : memref<64x2x40x512xf32, #tpu.memory_space<vmem>>, vector<1x2x40x512xf32>
      %swap3A_394 = arith.constant 27 : index
      %swap3A_395 = arith.constant 0 : index
      %swap3A_396 = arith.constant 0 : index
      %swap3A_397 = arith.constant 0 : index
      %swap3A_398 = vector.load %arg4[%swap3A_394, %swap3A_395, %swap3A_396, %swap3A_397] : memref<32x2x40x512xf32, #tpu.memory_space<vmem>>, vector<1x2x40x512xf32>
      tpu.vector_store %arg4[%swap3A_394, %swap3A_395, %swap3A_396, %swap3A_397], %get3A_393 {strides = array<i32>} : memref<32x2x40x512xf32, #tpu.memory_space<vmem>>, vector<1x2x40x512xf32>,
      %add3A_399 = arith.constant 1 : i32
      %add3A_400 = arith.addi %get3A_366, %add3A_399 : i32
      %swap3A_401 = arith.constant 1 : index
      %swap3A_402 = memref.load %arg5[%swap3A_401] : memref<2xi32, #tpu.memory_space<smem>>
      memref.store %add3A_400, %arg5[%swap3A_401] : memref<2xi32, #tpu.memory_space<smem>>
    } else {
    }
    %mul3A_321 = arith.constant 32 : i32
    %mul3A_322 = arith.muli %arg0, %mul3A_321 : i32
    %add3A_323 = arith.constant 28 : i32
    %add3A_324 = arith.addi %mul3A_322, %add3A_323 : i32
    %get3A_325 = arith.index_cast %add3A_324 : i32 to index
    %get3A_326 = memref.load %arg1[%get3A_325] : memref<1024xi32, #tpu.memory_space<smem>>
    %ge3A_327 = arith.constant 0 : i32
    %ge3A_328 = arith.cmpi sge, %get3A_326, %ge3A_327 : i32
    %convert_element_type3A_329 = arith.extui %ge3A_328 : i1 to i32
    %cond3A_330 = arith.constant 0 : i32
    %cond3A_331 = arith.cmpi ne, %convert_element_type3A_329, %cond3A_330 : i32
    scf.if %cond3A_331 {
      %get3A_365 = arith.constant 1 : index
      %get3A_366 = memref.load %arg5[%get3A_365] : memref<2xi32, #tpu.memory_space<smem>>
      %jit3A = arith.constant 64 : i32
      %eq3A_367 = arith.constant 0 : i32
      %eq3A_368 = arith.cmpi eq, %jit3A, %eq3A_367 : i32
      %jit3A_369 = arith.constant 1 : i32
      %select_n3A = arith.select %eq3A_368, %jit3A_369, %jit3A : i32
      %rem3A = arith.remsi %get3A_366, %select_n3A : i32
      %ne3A = arith.constant 0 : i32
      %ne3A_370 = arith.cmpi ne, %rem3A, %ne3A : i32
      %lt3A_371 = arith.constant 0 : i32
      %lt3A_372 = arith.cmpi slt, %rem3A, %lt3A_371 : i32
      %lt3A_373 = arith.constant 0 : i32
      %lt3A_374 = arith.cmpi slt, %select_n3A, %lt3A_373 : i32
      %ne3A_375 = arith.xori %lt3A_372, %lt3A_374 : i1
      %and3A = arith.andi %ne3A_375, %ne3A_370 : i1
      %add3A_376 = arith.addi %rem3A, %select_n3A : i32
      %select_n3A_377 = arith.select %and3A, %add3A_376, %rem3A : i32
      %dma_wait3A = tpu.memref_slice %arg7[%select_n3A_377] : memref<64x!tpu.dma_semaphore, #tpu.memory_space<semaphore_mem>> -> memref<1x!tpu.dma_semaphore, #tpu.memory_space<semaphore_mem>>
      %dma_wait3A_378 = tpu.memref_squeeze %dma_wait3A : memref<1x!tpu.dma_semaphore, #tpu.memory_space<semaphore_mem>> -> memref<!tpu.dma_semaphore, #tpu.memory_space<semaphore_mem>>
      %dma_wait3A_379 = arith.constant 0 : i32
      %dma_wait3A_380 = arith.constant 0 : i32
      %dma_wait3A_381 = arith.constant 0 : i32
      %dma_wait3A_382 = tpu.memref_slice %arg6[%select_n3A_377, %dma_wait3A_379, %dma_wait3A_380, %dma_wait3A_381] : memref<64x2x40x512xf32, #tpu.memory_space<vmem>> -> memref<1x2x40x512xf32, #tpu.memory_space<vmem>>
      %dma_wait3A_383 = tpu.memref_squeeze %dma_wait3A_382 : memref<1x2x40x512xf32, #tpu.memory_space<vmem>> -> memref<2x40x512xf32, #tpu.memory_space<vmem>>
      %dma_wait3A_384 = arith.constant 0 : i32
      %dma_wait3A_385 = arith.constant 0 : i32
      %dma_wait3A_386 = arith.constant 0 : i32
      %dma_wait3A_387 = tpu.memref_slice %arg2[%get3A_326, %dma_wait3A_384, %dma_wait3A_385, %dma_wait3A_386] : memref<512x2x40x512xf32, #tpu.memory_space<hbm>> -> memref<1x2x40x512xf32, #tpu.memory_space<hbm>>
      %dma_wait3A_388 = tpu.memref_squeeze %dma_wait3A_387 : memref<1x2x40x512xf32, #tpu.memory_space<hbm>> -> memref<2x40x512xf32, #tpu.memory_space<hbm>>
      tpu.wait_dma2 semaphore(%dma_wait3A_378 : memref<!tpu.dma_semaphore, #tpu.memory_space<semaphore_mem>>) src(%dma_wait3A_388 : memref<2x40x512xf32, #tpu.memory_space<hbm>>) dst(%dma_wait3A_383 : memref<2x40x512xf32, #tpu.memory_space<vmem>>)
      %get3A_389 = arith.index_cast %select_n3A_377 : i32 to index
      %get3A_390 = arith.constant 0 : index
      %get3A_391 = arith.constant 0 : index
      %get3A_392 = arith.constant 0 : index
      %get3A_393 = vector.load %arg6[%get3A_389, %get3A_390, %get3A_391, %get3A_392] : memref<64x2x40x512xf32, #tpu.memory_space<vmem>>, vector<1x2x40x512xf32>
      %swap3A_394 = arith.constant 28 : index
      %swap3A_395 = arith.constant 0 : index
      %swap3A_396 = arith.constant 0 : index
      %swap3A_397 = arith.constant 0 : index
      %swap3A_398 = vector.load %arg4[%swap3A_394, %swap3A_395, %swap3A_396, %swap3A_397] : memref<32x2x40x512xf32, #tpu.memory_space<vmem>>, vector<1x2x40x512xf32>
      tpu.vector_store %arg4[%swap3A_394, %swap3A_395, %swap3A_396, %swap3A_397], %get3A_393 {strides = array<i32>} : memref<32x2x40x512xf32, #tpu.memory_space<vmem>>, vector<1x2x40x512xf32>,
      %add3A_399 = arith.constant 1 : i32
      %add3A_400 = arith.addi %get3A_366, %add3A_399 : i32
      %swap3A_401 = arith.constant 1 : index
      %swap3A_402 = memref.load %arg5[%swap3A_401] : memref<2xi32, #tpu.memory_space<smem>>
      memref.store %add3A_400, %arg5[%swap3A_401] : memref<2xi32, #tpu.memory_space<smem>>
    } else {
    }
    %mul3A_332 = arith.constant 32 : i32
    %mul3A_333 = arith.muli %arg0, %mul3A_332 : i32
    %add3A_334 = arith.constant 29 : i32
    %add3A_335 = arith.addi %mul3A_333, %add3A_334 : i32
    %get3A_336 = arith.index_cast %add3A_335 : i32 to index
    %get3A_337 = memref.load %arg1[%get3A_336] : memref<1024xi32, #tpu.memory_space<smem>>
    %ge3A_338 = arith.constant 0 : i32
    %ge3A_339 = arith.cmpi sge, %get3A_337, %ge3A_338 : i32
    %convert_element_type3A_340 = arith.extui %ge3A_339 : i1 to i32
    %cond3A_341 = arith.constant 0 : i32
    %cond3A_342 = arith.cmpi ne, %convert_element_type3A_340, %cond3A_341 : i32
    scf.if %cond3A_342 {
      %get3A_365 = arith.constant 1 : index
      %get3A_366 = memref.load %arg5[%get3A_365] : memref<2xi32, #tpu.memory_space<smem>>
      %jit3A = arith.constant 64 : i32
      %eq3A_367 = arith.constant 0 : i32
      %eq3A_368 = arith.cmpi eq, %jit3A, %eq3A_367 : i32
      %jit3A_369 = arith.constant 1 : i32
      %select_n3A = arith.select %eq3A_368, %jit3A_369, %jit3A : i32
      %rem3A = arith.remsi %get3A_366, %select_n3A : i32
      %ne3A = arith.constant 0 : i32
      %ne3A_370 = arith.cmpi ne, %rem3A, %ne3A : i32
      %lt3A_371 = arith.constant 0 : i32
      %lt3A_372 = arith.cmpi slt, %rem3A, %lt3A_371 : i32
      %lt3A_373 = arith.constant 0 : i32
      %lt3A_374 = arith.cmpi slt, %select_n3A, %lt3A_373 : i32
      %ne3A_375 = arith.xori %lt3A_372, %lt3A_374 : i1
      %and3A = arith.andi %ne3A_375, %ne3A_370 : i1
      %add3A_376 = arith.addi %rem3A, %select_n3A : i32
      %select_n3A_377 = arith.select %and3A, %add3A_376, %rem3A : i32
      %dma_wait3A = tpu.memref_slice %arg7[%select_n3A_377] : memref<64x!tpu.dma_semaphore, #tpu.memory_space<semaphore_mem>> -> memref<1x!tpu.dma_semaphore, #tpu.memory_space<semaphore_mem>>
      %dma_wait3A_378 = tpu.memref_squeeze %dma_wait3A : memref<1x!tpu.dma_semaphore, #tpu.memory_space<semaphore_mem>> -> memref<!tpu.dma_semaphore, #tpu.memory_space<semaphore_mem>>
      %dma_wait3A_379 = arith.constant 0 : i32
      %dma_wait3A_380 = arith.constant 0 : i32
      %dma_wait3A_381 = arith.constant 0 : i32
      %dma_wait3A_382 = tpu.memref_slice %arg6[%select_n3A_377, %dma_wait3A_379, %dma_wait3A_380, %dma_wait3A_381] : memref<64x2x40x512xf32, #tpu.memory_space<vmem>> -> memref<1x2x40x512xf32, #tpu.memory_space<vmem>>
      %dma_wait3A_383 = tpu.memref_squeeze %dma_wait3A_382 : memref<1x2x40x512xf32, #tpu.memory_space<vmem>> -> memref<2x40x512xf32, #tpu.memory_space<vmem>>
      %dma_wait3A_384 = arith.constant 0 : i32
      %dma_wait3A_385 = arith.constant 0 : i32
      %dma_wait3A_386 = arith.constant 0 : i32
      %dma_wait3A_387 = tpu.memref_slice %arg2[%get3A_337, %dma_wait3A_384, %dma_wait3A_385, %dma_wait3A_386] : memref<512x2x40x512xf32, #tpu.memory_space<hbm>> -> memref<1x2x40x512xf32, #tpu.memory_space<hbm>>
      %dma_wait3A_388 = tpu.memref_squeeze %dma_wait3A_387 : memref<1x2x40x512xf32, #tpu.memory_space<hbm>> -> memref<2x40x512xf32, #tpu.memory_space<hbm>>
      tpu.wait_dma2 semaphore(%dma_wait3A_378 : memref<!tpu.dma_semaphore, #tpu.memory_space<semaphore_mem>>) src(%dma_wait3A_388 : memref<2x40x512xf32, #tpu.memory_space<hbm>>) dst(%dma_wait3A_383 : memref<2x40x512xf32, #tpu.memory_space<vmem>>)
      %get3A_389 = arith.index_cast %select_n3A_377 : i32 to index
      %get3A_390 = arith.constant 0 : index
      %get3A_391 = arith.constant 0 : index
      %get3A_392 = arith.constant 0 : index
      %get3A_393 = vector.load %arg6[%get3A_389, %get3A_390, %get3A_391, %get3A_392] : memref<64x2x40x512xf32, #tpu.memory_space<vmem>>, vector<1x2x40x512xf32>
      %swap3A_394 = arith.constant 29 : index
      %swap3A_395 = arith.constant 0 : index
      %swap3A_396 = arith.constant 0 : index
      %swap3A_397 = arith.constant 0 : index
      %swap3A_398 = vector.load %arg4[%swap3A_394, %swap3A_395, %swap3A_396, %swap3A_397] : memref<32x2x40x512xf32, #tpu.memory_space<vmem>>, vector<1x2x40x512xf32>
      tpu.vector_store %arg4[%swap3A_394, %swap3A_395, %swap3A_396, %swap3A_397], %get3A_393 {strides = array<i32>} : memref<32x2x40x512xf32, #tpu.memory_space<vmem>>, vector<1x2x40x512xf32>,
      %add3A_399 = arith.constant 1 : i32
      %add3A_400 = arith.addi %get3A_366, %add3A_399 : i32
      %swap3A_401 = arith.constant 1 : index
      %swap3A_402 = memref.load %arg5[%swap3A_401] : memref<2xi32, #tpu.memory_space<smem>>
      memref.store %add3A_400, %arg5[%swap3A_401] : memref<2xi32, #tpu.memory_space<smem>>
    } else {
    }
    %mul3A_343 = arith.constant 32 : i32
    %mul3A_344 = arith.muli %arg0, %mul3A_343 : i32
    %add3A_345 = arith.constant 30 : i32
    %add3A_346 = arith.addi %mul3A_344, %add3A_345 : i32
    %get3A_347 = arith.index_cast %add3A_346 : i32 to index
    %get3A_348 = memref.load %arg1[%get3A_347] : memref<1024xi32, #tpu.memory_space<smem>>
    %ge3A_349 = arith.constant 0 : i32
    %ge3A_350 = arith.cmpi sge, %get3A_348, %ge3A_349 : i32
    %convert_element_type3A_351 = arith.extui %ge3A_350 : i1 to i32
    %cond3A_352 = arith.constant 0 : i32
    %cond3A_353 = arith.cmpi ne, %convert_element_type3A_351, %cond3A_352 : i32
    scf.if %cond3A_353 {
      %get3A_365 = arith.constant 1 : index
      %get3A_366 = memref.load %arg5[%get3A_365] : memref<2xi32, #tpu.memory_space<smem>>
      %jit3A = arith.constant 64 : i32
      %eq3A_367 = arith.constant 0 : i32
      %eq3A_368 = arith.cmpi eq, %jit3A, %eq3A_367 : i32
      %jit3A_369 = arith.constant 1 : i32
      %select_n3A = arith.select %eq3A_368, %jit3A_369, %jit3A : i32
      %rem3A = arith.remsi %get3A_366, %select_n3A : i32
      %ne3A = arith.constant 0 : i32
      %ne3A_370 = arith.cmpi ne, %rem3A, %ne3A : i32
      %lt3A_371 = arith.constant 0 : i32
      %lt3A_372 = arith.cmpi slt, %rem3A, %lt3A_371 : i32
      %lt3A_373 = arith.constant 0 : i32
      %lt3A_374 = arith.cmpi slt, %select_n3A, %lt3A_373 : i32
      %ne3A_375 = arith.xori %lt3A_372, %lt3A_374 : i1
      %and3A = arith.andi %ne3A_375, %ne3A_370 : i1
      %add3A_376 = arith.addi %rem3A, %select_n3A : i32
      %select_n3A_377 = arith.select %and3A, %add3A_376, %rem3A : i32
      %dma_wait3A = tpu.memref_slice %arg7[%select_n3A_377] : memref<64x!tpu.dma_semaphore, #tpu.memory_space<semaphore_mem>> -> memref<1x!tpu.dma_semaphore, #tpu.memory_space<semaphore_mem>>
      %dma_wait3A_378 = tpu.memref_squeeze %dma_wait3A : memref<1x!tpu.dma_semaphore, #tpu.memory_space<semaphore_mem>> -> memref<!tpu.dma_semaphore, #tpu.memory_space<semaphore_mem>>
      %dma_wait3A_379 = arith.constant 0 : i32
      %dma_wait3A_380 = arith.constant 0 : i32
      %dma_wait3A_381 = arith.constant 0 : i32
      %dma_wait3A_382 = tpu.memref_slice %arg6[%select_n3A_377, %dma_wait3A_379, %dma_wait3A_380, %dma_wait3A_381] : memref<64x2x40x512xf32, #tpu.memory_space<vmem>> -> memref<1x2x40x512xf32, #tpu.memory_space<vmem>>
      %dma_wait3A_383 = tpu.memref_squeeze %dma_wait3A_382 : memref<1x2x40x512xf32, #tpu.memory_space<vmem>> -> memref<2x40x512xf32, #tpu.memory_space<vmem>>
      %dma_wait3A_384 = arith.constant 0 : i32
      %dma_wait3A_385 = arith.constant 0 : i32
      %dma_wait3A_386 = arith.constant 0 : i32
      %dma_wait3A_387 = tpu.memref_slice %arg2[%get3A_348, %dma_wait3A_384, %dma_wait3A_385, %dma_wait3A_386] : memref<512x2x40x512xf32, #tpu.memory_space<hbm>> -> memref<1x2x40x512xf32, #tpu.memory_space<hbm>>
      %dma_wait3A_388 = tpu.memref_squeeze %dma_wait3A_387 : memref<1x2x40x512xf32, #tpu.memory_space<hbm>> -> memref<2x40x512xf32, #tpu.memory_space<hbm>>
      tpu.wait_dma2 semaphore(%dma_wait3A_378 : memref<!tpu.dma_semaphore, #tpu.memory_space<semaphore_mem>>) src(%dma_wait3A_388 : memref<2x40x512xf32, #tpu.memory_space<hbm>>) dst(%dma_wait3A_383 : memref<2x40x512xf32, #tpu.memory_space<vmem>>)
      %get3A_389 = arith.index_cast %select_n3A_377 : i32 to index
      %get3A_390 = arith.constant 0 : index
      %get3A_391 = arith.constant 0 : index
      %get3A_392 = arith.constant 0 : index
      %get3A_393 = vector.load %arg6[%get3A_389, %get3A_390, %get3A_391, %get3A_392] : memref<64x2x40x512xf32, #tpu.memory_space<vmem>>, vector<1x2x40x512xf32>
      %swap3A_394 = arith.constant 30 : index
      %swap3A_395 = arith.constant 0 : index
      %swap3A_396 = arith.constant 0 : index
      %swap3A_397 = arith.constant 0 : index
      %swap3A_398 = vector.load %arg4[%swap3A_394, %swap3A_395, %swap3A_396, %swap3A_397] : memref<32x2x40x512xf32, #tpu.memory_space<vmem>>, vector<1x2x40x512xf32>
      tpu.vector_store %arg4[%swap3A_394, %swap3A_395, %swap3A_396, %swap3A_397], %get3A_393 {strides = array<i32>} : memref<32x2x40x512xf32, #tpu.memory_space<vmem>>, vector<1x2x40x512xf32>,
      %add3A_399 = arith.constant 1 : i32
      %add3A_400 = arith.addi %get3A_366, %add3A_399 : i32
      %swap3A_401 = arith.constant 1 : index
      %swap3A_402 = memref.load %arg5[%swap3A_401] : memref<2xi32, #tpu.memory_space<smem>>
      memref.store %add3A_400, %arg5[%swap3A_401] : memref<2xi32, #tpu.memory_space<smem>>
    } else {
    }
    %mul3A_354 = arith.constant 32 : i32
    %mul3A_355 = arith.muli %arg0, %mul3A_354 : i32
    %add3A_356 = arith.constant 31 : i32
    %add3A_357 = arith.addi %mul3A_355, %add3A_356 : i32
    %get3A_358 = arith.index_cast %add3A_357 : i32 to index
    %get3A_359 = memref.load %arg1[%get3A_358] : memref<1024xi32, #tpu.memory_space<smem>>
    %ge3A_360 = arith.constant 0 : i32
    %ge3A_361 = arith.cmpi sge, %get3A_359, %ge3A_360 : i32
    %convert_element_type3A_362 = arith.extui %ge3A_361 : i1 to i32
    %cond3A_363 = arith.constant 0 : i32
    %cond3A_364 = arith.cmpi ne, %convert_element_type3A_362, %cond3A_363 : i32
    scf.if %cond3A_364 {
      %get3A_365 = arith.constant 1 : index
      %get3A_366 = memref.load %arg5[%get3A_365] : memref<2xi32, #tpu.memory_space<smem>>
      %jit3A = arith.constant 64 : i32
      %eq3A_367 = arith.constant 0 : i32
      %eq3A_368 = arith.cmpi eq, %jit3A, %eq3A_367 : i32
      %jit3A_369 = arith.constant 1 : i32
      %select_n3A = arith.select %eq3A_368, %jit3A_369, %jit3A : i32
      %rem3A = arith.remsi %get3A_366, %select_n3A : i32
      %ne3A = arith.constant 0 : i32
      %ne3A_370 = arith.cmpi ne, %rem3A, %ne3A : i32
      %lt3A_371 = arith.constant 0 : i32
      %lt3A_372 = arith.cmpi slt, %rem3A, %lt3A_371 : i32
      %lt3A_373 = arith.constant 0 : i32
      %lt3A_374 = arith.cmpi slt, %select_n3A, %lt3A_373 : i32
      %ne3A_375 = arith.xori %lt3A_372, %lt3A_374 : i1
      %and3A = arith.andi %ne3A_375, %ne3A_370 : i1
      %add3A_376 = arith.addi %rem3A, %select_n3A : i32
      %select_n3A_377 = arith.select %and3A, %add3A_376, %rem3A : i32
      %dma_wait3A = tpu.memref_slice %arg7[%select_n3A_377] : memref<64x!tpu.dma_semaphore, #tpu.memory_space<semaphore_mem>> -> memref<1x!tpu.dma_semaphore, #tpu.memory_space<semaphore_mem>>
      %dma_wait3A_378 = tpu.memref_squeeze %dma_wait3A : memref<1x!tpu.dma_semaphore, #tpu.memory_space<semaphore_mem>> -> memref<!tpu.dma_semaphore, #tpu.memory_space<semaphore_mem>>
      %dma_wait3A_379 = arith.constant 0 : i32
      %dma_wait3A_380 = arith.constant 0 : i32
      %dma_wait3A_381 = arith.constant 0 : i32
      %dma_wait3A_382 = tpu.memref_slice %arg6[%select_n3A_377, %dma_wait3A_379, %dma_wait3A_380, %dma_wait3A_381] : memref<64x2x40x512xf32, #tpu.memory_space<vmem>> -> memref<1x2x40x512xf32, #tpu.memory_space<vmem>>
      %dma_wait3A_383 = tpu.memref_squeeze %dma_wait3A_382 : memref<1x2x40x512xf32, #tpu.memory_space<vmem>> -> memref<2x40x512xf32, #tpu.memory_space<vmem>>
      %dma_wait3A_384 = arith.constant 0 : i32
      %dma_wait3A_385 = arith.constant 0 : i32
      %dma_wait3A_386 = arith.constant 0 : i32
      %dma_wait3A_387 = tpu.memref_slice %arg2[%get3A_359, %dma_wait3A_384, %dma_wait3A_385, %dma_wait3A_386] : memref<512x2x40x512xf32, #tpu.memory_space<hbm>> -> memref<1x2x40x512xf32, #tpu.memory_space<hbm>>
      %dma_wait3A_388 = tpu.memref_squeeze %dma_wait3A_387 : memref<1x2x40x512xf32, #tpu.memory_space<hbm>> -> memref<2x40x512xf32, #tpu.memory_space<hbm>>
      tpu.wait_dma2 semaphore(%dma_wait3A_378 : memref<!tpu.dma_semaphore, #tpu.memory_space<semaphore_mem>>) src(%dma_wait3A_388 : memref<2x40x512xf32, #tpu.memory_space<hbm>>) dst(%dma_wait3A_383 : memref<2x40x512xf32, #tpu.memory_space<vmem>>)
      %get3A_389 = arith.index_cast %select_n3A_377 : i32 to index
      %get3A_390 = arith.constant 0 : index
      %get3A_391 = arith.constant 0 : index
      %get3A_392 = arith.constant 0 : index
      %get3A_393 = vector.load %arg6[%get3A_389, %get3A_390, %get3A_391, %get3A_392] : memref<64x2x40x512xf32, #tpu.memory_space<vmem>>, vector<1x2x40x512xf32>
      %swap3A_394 = arith.constant 31 : index
      %swap3A_395 = arith.constant 0 : index
      %swap3A_396 = arith.constant 0 : index
      %swap3A_397 = arith.constant 0 : index
      %swap3A_398 = vector.load %arg4[%swap3A_394, %swap3A_395, %swap3A_396, %swap3A_397] : memref<32x2x40x512xf32, #tpu.memory_space<vmem>>, vector<1x2x40x512xf32>
      tpu.vector_store %arg4[%swap3A_394, %swap3A_395, %swap3A_396, %swap3A_397], %get3A_393 {strides = array<i32>} : memref<32x2x40x512xf32, #tpu.memory_space<vmem>>, vector<1x2x40x512xf32>,
      %add3A_399 = arith.constant 1 : i32
      %add3A_400 = arith.addi %get3A_366, %add3A_399 : i32
      %swap3A_401 = arith.constant 1 : index
      %swap3A_402 = memref.load %arg5[%swap3A_401] : memref<2xi32, #tpu.memory_space<smem>>
      memref.store %add3A_400, %arg5[%swap3A_401] : memref<2xi32, #tpu.memory_space<smem>>
    } else {
    }
    return
  }
  func.func @transform_0(%arg0: i32) -> i32 {
    %c0_i32 = arith.constant 0 : i32
    %c0_i32_0 = arith.constant 0 : i32
    return %c0_i32 : i32
  }
  func.func @transform_2(%arg0: i32) -> (i32, i32, i32, i32) {
    %c0_i32 = arith.constant 0 : i32
    %c0_i32_0 = arith.constant 0 : i32
    %c0_i32_1 = arith.constant 0 : i32
    %c0_i32_2 = arith.constant 0 : i32
    return %arg0, %c0_i32, %c0_i32_0, %c0_i32_1 : i32, i32, i32, i32
  }
  func.func @transform_3(%arg0: i32) -> (i32, i32, i32, i32) {
    %c0_i32 = arith.constant 0 : i32
    %c0_i32_0 = arith.constant 0 : i32
    %c0_i32_1 = arith.constant 0 : i32
    %c0_i32_2 = arith.constant 0 : i32
    return %arg0, %c0_i32, %c0_i32_0, %c0_i32_1 : i32, i32, i32, i32
  }
}

</mosaic_0001>

<sc_bundles>
// kernel: kernel.4.cloned.1.call-start
scs
__scs_entry_jumppad:
0x0: {  	(pc) =	sbr.rel $0x88, $3  }
0x1: {  	(tag) =	ssettag $0x0;
	lr =	simm.s32 $0x1  }
0x2: {  	[smem:$0x3F9A] =	sst lr;
	_ =	strace $0xD0000000  }
0x3: {  	_ = 	snop  }
0x4: {  	_ = 	snop  }
0x5: {  	_ = 	snop  }
0x6: {  	_ = 	snop  }
0x7: {  	_ = 	snop  }
__scs_overlays_trampoline_lowered:
0x8: {  	[smem:$0x3FA9] =	sst s0  }
0x9: {  	[smem:$0x3FAA] =	sst s1  }
0xa: {  	[smem:$0x3FAB] =	sst s2  }
0xb: {  	[smem:$0x3FAC] =	sst s3  }
0xc: {  	[smem:$0x3FAD] =	sst s4  }
0xd: {  	[smem:$0x3FAE] =	sst s5  }
0xe: {  	[smem:$0x3FAF] =	sst s6  }
0xf: {  	[smem:$0x3FB0] =	sst s7  }
0x10: {  	[smem:$0x3FB1] =	sst s8  }
0x11: {  	[smem:$0x3FB2] =	sst s9;
	s0 =	simm.s32 @!p0 $0x0  }
0x12: {  	s1 =	sld [smem:$0x3F98];
	s0 =	simm.s32 @p0 $0x1  }
0x13: {  	[smem:$0x3FB3] =	sst s0;
	s0 =	simm.s32 @!p1 $0x0  }
0x14: {  	s2 =	sld [smem:$0x3F97];
	s0 =	simm.s32 @p1 $0x1  }
0x15: {  	[smem:$0x3FB4] =	sst s0;
	s0 =	simm.s32 @!p2 $0x0  }
0x16: {  	s3 =	sld [smem:$0x3FDB];
	s0 =	simm.s32 @p2 $0x1  }
0x17: {  	s4 =	simm.s32 $0x1BF5;
	[smem:$0x3FB6] =	sst s0  }
0x18: {  	s0 =	sld [smem:$0x3F99];
	_ =	swait.ge [sflag:s4], $0x0  }
0x19: {  	s7 =	sld [smem:$0x3F9A]  }
0x1a: {  	s8 =	sadd.s32 $0xFFFFE003, lr  }
0x1b: {  	s9 =	sadd.s32 $0xFFFFFEF7, lr;
	s5 =	simm.s32 $0xFFFFFFFF;
	p2 =	slt.u32 s8, $0xFFFFF086  }
0x1c: {  	p1 =	slt.u32 s9, $0xF7A;
	s5 =	simm.s32 @!p2 $0x0  }
0x1d: {  	s5 =	simm.s32 @p1 $0x1;
	p0 =	seq.s32 s7, s2  }
0x1e: {  	s7 =	smul.u32 @!p0 $0xF7A, s2;
	p2 =	seq.s32 @!p0 s5, $0x0  }
0x1f: {  	s9 =	smul.u32 $0xF7A, s1;
	s8 =	simm.s32 @!p0 $0x1BF5;
	p2 =	por !p2, p0  }
0x20: {  	[sflag:s8] =	ssyncset.s32 @!p0 $0xFFFFF086;
	s6 =	sadd.s32 @!p0 s3, s7;
	s7 =	simm.s32 @!p0 $0x108  }
0x21: {  	s3 =	sadd.s32 s3, s9;
	s6 =	sadd.s32 @!p0 $0x88, s6;
	s7 =	simm.s32 @p2 $0x1082  }
0x22: {  	[simem:s7], [sflag:s8] =	dma.local @!p0 [hbm:s6], $0xF7A  }
0x23: {  	s9 =	sor.u32 $0xD0000000, s2;
	s6 =	simm.s32 $0x108;
	_ =	swait.ge @!p0 [sflag:s8], $0x0  }
0x24: {  	s3 =	sadd.s32 $0x88, s3;
	s6 =	simm.s32 @!p1 $0x1082;
	[sflag:s4] =	ssyncset.s32 $0xFFFFF086  }
0x25: {  	[simem:s6], [sflag:s4] =	dma.local [hbm:s3], $0xF7A  }
0x26: {  	[smem:$0x3F9A] =	sst s1;
	(tag) =	ssettag s2;
	_ =	strace s9  }
0x27: {  	s1 =	sld [smem:$0x3FAA]  }
0x28: {  	s2 =	sld [smem:$0x3FAB]  }
0x29: {  	s4 =	sld [smem:$0x3FAD]  }
0x2a: {  	p0 =	seq.s32 s5, $0x0;
	s5 =	sld [smem:$0x3FAE]  }
0x2b: {  	s6 =	sld [smem:$0x3FAF]  }
0x2c: {  	s7 =	sld [smem:$0x3FB0]  }
0x2d: {  	s3 =	simm.s32 $0x108;
	s8 =	sld [smem:$0x3FB1]  }
0x2e: {  	s3 =	simm.s32 @!p0 $0x1082;
	s9 =	sld [smem:$0x3FB2]  }
0x2f: {  	lr =	sadd.s32 s0, s3;
	s0 =	sld [smem:$0x3FA9]  }
0x30: {  	s3 =	sld [smem:$0x3FAC]  }
0x31: {  	[smem:$0x3FB5] =	sst s10  }
0x32: {  	s10 =	sld [smem:$0x3FB3];
	_ =	sdelay $0x3  }
0x33: {  	p0 =	seq.s32 s10, $0x1;
	s10 =	sld [smem:$0x3FB5];
	_ =	sdelay $0x3  }
0x34: {  	[smem:$0x3FB5] =	sst s10  }
0x35: {  	s10 =	sld [smem:$0x3FB4];
	_ =	sdelay $0x3  }
0x36: {  	p1 =	seq.s32 s10, $0x1;
	s10 =	sld [smem:$0x3FB5];
	_ =	sdelay $0x3  }
0x37: {  	[smem:$0x3FB5] =	sst s10  }
0x38: {  	s10 =	sld [smem:$0x3FB6]  }
0x39: {  	_ = 	snop;
	(pc) =	sbr.ind lr, $3  }
0x3a: {  	_ = 	snop  }
0x3b: {  	_ = 	snop  }
0x3c: {  	p2 =	seq.s32 s10, $0x1;
	s10 =	sld [smem:$0x3FB5]  }
0x3d: {  	_ =	shalt  }
0x3e: {  	_ =	shalt  }
0x3f: {  	_ =	shalt  }
0x40: {  	_ =	shalt  }
0x41: {  	_ =	shalt  }
0x42: {  	_ =	shalt  }
0x43: {  	_ =	shalt  }
0x44: {  	_ =	shalt  }
0x45: {  	_ =	shalt  }
0x46: {  	_ =	shalt  }
0x47: {  	_ =	shalt  }
0x48: {  	_ =	shalt  }
0x49: {  	_ =	shalt  }
0x4a: {  	_ =	shalt  }
0x4b: {  	_ =	shalt  }
0x4c: {  	_ =	shalt  }
0x4d: {  	_ =	shalt  }
0x4e: {  	_ =	shalt  }
0x4f: {  	_ =	shalt  }
0x50: {  	_ =	shalt  }
0x51: {  	_ =	shalt  }
0x52: {  	_ =	shalt  }
0x53: {  	_ =	shalt  }
0x54: {  	_ =	shalt  }
0x55: {  	_ =	shalt  }
0x56: {  	_ =	shalt  }
0x57: {  	_ =	shalt  }
0x58: {  	_ =	shalt  }
0x59: {  	_ =	shalt  }
0x5a: {  	_ =	shalt  }
0x5b: {  	_ =	shalt  }
0x5c: {  	_ =	shalt  }
0x5d: {  	_ =	shalt  }
0x5e: {  	_ =	shalt  }
0x5f: {  	_ =	shalt  }
0x60: {  	_ =	shalt  }
0x61: {  	_ =	shalt  }
0x62: {  	_ =	shalt  }
0x63: {  	_ =	shalt  }
0x64: {  	_ =	shalt  }
0x65: {  	_ =	shalt  }
0x66: {  	_ =	shalt  }
0x67: {  	_ =	shalt  }
0x68: {  	_ =	shalt  }
0x69: {  	_ =	shalt  }
0x6a: {  	_ =	shalt  }
0x6b: {  	_ =	shalt  }
0x6c: {  	_ =	shalt  }
0x6d: {  	_ =	shalt  }
0x6e: {  	_ =	shalt  }
0x6f: {  	_ =	shalt  }
0x70: {  	_ =	shalt  }
0x71: {  	_ =	shalt  }
0x72: {  	_ =	shalt  }
0x73: {  	_ =	shalt  }
0x74: {  	_ =	shalt  }
0x75: {  	_ =	shalt  }
0x76: {  	_ =	shalt  }
0x77: {  	_ =	shalt  }
0x78: {  	_ =	shalt  }
0x79: {  	_ =	shalt  }
0x7a: {  	_ =	shalt  }
0x7b: {  	_ =	shalt  }
0x7c: {  	_ =	shalt  }
0x7d: {  	_ =	shalt  }
0x7e: {  	_ =	shalt  }
0x7f: {  	_ =	shalt  }
0x80: {  	_ =	shalt  }
0x81: {  	_ =	shalt  }
0x82: {  	_ =	shalt  }
0x83: {  	_ =	shalt  }
0x84: {  	_ =	shalt  }
0x85: {  	_ =	shalt  }
0x86: {  	_ =	shalt  }
0x87: {  	_ =	shalt  }
.Lfunc_end0:
.L_simem_size_0:
called_computation_lowered:
.L_overlay_start_0:
0x88: {  	s2 =	sld [smem:$0x3FD9]  }
0x89: {  	s3 =	sld [smem:$0x3FFE];
	_ =	sdelay $0x1  }
0x8a: {  	s1 =	srdreg.scid  }
0x8b: {  	s0 =	sand.u32 $0x1, s1  }
0x8c: {  	s14 =	sshll.u32 s0, $0xA;
	s2 =	sadd.s32 s3, s2  }
0x8d: {  	s2 =	sadd.s32 s2, s14  }
0x8e: {  	[smem:$0x3FC1] =	sst s2  }
0x8f: {  	_ = 	snop  }
0x90: {  	s2 =	sld [smem:$0x3FC8]  }
0x91: {  	s15 =	sld [smem:$0x3FD0]  }
0x92: {  	s4 =	sld [smem:$0x3FC7]  }
0x93: {  	s5 =	sld [smem:$0x3FC5]  }
0x94: {  	s7 =	simm.s32 $0xA;
	s8 =	simm.s32 $0x10;
	s6 =	sld [smem:$0x3FC4]  }
0x95: {  	[smem:s8], [sflag:s7] =	dma.local [hbm:s15], $0x1  }
0x96: {  	_ =	swait.eq [sflag:s7], $0x1  }
0x97: {  	s16 =	sld [smem:$0x10];
	[sflag:s7] =	ssyncset.done $0x0  }
0x98: {  	s17 =	sld [smem:$0x11];
	[sflag:s7] =	ssyncadd.s32 $0xFFFFFFFF  }
0x99: {  	s18 =	sld [smem:$0x12];
	(tm) =	ssettm $0x1  }
0x9a: {  	s9 =	sld [smem:$0x3FFB];
	_ =	sdelay $0x3  }
0x9b: {  	_ =	strace s9  }
0x9c: {  	s9 =	sld [smem:$0x3FFC];
	_ =	sdelay $0x3  }
0x9d: {  	_ =	strace s9  }
0x9e: {  	s9 =	sld [smem:$0x3FFD];
	_ =	sdelay $0x3  }
0x9f: {  	_ =	strace s9  }
0xa0: {  	_ =	strace $0x8FFFFFFF  }
0xa1: {  	s19 =	sld [smem:$0x3FDB];
	_ =	sdelay $0x1  }
0xa2: {  	s10 =	simm.s32 $_scs_section_size  }
0xa3: {  	s11 =	simm.s32 $_size__tile_overlayer_lowered;
	s12 =	simm.s32 $_tile_overlayer_lowered  }
0xa4: {  	s22 =	simm.s32 $0x1BFF;
	s21 =	sshll.u32 s12, $0x1;
	s9 =	sadd.s32 s10, s19  }
0xa5: {  	s13 =	simm.s32 $0x0;
	s20 =	sshll.u32 s11, $0x1;
	s11 =	sadd.s32 s21, s9  }
0xa6: {  	[timem:s13], [sflag:s22] =	dma.local [hbm:s11], s20  }
0xa7: {  	_ =	swait.ge [sflag:s22], s20  }
0xa8: {  	s10 =	ssub.s32 $0x0, s20;
	[sflag:s22] =	ssyncset.done $0x0  }
0xa9: {  	[sflag:s22] =	ssyncadd.s32 s10;
	_ =	sdelay $0x1  }
0xaa: {  	s23 =	simm.s32 $0x1B8B  }
0xab: {  	_ =	swait.ge [sflag:s23], $0x1  }
0xac: {  	[sflag:s23] =	ssyncset.done $0x0  }
0xad: {  	s25 =	simm.s32 $0x1B8E;
	s24 =	sld [smem:$0x3FFE];
	[sflag:s23] =	ssyncadd.s32 $0xFFFFFFFF  }
0xae: {  	s26 =	simm.s32 $execute0_lowered;
	[smem:$0x3FD2] =	sst s25  }
0xaf: {  	s11 =	sshll.u32 s26, $0x1;
	_ =	strace $0x80000046;
	[dreg:$0x1] =	wrdreg $0xFFFFFFFF  }
0xb0: {  	s28 =	simm.s32 $_size_execute0_lowered;
	s9 =	sadd.s32 s9, s11;
	[dreg:$0x0] =	wrdreg $0x0  }
0xb1: {  	s11 =	sshll.u32 s28, $0x1;
	[dreg:$0x2] =	wrdreg s9  }
0xb2: {  	[dreg:$0x3] =	wrdreg s11  }
0xb3: {  	[dreg:$0x4] =	wrdreg $0xC0  }
0xb4: {  	_ =	task [dreg:s13], $0x5FFFF  }
0xb5: {  	[dreg:$0x1] =	wrdreg $0xFFFFFFFF  }
0xb6: {  	[dreg:$0x0] =	wrdreg $0x60  }
0xb7: {  	[dreg:$0x2] =	wrdreg s6  }
0xb8: {  	[dreg:$0x3] =	wrdreg s5  }
0xb9: {  	[dreg:$0x4] =	wrdreg s2  }
0xba: {  	[dreg:$0x5] =	wrdreg s4  }
0xbb: {  	[dreg:$0x6] =	wrdreg s24  }
0xbc: {  	[dreg:$0x7] =	wrdreg s17  }
0xbd: {  	[dreg:$0x8] =	wrdreg s18  }
0xbe: {  	[dreg:$0x9] =	wrdreg s16  }
0xbf: {  	[dreg:$0xa] =	wrdreg $0x9  }
0xc0: {  	_ =	task.clear_ibuf [dreg:s13], $0xBFFFF;
	_ =	strace $0x90000046  }
0xc1: {  	s29 =	simm.s32 $0x9;
	_ =	strace $0x80000048  }
0xc2: {  	_ =	swait.ge [sflag:s29], $0x1  }
0xc3: {  	[sflag:s29] =	ssyncadd.s32 $0xFFFFFFFF  }
0xc4: {  	_ =	strace $0x90000048  }
0xc5: {  	_ =	sfence  }
0xc6: {  	s30 =	sld [smem:$0x0];
	_ =	sdelay $0x2  }
0xc7: {  	s31 =	sshll.u32 s1, $0xD;
	s1 =	sshrl.u32 s1, $0x2  }
0xc8: {  	s3 =	sand.u32 $0x4000, s31;
	s1 =	sadd.s32 s1, s30  }
0xc9: {  	s0 =	sor.u32 s3, s0;
	s1 =	sshll.u32 s1, $0x11  }
0xca: {  	s0 =	sor.u32 s1, s0  }
0xcb: {  	s0 =	sadd.s32 $0x8F2B, s0  }
0xcc: {  	[sflag:s0] =	ssyncadd.remote.s32 $0x1  }
0xcd: {  	_ =	sfence.sel $0xFFFF  }
0xce: {  	[dreg:$0x0] =	wrdreg $0xFFFFFFFF;
	(pc) =	sbr.abs _section_cstart, $3  }
0xcf: {  	[dreg:$0x1] =	wrdreg $0xFFFFFFFF  }
0xd0: {  	_ =	task.clear_ibuf [dreg:s13], $0x2FFFF;
	_ =	strace $0x9FFFFFFF  }
0xd1: {  	(tm) =	ssettm $0x7FFFFFFF  }
tec
execute0_lowered:
.L_overlay_start_1:
0x0: {  	(tag) =	ssettag $0x1  }
0x1: {  	s0 =	rddreg [dreg:$0x0];
	s4 =	srdreg.scid  }
0x2: {  	s1 =	rddreg [dreg:$0x1];
	s10 =	sand.u32 $0x1, s4;
	s4 =	stileid.u32  }
0x3: {  	s2 =	rddreg [dreg:$0x2];
	s11 =	sshll.u32 s4, $0x1;
	s12 =	ssub.s32 $0x0, s10  }
0x4: {  	s3 =	rddreg [dreg:$0x3];
	p0 =	sne.s32 s11, s12  }
.Ltmp0:
0x5: {  	s9 =	rddreg [dreg:$0x4];
	(pc) =	sbr.rel @p0 .LBB2_7-.Ltmp0, $4  }
0x6: {  	s5 =	rddreg [dreg:$0x5]  }
0x7: {  	s7 =	rddreg [dreg:$0x6]  }
0x8: {  	s8 =	rddreg [dreg:$0x7]  }
0x9: {  	s6 =	rddreg [dreg:$0x8];
	_ =	strace $0x80000047  }
0xa: {  	v0 =	vimm.s32 $0xFFEDCBA9;
	v1 =	vimm.s32 $0x87654321  }
0xb: {  	v0 =	vunpack.c.l.s4.s8 v0;
	v1 =	vunpack.c.l.s4.s8 v1  }
0xc: {  	s10 =	ssub.s32 $0x2, s10;
	s9 =	sadd.s32 $0xA00, s9;
	s12 =	simm.s32 $0x200  }
0xd: {  	s13 =	simm.s32 $0x400;
	s14 =	simm.s32 $0x800;
	s15 =	simm.s32 $0xC00;
	v2 =	vunpack.c.0.s8.s32 v0;
	v1 =	vunpack.c.0.s8.s32 v1  }
0xe: {  	s16 =	simm.s32 $0x1;
	s17 =	simm.s32 $0x2;
	s18 =	simm.s32 $0x3  }
0xf: {  	s19 =	simm.s32 $0x4;
	s20 =	simm.s32 $0x5;
	s11 =	sshrl.u32 s10, $0x1;
	v3 =	vcombine.low v1, v2  }
0x10: {  	s21 =	simm.s32 $0x1080;
	vm0 =	vcmask $0x3F3C;
	v4 =	vimm.s32 $0x0;
	s22 =	simm.s32 $0xC80;
	s10 =	ssub.s32 s10, s11;
	v0 =	vlaneseq.u32  }
0x11: {  	s23 =	simm.s32 $0x0;
	s11 =	simm.s32 $0x0;
	s10 =	smax.u32 s10, $0x1;
	v1 =	vimm.s32 $0xFFFFFFFF;
	v2 =	vor.u32 $0x80000000, v0;
	v3 =	vand.u32 $0xF, v3  }
.LBB2_2:
0x12: {  	[tilespmem:s11], [sflag:$0x1] =	stream.linear.gather [hbm4b:s0+s11], $0x200, $0x38;
	[tilespmem:$0x1100] =	vst v63  }
0x13: {  	_ = 	snop  }
0x14: {  	[tilespmem:s12], [sflag:$0x2] =	stream.linear.gather [hbm4b:s1+s11], $0x200, $0x38;
	[tilespmem:$0x1100] =	vst v63  }
0x15: {  	_ = 	snop  }
0x16: {  	[tilespmem:s13], [sflag:$0x3] =	stream.linear.gather [hbm4b:s2+s11], $0x400, $0x38;
	[tilespmem:$0x1100] =	vst v63  }
0x17: {  	_ = 	snop  }
0x18: {  	[tilespmem:s14], [sflag:$0x4] =	stream.linear.gather [hbm4b:s3+s11], $0x400, $0x38;
	[tilespmem:$0x1100] =	vst v63  }
0x19: {  	_ = 	snop  }
0x1a: {  	[tilespmem:s15], [sflag:$0x5] =	stream.linear.gather [hbm4b:s9+s11], $0x80, $0x38;
	[tilespmem:$0x1100] =	vst v63  }
0x1b: {  	_ =	swait.ge [sflag:s16], $0x200  }
0x1c: {  	[sflag:s16] =	ssyncset.done $0x0  }
0x1d: {  	[sflag:s16] =	ssyncadd.s32 $0xFFFFFE00  }
0x1e: {  	_ =	swait.ge [sflag:s17], $0x200  }
0x1f: {  	[sflag:s17] =	ssyncset.done $0x0  }
0x20: {  	[sflag:s17] =	ssyncadd.s32 $0xFFFFFE00  }
0x21: {  	_ =	swait.ge [sflag:s18], $0x400  }
0x22: {  	[sflag:s18] =	ssyncset.done $0x0  }
0x23: {  	[sflag:s18] =	ssyncadd.s32 $0xFFFFFC00  }
0x24: {  	_ =	swait.ge [sflag:s19], $0x400  }
0x25: {  	[sflag:s19] =	ssyncset.done $0x0  }
0x26: {  	[sflag:s19] =	ssyncadd.s32 $0xFFFFFC00  }
0x27: {  	_ =	swait.ge [sflag:s20], $0x80  }
0x28: {  	[sflag:s20] =	ssyncset.done $0x0  }
0x29: {  	[sflag:s20] =	ssyncadd.s32 $0xFFFFFF80  }
0x2a: {  	v5 =	vld [tilespmem:$0xC00];
	_ =	sdelay $0x3  }
0x2b: {  	s24 =	simm.s32 $0x0  }
.LBB2_3:
0x2c: {  	p0 =	sne.s32 s24, $0xFC0  }
.Ltmp1:
0x2d: {  	_ = 	snop;
	(pc) =	sbr.rel @p0 .LBB2_3-.Ltmp1, $3  }
0x2e: {  	_ =	sdelay $0x1  }
0x2f: {  	s25 =	sshra.s32 s24, $0x2  }
0x30: {  	s24 =	sadd.s32 $0x40, s24;
	[tilespmem:s25+$0xC80] =	vst v1  }
0x31: {  	s24 =	simm.s32 $0x0  }
0x32: {  	v6 =	vld [tilespmem:s24+$0x0];
	_ =	sdelay $0x4  }
0x33: {  	vm1 =	vlt.s32 v6, $0x400  }
0x34: {  	v6 =	vnsel vm1, $0x3FF, v6  }
0x35: {  	v7 =	vshll.u32 v6, $0x9  }
0x36: {  	v7 =	vxor.u32 v2, v7  }
0x37: {  	(xrf1) =	vsort.ascd.msk.u32 $0xffff, v7, v0;
	_ =	sdelay $0xd  }
0x38: {  	v7, v8, _ =	vpop (xrf1)  }
0x39: {  	v7 =	vxor.u32 $0x80000000, v7  }
0x3a: {  	[tilespmem:$0x1080] =	vst v7  }
0x3b: {  	v9 =	vld.idx.msk [tilespmem:v3+s21+$0x0], $0xffff;
	_ =	sdelay $0x4  }
0x3c: {  	v7 =	vxor.u32 v9, v7  }
0x3d: {  	vm2 =	vgt.u32 v7, $0x1FF  }
0x3e: {  	vm2 =	vmor vm2, vm0  }
0x3f: {  	v7 =	vsel vm2, $0x1, v4  }
0x40: {  	[tilespmem:v8+s21+$0x0] =	vst.idx.msk $0xffff, v7  }
0x41: {  	v7 =	vld [tilespmem:$0x1080];
	_ =	sdelay $0x4  }
0x42: {  	vm2 =	vne.s32 v7, $0x0  }
0x43: {  	vm1 =	vmand vm1, vm2;
	_ =	sdelay $0x4  }
0x44: {  	v7 =	vor.u32 s24, v0  }
0x45: {  	s25 =	simm.s32 $0x200;
	[tilespmem:v6+s22+$0x0] =	vst.idx.msk vm1, v7  }
0x46: {  	v7 =	vld [tilespmem:s25+$0x0];
	_ =	sdelay $0x4  }
0x47: {  	s26 =	simm.s32 $0x10;
	[tilespmem:v6+s13+$0x0] =	vst.idx.msk vm1, v7  }
.LBB2_5:
0x48: {  	p0 =	sne.s32 s26, $0x1F0;
	[tilespmem:v6+s14+$0x0] =	vst.idx.msk vm1, v5;
	s24 =	sadd.s32 $0x10, s24;
	s25 =	sadd.s32 $0x10, s25  }
0x49: {  	s28 =	smov.u32 s26;
	s26 =	sadd.s32 $0x10, s26;
	v6 =	vld [tilespmem:s24+$0x0];
	_ =	sdelay $0x4  }
0x4a: {  	vm1 =	vlt.s32 v6, $0x400  }
0x4b: {  	v6 =	vnsel vm1, $0x3FF, v6  }
0x4c: {  	v7 =	vshll.u32 v6, $0x9  }
0x4d: {  	v7 =	vxor.u32 v2, v7  }
0x4e: {  	(xrf1) =	vsort.ascd.msk.u32 $0xffff, v7, v0;
	_ =	sdelay $0xd  }
0x4f: {  	v7, v8, _ =	vpop (xrf1)  }
0x50: {  	v7 =	vxor.u32 $0x80000000, v7  }
0x51: {  	[tilespmem:$0x1080] =	vst v7  }
0x52: {  	v9 =	vld.idx.msk [tilespmem:v3+s21+$0x0], $0xffff;
	_ =	sdelay $0x5  }
0x53: {  	v7 =	vxor.u32 v9, v7  }
0x54: {  	vm2 =	vgt.u32 v7, $0x1FF  }
0x55: {  	vm2 =	vmor vm2, vm0  }
0x56: {  	v7 =	vsel vm2, $0x1, v4  }
0x57: {  	[tilespmem:v8+s21+$0x0] =	vst.idx.msk $0xffff, v7  }
0x58: {  	v7 =	vld [tilespmem:$0x1080];
	_ =	sdelay $0x4  }
0x59: {  	vm2 =	vne.s32 v7, $0x0  }
0x5a: {  	vm1 =	vmand vm1, vm2;
	_ =	sdelay $0x4  }
0x5b: {  	v7 =	vor.u32 s28, v0  }
0x5c: {  	[tilespmem:v6+s22+$0x0] =	vst.idx.msk vm1, v7  }
0x5d: {  	v7 =	vld [tilespmem:s25+$0x0]  }
.Ltmp2:
0x5e: {  	(pc) =	sbr.rel @p0 .LBB2_5-.Ltmp2, $2  }
0x5f: {  	_ =	sdelay $0x2  }
0x60: {  	[tilespmem:v6+s13+$0x0] =	vst.idx.msk vm1, v7  }
0x61: {  	_ =	sdelay $0x4  }
0x62: {  	[tilespmem:v6+s14+$0x0] =	vst.idx.msk vm1, v5  }
0x63: {  	[hbm4b:s5+s11] =	stream.linear.scatter [tilespmem:s13], [sflag:$0x1], $0x400, $0x38;
	[tilespmem:$0x1100] =	vst v63  }
0x64: {  	_ = 	snop  }
0x65: {  	[hbm4b:s7+s11] =	stream.linear.scatter [tilespmem:s14], [sflag:$0x2], $0x400, $0x38;
	[tilespmem:$0x1100] =	vst v63  }
0x66: {  	_ = 	snop  }
0x67: {  	[hbm4b:s8+s11] =	stream.linear.scatter [tilespmem:s22], [sflag:$0x3], $0x400, $0x38;
	[tilespmem:$0x1100] =	vst v63  }
0x68: {  	_ =	swait.ge [sflag:s16], $0x400  }
0x69: {  	[sflag:s16] =	ssyncset.done $0x0  }
0x6a: {  	s23 =	sadd.s32 $0x1, s23;
	[sflag:s16] =	ssyncadd.s32 $0xFFFFFC00  }
0x6b: {  	p0 =	sne.s32 s23, s10;
	_ =	swait.ge [sflag:s17], $0x400  }
.Ltmp3:
0x6c: {  	[sflag:s17] =	ssyncset.done $0x0;
	(pc) =	sbr.rel @p0 .LBB2_2-.Ltmp3, $4  }
0x6d: {  	[sflag:s17] =	ssyncadd.s32 $0xFFFFFC00  }
0x6e: {  	_ =	swait.ge [sflag:s18], $0x400  }
0x6f: {  	[sflag:s18] =	ssyncset.done $0x0  }
0x70: {  	[sflag:s18] =	ssyncadd.s32 $0xFFFFFC00  }
.LBB2_7:
0x71: {  	_ =	sfence.sel $0x180000  }
0x72: {  	[bflag:$0x0] =	sbarrier.arrive $0xFFFF  }
0x73: {  	p0 =	sne.s32 s4, $0x0;
	_ =	strace $0x90000047  }
0x74: {  	s0 =	sadd.s32 @!p0 $0x100000, s6;
	[bflag:$0x2] =	sbarrier.arrive $0xFFFF  }
0x75: {  	[sflag:s0] =	ssyncadd.tile.s32 @!p0 $0x1;
	_ =	shalt  }
.Lfunc_end2:
_tile_overlayer_lowered:
.L_overlay_start_2:
0x76: {  	(tag) =	ssettag $0x2  }
0x77: {  	s0 =	rddreg [dreg:$0x0];
	s2 =	stileid.u32  }
0x78: {  	s1 =	rddreg [dreg:$0x1];
	p0 =	sne.s32 s2, $0x0  }
0x79: {  	s3 =	rddreg [dreg:$0x2];
	[bflag:$0x3] =	sbarrier.arrive $0xFFFF;
	s2 =	simm.s32 @!p0 $0x1C06  }
0x7a: {  	[timem:s3], [sflag:s2] =	dma.local @!p0 [hbm:s0], s1  }
0x7b: {  	s0 =	simm.s32 @!p0 $0x6  }
0x7c: {  	_ =	swait.ge @!p0 [sflag:s0], s1  }
0x7d: {  	s1 =	ssub.s32 @!p0 $0x0, s1;
	[sflag:s0] =	ssyncset.done @!p0 $0x0  }
0x7e: {  	[sflag:s0] =	ssyncadd.s32 @!p0 s1  }
0x7f: {  	[bflag:$0x3] =	sbarrier.arrive $0xFFFF  }
0x80: {  	_ =	shalt  }

</sc_bundles>
